<compile_context>
chip_gen: v7x
topology: tpu7x:2x2x1
jax: 0.10.2.dev20260603
libtpu: 0.0.44.dev20260713+nightly
codegen_flags: <defaults>
</compile_context>

<pallas_src>
import functools

import jax
import jax.numpy as jnp
from jax import lax
from jax.experimental import pallas as pl
from jax.experimental.pallas import tpu as pltpu
from jax.experimental.pallas import tpu_sc as plsc

_EOS = 49407
_L = 16
_NW = 32


def _worker_id():
    return lax.axis_index("s") * 2 + lax.axis_index("c")


def _sc_body(ctx_hbm, ids_hbm, tok_hbm, pos_hbm, out_hbm,
             pos_t, buf, midb, idsrow, idxl, idxl2, sem, sem_out):
    seq, emb = 77, 768
    nchunk = emb // _L
    rows_per_w = ids_hbm.shape[0] // _NW

    wid = _worker_id()

    pltpu.sync_copy(pos_hbm, pos_t)

    def build_idx(cbp16):
        idxl[pl.ds(0, _L)] = idsrow[pl.ds(0, _L)]
        for off in (16, 32, 48):
            a = idsrow[pl.ds(off, _L)]
            sh = idsrow[pl.ds(off - 16, _L)]
            posv = lax.iota(jnp.int32, _L) + off
            idxl[pl.ds(off, _L)] = jnp.where(posv < cbp16, a, sh)
        a = idsrow[pl.ds(61, _L)]
        sh = idsrow[pl.ds(45, _L)]
        posv = lax.iota(jnp.int32, _L) + 61
        idxl2[...] = jnp.where(posv < cbp16, a, sh)

    def fire_gather():
        cp1 = pltpu.async_copy(tok_hbm.at[idxl], buf.at[pl.ds(0, 64)], sem)
        cp2 = pltpu.async_copy(tok_hbm.at[idxl2], buf.at[pl.ds(61, _L)], sem)
        return cp1, cp2

    def row_body(i, carry):
        b = wid * rows_per_w + i
        pltpu.sync_copy(ids_hbm.at[b], idsrow)

        m = jnp.full((_L,), 127.0, jnp.float32)
        for k in range(5):
            v = idsrow[pl.ds(_L * k, _L)]
            posv = (lax.iota(jnp.int32, _L) + _L * k).astype(jnp.float32)
            m = jnp.minimum(m, jnp.where(v == _EOS, posv, 127.0))
        m_s = jnp.min(m)
        eos = jnp.where(m_s >= 127.0, 0, m_s.astype(jnp.int32))

        cbp_raw = jnp.max(idsrow[pl.ds(96, _L)].astype(jnp.float32)).astype(jnp.int32)
        cbp_spec = jnp.minimum(jnp.where(cbp_raw == -1, eos, cbp_raw), seq - 16)
        eos_cbp = jnp.minimum(eos, seq - 16)

        @pl.when(i > 0)
        def _():
            pltpu.make_async_copy(buf, out_hbm.at[b], sem_out).wait()

        build_idx(cbp_spec + 16)
        cp1, cp2 = fire_gather()

        def wscan(acc):
            def wloop(j, a):
                r = a
                for c in range(nchunk):
                    v = midb[j, pl.ds(c * _L, _L)]
                    r = jnp.maximum(r, jnp.where(v != 0.0, 1.0, 0.0))
                return r
            return lax.fori_loop(0, 8, wloop, acc)
        pltpu.sync_copy(ctx_hbm.at[b, pl.ds(0, 8)], midb)
        accv = wscan(jnp.zeros((_L,), jnp.float32))
        pltpu.sync_copy(ctx_hbm.at[b, pl.ds(8, 8)], midb)
        accv = wscan(accv)
        w_s = jnp.max(accv)

        cp1.wait()
        cp2.wait()

        cbp = jnp.where(w_s == 0.0, eos_cbp, cbp_spec)

        @pl.when((w_s == 0.0) & (eos_cbp != cbp_spec))
        def _():
            build_idx(eos_cbp + 16)
            cp1, cp2 = fire_gather()
            cp1.wait()
            cp2.wait()

        @plsc.parallel_loop(0, seq, 1, unroll=2)
        def padd(s):
            for c in range(nchunk):
                sl = pl.ds(c * _L, _L)
                buf[s, sl] = buf[s, sl] + pos_t[s, sl]

        @pl.when(w_s > 0.0)
        def _():
            def mfix(base):
                def mloop(j, _):
                    s = cbp + base + j
                    for c in range(nchunk):
                        sl = pl.ds(c * _L, _L)
                        buf[s, sl] = midb[j, sl] + pos_t[s, sl]
                    return 0
                lax.fori_loop(0, 8, mloop, 0)
            mfix(8)
            pltpu.sync_copy(ctx_hbm.at[b, pl.ds(0, 8)], midb)
            mfix(0)

        pltpu.async_copy(buf, out_hbm.at[b], sem_out)
        return carry

    lax.fori_loop(0, rows_per_w, row_body, 0)
    b_last = wid * rows_per_w + rows_per_w - 1
    pltpu.make_async_copy(buf, out_hbm.at[b_last], sem_out).wait()


@jax.jit
def _run(ctx_embeddings, ids_pack, token_table, position_table):
    B = ids_pack.shape[0]
    mesh = plsc.VectorSubcoreMesh(core_axis_name="c", subcore_axis_name="s")
    f = functools.partial(
        pl.kernel,
        out_type=jax.ShapeDtypeStruct((B, 77, 768), jnp.float32),
        mesh=mesh,
        scratch_types=[
            pltpu.VMEM((77, 768), jnp.float32),
            pltpu.VMEM((77, 768), jnp.float32),
            pltpu.VMEM((8, 768), jnp.float32),
            pltpu.VMEM((128,), jnp.int32),
            pltpu.VMEM((64,), jnp.int32),
            pltpu.VMEM((16,), jnp.int32),
            pltpu.SemaphoreType.DMA,
            pltpu.SemaphoreType.DMA,
        ],
        compiler_params=pltpu.CompilerParams(
            needs_layout_passes=False, use_tc_tiling_on_sc=False),
    )(_sc_body)
    return f(ctx_embeddings, ids_pack, token_table, position_table)


def kernel(ctx_embeddings, ctx_begin_pos, input_ids, token_table, position_table):
    B, S = input_ids.shape
    ids_pack = jnp.zeros((B, 128), jnp.int32)
    ids_pack = ids_pack.at[:, :S].set(input_ids.astype(jnp.int32))
    ids_pack = ids_pack.at[:, 96:112].set(
        ctx_begin_pos.astype(jnp.int32)[:, None])
    return _run(ctx_embeddings, ids_pack, token_table, position_table)

# --- scband reference (transcript-rebuilt; emitter-appended) ---
"""Pipeline reference for scband-hybrid-cliptext-embeddings-62543313764462 (READ-ONLY COPY).

The authoritative reference and input builder live on the scoring server;
editing this copy changes nothing except your own understanding.
"""

import jax, jax.numpy as jnp
import numpy as np

VOCAB = 49408
EMBED = 768
MAXPOS = 77
B = 1024
CTX = 16
SEQ = 77
EOS = 49407


def setup_inputs(seed: int = 0) -> dict:
    key = jax.random.key(seed)
    k1, k2, k3, k4, k5 = jax.random.split(key, 5)
    ctx_embeddings = jax.random.normal(k1, (B, CTX, EMBED), dtype=jnp.float32)
    ctx_begin_pos = jax.random.randint(k2, (B,), 0, 32)
    input_ids = jax.random.randint(k3, (B, SEQ), 0, VOCAB)
    token_table = jax.random.normal(k4, (VOCAB, EMBED), dtype=jnp.float32) * 0.02
    position_table = jax.random.normal(k5, (MAXPOS, EMBED), dtype=jnp.float32) * 0.02
    return {
        'ctx_embeddings': ctx_embeddings,
        'ctx_begin_pos': ctx_begin_pos,
        'input_ids': input_ids,
        'token_table': token_table,
        'position_table': position_table,
    }


def reference(ctx_embeddings, ctx_begin_pos, input_ids, token_table, position_table):
    bsz, seq_length = input_ids.shape
    ctx_len = ctx_embeddings.shape[1]
    position_ids = jnp.arange(seq_length)
    inputs_embeds = jnp.take(token_table, input_ids, axis=0)
    position_embeddings = jnp.take(position_table, position_ids, axis=0)
    # fallback EOS position per row (used when cbp == -1 or ctx row is all zero)
    eos_pos = jnp.argmax(input_ids == EOS, axis=1)
    all_zero = jnp.all(ctx_embeddings == 0, axis=(1, 2))
    w = jnp.where(all_zero, 0, 1)
    cbp = jnp.where((ctx_begin_pos == -1) | (w == 0), eos_pos, ctx_begin_pos)
    cbp = jnp.minimum(cbp, seq_length - ctx_len)
    cbp = cbp[:, None]
    pos = position_ids[None, :]
    in_mid = (pos >= cbp) & (pos < cbp + ctx_len)
    gather_idx = jnp.where(pos < cbp + ctx_len, pos, pos - ctx_len)
    emb = jnp.take_along_axis(inputs_embeds, gather_idx[:, :, None], axis=1)
    ctx_idx = jnp.clip(pos - cbp, 0, ctx_len - 1)
    ctx_shifted = jnp.take_along_axis(ctx_embeddings, ctx_idx[:, :, None], axis=1)
    wf = w[:, None, None]
    mid_val = ctx_shifted * wf + (1 - wf) * emb
    spliced = jnp.where(in_mid[:, :, None], mid_val, emb)
    embeddings = spliced + position_embeddings[None, :, :]
    return embeddings

if __name__ == "__main__":
    import jax
    _d = setup_inputs()
    print(jax.jit(kernel)(*tuple(_d.values())))

</pallas_src>

<mosaic_0001>
#map = affine_map<(d0, d1) -> (0, 0, 0)>
#map1 = affine_map<(d0, d1) -> (0, 0)>
module attributes {stable_mosaic.version = 14 : i64} {
  func.func @_sc_body(%arg0: i32, %arg1: i32, %arg2: memref<1024x16x768xf32, #tpu.memory_space<hbm>>, %arg3: memref<1024x128xi32, #tpu.memory_space<hbm>>, %arg4: memref<49408x768xf32, #tpu.memory_space<hbm>>, %arg5: memref<77x768xf32, #tpu.memory_space<hbm>>, %arg6: memref<1024x77x768xf32, #tpu.memory_space<hbm>>, %arg7: memref<77x768xf32, #tpu.memory_space<vmem>>, %arg8: memref<77x768xf32, #tpu.memory_space<vmem>>, %arg9: memref<8x768xf32, #tpu.memory_space<vmem>>, %arg10: memref<128xi32, #tpu.memory_space<vmem>>, %arg11: memref<64xi32, #tpu.memory_space<vmem>>, %arg12: memref<16xi32, #tpu.memory_space<vmem>>, %arg13: memref<!tpu.dma_semaphore, #tpu.memory_space<semaphore_mem>>, %arg14: memref<!tpu.dma_semaphore, #tpu.memory_space<semaphore_mem>>) attributes {dimension_semantics = [#tpu.dimension_semantics<core_parallel>, #tpu.dimension_semantics<subcore_parallel>], iteration_bounds = array<i64: 2, 16>, scalar_prefetch = 0 : i64, scratch_operands = 8 : i64, tpu.core_type = #tpu.core_type<sc_vector_subcore>, window_params = [{transform_indices = #map}, {transform_indices = #map1}, {transform_indices = #map1}, {transform_indices = #map1}, {transform_indices = #map}]} {
    %mul3A = arith.constant 2 : i32
    %mul3A_0 = arith.muli %arg1, %mul3A : i32
    %add3A = arith.addi %mul3A_0, %arg0 : i32
    "tpu.region"() ({
      %run_scoped3A = tpu.sem_alloc : memref<!tpu.dma_semaphore, #tpu.memory_space<semaphore_mem>>
      tpu.enqueue_dma source(%arg5 : memref<77x768xf32, #tpu.memory_space<hbm>>) target(%arg7 : memref<77x768xf32, #tpu.memory_space<vmem>>) target_semaphore(%run_scoped3A : memref<!tpu.dma_semaphore, #tpu.memory_space<semaphore_mem>>)
      tpu.wait_dma2 semaphore(%run_scoped3A : memref<!tpu.dma_semaphore, #tpu.memory_space<semaphore_mem>>) src(%arg5 : memref<77x768xf32, #tpu.memory_space<hbm>>) dst(%arg7 : memref<77x768xf32, #tpu.memory_space<vmem>>)
      tpu.yield
    }) : () -> ()
    %scan3A = arith.constant 0 : i32
    %scan3A_1 = arith.constant 0 : i32
    %scan3A_2 = arith.constant 32 : i32
    %scan3A_3 = arith.addi %scan3A_1, %scan3A_2 : i32
    %scan3A_4 = arith.constant 1 : i32
    scf.for %scan3A_18 = %scan3A_1 to %scan3A_3 step %scan3A_4  : i32 {
      %mul3A_19 = arith.constant 32 : i32
      %mul3A_20 = arith.muli %add3A, %mul3A_19 : i32
      %add3A_21 = arith.addi %mul3A_20, %scan3A_18 : i32
      "tpu.region"() ({
        %run_scoped3A = tpu.sem_alloc : memref<!tpu.dma_semaphore, #tpu.memory_space<semaphore_mem>>
        %dma_start3A_230 = arith.constant 0 : i32
        %dma_start3A_231 = tpu.memref_slice %arg3[%add3A_21, %dma_start3A_230] : memref<1024x128xi32, #tpu.memory_space<hbm>> -> memref<1x128xi32, #tpu.memory_space<hbm>>
        %dma_start3A_232 = tpu.memref_squeeze %dma_start3A_231 : memref<1x128xi32, #tpu.memory_space<hbm>> -> memref<128xi32, #tpu.memory_space<hbm>>
        %dma_start3A_233 = arith.constant 0 : i32
        %dma_start3A_234 = tpu.memref_slice %arg3[%add3A_21, %dma_start3A_233] : memref<1024x128xi32, #tpu.memory_space<hbm>> -> memref<1x128xi32, #tpu.memory_space<hbm>>
        %dma_start3A_235 = tpu.memref_squeeze %dma_start3A_234 : memref<1x128xi32, #tpu.memory_space<hbm>> -> memref<128xi32, #tpu.memory_space<hbm>>
        tpu.enqueue_dma source(%dma_start3A_235 : memref<128xi32, #tpu.memory_space<hbm>>) target(%arg10 : memref<128xi32, #tpu.memory_space<vmem>>) target_semaphore(%run_scoped3A : memref<!tpu.dma_semaphore, #tpu.memory_space<semaphore_mem>>)
        %dma_wait3A_236 = arith.constant 0 : i32
        %dma_wait3A_237 = tpu.memref_slice %arg3[%add3A_21, %dma_wait3A_236] : memref<1024x128xi32, #tpu.memory_space<hbm>> -> memref<1x128xi32, #tpu.memory_space<hbm>>
        %dma_wait3A_238 = tpu.memref_squeeze %dma_wait3A_237 : memref<1x128xi32, #tpu.memory_space<hbm>> -> memref<128xi32, #tpu.memory_space<hbm>>
        %dma_wait3A_239 = arith.constant 0 : i32
        %dma_wait3A_240 = tpu.memref_slice %arg3[%add3A_21, %dma_wait3A_239] : memref<1024x128xi32, #tpu.memory_space<hbm>> -> memref<1x128xi32, #tpu.memory_space<hbm>>
        %dma_wait3A_241 = tpu.memref_squeeze %dma_wait3A_240 : memref<1x128xi32, #tpu.memory_space<hbm>> -> memref<128xi32, #tpu.memory_space<hbm>>
        tpu.wait_dma2 semaphore(%run_scoped3A : memref<!tpu.dma_semaphore, #tpu.memory_space<semaphore_mem>>) src(%dma_wait3A_241 : memref<128xi32, #tpu.memory_space<hbm>>) dst(%arg10 : memref<128xi32, #tpu.memory_space<vmem>>)
        tpu.yield
      }) : () -> ()
      %broadcast_in_dim3A = arith.constant 1.270000e+02 : f32
      %broadcast_in_dim3A_22 = vector.broadcast %broadcast_in_dim3A : f32 to vector<16xf32>
      %get3A = arith.constant 0 : index
      %get3A_23 = tpu.vector_load %arg10[%get3A] {strides = array<i32>} : memref<128xi32, #tpu.memory_space<vmem>>, vector<16xi32>,
      %iota3A = tpu.iota {dimensions = array<i32: 0>} : vector<16xi32>
      %add3A_24 = arith.constant 0 : i32
      %add3A_25 = vector.broadcast %add3A_24 : i32 to vector<16xi32>
      %add3A_26 = arith.addi %iota3A, %add3A_25 : vector<16xi32>
      %convert_element_type3A = arith.sitofp %add3A_26 : vector<16xi32> to vector<16xf32>
      %eq3A = arith.constant 49407 : i32
      %eq3A_27 = vector.broadcast %eq3A : i32 to vector<16xi32>
      %eq3A_28 = arith.cmpi eq, %get3A_23, %eq3A_27 : vector<16xi32>
      %jit3A = arith.constant 1.270000e+02 : f32
      %broadcast_in_dim3A_29 = vector.broadcast %jit3A : f32 to vector<16xf32>
      %select_n3A = arith.select %eq3A_28, %convert_element_type3A, %broadcast_in_dim3A_29 : vector<16xi1>, vector<16xf32>
      %min3A = arith.minimumf %broadcast_in_dim3A_22, %select_n3A : vector<16xf32>
      %get3A_30 = arith.constant 16 : index
      %get3A_31 = tpu.vector_load %arg10[%get3A_30] {strides = array<i32>} : memref<128xi32, #tpu.memory_space<vmem>>, vector<16xi32>,
      %iota3A_32 = tpu.iota {dimensions = array<i32: 0>} : vector<16xi32>
      %add3A_33 = arith.constant 16 : i32
      %add3A_34 = vector.broadcast %add3A_33 : i32 to vector<16xi32>
      %add3A_35 = arith.addi %iota3A_32, %add3A_34 : vector<16xi32>
      %convert_element_type3A_36 = arith.sitofp %add3A_35 : vector<16xi32> to vector<16xf32>
      %eq3A_37 = arith.constant 49407 : i32
      %eq3A_38 = vector.broadcast %eq3A_37 : i32 to vector<16xi32>
      %eq3A_39 = arith.cmpi eq, %get3A_31, %eq3A_38 : vector<16xi32>
      %jit3A_40 = arith.constant 1.270000e+02 : f32
      %broadcast_in_dim3A_41 = vector.broadcast %jit3A_40 : f32 to vector<16xf32>
      %select_n3A_42 = arith.select %eq3A_39, %convert_element_type3A_36, %broadcast_in_dim3A_41 : vector<16xi1>, vector<16xf32>
      %min3A_43 = arith.minimumf %min3A, %select_n3A_42 : vector<16xf32>
      %get3A_44 = arith.constant 32 : index
      %get3A_45 = tpu.vector_load %arg10[%get3A_44] {strides = array<i32>} : memref<128xi32, #tpu.memory_space<vmem>>, vector<16xi32>,
      %iota3A_46 = tpu.iota {dimensions = array<i32: 0>} : vector<16xi32>
      %add3A_47 = arith.constant 32 : i32
      %add3A_48 = vector.broadcast %add3A_47 : i32 to vector<16xi32>
      %add3A_49 = arith.addi %iota3A_46, %add3A_48 : vector<16xi32>
      %convert_element_type3A_50 = arith.sitofp %add3A_49 : vector<16xi32> to vector<16xf32>
      %eq3A_51 = arith.constant 49407 : i32
      %eq3A_52 = vector.broadcast %eq3A_51 : i32 to vector<16xi32>
      %eq3A_53 = arith.cmpi eq, %get3A_45, %eq3A_52 : vector<16xi32>
      %jit3A_54 = arith.constant 1.270000e+02 : f32
      %broadcast_in_dim3A_55 = vector.broadcast %jit3A_54 : f32 to vector<16xf32>
      %select_n3A_56 = arith.select %eq3A_53, %convert_element_type3A_50, %broadcast_in_dim3A_55 : vector<16xi1>, vector<16xf32>
      %min3A_57 = arith.minimumf %min3A_43, %select_n3A_56 : vector<16xf32>
      %get3A_58 = arith.constant 48 : index
      %get3A_59 = tpu.vector_load %arg10[%get3A_58] {strides = array<i32>} : memref<128xi32, #tpu.memory_space<vmem>>, vector<16xi32>,
      %iota3A_60 = tpu.iota {dimensions = array<i32: 0>} : vector<16xi32>
      %add3A_61 = arith.constant 48 : i32
      %add3A_62 = vector.broadcast %add3A_61 : i32 to vector<16xi32>
      %add3A_63 = arith.addi %iota3A_60, %add3A_62 : vector<16xi32>
      %convert_element_type3A_64 = arith.sitofp %add3A_63 : vector<16xi32> to vector<16xf32>
      %eq3A_65 = arith.constant 49407 : i32
      %eq3A_66 = vector.broadcast %eq3A_65 : i32 to vector<16xi32>
      %eq3A_67 = arith.cmpi eq, %get3A_59, %eq3A_66 : vector<16xi32>
      %jit3A_68 = arith.constant 1.270000e+02 : f32
      %broadcast_in_dim3A_69 = vector.broadcast %jit3A_68 : f32 to vector<16xf32>
      %select_n3A_70 = arith.select %eq3A_67, %convert_element_type3A_64, %broadcast_in_dim3A_69 : vector<16xi1>, vector<16xf32>
      %min3A_71 = arith.minimumf %min3A_57, %select_n3A_70 : vector<16xf32>
      %get3A_72 = arith.constant 64 : index
      %get3A_73 = tpu.vector_load %arg10[%get3A_72] {strides = array<i32>} : memref<128xi32, #tpu.memory_space<vmem>>, vector<16xi32>,
      %iota3A_74 = tpu.iota {dimensions = array<i32: 0>} : vector<16xi32>
      %add3A_75 = arith.constant 64 : i32
      %add3A_76 = vector.broadcast %add3A_75 : i32 to vector<16xi32>
      %add3A_77 = arith.addi %iota3A_74, %add3A_76 : vector<16xi32>
      %convert_element_type3A_78 = arith.sitofp %add3A_77 : vector<16xi32> to vector<16xf32>
      %eq3A_79 = arith.constant 49407 : i32
      %eq3A_80 = vector.broadcast %eq3A_79 : i32 to vector<16xi32>
      %eq3A_81 = arith.cmpi eq, %get3A_73, %eq3A_80 : vector<16xi32>
      %jit3A_82 = arith.constant 1.270000e+02 : f32
      %broadcast_in_dim3A_83 = vector.broadcast %jit3A_82 : f32 to vector<16xf32>
      %select_n3A_84 = arith.select %eq3A_81, %convert_element_type3A_78, %broadcast_in_dim3A_83 : vector<16xi1>, vector<16xf32>
      %min3A_85 = arith.minimumf %min3A_71, %select_n3A_84 : vector<16xf32>
      %reduce_min3A = arith.constant true
      %reduce_min3A_86 = vector.broadcast %reduce_min3A : i1 to vector<16xi1>
      %reduce_min3A_87 = tpu.scan <min>, %min3A_85 masked %reduce_min3A_86 : vector<16xf32>, vector<16xi1> -> vector<16xf32>
      %reduce_min3A_88 = vector.extract %reduce_min3A_87[15] : f32 from vector<16xf32>
      %ge3A = arith.constant 1.270000e+02 : f32
      %ge3A_89 = arith.cmpf oge, %reduce_min3A_88, %ge3A : f32
      %convert_element_type3A_90 = arith.fptosi %reduce_min3A_88 : f32 to i32
      %jit3A_91 = arith.constant 0 : i32
      %select_n3A_92 = arith.select %ge3A_89, %jit3A_91, %convert_element_type3A_90 : i32
      %get3A_93 = arith.constant 96 : index
      %get3A_94 = tpu.vector_load %arg10[%get3A_93] {strides = array<i32>} : memref<128xi32, #tpu.memory_space<vmem>>, vector<16xi32>,
      %convert_element_type3A_95 = arith.sitofp %get3A_94 : vector<16xi32> to vector<16xf32>
      %reduce_max3A = arith.constant true
      %reduce_max3A_96 = vector.broadcast %reduce_max3A : i1 to vector<16xi1>
      %reduce_max3A_97 = tpu.scan <max>, %convert_element_type3A_95 masked %reduce_max3A_96 : vector<16xf32>, vector<16xi1> -> vector<16xf32>
      %reduce_max3A_98 = vector.extract %reduce_max3A_97[15] : f32 from vector<16xf32>
      %convert_element_type3A_99 = arith.fptosi %reduce_max3A_98 : f32 to i32
      %eq3A_100 = arith.constant -1 : i32
      %eq3A_101 = arith.cmpi eq, %convert_element_type3A_99, %eq3A_100 : i32
      %select_n3A_102 = arith.select %eq3A_101, %select_n3A_92, %convert_element_type3A_99 : i32
      %min3A_103 = arith.constant 61 : i32
      %min3A_104 = arith.minsi %select_n3A_102, %min3A_103 : i32
      %min3A_105 = arith.constant 61 : i32
      %min3A_106 = arith.minsi %select_n3A_92, %min3A_105 : i32
      %gt3A = arith.constant 0 : i32
      %gt3A_107 = arith.cmpi sgt, %scan3A_18, %gt3A : i32
      %convert_element_type3A_108 = arith.extui %gt3A_107 : i1 to i32
      %cond3A = arith.constant 0 : i32
      %cond3A_109 = arith.cmpi ne, %convert_element_type3A_108, %cond3A : i32
      scf.if %cond3A_109 {
        %dma_wait3A_230 = arith.constant 0 : i32
        %dma_wait3A_231 = arith.constant 0 : i32
        %dma_wait3A_232 = tpu.memref_slice %arg6[%add3A_21, %dma_wait3A_230, %dma_wait3A_231] : memref<1024x77x768xf32, #tpu.memory_space<hbm>> -> memref<1x77x768xf32, #tpu.memory_space<hbm>>
        %dma_wait3A_233 = tpu.memref_squeeze %dma_wait3A_232 : memref<1x77x768xf32, #tpu.memory_space<hbm>> -> memref<77x768xf32, #tpu.memory_space<hbm>>
        %dma_wait3A_234 = arith.constant 0 : i32
        %dma_wait3A_235 = arith.constant 0 : i32
        %dma_wait3A_236 = tpu.memref_slice %arg6[%add3A_21, %dma_wait3A_234, %dma_wait3A_235] : memref<1024x77x768xf32, #tpu.memory_space<hbm>> -> memref<1x77x768xf32, #tpu.memory_space<hbm>>
        %dma_wait3A_237 = tpu.memref_squeeze %dma_wait3A_236 : memref<1x77x768xf32, #tpu.memory_space<hbm>> -> memref<77x768xf32, #tpu.memory_space<hbm>>
        tpu.wait_dma2 semaphore(%arg14 : memref<!tpu.dma_semaphore, #tpu.memory_space<semaphore_mem>>) src(%arg8 : memref<77x768xf32, #tpu.memory_space<vmem>>) dst(%dma_wait3A_237 : memref<77x768xf32, #tpu.memory_space<hbm>>)
      } else {
      }
      %add3A_110 = arith.constant 16 : i32
      %add3A_111 = arith.addi %min3A_104, %add3A_110 : i32
      %get3A_112 = arith.constant 0 : index
      %get3A_113 = tpu.vector_load %arg10[%get3A_112] {strides = array<i32>} : memref<128xi32, #tpu.memory_space<vmem>>, vector<16xi32>,
      %swap3A = arith.constant 0 : index
      %swap3A_114 = tpu.vector_load %arg11[%swap3A] {strides = array<i32>} : memref<64xi32, #tpu.memory_space<vmem>>, vector<16xi32>,
      tpu.vector_store %arg11[%swap3A], %get3A_113 {strides = array<i32>} : memref<64xi32, #tpu.memory_space<vmem>>, vector<16xi32>,
      %get3A_115 = arith.constant 16 : index
      %get3A_116 = tpu.vector_load %arg10[%get3A_115] {strides = array<i32>} : memref<128xi32, #tpu.memory_space<vmem>>, vector<16xi32>,
      %get3A_117 = arith.constant 0 : index
      %get3A_118 = tpu.vector_load %arg10[%get3A_117] {strides = array<i32>} : memref<128xi32, #tpu.memory_space<vmem>>, vector<16xi32>,
      %iota3A_119 = tpu.iota {dimensions = array<i32: 0>} : vector<16xi32>
      %add3A_120 = arith.constant 16 : i32
      %add3A_121 = vector.broadcast %add3A_120 : i32 to vector<16xi32>
      %add3A_122 = arith.addi %iota3A_119, %add3A_121 : vector<16xi32>
      %lt3A = vector.broadcast %add3A_111 : i32 to vector<16xi32>
      %lt3A_123 = arith.cmpi slt, %add3A_122, %lt3A : vector<16xi32>
      %select_n3A_124 = arith.select %lt3A_123, %get3A_116, %get3A_118 : vector<16xi1>, vector<16xi32>
      %swap3A_125 = arith.constant 16 : index
      %swap3A_126 = tpu.vector_load %arg11[%swap3A_125] {strides = array<i32>} : memref<64xi32, #tpu.memory_space<vmem>>, vector<16xi32>,
      tpu.vector_store %arg11[%swap3A_125], %select_n3A_124 {strides = array<i32>} : memref<64xi32, #tpu.memory_space<vmem>>, vector<16xi32>,
      %get3A_127 = arith.constant 32 : index
      %get3A_128 = tpu.vector_load %arg10[%get3A_127] {strides = array<i32>} : memref<128xi32, #tpu.memory_space<vmem>>, vector<16xi32>,
      %get3A_129 = arith.constant 16 : index
      %get3A_130 = tpu.vector_load %arg10[%get3A_129] {strides = array<i32>} : memref<128xi32, #tpu.memory_space<vmem>>, vector<16xi32>,
      %iota3A_131 = tpu.iota {dimensions = array<i32: 0>} : vector<16xi32>
      %add3A_132 = arith.constant 32 : i32
      %add3A_133 = vector.broadcast %add3A_132 : i32 to vector<16xi32>
      %add3A_134 = arith.addi %iota3A_131, %add3A_133 : vector<16xi32>
      %lt3A_135 = vector.broadcast %add3A_111 : i32 to vector<16xi32>
      %lt3A_136 = arith.cmpi slt, %add3A_134, %lt3A_135 : vector<16xi32>
      %select_n3A_137 = arith.select %lt3A_136, %get3A_128, %get3A_130 : vector<16xi1>, vector<16xi32>
      %swap3A_138 = arith.constant 32 : index
      %swap3A_139 = tpu.vector_load %arg11[%swap3A_138] {strides = array<i32>} : memref<64xi32, #tpu.memory_space<vmem>>, vector<16xi32>,
      tpu.vector_store %arg11[%swap3A_138], %select_n3A_137 {strides = array<i32>} : memref<64xi32, #tpu.memory_space<vmem>>, vector<16xi32>,
      %get3A_140 = arith.constant 48 : index
      %get3A_141 = tpu.vector_load %arg10[%get3A_140] {strides = array<i32>} : memref<128xi32, #tpu.memory_space<vmem>>, vector<16xi32>,
      %get3A_142 = arith.constant 32 : index
      %get3A_143 = tpu.vector_load %arg10[%get3A_142] {strides = array<i32>} : memref<128xi32, #tpu.memory_space<vmem>>, vector<16xi32>,
      %iota3A_144 = tpu.iota {dimensions = array<i32: 0>} : vector<16xi32>
      %add3A_145 = arith.constant 48 : i32
      %add3A_146 = vector.broadcast %add3A_145 : i32 to vector<16xi32>
      %add3A_147 = arith.addi %iota3A_144, %add3A_146 : vector<16xi32>
      %lt3A_148 = vector.broadcast %add3A_111 : i32 to vector<16xi32>
      %lt3A_149 = arith.cmpi slt, %add3A_147, %lt3A_148 : vector<16xi32>
      %select_n3A_150 = arith.select %lt3A_149, %get3A_141, %get3A_143 : vector<16xi1>, vector<16xi32>
      %swap3A_151 = arith.constant 48 : index
      %swap3A_152 = tpu.vector_load %arg11[%swap3A_151] {strides = array<i32>} : memref<64xi32, #tpu.memory_space<vmem>>, vector<16xi32>,
      tpu.vector_store %arg11[%swap3A_151], %select_n3A_150 {strides = array<i32>} : memref<64xi32, #tpu.memory_space<vmem>>, vector<16xi32>,
      %get3A_153 = arith.constant 61 : index
      %get3A_154 = tpu.vector_load %arg10[%get3A_153] {strides = array<i32>} : memref<128xi32, #tpu.memory_space<vmem>>, vector<16xi32>,
      %get3A_155 = arith.constant 45 : index
      %get3A_156 = tpu.vector_load %arg10[%get3A_155] {strides = array<i32>} : memref<128xi32, #tpu.memory_space<vmem>>, vector<16xi32>,
      %iota3A_157 = tpu.iota {dimensions = array<i32: 0>} : vector<16xi32>
      %add3A_158 = arith.constant 61 : i32
      %add3A_159 = vector.broadcast %add3A_158 : i32 to vector<16xi32>
      %add3A_160 = arith.addi %iota3A_157, %add3A_159 : vector<16xi32>
      %lt3A_161 = vector.broadcast %add3A_111 : i32 to vector<16xi32>
      %lt3A_162 = arith.cmpi slt, %add3A_160, %lt3A_161 : vector<16xi32>
      %select_n3A_163 = arith.select %lt3A_162, %get3A_154, %get3A_156 : vector<16xi1>, vector<16xi32>
      %swap3A_164 = arith.constant 0 : index
      %swap3A_165 = tpu.vector_load %arg12[%swap3A_164] {strides = array<i32>} : memref<16xi32, #tpu.memory_space<vmem>>, vector<16xi32>,
      tpu.vector_store %arg12[%swap3A_164], %select_n3A_163 {strides = array<i32>} : memref<16xi32, #tpu.memory_space<vmem>>, vector<16xi32>,
      %dma_start3A = arith.constant 0 : i32
      %dma_start3A_166 = arith.constant 0 : i32
      %dma_start3A_167 = tpu.memref_slice %arg8[%dma_start3A, %dma_start3A_166] : memref<77x768xf32, #tpu.memory_space<vmem>> -> memref<64x768xf32, #tpu.memory_space<vmem>>
      %dma_start3A_168 = arith.constant 0 : i32
      %dma_start3A_169 = arith.constant 0 : i32
      %dma_start3A_170 = tpu.memref_slice %arg4[%dma_start3A_168, %dma_start3A_169] : memref<49408x768xf32, #tpu.memory_space<hbm>> -> memref<49408x768xf32, #tpu.memory_space<hbm>>
      tpu.enqueue_indirect_dma source(%dma_start3A_170 : memref<49408x768xf32, #tpu.memory_space<hbm>>) target(%dma_start3A_167 : memref<64x768xf32, #tpu.memory_space<vmem>>) offsets(%arg11 : memref<64xi32, #tpu.memory_space<vmem>>) semaphore(%arg13 : memref<!tpu.dma_semaphore, #tpu.memory_space<semaphore_mem>>)
      %dma_start3A_171 = arith.constant 61 : i32
      %dma_start3A_172 = arith.constant 0 : i32
      %dma_start3A_173 = tpu.memref_slice %arg8[%dma_start3A_171, %dma_start3A_172] : memref<77x768xf32, #tpu.memory_space<vmem>> -> memref<16x768xf32, #tpu.memory_space<vmem>>
      %dma_start3A_174 = arith.constant 0 : i32
      %dma_start3A_175 = arith.constant 0 : i32
      %dma_start3A_176 = tpu.memref_slice %arg4[%dma_start3A_174, %dma_start3A_175] : memref<49408x768xf32, #tpu.memory_space<hbm>> -> memref<49408x768xf32, #tpu.memory_space<hbm>>
      tpu.enqueue_indirect_dma source(%dma_start3A_176 : memref<49408x768xf32, #tpu.memory_space<hbm>>) target(%dma_start3A_173 : memref<16x768xf32, #tpu.memory_space<vmem>>) offsets(%arg12 : memref<16xi32, #tpu.memory_space<vmem>>) semaphore(%arg13 : memref<!tpu.dma_semaphore, #tpu.memory_space<semaphore_mem>>)
      "tpu.region"() ({
        %run_scoped3A = tpu.sem_alloc : memref<!tpu.dma_semaphore, #tpu.memory_space<semaphore_mem>>
        %dma_start3A_230 = arith.constant 0 : i32
        %dma_start3A_231 = arith.constant 0 : i32
        %dma_start3A_232 = tpu.memref_slice %arg2[%add3A_21, %dma_start3A_230, %dma_start3A_231] : memref<1024x16x768xf32, #tpu.memory_space<hbm>> -> memref<1x8x768xf32, #tpu.memory_space<hbm>>
        %dma_start3A_233 = tpu.memref_squeeze %dma_start3A_232 : memref<1x8x768xf32, #tpu.memory_space<hbm>> -> memref<8x768xf32, #tpu.memory_space<hbm>>
        %dma_start3A_234 = arith.constant 0 : i32
        %dma_start3A_235 = arith.constant 0 : i32
        %dma_start3A_236 = tpu.memref_slice %arg2[%add3A_21, %dma_start3A_234, %dma_start3A_235] : memref<1024x16x768xf32, #tpu.memory_space<hbm>> -> memref<1x8x768xf32, #tpu.memory_space<hbm>>
        %dma_start3A_237 = tpu.memref_squeeze %dma_start3A_236 : memref<1x8x768xf32, #tpu.memory_space<hbm>> -> memref<8x768xf32, #tpu.memory_space<hbm>>
        tpu.enqueue_dma source(%dma_start3A_237 : memref<8x768xf32, #tpu.memory_space<hbm>>) target(%arg9 : memref<8x768xf32, #tpu.memory_space<vmem>>) target_semaphore(%run_scoped3A : memref<!tpu.dma_semaphore, #tpu.memory_space<semaphore_mem>>)
        %dma_wait3A_238 = arith.constant 0 : i32
        %dma_wait3A_239 = arith.constant 0 : i32
        %dma_wait3A_240 = tpu.memref_slice %arg2[%add3A_21, %dma_wait3A_238, %dma_wait3A_239] : memref<1024x16x768xf32, #tpu.memory_space<hbm>> -> memref<1x8x768xf32, #tpu.memory_space<hbm>>
        %dma_wait3A_241 = tpu.memref_squeeze %dma_wait3A_240 : memref<1x8x768xf32, #tpu.memory_space<hbm>> -> memref<8x768xf32, #tpu.memory_space<hbm>>
        %dma_wait3A_242 = arith.constant 0 : i32
        %dma_wait3A_243 = arith.constant 0 : i32
        %dma_wait3A_244 = tpu.memref_slice %arg2[%add3A_21, %dma_wait3A_242, %dma_wait3A_243] : memref<1024x16x768xf32, #tpu.memory_space<hbm>> -> memref<1x8x768xf32, #tpu.memory_space<hbm>>
        %dma_wait3A_245 = tpu.memref_squeeze %dma_wait3A_244 : memref<1x8x768xf32, #tpu.memory_space<hbm>> -> memref<8x768xf32, #tpu.memory_space<hbm>>
        tpu.wait_dma2 semaphore(%run_scoped3A : memref<!tpu.dma_semaphore, #tpu.memory_space<semaphore_mem>>) src(%dma_wait3A_245 : memref<8x768xf32, #tpu.memory_space<hbm>>) dst(%arg9 : memref<8x768xf32, #tpu.memory_space<vmem>>)
        tpu.yield
      }) : () -> ()
      %broadcast_in_dim3A_177 = arith.constant 0.000000e+00 : f32
      %broadcast_in_dim3A_178 = vector.broadcast %broadcast_in_dim3A_177 : f32 to vector<16xf32>
      %scan3A_179 = arith.constant 0 : i32
      %scan3A_180 = arith.constant 8 : i32
      %scan3A_181 = arith.addi %scan3A_179, %scan3A_180 : i32
      %scan3A_182 = arith.constant 1 : i32
      %scan3A_183 = scf.for %scan3A_230 = %scan3A_179 to %scan3A_181 step %scan3A_182 iter_args(%scan3A_231 = %broadcast_in_dim3A_178) -> (vector<16xf32>)  : i32 {
        %get3A_232 = arith.index_cast %scan3A_230 : i32 to index
        %get3A_233 = arith.constant 0 : index
        %get3A_234 = tpu.vector_load %arg9[%get3A_232, %get3A_233] {strides = array<i32>} : memref<8x768xf32, #tpu.memory_space<vmem>>, vector<16xf32>,
        %ne3A_235 = arith.constant 0.000000e+00 : f32
        %ne3A_236 = vector.broadcast %ne3A_235 : f32 to vector<16xf32>
        %ne3A_237 = arith.cmpf one, %get3A_234, %ne3A_236 : vector<16xf32>
        %jit3A_238 = arith.constant 1.000000e+00 : f32
        %jit3A_239 = arith.constant 0.000000e+00 : f32
        %broadcast_in_dim3A_240 = vector.broadcast %jit3A_238 : f32 to vector<16xf32>
        %broadcast_in_dim3A_241 = vector.broadcast %jit3A_239 : f32 to vector<16xf32>
        %select_n3A_242 = arith.select %ne3A_237, %broadcast_in_dim3A_240, %broadcast_in_dim3A_241 : vector<16xi1>, vector<16xf32>
        %max3A = arith.maximumf %scan3A_231, %select_n3A_242 : vector<16xf32>
        %get3A_243 = arith.index_cast %scan3A_230 : i32 to index
        %get3A_244 = arith.constant 16 : index
        %get3A_245 = tpu.vector_load %arg9[%get3A_243, %get3A_244] {strides = array<i32>} : memref<8x768xf32, #tpu.memory_space<vmem>>, vector<16xf32>,
        %ne3A_246 = arith.constant 0.000000e+00 : f32
        %ne3A_247 = vector.broadcast %ne3A_246 : f32 to vector<16xf32>
        %ne3A_248 = arith.cmpf one, %get3A_245, %ne3A_247 : vector<16xf32>
        %jit3A_249 = arith.constant 1.000000e+00 : f32
        %jit3A_250 = arith.constant 0.000000e+00 : f32
        %broadcast_in_dim3A_251 = vector.broadcast %jit3A_249 : f32 to vector<16xf32>
        %broadcast_in_dim3A_252 = vector.broadcast %jit3A_250 : f32 to vector<16xf32>
        %select_n3A_253 = arith.select %ne3A_248, %broadcast_in_dim3A_251, %broadcast_in_dim3A_252 : vector<16xi1>, vector<16xf32>
        %max3A_254 = arith.maximumf %max3A, %select_n3A_253 : vector<16xf32>
        %get3A_255 = arith.index_cast %scan3A_230 : i32 to index
        %get3A_256 = arith.constant 32 : index
        %get3A_257 = tpu.vector_load %arg9[%get3A_255, %get3A_256] {strides = array<i32>} : memref<8x768xf32, #tpu.memory_space<vmem>>, vector<16xf32>,
        %ne3A_258 = arith.constant 0.000000e+00 : f32
        %ne3A_259 = vector.broadcast %ne3A_258 : f32 to vector<16xf32>
        %ne3A_260 = arith.cmpf one, %get3A_257, %ne3A_259 : vector<16xf32>
        %jit3A_261 = arith.constant 1.000000e+00 : f32
        %jit3A_262 = arith.constant 0.000000e+00 : f32
        %broadcast_in_dim3A_263 = vector.broadcast %jit3A_261 : f32 to vector<16xf32>
        %broadcast_in_dim3A_264 = vector.broadcast %jit3A_262 : f32 to vector<16xf32>
        %select_n3A_265 = arith.select %ne3A_260, %broadcast_in_dim3A_263, %broadcast_in_dim3A_264 : vector<16xi1>, vector<16xf32>
        %max3A_266 = arith.maximumf %max3A_254, %select_n3A_265 : vector<16xf32>
        %get3A_267 = arith.index_cast %scan3A_230 : i32 to index
        %get3A_268 = arith.constant 48 : index
        %get3A_269 = tpu.vector_load %arg9[%get3A_267, %get3A_268] {strides = array<i32>} : memref<8x768xf32, #tpu.memory_space<vmem>>, vector<16xf32>,
        %ne3A_270 = arith.constant 0.000000e+00 : f32
        %ne3A_271 = vector.broadcast %ne3A_270 : f32 to vector<16xf32>
        %ne3A_272 = arith.cmpf one, %get3A_269, %ne3A_271 : vector<16xf32>
        %jit3A_273 = arith.constant 1.000000e+00 : f32
        %jit3A_274 = arith.constant 0.000000e+00 : f32
        %broadcast_in_dim3A_275 = vector.broadcast %jit3A_273 : f32 to vector<16xf32>
        %broadcast_in_dim3A_276 = vector.broadcast %jit3A_274 : f32 to vector<16xf32>
        %select_n3A_277 = arith.select %ne3A_272, %broadcast_in_dim3A_275, %broadcast_in_dim3A_276 : vector<16xi1>, vector<16xf32>
        %max3A_278 = arith.maximumf %max3A_266, %select_n3A_277 : vector<16xf32>
        %get3A_279 = arith.index_cast %scan3A_230 : i32 to index
        %get3A_280 = arith.constant 64 : index
        %get3A_281 = tpu.vector_load %arg9[%get3A_279, %get3A_280] {strides = array<i32>} : memref<8x768xf32, #tpu.memory_space<vmem>>, vector<16xf32>,
        %ne3A_282 = arith.constant 0.000000e+00 : f32
        %ne3A_283 = vector.broadcast %ne3A_282 : f32 to vector<16xf32>
        %ne3A_284 = arith.cmpf one, %get3A_281, %ne3A_283 : vector<16xf32>
        %jit3A_285 = arith.constant 1.000000e+00 : f32
        %jit3A_286 = arith.constant 0.000000e+00 : f32
        %broadcast_in_dim3A_287 = vector.broadcast %jit3A_285 : f32 to vector<16xf32>
        %broadcast_in_dim3A_288 = vector.broadcast %jit3A_286 : f32 to vector<16xf32>
        %select_n3A_289 = arith.select %ne3A_284, %broadcast_in_dim3A_287, %broadcast_in_dim3A_288 : vector<16xi1>, vector<16xf32>
        %max3A_290 = arith.maximumf %max3A_278, %select_n3A_289 : vector<16xf32>
        %get3A_291 = arith.index_cast %scan3A_230 : i32 to index
        %get3A_292 = arith.constant 80 : index
        %get3A_293 = tpu.vector_load %arg9[%get3A_291, %get3A_292] {strides = array<i32>} : memref<8x768xf32, #tpu.memory_space<vmem>>, vector<16xf32>,
        %ne3A_294 = arith.constant 0.000000e+00 : f32
        %ne3A_295 = vector.broadcast %ne3A_294 : f32 to vector<16xf32>
        %ne3A_296 = arith.cmpf one, %get3A_293, %ne3A_295 : vector<16xf32>
        %jit3A_297 = arith.constant 1.000000e+00 : f32
        %jit3A_298 = arith.constant 0.000000e+00 : f32
        %broadcast_in_dim3A_299 = vector.broadcast %jit3A_297 : f32 to vector<16xf32>
        %broadcast_in_dim3A_300 = vector.broadcast %jit3A_298 : f32 to vector<16xf32>
        %select_n3A_301 = arith.select %ne3A_296, %broadcast_in_dim3A_299, %broadcast_in_dim3A_300 : vector<16xi1>, vector<16xf32>
        %max3A_302 = arith.maximumf %max3A_290, %select_n3A_301 : vector<16xf32>
        %get3A_303 = arith.index_cast %scan3A_230 : i32 to index
        %get3A_304 = arith.constant 96 : index
        %get3A_305 = tpu.vector_load %arg9[%get3A_303, %get3A_304] {strides = array<i32>} : memref<8x768xf32, #tpu.memory_space<vmem>>, vector<16xf32>,
        %ne3A_306 = arith.constant 0.000000e+00 : f32
        %ne3A_307 = vector.broadcast %ne3A_306 : f32 to vector<16xf32>
        %ne3A_308 = arith.cmpf one, %get3A_305, %ne3A_307 : vector<16xf32>
        %jit3A_309 = arith.constant 1.000000e+00 : f32
        %jit3A_310 = arith.constant 0.000000e+00 : f32
        %broadcast_in_dim3A_311 = vector.broadcast %jit3A_309 : f32 to vector<16xf32>
        %broadcast_in_dim3A_312 = vector.broadcast %jit3A_310 : f32 to vector<16xf32>
        %select_n3A_313 = arith.select %ne3A_308, %broadcast_in_dim3A_311, %broadcast_in_dim3A_312 : vector<16xi1>, vector<16xf32>
        %max3A_314 = arith.maximumf %max3A_302, %select_n3A_313 : vector<16xf32>
        %get3A_315 = arith.index_cast %scan3A_230 : i32 to index
        %get3A_316 = arith.constant 112 : index
        %get3A_317 = tpu.vector_load %arg9[%get3A_315, %get3A_316] {strides = array<i32>} : memref<8x768xf32, #tpu.memory_space<vmem>>, vector<16xf32>,
        %ne3A_318 = arith.constant 0.000000e+00 : f32
        %ne3A_319 = vector.broadcast %ne3A_318 : f32 to vector<16xf32>
        %ne3A_320 = arith.cmpf one, %get3A_317, %ne3A_319 : vector<16xf32>
        %jit3A_321 = arith.constant 1.000000e+00 : f32
        %jit3A_322 = arith.constant 0.000000e+00 : f32
        %broadcast_in_dim3A_323 = vector.broadcast %jit3A_321 : f32 to vector<16xf32>
        %broadcast_in_dim3A_324 = vector.broadcast %jit3A_322 : f32 to vector<16xf32>
        %select_n3A_325 = arith.select %ne3A_320, %broadcast_in_dim3A_323, %broadcast_in_dim3A_324 : vector<16xi1>, vector<16xf32>
        %max3A_326 = arith.maximumf %max3A_314, %select_n3A_325 : vector<16xf32>
        %get3A_327 = arith.index_cast %scan3A_230 : i32 to index
        %get3A_328 = arith.constant 128 : index
        %get3A_329 = tpu.vector_load %arg9[%get3A_327, %get3A_328] {strides = array<i32>} : memref<8x768xf32, #tpu.memory_space<vmem>>, vector<16xf32>,
        %ne3A_330 = arith.constant 0.000000e+00 : f32
        %ne3A_331 = vector.broadcast %ne3A_330 : f32 to vector<16xf32>
        %ne3A_332 = arith.cmpf one, %get3A_329, %ne3A_331 : vector<16xf32>
        %jit3A_333 = arith.constant 1.000000e+00 : f32
        %jit3A_334 = arith.constant 0.000000e+00 : f32
        %broadcast_in_dim3A_335 = vector.broadcast %jit3A_333 : f32 to vector<16xf32>
        %broadcast_in_dim3A_336 = vector.broadcast %jit3A_334 : f32 to vector<16xf32>
        %select_n3A_337 = arith.select %ne3A_332, %broadcast_in_dim3A_335, %broadcast_in_dim3A_336 : vector<16xi1>, vector<16xf32>
        %max3A_338 = arith.maximumf %max3A_326, %select_n3A_337 : vector<16xf32>
        %get3A_339 = arith.index_cast %scan3A_230 : i32 to index
        %get3A_340 = arith.constant 144 : index
        %get3A_341 = tpu.vector_load %arg9[%get3A_339, %get3A_340] {strides = array<i32>} : memref<8x768xf32, #tpu.memory_space<vmem>>, vector<16xf32>,
        %ne3A_342 = arith.constant 0.000000e+00 : f32
        %ne3A_343 = vector.broadcast %ne3A_342 : f32 to vector<16xf32>
        %ne3A_344 = arith.cmpf one, %get3A_341, %ne3A_343 : vector<16xf32>
        %jit3A_345 = arith.constant 1.000000e+00 : f32
        %jit3A_346 = arith.constant 0.000000e+00 : f32
        %broadcast_in_dim3A_347 = vector.broadcast %jit3A_345 : f32 to vector<16xf32>
        %broadcast_in_dim3A_348 = vector.broadcast %jit3A_346 : f32 to vector<16xf32>
        %select_n3A_349 = arith.select %ne3A_344, %broadcast_in_dim3A_347, %broadcast_in_dim3A_348 : vector<16xi1>, vector<16xf32>
        %max3A_350 = arith.maximumf %max3A_338, %select_n3A_349 : vector<16xf32>
        %get3A_351 = arith.index_cast %scan3A_230 : i32 to index
        %get3A_352 = arith.constant 160 : index
        %get3A_353 = tpu.vector_load %arg9[%get3A_351, %get3A_352] {strides = array<i32>} : memref<8x768xf32, #tpu.memory_space<vmem>>, vector<16xf32>,
        %ne3A_354 = arith.constant 0.000000e+00 : f32
        %ne3A_355 = vector.broadcast %ne3A_354 : f32 to vector<16xf32>
        %ne3A_356 = arith.cmpf one, %get3A_353, %ne3A_355 : vector<16xf32>
        %jit3A_357 = arith.constant 1.000000e+00 : f32
        %jit3A_358 = arith.constant 0.000000e+00 : f32
        %broadcast_in_dim3A_359 = vector.broadcast %jit3A_357 : f32 to vector<16xf32>
        %broadcast_in_dim3A_360 = vector.broadcast %jit3A_358 : f32 to vector<16xf32>
        %select_n3A_361 = arith.select %ne3A_356, %broadcast_in_dim3A_359, %broadcast_in_dim3A_360 : vector<16xi1>, vector<16xf32>
        %max3A_362 = arith.maximumf %max3A_350, %select_n3A_361 : vector<16xf32>
        %get3A_363 = arith.index_cast %scan3A_230 : i32 to index
        %get3A_364 = arith.constant 176 : index
        %get3A_365 = tpu.vector_load %arg9[%get3A_363, %get3A_364] {strides = array<i32>} : memref<8x768xf32, #tpu.memory_space<vmem>>, vector<16xf32>,
        %ne3A_366 = arith.constant 0.000000e+00 : f32
        %ne3A_367 = vector.broadcast %ne3A_366 : f32 to vector<16xf32>
        %ne3A_368 = arith.cmpf one, %get3A_365, %ne3A_367 : vector<16xf32>
        %jit3A_369 = arith.constant 1.000000e+00 : f32
        %jit3A_370 = arith.constant 0.000000e+00 : f32
        %broadcast_in_dim3A_371 = vector.broadcast %jit3A_369 : f32 to vector<16xf32>
        %broadcast_in_dim3A_372 = vector.broadcast %jit3A_370 : f32 to vector<16xf32>
        %select_n3A_373 = arith.select %ne3A_368, %broadcast_in_dim3A_371, %broadcast_in_dim3A_372 : vector<16xi1>, vector<16xf32>
        %max3A_374 = arith.maximumf %max3A_362, %select_n3A_373 : vector<16xf32>
        %get3A_375 = arith.index_cast %scan3A_230 : i32 to index
        %get3A_376 = arith.constant 192 : index
        %get3A_377 = tpu.vector_load %arg9[%get3A_375, %get3A_376] {strides = array<i32>} : memref<8x768xf32, #tpu.memory_space<vmem>>, vector<16xf32>,
        %ne3A_378 = arith.constant 0.000000e+00 : f32
        %ne3A_379 = vector.broadcast %ne3A_378 : f32 to vector<16xf32>
        %ne3A_380 = arith.cmpf one, %get3A_377, %ne3A_379 : vector<16xf32>
        %jit3A_381 = arith.constant 1.000000e+00 : f32
        %jit3A_382 = arith.constant 0.000000e+00 : f32
        %broadcast_in_dim3A_383 = vector.broadcast %jit3A_381 : f32 to vector<16xf32>
        %broadcast_in_dim3A_384 = vector.broadcast %jit3A_382 : f32 to vector<16xf32>
        %select_n3A_385 = arith.select %ne3A_380, %broadcast_in_dim3A_383, %broadcast_in_dim3A_384 : vector<16xi1>, vector<16xf32>
        %max3A_386 = arith.maximumf %max3A_374, %select_n3A_385 : vector<16xf32>
        %get3A_387 = arith.index_cast %scan3A_230 : i32 to index
        %get3A_388 = arith.constant 208 : index
        %get3A_389 = tpu.vector_load %arg9[%get3A_387, %get3A_388] {strides = array<i32>} : memref<8x768xf32, #tpu.memory_space<vmem>>, vector<16xf32>,
        %ne3A_390 = arith.constant 0.000000e+00 : f32
        %ne3A_391 = vector.broadcast %ne3A_390 : f32 to vector<16xf32>
        %ne3A_392 = arith.cmpf one, %get3A_389, %ne3A_391 : vector<16xf32>
        %jit3A_393 = arith.constant 1.000000e+00 : f32
        %jit3A_394 = arith.constant 0.000000e+00 : f32
        %broadcast_in_dim3A_395 = vector.broadcast %jit3A_393 : f32 to vector<16xf32>
        %broadcast_in_dim3A_396 = vector.broadcast %jit3A_394 : f32 to vector<16xf32>
        %select_n3A_397 = arith.select %ne3A_392, %broadcast_in_dim3A_395, %broadcast_in_dim3A_396 : vector<16xi1>, vector<16xf32>
        %max3A_398 = arith.maximumf %max3A_386, %select_n3A_397 : vector<16xf32>
        %get3A_399 = arith.index_cast %scan3A_230 : i32 to index
        %get3A_400 = arith.constant 224 : index
        %get3A_401 = tpu.vector_load %arg9[%get3A_399, %get3A_400] {strides = array<i32>} : memref<8x768xf32, #tpu.memory_space<vmem>>, vector<16xf32>,
        %ne3A_402 = arith.constant 0.000000e+00 : f32
        %ne3A_403 = vector.broadcast %ne3A_402 : f32 to vector<16xf32>
        %ne3A_404 = arith.cmpf one, %get3A_401, %ne3A_403 : vector<16xf32>
        %jit3A_405 = arith.constant 1.000000e+00 : f32
        %jit3A_406 = arith.constant 0.000000e+00 : f32
        %broadcast_in_dim3A_407 = vector.broadcast %jit3A_405 : f32 to vector<16xf32>
        %broadcast_in_dim3A_408 = vector.broadcast %jit3A_406 : f32 to vector<16xf32>
        %select_n3A_409 = arith.select %ne3A_404, %broadcast_in_dim3A_407, %broadcast_in_dim3A_408 : vector<16xi1>, vector<16xf32>
        %max3A_410 = arith.maximumf %max3A_398, %select_n3A_409 : vector<16xf32>
        %get3A_411 = arith.index_cast %scan3A_230 : i32 to index
        %get3A_412 = arith.constant 240 : index
        %get3A_413 = tpu.vector_load %arg9[%get3A_411, %get3A_412] {strides = array<i32>} : memref<8x768xf32, #tpu.memory_space<vmem>>, vector<16xf32>,
        %ne3A_414 = arith.constant 0.000000e+00 : f32
        %ne3A_415 = vector.broadcast %ne3A_414 : f32 to vector<16xf32>
        %ne3A_416 = arith.cmpf one, %get3A_413, %ne3A_415 : vector<16xf32>
        %jit3A_417 = arith.constant 1.000000e+00 : f32
        %jit3A_418 = arith.constant 0.000000e+00 : f32
        %broadcast_in_dim3A_419 = vector.broadcast %jit3A_417 : f32 to vector<16xf32>
        %broadcast_in_dim3A_420 = vector.broadcast %jit3A_418 : f32 to vector<16xf32>
        %select_n3A_421 = arith.select %ne3A_416, %broadcast_in_dim3A_419, %broadcast_in_dim3A_420 : vector<16xi1>, vector<16xf32>
        %max3A_422 = arith.maximumf %max3A_410, %select_n3A_421 : vector<16xf32>
        %get3A_423 = arith.index_cast %scan3A_230 : i32 to index
        %get3A_424 = arith.constant 256 : index
        %get3A_425 = tpu.vector_load %arg9[%get3A_423, %get3A_424] {strides = array<i32>} : memref<8x768xf32, #tpu.memory_space<vmem>>, vector<16xf32>,
        %ne3A_426 = arith.constant 0.000000e+00 : f32
        %ne3A_427 = vector.broadcast %ne3A_426 : f32 to vector<16xf32>
        %ne3A_428 = arith.cmpf one, %get3A_425, %ne3A_427 : vector<16xf32>
        %jit3A_429 = arith.constant 1.000000e+00 : f32
        %jit3A_430 = arith.constant 0.000000e+00 : f32
        %broadcast_in_dim3A_431 = vector.broadcast %jit3A_429 : f32 to vector<16xf32>
        %broadcast_in_dim3A_432 = vector.broadcast %jit3A_430 : f32 to vector<16xf32>
        %select_n3A_433 = arith.select %ne3A_428, %broadcast_in_dim3A_431, %broadcast_in_dim3A_432 : vector<16xi1>, vector<16xf32>
        %max3A_434 = arith.maximumf %max3A_422, %select_n3A_433 : vector<16xf32>
        %get3A_435 = arith.index_cast %scan3A_230 : i32 to index
        %get3A_436 = arith.constant 272 : index
        %get3A_437 = tpu.vector_load %arg9[%get3A_435, %get3A_436] {strides = array<i32>} : memref<8x768xf32, #tpu.memory_space<vmem>>, vector<16xf32>,
        %ne3A_438 = arith.constant 0.000000e+00 : f32
        %ne3A_439 = vector.broadcast %ne3A_438 : f32 to vector<16xf32>
        %ne3A_440 = arith.cmpf one, %get3A_437, %ne3A_439 : vector<16xf32>
        %jit3A_441 = arith.constant 1.000000e+00 : f32
        %jit3A_442 = arith.constant 0.000000e+00 : f32
        %broadcast_in_dim3A_443 = vector.broadcast %jit3A_441 : f32 to vector<16xf32>
        %broadcast_in_dim3A_444 = vector.broadcast %jit3A_442 : f32 to vector<16xf32>
        %select_n3A_445 = arith.select %ne3A_440, %broadcast_in_dim3A_443, %broadcast_in_dim3A_444 : vector<16xi1>, vector<16xf32>
        %max3A_446 = arith.maximumf %max3A_434, %select_n3A_445 : vector<16xf32>
        %get3A_447 = arith.index_cast %scan3A_230 : i32 to index
        %get3A_448 = arith.constant 288 : index
        %get3A_449 = tpu.vector_load %arg9[%get3A_447, %get3A_448] {strides = array<i32>} : memref<8x768xf32, #tpu.memory_space<vmem>>, vector<16xf32>,
        %ne3A_450 = arith.constant 0.000000e+00 : f32
        %ne3A_451 = vector.broadcast %ne3A_450 : f32 to vector<16xf32>
        %ne3A_452 = arith.cmpf one, %get3A_449, %ne3A_451 : vector<16xf32>
        %jit3A_453 = arith.constant 1.000000e+00 : f32
        %jit3A_454 = arith.constant 0.000000e+00 : f32
        %broadcast_in_dim3A_455 = vector.broadcast %jit3A_453 : f32 to vector<16xf32>
        %broadcast_in_dim3A_456 = vector.broadcast %jit3A_454 : f32 to vector<16xf32>
        %select_n3A_457 = arith.select %ne3A_452, %broadcast_in_dim3A_455, %broadcast_in_dim3A_456 : vector<16xi1>, vector<16xf32>
        %max3A_458 = arith.maximumf %max3A_446, %select_n3A_457 : vector<16xf32>
        %get3A_459 = arith.index_cast %scan3A_230 : i32 to index
        %get3A_460 = arith.constant 304 : index
        %get3A_461 = tpu.vector_load %arg9[%get3A_459, %get3A_460] {strides = array<i32>} : memref<8x768xf32, #tpu.memory_space<vmem>>, vector<16xf32>,
        %ne3A_462 = arith.constant 0.000000e+00 : f32
        %ne3A_463 = vector.broadcast %ne3A_462 : f32 to vector<16xf32>
        %ne3A_464 = arith.cmpf one, %get3A_461, %ne3A_463 : vector<16xf32>
        %jit3A_465 = arith.constant 1.000000e+00 : f32
        %jit3A_466 = arith.constant 0.000000e+00 : f32
        %broadcast_in_dim3A_467 = vector.broadcast %jit3A_465 : f32 to vector<16xf32>
        %broadcast_in_dim3A_468 = vector.broadcast %jit3A_466 : f32 to vector<16xf32>
        %select_n3A_469 = arith.select %ne3A_464, %broadcast_in_dim3A_467, %broadcast_in_dim3A_468 : vector<16xi1>, vector<16xf32>
        %max3A_470 = arith.maximumf %max3A_458, %select_n3A_469 : vector<16xf32>
        %get3A_471 = arith.index_cast %scan3A_230 : i32 to index
        %get3A_472 = arith.constant 320 : index
        %get3A_473 = tpu.vector_load %arg9[%get3A_471, %get3A_472] {strides = array<i32>} : memref<8x768xf32, #tpu.memory_space<vmem>>, vector<16xf32>,
        %ne3A_474 = arith.constant 0.000000e+00 : f32
        %ne3A_475 = vector.broadcast %ne3A_474 : f32 to vector<16xf32>
        %ne3A_476 = arith.cmpf one, %get3A_473, %ne3A_475 : vector<16xf32>
        %jit3A_477 = arith.constant 1.000000e+00 : f32
        %jit3A_478 = arith.constant 0.000000e+00 : f32
        %broadcast_in_dim3A_479 = vector.broadcast %jit3A_477 : f32 to vector<16xf32>
        %broadcast_in_dim3A_480 = vector.broadcast %jit3A_478 : f32 to vector<16xf32>
        %select_n3A_481 = arith.select %ne3A_476, %broadcast_in_dim3A_479, %broadcast_in_dim3A_480 : vector<16xi1>, vector<16xf32>
        %max3A_482 = arith.maximumf %max3A_470, %select_n3A_481 : vector<16xf32>
        %get3A_483 = arith.index_cast %scan3A_230 : i32 to index
        %get3A_484 = arith.constant 336 : index
        %get3A_485 = tpu.vector_load %arg9[%get3A_483, %get3A_484] {strides = array<i32>} : memref<8x768xf32, #tpu.memory_space<vmem>>, vector<16xf32>,
        %ne3A_486 = arith.constant 0.000000e+00 : f32
        %ne3A_487 = vector.broadcast %ne3A_486 : f32 to vector<16xf32>
        %ne3A_488 = arith.cmpf one, %get3A_485, %ne3A_487 : vector<16xf32>
        %jit3A_489 = arith.constant 1.000000e+00 : f32
        %jit3A_490 = arith.constant 0.000000e+00 : f32
        %broadcast_in_dim3A_491 = vector.broadcast %jit3A_489 : f32 to vector<16xf32>
        %broadcast_in_dim3A_492 = vector.broadcast %jit3A_490 : f32 to vector<16xf32>
        %select_n3A_493 = arith.select %ne3A_488, %broadcast_in_dim3A_491, %broadcast_in_dim3A_492 : vector<16xi1>, vector<16xf32>
        %max3A_494 = arith.maximumf %max3A_482, %select_n3A_493 : vector<16xf32>
        %get3A_495 = arith.index_cast %scan3A_230 : i32 to index
        %get3A_496 = arith.constant 352 : index
        %get3A_497 = tpu.vector_load %arg9[%get3A_495, %get3A_496] {strides = array<i32>} : memref<8x768xf32, #tpu.memory_space<vmem>>, vector<16xf32>,
        %ne3A_498 = arith.constant 0.000000e+00 : f32
        %ne3A_499 = vector.broadcast %ne3A_498 : f32 to vector<16xf32>
        %ne3A_500 = arith.cmpf one, %get3A_497, %ne3A_499 : vector<16xf32>
        %jit3A_501 = arith.constant 1.000000e+00 : f32
        %jit3A_502 = arith.constant 0.000000e+00 : f32
        %broadcast_in_dim3A_503 = vector.broadcast %jit3A_501 : f32 to vector<16xf32>
        %broadcast_in_dim3A_504 = vector.broadcast %jit3A_502 : f32 to vector<16xf32>
        %select_n3A_505 = arith.select %ne3A_500, %broadcast_in_dim3A_503, %broadcast_in_dim3A_504 : vector<16xi1>, vector<16xf32>
        %max3A_506 = arith.maximumf %max3A_494, %select_n3A_505 : vector<16xf32>
        %get3A_507 = arith.index_cast %scan3A_230 : i32 to index
        %get3A_508 = arith.constant 368 : index
        %get3A_509 = tpu.vector_load %arg9[%get3A_507, %get3A_508] {strides = array<i32>} : memref<8x768xf32, #tpu.memory_space<vmem>>, vector<16xf32>,
        %ne3A_510 = arith.constant 0.000000e+00 : f32
        %ne3A_511 = vector.broadcast %ne3A_510 : f32 to vector<16xf32>
        %ne3A_512 = arith.cmpf one, %get3A_509, %ne3A_511 : vector<16xf32>
        %jit3A_513 = arith.constant 1.000000e+00 : f32
        %jit3A_514 = arith.constant 0.000000e+00 : f32
        %broadcast_in_dim3A_515 = vector.broadcast %jit3A_513 : f32 to vector<16xf32>
        %broadcast_in_dim3A_516 = vector.broadcast %jit3A_514 : f32 to vector<16xf32>
        %select_n3A_517 = arith.select %ne3A_512, %broadcast_in_dim3A_515, %broadcast_in_dim3A_516 : vector<16xi1>, vector<16xf32>
        %max3A_518 = arith.maximumf %max3A_506, %select_n3A_517 : vector<16xf32>
        %get3A_519 = arith.index_cast %scan3A_230 : i32 to index
        %get3A_520 = arith.constant 384 : index
        %get3A_521 = tpu.vector_load %arg9[%get3A_519, %get3A_520] {strides = array<i32>} : memref<8x768xf32, #tpu.memory_space<vmem>>, vector<16xf32>,
        %ne3A_522 = arith.constant 0.000000e+00 : f32
        %ne3A_523 = vector.broadcast %ne3A_522 : f32 to vector<16xf32>
        %ne3A_524 = arith.cmpf one, %get3A_521, %ne3A_523 : vector<16xf32>
        %jit3A_525 = arith.constant 1.000000e+00 : f32
        %jit3A_526 = arith.constant 0.000000e+00 : f32
        %broadcast_in_dim3A_527 = vector.broadcast %jit3A_525 : f32 to vector<16xf32>
        %broadcast_in_dim3A_528 = vector.broadcast %jit3A_526 : f32 to vector<16xf32>
        %select_n3A_529 = arith.select %ne3A_524, %broadcast_in_dim3A_527, %broadcast_in_dim3A_528 : vector<16xi1>, vector<16xf32>
        %max3A_530 = arith.maximumf %max3A_518, %select_n3A_529 : vector<16xf32>
        %get3A_531 = arith.index_cast %scan3A_230 : i32 to index
        %get3A_532 = arith.constant 400 : index
        %get3A_533 = tpu.vector_load %arg9[%get3A_531, %get3A_532] {strides = array<i32>} : memref<8x768xf32, #tpu.memory_space<vmem>>, vector<16xf32>,
        %ne3A_534 = arith.constant 0.000000e+00 : f32
        %ne3A_535 = vector.broadcast %ne3A_534 : f32 to vector<16xf32>
        %ne3A_536 = arith.cmpf one, %get3A_533, %ne3A_535 : vector<16xf32>
        %jit3A_537 = arith.constant 1.000000e+00 : f32
        %jit3A_538 = arith.constant 0.000000e+00 : f32
        %broadcast_in_dim3A_539 = vector.broadcast %jit3A_537 : f32 to vector<16xf32>
        %broadcast_in_dim3A_540 = vector.broadcast %jit3A_538 : f32 to vector<16xf32>
        %select_n3A_541 = arith.select %ne3A_536, %broadcast_in_dim3A_539, %broadcast_in_dim3A_540 : vector<16xi1>, vector<16xf32>
        %max3A_542 = arith.maximumf %max3A_530, %select_n3A_541 : vector<16xf32>
        %get3A_543 = arith.index_cast %scan3A_230 : i32 to index
        %get3A_544 = arith.constant 416 : index
        %get3A_545 = tpu.vector_load %arg9[%get3A_543, %get3A_544] {strides = array<i32>} : memref<8x768xf32, #tpu.memory_space<vmem>>, vector<16xf32>,
        %ne3A_546 = arith.constant 0.000000e+00 : f32
        %ne3A_547 = vector.broadcast %ne3A_546 : f32 to vector<16xf32>
        %ne3A_548 = arith.cmpf one, %get3A_545, %ne3A_547 : vector<16xf32>
        %jit3A_549 = arith.constant 1.000000e+00 : f32
        %jit3A_550 = arith.constant 0.000000e+00 : f32
        %broadcast_in_dim3A_551 = vector.broadcast %jit3A_549 : f32 to vector<16xf32>
        %broadcast_in_dim3A_552 = vector.broadcast %jit3A_550 : f32 to vector<16xf32>
        %select_n3A_553 = arith.select %ne3A_548, %broadcast_in_dim3A_551, %broadcast_in_dim3A_552 : vector<16xi1>, vector<16xf32>
        %max3A_554 = arith.maximumf %max3A_542, %select_n3A_553 : vector<16xf32>
        %get3A_555 = arith.index_cast %scan3A_230 : i32 to index
        %get3A_556 = arith.constant 432 : index
        %get3A_557 = tpu.vector_load %arg9[%get3A_555, %get3A_556] {strides = array<i32>} : memref<8x768xf32, #tpu.memory_space<vmem>>, vector<16xf32>,
        %ne3A_558 = arith.constant 0.000000e+00 : f32
        %ne3A_559 = vector.broadcast %ne3A_558 : f32 to vector<16xf32>
        %ne3A_560 = arith.cmpf one, %get3A_557, %ne3A_559 : vector<16xf32>
        %jit3A_561 = arith.constant 1.000000e+00 : f32
        %jit3A_562 = arith.constant 0.000000e+00 : f32
        %broadcast_in_dim3A_563 = vector.broadcast %jit3A_561 : f32 to vector<16xf32>
        %broadcast_in_dim3A_564 = vector.broadcast %jit3A_562 : f32 to vector<16xf32>
        %select_n3A_565 = arith.select %ne3A_560, %broadcast_in_dim3A_563, %broadcast_in_dim3A_564 : vector<16xi1>, vector<16xf32>
        %max3A_566 = arith.maximumf %max3A_554, %select_n3A_565 : vector<16xf32>
        %get3A_567 = arith.index_cast %scan3A_230 : i32 to index
        %get3A_568 = arith.constant 448 : index
        %get3A_569 = tpu.vector_load %arg9[%get3A_567, %get3A_568] {strides = array<i32>} : memref<8x768xf32, #tpu.memory_space<vmem>>, vector<16xf32>,
        %ne3A_570 = arith.constant 0.000000e+00 : f32
        %ne3A_571 = vector.broadcast %ne3A_570 : f32 to vector<16xf32>
        %ne3A_572 = arith.cmpf one, %get3A_569, %ne3A_571 : vector<16xf32>
        %jit3A_573 = arith.constant 1.000000e+00 : f32
        %jit3A_574 = arith.constant 0.000000e+00 : f32
        %broadcast_in_dim3A_575 = vector.broadcast %jit3A_573 : f32 to vector<16xf32>
        %broadcast_in_dim3A_576 = vector.broadcast %jit3A_574 : f32 to vector<16xf32>
        %select_n3A_577 = arith.select %ne3A_572, %broadcast_in_dim3A_575, %broadcast_in_dim3A_576 : vector<16xi1>, vector<16xf32>
        %max3A_578 = arith.maximumf %max3A_566, %select_n3A_577 : vector<16xf32>
        %get3A_579 = arith.index_cast %scan3A_230 : i32 to index
        %get3A_580 = arith.constant 464 : index
        %get3A_581 = tpu.vector_load %arg9[%get3A_579, %get3A_580] {strides = array<i32>} : memref<8x768xf32, #tpu.memory_space<vmem>>, vector<16xf32>,
        %ne3A_582 = arith.constant 0.000000e+00 : f32
        %ne3A_583 = vector.broadcast %ne3A_582 : f32 to vector<16xf32>
        %ne3A_584 = arith.cmpf one, %get3A_581, %ne3A_583 : vector<16xf32>
        %jit3A_585 = arith.constant 1.000000e+00 : f32
        %jit3A_586 = arith.constant 0.000000e+00 : f32
        %broadcast_in_dim3A_587 = vector.broadcast %jit3A_585 : f32 to vector<16xf32>
        %broadcast_in_dim3A_588 = vector.broadcast %jit3A_586 : f32 to vector<16xf32>
        %select_n3A_589 = arith.select %ne3A_584, %broadcast_in_dim3A_587, %broadcast_in_dim3A_588 : vector<16xi1>, vector<16xf32>
        %max3A_590 = arith.maximumf %max3A_578, %select_n3A_589 : vector<16xf32>
        %get3A_591 = arith.index_cast %scan3A_230 : i32 to index
        %get3A_592 = arith.constant 480 : index
        %get3A_593 = tpu.vector_load %arg9[%get3A_591, %get3A_592] {strides = array<i32>} : memref<8x768xf32, #tpu.memory_space<vmem>>, vector<16xf32>,
        %ne3A_594 = arith.constant 0.000000e+00 : f32
        %ne3A_595 = vector.broadcast %ne3A_594 : f32 to vector<16xf32>
        %ne3A_596 = arith.cmpf one, %get3A_593, %ne3A_595 : vector<16xf32>
        %jit3A_597 = arith.constant 1.000000e+00 : f32
        %jit3A_598 = arith.constant 0.000000e+00 : f32
        %broadcast_in_dim3A_599 = vector.broadcast %jit3A_597 : f32 to vector<16xf32>
        %broadcast_in_dim3A_600 = vector.broadcast %jit3A_598 : f32 to vector<16xf32>
        %select_n3A_601 = arith.select %ne3A_596, %broadcast_in_dim3A_599, %broadcast_in_dim3A_600 : vector<16xi1>, vector<16xf32>
        %max3A_602 = arith.maximumf %max3A_590, %select_n3A_601 : vector<16xf32>
        %get3A_603 = arith.index_cast %scan3A_230 : i32 to index
        %get3A_604 = arith.constant 496 : index
        %get3A_605 = tpu.vector_load %arg9[%get3A_603, %get3A_604] {strides = array<i32>} : memref<8x768xf32, #tpu.memory_space<vmem>>, vector<16xf32>,
        %ne3A_606 = arith.constant 0.000000e+00 : f32
        %ne3A_607 = vector.broadcast %ne3A_606 : f32 to vector<16xf32>
        %ne3A_608 = arith.cmpf one, %get3A_605, %ne3A_607 : vector<16xf32>
        %jit3A_609 = arith.constant 1.000000e+00 : f32
        %jit3A_610 = arith.constant 0.000000e+00 : f32
        %broadcast_in_dim3A_611 = vector.broadcast %jit3A_609 : f32 to vector<16xf32>
        %broadcast_in_dim3A_612 = vector.broadcast %jit3A_610 : f32 to vector<16xf32>
        %select_n3A_613 = arith.select %ne3A_608, %broadcast_in_dim3A_611, %broadcast_in_dim3A_612 : vector<16xi1>, vector<16xf32>
        %max3A_614 = arith.maximumf %max3A_602, %select_n3A_613 : vector<16xf32>
        %get3A_615 = arith.index_cast %scan3A_230 : i32 to index
        %get3A_616 = arith.constant 512 : index
        %get3A_617 = tpu.vector_load %arg9[%get3A_615, %get3A_616] {strides = array<i32>} : memref<8x768xf32, #tpu.memory_space<vmem>>, vector<16xf32>,
        %ne3A_618 = arith.constant 0.000000e+00 : f32
        %ne3A_619 = vector.broadcast %ne3A_618 : f32 to vector<16xf32>
        %ne3A_620 = arith.cmpf one, %get3A_617, %ne3A_619 : vector<16xf32>
        %jit3A_621 = arith.constant 1.000000e+00 : f32
        %jit3A_622 = arith.constant 0.000000e+00 : f32
        %broadcast_in_dim3A_623 = vector.broadcast %jit3A_621 : f32 to vector<16xf32>
        %broadcast_in_dim3A_624 = vector.broadcast %jit3A_622 : f32 to vector<16xf32>
        %select_n3A_625 = arith.select %ne3A_620, %broadcast_in_dim3A_623, %broadcast_in_dim3A_624 : vector<16xi1>, vector<16xf32>
        %max3A_626 = arith.maximumf %max3A_614, %select_n3A_625 : vector<16xf32>
        %get3A_627 = arith.index_cast %scan3A_230 : i32 to index
        %get3A_628 = arith.constant 528 : index
        %get3A_629 = tpu.vector_load %arg9[%get3A_627, %get3A_628] {strides = array<i32>} : memref<8x768xf32, #tpu.memory_space<vmem>>, vector<16xf32>,
        %ne3A_630 = arith.constant 0.000000e+00 : f32
        %ne3A_631 = vector.broadcast %ne3A_630 : f32 to vector<16xf32>
        %ne3A_632 = arith.cmpf one, %get3A_629, %ne3A_631 : vector<16xf32>
        %jit3A_633 = arith.constant 1.000000e+00 : f32
        %jit3A_634 = arith.constant 0.000000e+00 : f32
        %broadcast_in_dim3A_635 = vector.broadcast %jit3A_633 : f32 to vector<16xf32>
        %broadcast_in_dim3A_636 = vector.broadcast %jit3A_634 : f32 to vector<16xf32>
        %select_n3A_637 = arith.select %ne3A_632, %broadcast_in_dim3A_635, %broadcast_in_dim3A_636 : vector<16xi1>, vector<16xf32>
        %max3A_638 = arith.maximumf %max3A_626, %select_n3A_637 : vector<16xf32>
        %get3A_639 = arith.index_cast %scan3A_230 : i32 to index
        %get3A_640 = arith.constant 544 : index
        %get3A_641 = tpu.vector_load %arg9[%get3A_639, %get3A_640] {strides = array<i32>} : memref<8x768xf32, #tpu.memory_space<vmem>>, vector<16xf32>,
        %ne3A_642 = arith.constant 0.000000e+00 : f32
        %ne3A_643 = vector.broadcast %ne3A_642 : f32 to vector<16xf32>
        %ne3A_644 = arith.cmpf one, %get3A_641, %ne3A_643 : vector<16xf32>
        %jit3A_645 = arith.constant 1.000000e+00 : f32
        %jit3A_646 = arith.constant 0.000000e+00 : f32
        %broadcast_in_dim3A_647 = vector.broadcast %jit3A_645 : f32 to vector<16xf32>
        %broadcast_in_dim3A_648 = vector.broadcast %jit3A_646 : f32 to vector<16xf32>
        %select_n3A_649 = arith.select %ne3A_644, %broadcast_in_dim3A_647, %broadcast_in_dim3A_648 : vector<16xi1>, vector<16xf32>
        %max3A_650 = arith.maximumf %max3A_638, %select_n3A_649 : vector<16xf32>
        %get3A_651 = arith.index_cast %scan3A_230 : i32 to index
        %get3A_652 = arith.constant 560 : index
        %get3A_653 = tpu.vector_load %arg9[%get3A_651, %get3A_652] {strides = array<i32>} : memref<8x768xf32, #tpu.memory_space<vmem>>, vector<16xf32>,
        %ne3A_654 = arith.constant 0.000000e+00 : f32
        %ne3A_655 = vector.broadcast %ne3A_654 : f32 to vector<16xf32>
        %ne3A_656 = arith.cmpf one, %get3A_653, %ne3A_655 : vector<16xf32>
        %jit3A_657 = arith.constant 1.000000e+00 : f32
        %jit3A_658 = arith.constant 0.000000e+00 : f32
        %broadcast_in_dim3A_659 = vector.broadcast %jit3A_657 : f32 to vector<16xf32>
        %broadcast_in_dim3A_660 = vector.broadcast %jit3A_658 : f32 to vector<16xf32>
        %select_n3A_661 = arith.select %ne3A_656, %broadcast_in_dim3A_659, %broadcast_in_dim3A_660 : vector<16xi1>, vector<16xf32>
        %max3A_662 = arith.maximumf %max3A_650, %select_n3A_661 : vector<16xf32>
        %get3A_663 = arith.index_cast %scan3A_230 : i32 to index
        %get3A_664 = arith.constant 576 : index
        %get3A_665 = tpu.vector_load %arg9[%get3A_663, %get3A_664] {strides = array<i32>} : memref<8x768xf32, #tpu.memory_space<vmem>>, vector<16xf32>,
        %ne3A_666 = arith.constant 0.000000e+00 : f32
        %ne3A_667 = vector.broadcast %ne3A_666 : f32 to vector<16xf32>
        %ne3A_668 = arith.cmpf one, %get3A_665, %ne3A_667 : vector<16xf32>
        %jit3A_669 = arith.constant 1.000000e+00 : f32
        %jit3A_670 = arith.constant 0.000000e+00 : f32
        %broadcast_in_dim3A_671 = vector.broadcast %jit3A_669 : f32 to vector<16xf32>
        %broadcast_in_dim3A_672 = vector.broadcast %jit3A_670 : f32 to vector<16xf32>
        %select_n3A_673 = arith.select %ne3A_668, %broadcast_in_dim3A_671, %broadcast_in_dim3A_672 : vector<16xi1>, vector<16xf32>
        %max3A_674 = arith.maximumf %max3A_662, %select_n3A_673 : vector<16xf32>
        %get3A_675 = arith.index_cast %scan3A_230 : i32 to index
        %get3A_676 = arith.constant 592 : index
        %get3A_677 = tpu.vector_load %arg9[%get3A_675, %get3A_676] {strides = array<i32>} : memref<8x768xf32, #tpu.memory_space<vmem>>, vector<16xf32>,
        %ne3A_678 = arith.constant 0.000000e+00 : f32
        %ne3A_679 = vector.broadcast %ne3A_678 : f32 to vector<16xf32>
        %ne3A_680 = arith.cmpf one, %get3A_677, %ne3A_679 : vector<16xf32>
        %jit3A_681 = arith.constant 1.000000e+00 : f32
        %jit3A_682 = arith.constant 0.000000e+00 : f32
        %broadcast_in_dim3A_683 = vector.broadcast %jit3A_681 : f32 to vector<16xf32>
        %broadcast_in_dim3A_684 = vector.broadcast %jit3A_682 : f32 to vector<16xf32>
        %select_n3A_685 = arith.select %ne3A_680, %broadcast_in_dim3A_683, %broadcast_in_dim3A_684 : vector<16xi1>, vector<16xf32>
        %max3A_686 = arith.maximumf %max3A_674, %select_n3A_685 : vector<16xf32>
        %get3A_687 = arith.index_cast %scan3A_230 : i32 to index
        %get3A_688 = arith.constant 608 : index
        %get3A_689 = tpu.vector_load %arg9[%get3A_687, %get3A_688] {strides = array<i32>} : memref<8x768xf32, #tpu.memory_space<vmem>>, vector<16xf32>,
        %ne3A_690 = arith.constant 0.000000e+00 : f32
        %ne3A_691 = vector.broadcast %ne3A_690 : f32 to vector<16xf32>
        %ne3A_692 = arith.cmpf one, %get3A_689, %ne3A_691 : vector<16xf32>
        %jit3A_693 = arith.constant 1.000000e+00 : f32
        %jit3A_694 = arith.constant 0.000000e+00 : f32
        %broadcast_in_dim3A_695 = vector.broadcast %jit3A_693 : f32 to vector<16xf32>
        %broadcast_in_dim3A_696 = vector.broadcast %jit3A_694 : f32 to vector<16xf32>
        %select_n3A_697 = arith.select %ne3A_692, %broadcast_in_dim3A_695, %broadcast_in_dim3A_696 : vector<16xi1>, vector<16xf32>
        %max3A_698 = arith.maximumf %max3A_686, %select_n3A_697 : vector<16xf32>
        %get3A_699 = arith.index_cast %scan3A_230 : i32 to index
        %get3A_700 = arith.constant 624 : index
        %get3A_701 = tpu.vector_load %arg9[%get3A_699, %get3A_700] {strides = array<i32>} : memref<8x768xf32, #tpu.memory_space<vmem>>, vector<16xf32>,
        %ne3A_702 = arith.constant 0.000000e+00 : f32
        %ne3A_703 = vector.broadcast %ne3A_702 : f32 to vector<16xf32>
        %ne3A_704 = arith.cmpf one, %get3A_701, %ne3A_703 : vector<16xf32>
        %jit3A_705 = arith.constant 1.000000e+00 : f32
        %jit3A_706 = arith.constant 0.000000e+00 : f32
        %broadcast_in_dim3A_707 = vector.broadcast %jit3A_705 : f32 to vector<16xf32>
        %broadcast_in_dim3A_708 = vector.broadcast %jit3A_706 : f32 to vector<16xf32>
        %select_n3A_709 = arith.select %ne3A_704, %broadcast_in_dim3A_707, %broadcast_in_dim3A_708 : vector<16xi1>, vector<16xf32>
        %max3A_710 = arith.maximumf %max3A_698, %select_n3A_709 : vector<16xf32>
        %get3A_711 = arith.index_cast %scan3A_230 : i32 to index
        %get3A_712 = arith.constant 640 : index
        %get3A_713 = tpu.vector_load %arg9[%get3A_711, %get3A_712] {strides = array<i32>} : memref<8x768xf32, #tpu.memory_space<vmem>>, vector<16xf32>,
        %ne3A_714 = arith.constant 0.000000e+00 : f32
        %ne3A_715 = vector.broadcast %ne3A_714 : f32 to vector<16xf32>
        %ne3A_716 = arith.cmpf one, %get3A_713, %ne3A_715 : vector<16xf32>
        %jit3A_717 = arith.constant 1.000000e+00 : f32
        %jit3A_718 = arith.constant 0.000000e+00 : f32
        %broadcast_in_dim3A_719 = vector.broadcast %jit3A_717 : f32 to vector<16xf32>
        %broadcast_in_dim3A_720 = vector.broadcast %jit3A_718 : f32 to vector<16xf32>
        %select_n3A_721 = arith.select %ne3A_716, %broadcast_in_dim3A_719, %broadcast_in_dim3A_720 : vector<16xi1>, vector<16xf32>
        %max3A_722 = arith.maximumf %max3A_710, %select_n3A_721 : vector<16xf32>
        %get3A_723 = arith.index_cast %scan3A_230 : i32 to index
        %get3A_724 = arith.constant 656 : index
        %get3A_725 = tpu.vector_load %arg9[%get3A_723, %get3A_724] {strides = array<i32>} : memref<8x768xf32, #tpu.memory_space<vmem>>, vector<16xf32>,
        %ne3A_726 = arith.constant 0.000000e+00 : f32
        %ne3A_727 = vector.broadcast %ne3A_726 : f32 to vector<16xf32>
        %ne3A_728 = arith.cmpf one, %get3A_725, %ne3A_727 : vector<16xf32>
        %jit3A_729 = arith.constant 1.000000e+00 : f32
        %jit3A_730 = arith.constant 0.000000e+00 : f32
        %broadcast_in_dim3A_731 = vector.broadcast %jit3A_729 : f32 to vector<16xf32>
        %broadcast_in_dim3A_732 = vector.broadcast %jit3A_730 : f32 to vector<16xf32>
        %select_n3A_733 = arith.select %ne3A_728, %broadcast_in_dim3A_731, %broadcast_in_dim3A_732 : vector<16xi1>, vector<16xf32>
        %max3A_734 = arith.maximumf %max3A_722, %select_n3A_733 : vector<16xf32>
        %get3A_735 = arith.index_cast %scan3A_230 : i32 to index
        %get3A_736 = arith.constant 672 : index
        %get3A_737 = tpu.vector_load %arg9[%get3A_735, %get3A_736] {strides = array<i32>} : memref<8x768xf32, #tpu.memory_space<vmem>>, vector<16xf32>,
        %ne3A_738 = arith.constant 0.000000e+00 : f32
        %ne3A_739 = vector.broadcast %ne3A_738 : f32 to vector<16xf32>
        %ne3A_740 = arith.cmpf one, %get3A_737, %ne3A_739 : vector<16xf32>
        %jit3A_741 = arith.constant 1.000000e+00 : f32
        %jit3A_742 = arith.constant 0.000000e+00 : f32
        %broadcast_in_dim3A_743 = vector.broadcast %jit3A_741 : f32 to vector<16xf32>
        %broadcast_in_dim3A_744 = vector.broadcast %jit3A_742 : f32 to vector<16xf32>
        %select_n3A_745 = arith.select %ne3A_740, %broadcast_in_dim3A_743, %broadcast_in_dim3A_744 : vector<16xi1>, vector<16xf32>
        %max3A_746 = arith.maximumf %max3A_734, %select_n3A_745 : vector<16xf32>
        %get3A_747 = arith.index_cast %scan3A_230 : i32 to index
        %get3A_748 = arith.constant 688 : index
        %get3A_749 = tpu.vector_load %arg9[%get3A_747, %get3A_748] {strides = array<i32>} : memref<8x768xf32, #tpu.memory_space<vmem>>, vector<16xf32>,
        %ne3A_750 = arith.constant 0.000000e+00 : f32
        %ne3A_751 = vector.broadcast %ne3A_750 : f32 to vector<16xf32>
        %ne3A_752 = arith.cmpf one, %get3A_749, %ne3A_751 : vector<16xf32>
        %jit3A_753 = arith.constant 1.000000e+00 : f32
        %jit3A_754 = arith.constant 0.000000e+00 : f32
        %broadcast_in_dim3A_755 = vector.broadcast %jit3A_753 : f32 to vector<16xf32>
        %broadcast_in_dim3A_756 = vector.broadcast %jit3A_754 : f32 to vector<16xf32>
        %select_n3A_757 = arith.select %ne3A_752, %broadcast_in_dim3A_755, %broadcast_in_dim3A_756 : vector<16xi1>, vector<16xf32>
        %max3A_758 = arith.maximumf %max3A_746, %select_n3A_757 : vector<16xf32>
        %get3A_759 = arith.index_cast %scan3A_230 : i32 to index
        %get3A_760 = arith.constant 704 : index
        %get3A_761 = tpu.vector_load %arg9[%get3A_759, %get3A_760] {strides = array<i32>} : memref<8x768xf32, #tpu.memory_space<vmem>>, vector<16xf32>,
        %ne3A_762 = arith.constant 0.000000e+00 : f32
        %ne3A_763 = vector.broadcast %ne3A_762 : f32 to vector<16xf32>
        %ne3A_764 = arith.cmpf one, %get3A_761, %ne3A_763 : vector<16xf32>
        %jit3A_765 = arith.constant 1.000000e+00 : f32
        %jit3A_766 = arith.constant 0.000000e+00 : f32
        %broadcast_in_dim3A_767 = vector.broadcast %jit3A_765 : f32 to vector<16xf32>
        %broadcast_in_dim3A_768 = vector.broadcast %jit3A_766 : f32 to vector<16xf32>
        %select_n3A_769 = arith.select %ne3A_764, %broadcast_in_dim3A_767, %broadcast_in_dim3A_768 : vector<16xi1>, vector<16xf32>
        %max3A_770 = arith.maximumf %max3A_758, %select_n3A_769 : vector<16xf32>
        %get3A_771 = arith.index_cast %scan3A_230 : i32 to index
        %get3A_772 = arith.constant 720 : index
        %get3A_773 = tpu.vector_load %arg9[%get3A_771, %get3A_772] {strides = array<i32>} : memref<8x768xf32, #tpu.memory_space<vmem>>, vector<16xf32>,
        %ne3A_774 = arith.constant 0.000000e+00 : f32
        %ne3A_775 = vector.broadcast %ne3A_774 : f32 to vector<16xf32>
        %ne3A_776 = arith.cmpf one, %get3A_773, %ne3A_775 : vector<16xf32>
        %jit3A_777 = arith.constant 1.000000e+00 : f32
        %jit3A_778 = arith.constant 0.000000e+00 : f32
        %broadcast_in_dim3A_779 = vector.broadcast %jit3A_777 : f32 to vector<16xf32>
        %broadcast_in_dim3A_780 = vector.broadcast %jit3A_778 : f32 to vector<16xf32>
        %select_n3A_781 = arith.select %ne3A_776, %broadcast_in_dim3A_779, %broadcast_in_dim3A_780 : vector<16xi1>, vector<16xf32>
        %max3A_782 = arith.maximumf %max3A_770, %select_n3A_781 : vector<16xf32>
        %get3A_783 = arith.index_cast %scan3A_230 : i32 to index
        %get3A_784 = arith.constant 736 : index
        %get3A_785 = tpu.vector_load %arg9[%get3A_783, %get3A_784] {strides = array<i32>} : memref<8x768xf32, #tpu.memory_space<vmem>>, vector<16xf32>,
        %ne3A_786 = arith.constant 0.000000e+00 : f32
        %ne3A_787 = vector.broadcast %ne3A_786 : f32 to vector<16xf32>
        %ne3A_788 = arith.cmpf one, %get3A_785, %ne3A_787 : vector<16xf32>
        %jit3A_789 = arith.constant 1.000000e+00 : f32
        %jit3A_790 = arith.constant 0.000000e+00 : f32
        %broadcast_in_dim3A_791 = vector.broadcast %jit3A_789 : f32 to vector<16xf32>
        %broadcast_in_dim3A_792 = vector.broadcast %jit3A_790 : f32 to vector<16xf32>
        %select_n3A_793 = arith.select %ne3A_788, %broadcast_in_dim3A_791, %broadcast_in_dim3A_792 : vector<16xi1>, vector<16xf32>
        %max3A_794 = arith.maximumf %max3A_782, %select_n3A_793 : vector<16xf32>
        %get3A_795 = arith.index_cast %scan3A_230 : i32 to index
        %get3A_796 = arith.constant 752 : index
        %get3A_797 = tpu.vector_load %arg9[%get3A_795, %get3A_796] {strides = array<i32>} : memref<8x768xf32, #tpu.memory_space<vmem>>, vector<16xf32>,
        %ne3A_798 = arith.constant 0.000000e+00 : f32
        %ne3A_799 = vector.broadcast %ne3A_798 : f32 to vector<16xf32>
        %ne3A_800 = arith.cmpf one, %get3A_797, %ne3A_799 : vector<16xf32>
        %jit3A_801 = arith.constant 1.000000e+00 : f32
        %jit3A_802 = arith.constant 0.000000e+00 : f32
        %broadcast_in_dim3A_803 = vector.broadcast %jit3A_801 : f32 to vector<16xf32>
        %broadcast_in_dim3A_804 = vector.broadcast %jit3A_802 : f32 to vector<16xf32>
        %select_n3A_805 = arith.select %ne3A_800, %broadcast_in_dim3A_803, %broadcast_in_dim3A_804 : vector<16xi1>, vector<16xf32>
        %max3A_806 = arith.maximumf %max3A_794, %select_n3A_805 : vector<16xf32>
        scf.yield %max3A_806 : vector<16xf32>
      }
      %scan3A_184 = arith.constant 8 : i32
      "tpu.region"() ({
        %run_scoped3A = tpu.sem_alloc : memref<!tpu.dma_semaphore, #tpu.memory_space<semaphore_mem>>
        %dma_start3A_230 = arith.constant 8 : i32
        %dma_start3A_231 = arith.constant 0 : i32
        %dma_start3A_232 = tpu.memref_slice %arg2[%add3A_21, %dma_start3A_230, %dma_start3A_231] : memref<1024x16x768xf32, #tpu.memory_space<hbm>> -> memref<1x8x768xf32, #tpu.memory_space<hbm>>
        %dma_start3A_233 = tpu.memref_squeeze %dma_start3A_232 : memref<1x8x768xf32, #tpu.memory_space<hbm>> -> memref<8x768xf32, #tpu.memory_space<hbm>>
        %dma_start3A_234 = arith.constant 8 : i32
        %dma_start3A_235 = arith.constant 0 : i32
        %dma_start3A_236 = tpu.memref_slice %arg2[%add3A_21, %dma_start3A_234, %dma_start3A_235] : memref<1024x16x768xf32, #tpu.memory_space<hbm>> -> memref<1x8x768xf32, #tpu.memory_space<hbm>>
        %dma_start3A_237 = tpu.memref_squeeze %dma_start3A_236 : memref<1x8x768xf32, #tpu.memory_space<hbm>> -> memref<8x768xf32, #tpu.memory_space<hbm>>
        tpu.enqueue_dma source(%dma_start3A_237 : memref<8x768xf32, #tpu.memory_space<hbm>>) target(%arg9 : memref<8x768xf32, #tpu.memory_space<vmem>>) target_semaphore(%run_scoped3A : memref<!tpu.dma_semaphore, #tpu.memory_space<semaphore_mem>>)
        %dma_wait3A_238 = arith.constant 8 : i32
        %dma_wait3A_239 = arith.constant 0 : i32
        %dma_wait3A_240 = tpu.memref_slice %arg2[%add3A_21, %dma_wait3A_238, %dma_wait3A_239] : memref<1024x16x768xf32, #tpu.memory_space<hbm>> -> memref<1x8x768xf32, #tpu.memory_space<hbm>>
        %dma_wait3A_241 = tpu.memref_squeeze %dma_wait3A_240 : memref<1x8x768xf32, #tpu.memory_space<hbm>> -> memref<8x768xf32, #tpu.memory_space<hbm>>
        %dma_wait3A_242 = arith.constant 8 : i32
        %dma_wait3A_243 = arith.constant 0 : i32
        %dma_wait3A_244 = tpu.memref_slice %arg2[%add3A_21, %dma_wait3A_242, %dma_wait3A_243] : memref<1024x16x768xf32, #tpu.memory_space<hbm>> -> memref<1x8x768xf32, #tpu.memory_space<hbm>>
        %dma_wait3A_245 = tpu.memref_squeeze %dma_wait3A_244 : memref<1x8x768xf32, #tpu.memory_space<hbm>> -> memref<8x768xf32, #tpu.memory_space<hbm>>
        tpu.wait_dma2 semaphore(%run_scoped3A : memref<!tpu.dma_semaphore, #tpu.memory_space<semaphore_mem>>) src(%dma_wait3A_245 : memref<8x768xf32, #tpu.memory_space<hbm>>) dst(%arg9 : memref<8x768xf32, #tpu.memory_space<vmem>>)
        tpu.yield
      }) : () -> ()
      %scan3A_185 = arith.constant 0 : i32
      %scan3A_186 = arith.constant 8 : i32
      %scan3A_187 = arith.addi %scan3A_185, %scan3A_186 : i32
      %scan3A_188 = arith.constant 1 : i32
      %scan3A_189 = scf.for %scan3A_230 = %scan3A_185 to %scan3A_187 step %scan3A_188 iter_args(%scan3A_231 = %scan3A_183) -> (vector<16xf32>)  : i32 {
        %get3A_232 = arith.index_cast %scan3A_230 : i32 to index
        %get3A_233 = arith.constant 0 : index
        %get3A_234 = tpu.vector_load %arg9[%get3A_232, %get3A_233] {strides = array<i32>} : memref<8x768xf32, #tpu.memory_space<vmem>>, vector<16xf32>,
        %ne3A_235 = arith.constant 0.000000e+00 : f32
        %ne3A_236 = vector.broadcast %ne3A_235 : f32 to vector<16xf32>
        %ne3A_237 = arith.cmpf one, %get3A_234, %ne3A_236 : vector<16xf32>
        %jit3A_238 = arith.constant 1.000000e+00 : f32
        %jit3A_239 = arith.constant 0.000000e+00 : f32
        %broadcast_in_dim3A_240 = vector.broadcast %jit3A_238 : f32 to vector<16xf32>
        %broadcast_in_dim3A_241 = vector.broadcast %jit3A_239 : f32 to vector<16xf32>
        %select_n3A_242 = arith.select %ne3A_237, %broadcast_in_dim3A_240, %broadcast_in_dim3A_241 : vector<16xi1>, vector<16xf32>
        %max3A = arith.maximumf %scan3A_231, %select_n3A_242 : vector<16xf32>
        %get3A_243 = arith.index_cast %scan3A_230 : i32 to index
        %get3A_244 = arith.constant 16 : index
        %get3A_245 = tpu.vector_load %arg9[%get3A_243, %get3A_244] {strides = array<i32>} : memref<8x768xf32, #tpu.memory_space<vmem>>, vector<16xf32>,
        %ne3A_246 = arith.constant 0.000000e+00 : f32
        %ne3A_247 = vector.broadcast %ne3A_246 : f32 to vector<16xf32>
        %ne3A_248 = arith.cmpf one, %get3A_245, %ne3A_247 : vector<16xf32>
        %jit3A_249 = arith.constant 1.000000e+00 : f32
        %jit3A_250 = arith.constant 0.000000e+00 : f32
        %broadcast_in_dim3A_251 = vector.broadcast %jit3A_249 : f32 to vector<16xf32>
        %broadcast_in_dim3A_252 = vector.broadcast %jit3A_250 : f32 to vector<16xf32>
        %select_n3A_253 = arith.select %ne3A_248, %broadcast_in_dim3A_251, %broadcast_in_dim3A_252 : vector<16xi1>, vector<16xf32>
        %max3A_254 = arith.maximumf %max3A, %select_n3A_253 : vector<16xf32>
        %get3A_255 = arith.index_cast %scan3A_230 : i32 to index
        %get3A_256 = arith.constant 32 : index
        %get3A_257 = tpu.vector_load %arg9[%get3A_255, %get3A_256] {strides = array<i32>} : memref<8x768xf32, #tpu.memory_space<vmem>>, vector<16xf32>,
        %ne3A_258 = arith.constant 0.000000e+00 : f32
        %ne3A_259 = vector.broadcast %ne3A_258 : f32 to vector<16xf32>
        %ne3A_260 = arith.cmpf one, %get3A_257, %ne3A_259 : vector<16xf32>
        %jit3A_261 = arith.constant 1.000000e+00 : f32
        %jit3A_262 = arith.constant 0.000000e+00 : f32
        %broadcast_in_dim3A_263 = vector.broadcast %jit3A_261 : f32 to vector<16xf32>
        %broadcast_in_dim3A_264 = vector.broadcast %jit3A_262 : f32 to vector<16xf32>
        %select_n3A_265 = arith.select %ne3A_260, %broadcast_in_dim3A_263, %broadcast_in_dim3A_264 : vector<16xi1>, vector<16xf32>
        %max3A_266 = arith.maximumf %max3A_254, %select_n3A_265 : vector<16xf32>
        %get3A_267 = arith.index_cast %scan3A_230 : i32 to index
        %get3A_268 = arith.constant 48 : index
        %get3A_269 = tpu.vector_load %arg9[%get3A_267, %get3A_268] {strides = array<i32>} : memref<8x768xf32, #tpu.memory_space<vmem>>, vector<16xf32>,
        %ne3A_270 = arith.constant 0.000000e+00 : f32
        %ne3A_271 = vector.broadcast %ne3A_270 : f32 to vector<16xf32>
        %ne3A_272 = arith.cmpf one, %get3A_269, %ne3A_271 : vector<16xf32>
        %jit3A_273 = arith.constant 1.000000e+00 : f32
        %jit3A_274 = arith.constant 0.000000e+00 : f32
        %broadcast_in_dim3A_275 = vector.broadcast %jit3A_273 : f32 to vector<16xf32>
        %broadcast_in_dim3A_276 = vector.broadcast %jit3A_274 : f32 to vector<16xf32>
        %select_n3A_277 = arith.select %ne3A_272, %broadcast_in_dim3A_275, %broadcast_in_dim3A_276 : vector<16xi1>, vector<16xf32>
        %max3A_278 = arith.maximumf %max3A_266, %select_n3A_277 : vector<16xf32>
        %get3A_279 = arith.index_cast %scan3A_230 : i32 to index
        %get3A_280 = arith.constant 64 : index
        %get3A_281 = tpu.vector_load %arg9[%get3A_279, %get3A_280] {strides = array<i32>} : memref<8x768xf32, #tpu.memory_space<vmem>>, vector<16xf32>,
        %ne3A_282 = arith.constant 0.000000e+00 : f32
        %ne3A_283 = vector.broadcast %ne3A_282 : f32 to vector<16xf32>
        %ne3A_284 = arith.cmpf one, %get3A_281, %ne3A_283 : vector<16xf32>
        %jit3A_285 = arith.constant 1.000000e+00 : f32
        %jit3A_286 = arith.constant 0.000000e+00 : f32
        %broadcast_in_dim3A_287 = vector.broadcast %jit3A_285 : f32 to vector<16xf32>
        %broadcast_in_dim3A_288 = vector.broadcast %jit3A_286 : f32 to vector<16xf32>
        %select_n3A_289 = arith.select %ne3A_284, %broadcast_in_dim3A_287, %broadcast_in_dim3A_288 : vector<16xi1>, vector<16xf32>
        %max3A_290 = arith.maximumf %max3A_278, %select_n3A_289 : vector<16xf32>
        %get3A_291 = arith.index_cast %scan3A_230 : i32 to index
        %get3A_292 = arith.constant 80 : index
        %get3A_293 = tpu.vector_load %arg9[%get3A_291, %get3A_292] {strides = array<i32>} : memref<8x768xf32, #tpu.memory_space<vmem>>, vector<16xf32>,
        %ne3A_294 = arith.constant 0.000000e+00 : f32
        %ne3A_295 = vector.broadcast %ne3A_294 : f32 to vector<16xf32>
        %ne3A_296 = arith.cmpf one, %get3A_293, %ne3A_295 : vector<16xf32>
        %jit3A_297 = arith.constant 1.000000e+00 : f32
        %jit3A_298 = arith.constant 0.000000e+00 : f32
        %broadcast_in_dim3A_299 = vector.broadcast %jit3A_297 : f32 to vector<16xf32>
        %broadcast_in_dim3A_300 = vector.broadcast %jit3A_298 : f32 to vector<16xf32>
        %select_n3A_301 = arith.select %ne3A_296, %broadcast_in_dim3A_299, %broadcast_in_dim3A_300 : vector<16xi1>, vector<16xf32>
        %max3A_302 = arith.maximumf %max3A_290, %select_n3A_301 : vector<16xf32>
        %get3A_303 = arith.index_cast %scan3A_230 : i32 to index
        %get3A_304 = arith.constant 96 : index
        %get3A_305 = tpu.vector_load %arg9[%get3A_303, %get3A_304] {strides = array<i32>} : memref<8x768xf32, #tpu.memory_space<vmem>>, vector<16xf32>,
        %ne3A_306 = arith.constant 0.000000e+00 : f32
        %ne3A_307 = vector.broadcast %ne3A_306 : f32 to vector<16xf32>
        %ne3A_308 = arith.cmpf one, %get3A_305, %ne3A_307 : vector<16xf32>
        %jit3A_309 = arith.constant 1.000000e+00 : f32
        %jit3A_310 = arith.constant 0.000000e+00 : f32
        %broadcast_in_dim3A_311 = vector.broadcast %jit3A_309 : f32 to vector<16xf32>
        %broadcast_in_dim3A_312 = vector.broadcast %jit3A_310 : f32 to vector<16xf32>
        %select_n3A_313 = arith.select %ne3A_308, %broadcast_in_dim3A_311, %broadcast_in_dim3A_312 : vector<16xi1>, vector<16xf32>
        %max3A_314 = arith.maximumf %max3A_302, %select_n3A_313 : vector<16xf32>
        %get3A_315 = arith.index_cast %scan3A_230 : i32 to index
        %get3A_316 = arith.constant 112 : index
        %get3A_317 = tpu.vector_load %arg9[%get3A_315, %get3A_316] {strides = array<i32>} : memref<8x768xf32, #tpu.memory_space<vmem>>, vector<16xf32>,
        %ne3A_318 = arith.constant 0.000000e+00 : f32
        %ne3A_319 = vector.broadcast %ne3A_318 : f32 to vector<16xf32>
        %ne3A_320 = arith.cmpf one, %get3A_317, %ne3A_319 : vector<16xf32>
        %jit3A_321 = arith.constant 1.000000e+00 : f32
        %jit3A_322 = arith.constant 0.000000e+00 : f32
        %broadcast_in_dim3A_323 = vector.broadcast %jit3A_321 : f32 to vector<16xf32>
        %broadcast_in_dim3A_324 = vector.broadcast %jit3A_322 : f32 to vector<16xf32>
        %select_n3A_325 = arith.select %ne3A_320, %broadcast_in_dim3A_323, %broadcast_in_dim3A_324 : vector<16xi1>, vector<16xf32>
        %max3A_326 = arith.maximumf %max3A_314, %select_n3A_325 : vector<16xf32>
        %get3A_327 = arith.index_cast %scan3A_230 : i32 to index
        %get3A_328 = arith.constant 128 : index
        %get3A_329 = tpu.vector_load %arg9[%get3A_327, %get3A_328] {strides = array<i32>} : memref<8x768xf32, #tpu.memory_space<vmem>>, vector<16xf32>,
        %ne3A_330 = arith.constant 0.000000e+00 : f32
        %ne3A_331 = vector.broadcast %ne3A_330 : f32 to vector<16xf32>
        %ne3A_332 = arith.cmpf one, %get3A_329, %ne3A_331 : vector<16xf32>
        %jit3A_333 = arith.constant 1.000000e+00 : f32
        %jit3A_334 = arith.constant 0.000000e+00 : f32
        %broadcast_in_dim3A_335 = vector.broadcast %jit3A_333 : f32 to vector<16xf32>
        %broadcast_in_dim3A_336 = vector.broadcast %jit3A_334 : f32 to vector<16xf32>
        %select_n3A_337 = arith.select %ne3A_332, %broadcast_in_dim3A_335, %broadcast_in_dim3A_336 : vector<16xi1>, vector<16xf32>
        %max3A_338 = arith.maximumf %max3A_326, %select_n3A_337 : vector<16xf32>
        %get3A_339 = arith.index_cast %scan3A_230 : i32 to index
        %get3A_340 = arith.constant 144 : index
        %get3A_341 = tpu.vector_load %arg9[%get3A_339, %get3A_340] {strides = array<i32>} : memref<8x768xf32, #tpu.memory_space<vmem>>, vector<16xf32>,
        %ne3A_342 = arith.constant 0.000000e+00 : f32
        %ne3A_343 = vector.broadcast %ne3A_342 : f32 to vector<16xf32>
        %ne3A_344 = arith.cmpf one, %get3A_341, %ne3A_343 : vector<16xf32>
        %jit3A_345 = arith.constant 1.000000e+00 : f32
        %jit3A_346 = arith.constant 0.000000e+00 : f32
        %broadcast_in_dim3A_347 = vector.broadcast %jit3A_345 : f32 to vector<16xf32>
        %broadcast_in_dim3A_348 = vector.broadcast %jit3A_346 : f32 to vector<16xf32>
        %select_n3A_349 = arith.select %ne3A_344, %broadcast_in_dim3A_347, %broadcast_in_dim3A_348 : vector<16xi1>, vector<16xf32>
        %max3A_350 = arith.maximumf %max3A_338, %select_n3A_349 : vector<16xf32>
        %get3A_351 = arith.index_cast %scan3A_230 : i32 to index
        %get3A_352 = arith.constant 160 : index
        %get3A_353 = tpu.vector_load %arg9[%get3A_351, %get3A_352] {strides = array<i32>} : memref<8x768xf32, #tpu.memory_space<vmem>>, vector<16xf32>,
        %ne3A_354 = arith.constant 0.000000e+00 : f32
        %ne3A_355 = vector.broadcast %ne3A_354 : f32 to vector<16xf32>
        %ne3A_356 = arith.cmpf one, %get3A_353, %ne3A_355 : vector<16xf32>
        %jit3A_357 = arith.constant 1.000000e+00 : f32
        %jit3A_358 = arith.constant 0.000000e+00 : f32
        %broadcast_in_dim3A_359 = vector.broadcast %jit3A_357 : f32 to vector<16xf32>
        %broadcast_in_dim3A_360 = vector.broadcast %jit3A_358 : f32 to vector<16xf32>
        %select_n3A_361 = arith.select %ne3A_356, %broadcast_in_dim3A_359, %broadcast_in_dim3A_360 : vector<16xi1>, vector<16xf32>
        %max3A_362 = arith.maximumf %max3A_350, %select_n3A_361 : vector<16xf32>
        %get3A_363 = arith.index_cast %scan3A_230 : i32 to index
        %get3A_364 = arith.constant 176 : index
        %get3A_365 = tpu.vector_load %arg9[%get3A_363, %get3A_364] {strides = array<i32>} : memref<8x768xf32, #tpu.memory_space<vmem>>, vector<16xf32>,
        %ne3A_366 = arith.constant 0.000000e+00 : f32
        %ne3A_367 = vector.broadcast %ne3A_366 : f32 to vector<16xf32>
        %ne3A_368 = arith.cmpf one, %get3A_365, %ne3A_367 : vector<16xf32>
        %jit3A_369 = arith.constant 1.000000e+00 : f32
        %jit3A_370 = arith.constant 0.000000e+00 : f32
        %broadcast_in_dim3A_371 = vector.broadcast %jit3A_369 : f32 to vector<16xf32>
        %broadcast_in_dim3A_372 = vector.broadcast %jit3A_370 : f32 to vector<16xf32>
        %select_n3A_373 = arith.select %ne3A_368, %broadcast_in_dim3A_371, %broadcast_in_dim3A_372 : vector<16xi1>, vector<16xf32>
        %max3A_374 = arith.maximumf %max3A_362, %select_n3A_373 : vector<16xf32>
        %get3A_375 = arith.index_cast %scan3A_230 : i32 to index
        %get3A_376 = arith.constant 192 : index
        %get3A_377 = tpu.vector_load %arg9[%get3A_375, %get3A_376] {strides = array<i32>} : memref<8x768xf32, #tpu.memory_space<vmem>>, vector<16xf32>,
        %ne3A_378 = arith.constant 0.000000e+00 : f32
        %ne3A_379 = vector.broadcast %ne3A_378 : f32 to vector<16xf32>
        %ne3A_380 = arith.cmpf one, %get3A_377, %ne3A_379 : vector<16xf32>
        %jit3A_381 = arith.constant 1.000000e+00 : f32
        %jit3A_382 = arith.constant 0.000000e+00 : f32
        %broadcast_in_dim3A_383 = vector.broadcast %jit3A_381 : f32 to vector<16xf32>
        %broadcast_in_dim3A_384 = vector.broadcast %jit3A_382 : f32 to vector<16xf32>
        %select_n3A_385 = arith.select %ne3A_380, %broadcast_in_dim3A_383, %broadcast_in_dim3A_384 : vector<16xi1>, vector<16xf32>
        %max3A_386 = arith.maximumf %max3A_374, %select_n3A_385 : vector<16xf32>
        %get3A_387 = arith.index_cast %scan3A_230 : i32 to index
        %get3A_388 = arith.constant 208 : index
        %get3A_389 = tpu.vector_load %arg9[%get3A_387, %get3A_388] {strides = array<i32>} : memref<8x768xf32, #tpu.memory_space<vmem>>, vector<16xf32>,
        %ne3A_390 = arith.constant 0.000000e+00 : f32
        %ne3A_391 = vector.broadcast %ne3A_390 : f32 to vector<16xf32>
        %ne3A_392 = arith.cmpf one, %get3A_389, %ne3A_391 : vector<16xf32>
        %jit3A_393 = arith.constant 1.000000e+00 : f32
        %jit3A_394 = arith.constant 0.000000e+00 : f32
        %broadcast_in_dim3A_395 = vector.broadcast %jit3A_393 : f32 to vector<16xf32>
        %broadcast_in_dim3A_396 = vector.broadcast %jit3A_394 : f32 to vector<16xf32>
        %select_n3A_397 = arith.select %ne3A_392, %broadcast_in_dim3A_395, %broadcast_in_dim3A_396 : vector<16xi1>, vector<16xf32>
        %max3A_398 = arith.maximumf %max3A_386, %select_n3A_397 : vector<16xf32>
        %get3A_399 = arith.index_cast %scan3A_230 : i32 to index
        %get3A_400 = arith.constant 224 : index
        %get3A_401 = tpu.vector_load %arg9[%get3A_399, %get3A_400] {strides = array<i32>} : memref<8x768xf32, #tpu.memory_space<vmem>>, vector<16xf32>,
        %ne3A_402 = arith.constant 0.000000e+00 : f32
        %ne3A_403 = vector.broadcast %ne3A_402 : f32 to vector<16xf32>
        %ne3A_404 = arith.cmpf one, %get3A_401, %ne3A_403 : vector<16xf32>
        %jit3A_405 = arith.constant 1.000000e+00 : f32
        %jit3A_406 = arith.constant 0.000000e+00 : f32
        %broadcast_in_dim3A_407 = vector.broadcast %jit3A_405 : f32 to vector<16xf32>
        %broadcast_in_dim3A_408 = vector.broadcast %jit3A_406 : f32 to vector<16xf32>
        %select_n3A_409 = arith.select %ne3A_404, %broadcast_in_dim3A_407, %broadcast_in_dim3A_408 : vector<16xi1>, vector<16xf32>
        %max3A_410 = arith.maximumf %max3A_398, %select_n3A_409 : vector<16xf32>
        %get3A_411 = arith.index_cast %scan3A_230 : i32 to index
        %get3A_412 = arith.constant 240 : index
        %get3A_413 = tpu.vector_load %arg9[%get3A_411, %get3A_412] {strides = array<i32>} : memref<8x768xf32, #tpu.memory_space<vmem>>, vector<16xf32>,
        %ne3A_414 = arith.constant 0.000000e+00 : f32
        %ne3A_415 = vector.broadcast %ne3A_414 : f32 to vector<16xf32>
        %ne3A_416 = arith.cmpf one, %get3A_413, %ne3A_415 : vector<16xf32>
        %jit3A_417 = arith.constant 1.000000e+00 : f32
        %jit3A_418 = arith.constant 0.000000e+00 : f32
        %broadcast_in_dim3A_419 = vector.broadcast %jit3A_417 : f32 to vector<16xf32>
        %broadcast_in_dim3A_420 = vector.broadcast %jit3A_418 : f32 to vector<16xf32>
        %select_n3A_421 = arith.select %ne3A_416, %broadcast_in_dim3A_419, %broadcast_in_dim3A_420 : vector<16xi1>, vector<16xf32>
        %max3A_422 = arith.maximumf %max3A_410, %select_n3A_421 : vector<16xf32>
        %get3A_423 = arith.index_cast %scan3A_230 : i32 to index
        %get3A_424 = arith.constant 256 : index
        %get3A_425 = tpu.vector_load %arg9[%get3A_423, %get3A_424] {strides = array<i32>} : memref<8x768xf32, #tpu.memory_space<vmem>>, vector<16xf32>,
        %ne3A_426 = arith.constant 0.000000e+00 : f32
        %ne3A_427 = vector.broadcast %ne3A_426 : f32 to vector<16xf32>
        %ne3A_428 = arith.cmpf one, %get3A_425, %ne3A_427 : vector<16xf32>
        %jit3A_429 = arith.constant 1.000000e+00 : f32
        %jit3A_430 = arith.constant 0.000000e+00 : f32
        %broadcast_in_dim3A_431 = vector.broadcast %jit3A_429 : f32 to vector<16xf32>
        %broadcast_in_dim3A_432 = vector.broadcast %jit3A_430 : f32 to vector<16xf32>
        %select_n3A_433 = arith.select %ne3A_428, %broadcast_in_dim3A_431, %broadcast_in_dim3A_432 : vector<16xi1>, vector<16xf32>
        %max3A_434 = arith.maximumf %max3A_422, %select_n3A_433 : vector<16xf32>
        %get3A_435 = arith.index_cast %scan3A_230 : i32 to index
        %get3A_436 = arith.constant 272 : index
        %get3A_437 = tpu.vector_load %arg9[%get3A_435, %get3A_436] {strides = array<i32>} : memref<8x768xf32, #tpu.memory_space<vmem>>, vector<16xf32>,
        %ne3A_438 = arith.constant 0.000000e+00 : f32
        %ne3A_439 = vector.broadcast %ne3A_438 : f32 to vector<16xf32>
        %ne3A_440 = arith.cmpf one, %get3A_437, %ne3A_439 : vector<16xf32>
        %jit3A_441 = arith.constant 1.000000e+00 : f32
        %jit3A_442 = arith.constant 0.000000e+00 : f32
        %broadcast_in_dim3A_443 = vector.broadcast %jit3A_441 : f32 to vector<16xf32>
        %broadcast_in_dim3A_444 = vector.broadcast %jit3A_442 : f32 to vector<16xf32>
        %select_n3A_445 = arith.select %ne3A_440, %broadcast_in_dim3A_443, %broadcast_in_dim3A_444 : vector<16xi1>, vector<16xf32>
        %max3A_446 = arith.maximumf %max3A_434, %select_n3A_445 : vector<16xf32>
        %get3A_447 = arith.index_cast %scan3A_230 : i32 to index
        %get3A_448 = arith.constant 288 : index
        %get3A_449 = tpu.vector_load %arg9[%get3A_447, %get3A_448] {strides = array<i32>} : memref<8x768xf32, #tpu.memory_space<vmem>>, vector<16xf32>,
        %ne3A_450 = arith.constant 0.000000e+00 : f32
        %ne3A_451 = vector.broadcast %ne3A_450 : f32 to vector<16xf32>
        %ne3A_452 = arith.cmpf one, %get3A_449, %ne3A_451 : vector<16xf32>
        %jit3A_453 = arith.constant 1.000000e+00 : f32
        %jit3A_454 = arith.constant 0.000000e+00 : f32
        %broadcast_in_dim3A_455 = vector.broadcast %jit3A_453 : f32 to vector<16xf32>
        %broadcast_in_dim3A_456 = vector.broadcast %jit3A_454 : f32 to vector<16xf32>
        %select_n3A_457 = arith.select %ne3A_452, %broadcast_in_dim3A_455, %broadcast_in_dim3A_456 : vector<16xi1>, vector<16xf32>
        %max3A_458 = arith.maximumf %max3A_446, %select_n3A_457 : vector<16xf32>
        %get3A_459 = arith.index_cast %scan3A_230 : i32 to index
        %get3A_460 = arith.constant 304 : index
        %get3A_461 = tpu.vector_load %arg9[%get3A_459, %get3A_460] {strides = array<i32>} : memref<8x768xf32, #tpu.memory_space<vmem>>, vector<16xf32>,
        %ne3A_462 = arith.constant 0.000000e+00 : f32
        %ne3A_463 = vector.broadcast %ne3A_462 : f32 to vector<16xf32>
        %ne3A_464 = arith.cmpf one, %get3A_461, %ne3A_463 : vector<16xf32>
        %jit3A_465 = arith.constant 1.000000e+00 : f32
        %jit3A_466 = arith.constant 0.000000e+00 : f32
        %broadcast_in_dim3A_467 = vector.broadcast %jit3A_465 : f32 to vector<16xf32>
        %broadcast_in_dim3A_468 = vector.broadcast %jit3A_466 : f32 to vector<16xf32>
        %select_n3A_469 = arith.select %ne3A_464, %broadcast_in_dim3A_467, %broadcast_in_dim3A_468 : vector<16xi1>, vector<16xf32>
        %max3A_470 = arith.maximumf %max3A_458, %select_n3A_469 : vector<16xf32>
        %get3A_471 = arith.index_cast %scan3A_230 : i32 to index
        %get3A_472 = arith.constant 320 : index
        %get3A_473 = tpu.vector_load %arg9[%get3A_471, %get3A_472] {strides = array<i32>} : memref<8x768xf32, #tpu.memory_space<vmem>>, vector<16xf32>,
        %ne3A_474 = arith.constant 0.000000e+00 : f32
        %ne3A_475 = vector.broadcast %ne3A_474 : f32 to vector<16xf32>
        %ne3A_476 = arith.cmpf one, %get3A_473, %ne3A_475 : vector<16xf32>
        %jit3A_477 = arith.constant 1.000000e+00 : f32
        %jit3A_478 = arith.constant 0.000000e+00 : f32
        %broadcast_in_dim3A_479 = vector.broadcast %jit3A_477 : f32 to vector<16xf32>
        %broadcast_in_dim3A_480 = vector.broadcast %jit3A_478 : f32 to vector<16xf32>
        %select_n3A_481 = arith.select %ne3A_476, %broadcast_in_dim3A_479, %broadcast_in_dim3A_480 : vector<16xi1>, vector<16xf32>
        %max3A_482 = arith.maximumf %max3A_470, %select_n3A_481 : vector<16xf32>
        %get3A_483 = arith.index_cast %scan3A_230 : i32 to index
        %get3A_484 = arith.constant 336 : index
        %get3A_485 = tpu.vector_load %arg9[%get3A_483, %get3A_484] {strides = array<i32>} : memref<8x768xf32, #tpu.memory_space<vmem>>, vector<16xf32>,
        %ne3A_486 = arith.constant 0.000000e+00 : f32
        %ne3A_487 = vector.broadcast %ne3A_486 : f32 to vector<16xf32>
        %ne3A_488 = arith.cmpf one, %get3A_485, %ne3A_487 : vector<16xf32>
        %jit3A_489 = arith.constant 1.000000e+00 : f32
        %jit3A_490 = arith.constant 0.000000e+00 : f32
        %broadcast_in_dim3A_491 = vector.broadcast %jit3A_489 : f32 to vector<16xf32>
        %broadcast_in_dim3A_492 = vector.broadcast %jit3A_490 : f32 to vector<16xf32>
        %select_n3A_493 = arith.select %ne3A_488, %broadcast_in_dim3A_491, %broadcast_in_dim3A_492 : vector<16xi1>, vector<16xf32>
        %max3A_494 = arith.maximumf %max3A_482, %select_n3A_493 : vector<16xf32>
        %get3A_495 = arith.index_cast %scan3A_230 : i32 to index
        %get3A_496 = arith.constant 352 : index
        %get3A_497 = tpu.vector_load %arg9[%get3A_495, %get3A_496] {strides = array<i32>} : memref<8x768xf32, #tpu.memory_space<vmem>>, vector<16xf32>,
        %ne3A_498 = arith.constant 0.000000e+00 : f32
        %ne3A_499 = vector.broadcast %ne3A_498 : f32 to vector<16xf32>
        %ne3A_500 = arith.cmpf one, %get3A_497, %ne3A_499 : vector<16xf32>
        %jit3A_501 = arith.constant 1.000000e+00 : f32
        %jit3A_502 = arith.constant 0.000000e+00 : f32
        %broadcast_in_dim3A_503 = vector.broadcast %jit3A_501 : f32 to vector<16xf32>
        %broadcast_in_dim3A_504 = vector.broadcast %jit3A_502 : f32 to vector<16xf32>
        %select_n3A_505 = arith.select %ne3A_500, %broadcast_in_dim3A_503, %broadcast_in_dim3A_504 : vector<16xi1>, vector<16xf32>
        %max3A_506 = arith.maximumf %max3A_494, %select_n3A_505 : vector<16xf32>
        %get3A_507 = arith.index_cast %scan3A_230 : i32 to index
        %get3A_508 = arith.constant 368 : index
        %get3A_509 = tpu.vector_load %arg9[%get3A_507, %get3A_508] {strides = array<i32>} : memref<8x768xf32, #tpu.memory_space<vmem>>, vector<16xf32>,
        %ne3A_510 = arith.constant 0.000000e+00 : f32
        %ne3A_511 = vector.broadcast %ne3A_510 : f32 to vector<16xf32>
        %ne3A_512 = arith.cmpf one, %get3A_509, %ne3A_511 : vector<16xf32>
        %jit3A_513 = arith.constant 1.000000e+00 : f32
        %jit3A_514 = arith.constant 0.000000e+00 : f32
        %broadcast_in_dim3A_515 = vector.broadcast %jit3A_513 : f32 to vector<16xf32>
        %broadcast_in_dim3A_516 = vector.broadcast %jit3A_514 : f32 to vector<16xf32>
        %select_n3A_517 = arith.select %ne3A_512, %broadcast_in_dim3A_515, %broadcast_in_dim3A_516 : vector<16xi1>, vector<16xf32>
        %max3A_518 = arith.maximumf %max3A_506, %select_n3A_517 : vector<16xf32>
        %get3A_519 = arith.index_cast %scan3A_230 : i32 to index
        %get3A_520 = arith.constant 384 : index
        %get3A_521 = tpu.vector_load %arg9[%get3A_519, %get3A_520] {strides = array<i32>} : memref<8x768xf32, #tpu.memory_space<vmem>>, vector<16xf32>,
        %ne3A_522 = arith.constant 0.000000e+00 : f32
        %ne3A_523 = vector.broadcast %ne3A_522 : f32 to vector<16xf32>
        %ne3A_524 = arith.cmpf one, %get3A_521, %ne3A_523 : vector<16xf32>
        %jit3A_525 = arith.constant 1.000000e+00 : f32
        %jit3A_526 = arith.constant 0.000000e+00 : f32
        %broadcast_in_dim3A_527 = vector.broadcast %jit3A_525 : f32 to vector<16xf32>
        %broadcast_in_dim3A_528 = vector.broadcast %jit3A_526 : f32 to vector<16xf32>
        %select_n3A_529 = arith.select %ne3A_524, %broadcast_in_dim3A_527, %broadcast_in_dim3A_528 : vector<16xi1>, vector<16xf32>
        %max3A_530 = arith.maximumf %max3A_518, %select_n3A_529 : vector<16xf32>
        %get3A_531 = arith.index_cast %scan3A_230 : i32 to index
        %get3A_532 = arith.constant 400 : index
        %get3A_533 = tpu.vector_load %arg9[%get3A_531, %get3A_532] {strides = array<i32>} : memref<8x768xf32, #tpu.memory_space<vmem>>, vector<16xf32>,
        %ne3A_534 = arith.constant 0.000000e+00 : f32
        %ne3A_535 = vector.broadcast %ne3A_534 : f32 to vector<16xf32>
        %ne3A_536 = arith.cmpf one, %get3A_533, %ne3A_535 : vector<16xf32>
        %jit3A_537 = arith.constant 1.000000e+00 : f32
        %jit3A_538 = arith.constant 0.000000e+00 : f32
        %broadcast_in_dim3A_539 = vector.broadcast %jit3A_537 : f32 to vector<16xf32>
        %broadcast_in_dim3A_540 = vector.broadcast %jit3A_538 : f32 to vector<16xf32>
        %select_n3A_541 = arith.select %ne3A_536, %broadcast_in_dim3A_539, %broadcast_in_dim3A_540 : vector<16xi1>, vector<16xf32>
        %max3A_542 = arith.maximumf %max3A_530, %select_n3A_541 : vector<16xf32>
        %get3A_543 = arith.index_cast %scan3A_230 : i32 to index
        %get3A_544 = arith.constant 416 : index
        %get3A_545 = tpu.vector_load %arg9[%get3A_543, %get3A_544] {strides = array<i32>} : memref<8x768xf32, #tpu.memory_space<vmem>>, vector<16xf32>,
        %ne3A_546 = arith.constant 0.000000e+00 : f32
        %ne3A_547 = vector.broadcast %ne3A_546 : f32 to vector<16xf32>
        %ne3A_548 = arith.cmpf one, %get3A_545, %ne3A_547 : vector<16xf32>
        %jit3A_549 = arith.constant 1.000000e+00 : f32
        %jit3A_550 = arith.constant 0.000000e+00 : f32
        %broadcast_in_dim3A_551 = vector.broadcast %jit3A_549 : f32 to vector<16xf32>
        %broadcast_in_dim3A_552 = vector.broadcast %jit3A_550 : f32 to vector<16xf32>
        %select_n3A_553 = arith.select %ne3A_548, %broadcast_in_dim3A_551, %broadcast_in_dim3A_552 : vector<16xi1>, vector<16xf32>
        %max3A_554 = arith.maximumf %max3A_542, %select_n3A_553 : vector<16xf32>
        %get3A_555 = arith.index_cast %scan3A_230 : i32 to index
        %get3A_556 = arith.constant 432 : index
        %get3A_557 = tpu.vector_load %arg9[%get3A_555, %get3A_556] {strides = array<i32>} : memref<8x768xf32, #tpu.memory_space<vmem>>, vector<16xf32>,
        %ne3A_558 = arith.constant 0.000000e+00 : f32
        %ne3A_559 = vector.broadcast %ne3A_558 : f32 to vector<16xf32>
        %ne3A_560 = arith.cmpf one, %get3A_557, %ne3A_559 : vector<16xf32>
        %jit3A_561 = arith.constant 1.000000e+00 : f32
        %jit3A_562 = arith.constant 0.000000e+00 : f32
        %broadcast_in_dim3A_563 = vector.broadcast %jit3A_561 : f32 to vector<16xf32>
        %broadcast_in_dim3A_564 = vector.broadcast %jit3A_562 : f32 to vector<16xf32>
        %select_n3A_565 = arith.select %ne3A_560, %broadcast_in_dim3A_563, %broadcast_in_dim3A_564 : vector<16xi1>, vector<16xf32>
        %max3A_566 = arith.maximumf %max3A_554, %select_n3A_565 : vector<16xf32>
        %get3A_567 = arith.index_cast %scan3A_230 : i32 to index
        %get3A_568 = arith.constant 448 : index
        %get3A_569 = tpu.vector_load %arg9[%get3A_567, %get3A_568] {strides = array<i32>} : memref<8x768xf32, #tpu.memory_space<vmem>>, vector<16xf32>,
        %ne3A_570 = arith.constant 0.000000e+00 : f32
        %ne3A_571 = vector.broadcast %ne3A_570 : f32 to vector<16xf32>
        %ne3A_572 = arith.cmpf one, %get3A_569, %ne3A_571 : vector<16xf32>
        %jit3A_573 = arith.constant 1.000000e+00 : f32
        %jit3A_574 = arith.constant 0.000000e+00 : f32
        %broadcast_in_dim3A_575 = vector.broadcast %jit3A_573 : f32 to vector<16xf32>
        %broadcast_in_dim3A_576 = vector.broadcast %jit3A_574 : f32 to vector<16xf32>
        %select_n3A_577 = arith.select %ne3A_572, %broadcast_in_dim3A_575, %broadcast_in_dim3A_576 : vector<16xi1>, vector<16xf32>
        %max3A_578 = arith.maximumf %max3A_566, %select_n3A_577 : vector<16xf32>
        %get3A_579 = arith.index_cast %scan3A_230 : i32 to index
        %get3A_580 = arith.constant 464 : index
        %get3A_581 = tpu.vector_load %arg9[%get3A_579, %get3A_580] {strides = array<i32>} : memref<8x768xf32, #tpu.memory_space<vmem>>, vector<16xf32>,
        %ne3A_582 = arith.constant 0.000000e+00 : f32
        %ne3A_583 = vector.broadcast %ne3A_582 : f32 to vector<16xf32>
        %ne3A_584 = arith.cmpf one, %get3A_581, %ne3A_583 : vector<16xf32>
        %jit3A_585 = arith.constant 1.000000e+00 : f32
        %jit3A_586 = arith.constant 0.000000e+00 : f32
        %broadcast_in_dim3A_587 = vector.broadcast %jit3A_585 : f32 to vector<16xf32>
        %broadcast_in_dim3A_588 = vector.broadcast %jit3A_586 : f32 to vector<16xf32>
        %select_n3A_589 = arith.select %ne3A_584, %broadcast_in_dim3A_587, %broadcast_in_dim3A_588 : vector<16xi1>, vector<16xf32>
        %max3A_590 = arith.maximumf %max3A_578, %select_n3A_589 : vector<16xf32>
        %get3A_591 = arith.index_cast %scan3A_230 : i32 to index
        %get3A_592 = arith.constant 480 : index
        %get3A_593 = tpu.vector_load %arg9[%get3A_591, %get3A_592] {strides = array<i32>} : memref<8x768xf32, #tpu.memory_space<vmem>>, vector<16xf32>,
        %ne3A_594 = arith.constant 0.000000e+00 : f32
        %ne3A_595 = vector.broadcast %ne3A_594 : f32 to vector<16xf32>
        %ne3A_596 = arith.cmpf one, %get3A_593, %ne3A_595 : vector<16xf32>
        %jit3A_597 = arith.constant 1.000000e+00 : f32
        %jit3A_598 = arith.constant 0.000000e+00 : f32
        %broadcast_in_dim3A_599 = vector.broadcast %jit3A_597 : f32 to vector<16xf32>
        %broadcast_in_dim3A_600 = vector.broadcast %jit3A_598 : f32 to vector<16xf32>
        %select_n3A_601 = arith.select %ne3A_596, %broadcast_in_dim3A_599, %broadcast_in_dim3A_600 : vector<16xi1>, vector<16xf32>
        %max3A_602 = arith.maximumf %max3A_590, %select_n3A_601 : vector<16xf32>
        %get3A_603 = arith.index_cast %scan3A_230 : i32 to index
        %get3A_604 = arith.constant 496 : index
        %get3A_605 = tpu.vector_load %arg9[%get3A_603, %get3A_604] {strides = array<i32>} : memref<8x768xf32, #tpu.memory_space<vmem>>, vector<16xf32>,
        %ne3A_606 = arith.constant 0.000000e+00 : f32
        %ne3A_607 = vector.broadcast %ne3A_606 : f32 to vector<16xf32>
        %ne3A_608 = arith.cmpf one, %get3A_605, %ne3A_607 : vector<16xf32>
        %jit3A_609 = arith.constant 1.000000e+00 : f32
        %jit3A_610 = arith.constant 0.000000e+00 : f32
        %broadcast_in_dim3A_611 = vector.broadcast %jit3A_609 : f32 to vector<16xf32>
        %broadcast_in_dim3A_612 = vector.broadcast %jit3A_610 : f32 to vector<16xf32>
        %select_n3A_613 = arith.select %ne3A_608, %broadcast_in_dim3A_611, %broadcast_in_dim3A_612 : vector<16xi1>, vector<16xf32>
        %max3A_614 = arith.maximumf %max3A_602, %select_n3A_613 : vector<16xf32>
        %get3A_615 = arith.index_cast %scan3A_230 : i32 to index
        %get3A_616 = arith.constant 512 : index
        %get3A_617 = tpu.vector_load %arg9[%get3A_615, %get3A_616] {strides = array<i32>} : memref<8x768xf32, #tpu.memory_space<vmem>>, vector<16xf32>,
        %ne3A_618 = arith.constant 0.000000e+00 : f32
        %ne3A_619 = vector.broadcast %ne3A_618 : f32 to vector<16xf32>
        %ne3A_620 = arith.cmpf one, %get3A_617, %ne3A_619 : vector<16xf32>
        %jit3A_621 = arith.constant 1.000000e+00 : f32
        %jit3A_622 = arith.constant 0.000000e+00 : f32
        %broadcast_in_dim3A_623 = vector.broadcast %jit3A_621 : f32 to vector<16xf32>
        %broadcast_in_dim3A_624 = vector.broadcast %jit3A_622 : f32 to vector<16xf32>
        %select_n3A_625 = arith.select %ne3A_620, %broadcast_in_dim3A_623, %broadcast_in_dim3A_624 : vector<16xi1>, vector<16xf32>
        %max3A_626 = arith.maximumf %max3A_614, %select_n3A_625 : vector<16xf32>
        %get3A_627 = arith.index_cast %scan3A_230 : i32 to index
        %get3A_628 = arith.constant 528 : index
        %get3A_629 = tpu.vector_load %arg9[%get3A_627, %get3A_628] {strides = array<i32>} : memref<8x768xf32, #tpu.memory_space<vmem>>, vector<16xf32>,
        %ne3A_630 = arith.constant 0.000000e+00 : f32
        %ne3A_631 = vector.broadcast %ne3A_630 : f32 to vector<16xf32>
        %ne3A_632 = arith.cmpf one, %get3A_629, %ne3A_631 : vector<16xf32>
        %jit3A_633 = arith.constant 1.000000e+00 : f32
        %jit3A_634 = arith.constant 0.000000e+00 : f32
        %broadcast_in_dim3A_635 = vector.broadcast %jit3A_633 : f32 to vector<16xf32>
        %broadcast_in_dim3A_636 = vector.broadcast %jit3A_634 : f32 to vector<16xf32>
        %select_n3A_637 = arith.select %ne3A_632, %broadcast_in_dim3A_635, %broadcast_in_dim3A_636 : vector<16xi1>, vector<16xf32>
        %max3A_638 = arith.maximumf %max3A_626, %select_n3A_637 : vector<16xf32>
        %get3A_639 = arith.index_cast %scan3A_230 : i32 to index
        %get3A_640 = arith.constant 544 : index
        %get3A_641 = tpu.vector_load %arg9[%get3A_639, %get3A_640] {strides = array<i32>} : memref<8x768xf32, #tpu.memory_space<vmem>>, vector<16xf32>,
        %ne3A_642 = arith.constant 0.000000e+00 : f32
        %ne3A_643 = vector.broadcast %ne3A_642 : f32 to vector<16xf32>
        %ne3A_644 = arith.cmpf one, %get3A_641, %ne3A_643 : vector<16xf32>
        %jit3A_645 = arith.constant 1.000000e+00 : f32
        %jit3A_646 = arith.constant 0.000000e+00 : f32
        %broadcast_in_dim3A_647 = vector.broadcast %jit3A_645 : f32 to vector<16xf32>
        %broadcast_in_dim3A_648 = vector.broadcast %jit3A_646 : f32 to vector<16xf32>
        %select_n3A_649 = arith.select %ne3A_644, %broadcast_in_dim3A_647, %broadcast_in_dim3A_648 : vector<16xi1>, vector<16xf32>
        %max3A_650 = arith.maximumf %max3A_638, %select_n3A_649 : vector<16xf32>
        %get3A_651 = arith.index_cast %scan3A_230 : i32 to index
        %get3A_652 = arith.constant 560 : index
        %get3A_653 = tpu.vector_load %arg9[%get3A_651, %get3A_652] {strides = array<i32>} : memref<8x768xf32, #tpu.memory_space<vmem>>, vector<16xf32>,
        %ne3A_654 = arith.constant 0.000000e+00 : f32
        %ne3A_655 = vector.broadcast %ne3A_654 : f32 to vector<16xf32>
        %ne3A_656 = arith.cmpf one, %get3A_653, %ne3A_655 : vector<16xf32>
        %jit3A_657 = arith.constant 1.000000e+00 : f32
        %jit3A_658 = arith.constant 0.000000e+00 : f32
        %broadcast_in_dim3A_659 = vector.broadcast %jit3A_657 : f32 to vector<16xf32>
        %broadcast_in_dim3A_660 = vector.broadcast %jit3A_658 : f32 to vector<16xf32>
        %select_n3A_661 = arith.select %ne3A_656, %broadcast_in_dim3A_659, %broadcast_in_dim3A_660 : vector<16xi1>, vector<16xf32>
        %max3A_662 = arith.maximumf %max3A_650, %select_n3A_661 : vector<16xf32>
        %get3A_663 = arith.index_cast %scan3A_230 : i32 to index
        %get3A_664 = arith.constant 576 : index
        %get3A_665 = tpu.vector_load %arg9[%get3A_663, %get3A_664] {strides = array<i32>} : memref<8x768xf32, #tpu.memory_space<vmem>>, vector<16xf32>,
        %ne3A_666 = arith.constant 0.000000e+00 : f32
        %ne3A_667 = vector.broadcast %ne3A_666 : f32 to vector<16xf32>
        %ne3A_668 = arith.cmpf one, %get3A_665, %ne3A_667 : vector<16xf32>
        %jit3A_669 = arith.constant 1.000000e+00 : f32
        %jit3A_670 = arith.constant 0.000000e+00 : f32
        %broadcast_in_dim3A_671 = vector.broadcast %jit3A_669 : f32 to vector<16xf32>
        %broadcast_in_dim3A_672 = vector.broadcast %jit3A_670 : f32 to vector<16xf32>
        %select_n3A_673 = arith.select %ne3A_668, %broadcast_in_dim3A_671, %broadcast_in_dim3A_672 : vector<16xi1>, vector<16xf32>
        %max3A_674 = arith.maximumf %max3A_662, %select_n3A_673 : vector<16xf32>
        %get3A_675 = arith.index_cast %scan3A_230 : i32 to index
        %get3A_676 = arith.constant 592 : index
        %get3A_677 = tpu.vector_load %arg9[%get3A_675, %get3A_676] {strides = array<i32>} : memref<8x768xf32, #tpu.memory_space<vmem>>, vector<16xf32>,
        %ne3A_678 = arith.constant 0.000000e+00 : f32
        %ne3A_679 = vector.broadcast %ne3A_678 : f32 to vector<16xf32>
        %ne3A_680 = arith.cmpf one, %get3A_677, %ne3A_679 : vector<16xf32>
        %jit3A_681 = arith.constant 1.000000e+00 : f32
        %jit3A_682 = arith.constant 0.000000e+00 : f32
        %broadcast_in_dim3A_683 = vector.broadcast %jit3A_681 : f32 to vector<16xf32>
        %broadcast_in_dim3A_684 = vector.broadcast %jit3A_682 : f32 to vector<16xf32>
        %select_n3A_685 = arith.select %ne3A_680, %broadcast_in_dim3A_683, %broadcast_in_dim3A_684 : vector<16xi1>, vector<16xf32>
        %max3A_686 = arith.maximumf %max3A_674, %select_n3A_685 : vector<16xf32>
        %get3A_687 = arith.index_cast %scan3A_230 : i32 to index
        %get3A_688 = arith.constant 608 : index
        %get3A_689 = tpu.vector_load %arg9[%get3A_687, %get3A_688] {strides = array<i32>} : memref<8x768xf32, #tpu.memory_space<vmem>>, vector<16xf32>,
        %ne3A_690 = arith.constant 0.000000e+00 : f32
        %ne3A_691 = vector.broadcast %ne3A_690 : f32 to vector<16xf32>
        %ne3A_692 = arith.cmpf one, %get3A_689, %ne3A_691 : vector<16xf32>
        %jit3A_693 = arith.constant 1.000000e+00 : f32
        %jit3A_694 = arith.constant 0.000000e+00 : f32
        %broadcast_in_dim3A_695 = vector.broadcast %jit3A_693 : f32 to vector<16xf32>
        %broadcast_in_dim3A_696 = vector.broadcast %jit3A_694 : f32 to vector<16xf32>
        %select_n3A_697 = arith.select %ne3A_692, %broadcast_in_dim3A_695, %broadcast_in_dim3A_696 : vector<16xi1>, vector<16xf32>
        %max3A_698 = arith.maximumf %max3A_686, %select_n3A_697 : vector<16xf32>
        %get3A_699 = arith.index_cast %scan3A_230 : i32 to index
        %get3A_700 = arith.constant 624 : index
        %get3A_701 = tpu.vector_load %arg9[%get3A_699, %get3A_700] {strides = array<i32>} : memref<8x768xf32, #tpu.memory_space<vmem>>, vector<16xf32>,
        %ne3A_702 = arith.constant 0.000000e+00 : f32
        %ne3A_703 = vector.broadcast %ne3A_702 : f32 to vector<16xf32>
        %ne3A_704 = arith.cmpf one, %get3A_701, %ne3A_703 : vector<16xf32>
        %jit3A_705 = arith.constant 1.000000e+00 : f32
        %jit3A_706 = arith.constant 0.000000e+00 : f32
        %broadcast_in_dim3A_707 = vector.broadcast %jit3A_705 : f32 to vector<16xf32>
        %broadcast_in_dim3A_708 = vector.broadcast %jit3A_706 : f32 to vector<16xf32>
        %select_n3A_709 = arith.select %ne3A_704, %broadcast_in_dim3A_707, %broadcast_in_dim3A_708 : vector<16xi1>, vector<16xf32>
        %max3A_710 = arith.maximumf %max3A_698, %select_n3A_709 : vector<16xf32>
        %get3A_711 = arith.index_cast %scan3A_230 : i32 to index
        %get3A_712 = arith.constant 640 : index
        %get3A_713 = tpu.vector_load %arg9[%get3A_711, %get3A_712] {strides = array<i32>} : memref<8x768xf32, #tpu.memory_space<vmem>>, vector<16xf32>,
        %ne3A_714 = arith.constant 0.000000e+00 : f32
        %ne3A_715 = vector.broadcast %ne3A_714 : f32 to vector<16xf32>
        %ne3A_716 = arith.cmpf one, %get3A_713, %ne3A_715 : vector<16xf32>
        %jit3A_717 = arith.constant 1.000000e+00 : f32
        %jit3A_718 = arith.constant 0.000000e+00 : f32
        %broadcast_in_dim3A_719 = vector.broadcast %jit3A_717 : f32 to vector<16xf32>
        %broadcast_in_dim3A_720 = vector.broadcast %jit3A_718 : f32 to vector<16xf32>
        %select_n3A_721 = arith.select %ne3A_716, %broadcast_in_dim3A_719, %broadcast_in_dim3A_720 : vector<16xi1>, vector<16xf32>
        %max3A_722 = arith.maximumf %max3A_710, %select_n3A_721 : vector<16xf32>
        %get3A_723 = arith.index_cast %scan3A_230 : i32 to index
        %get3A_724 = arith.constant 656 : index
        %get3A_725 = tpu.vector_load %arg9[%get3A_723, %get3A_724] {strides = array<i32>} : memref<8x768xf32, #tpu.memory_space<vmem>>, vector<16xf32>,
        %ne3A_726 = arith.constant 0.000000e+00 : f32
        %ne3A_727 = vector.broadcast %ne3A_726 : f32 to vector<16xf32>
        %ne3A_728 = arith.cmpf one, %get3A_725, %ne3A_727 : vector<16xf32>
        %jit3A_729 = arith.constant 1.000000e+00 : f32
        %jit3A_730 = arith.constant 0.000000e+00 : f32
        %broadcast_in_dim3A_731 = vector.broadcast %jit3A_729 : f32 to vector<16xf32>
        %broadcast_in_dim3A_732 = vector.broadcast %jit3A_730 : f32 to vector<16xf32>
        %select_n3A_733 = arith.select %ne3A_728, %broadcast_in_dim3A_731, %broadcast_in_dim3A_732 : vector<16xi1>, vector<16xf32>
        %max3A_734 = arith.maximumf %max3A_722, %select_n3A_733 : vector<16xf32>
        %get3A_735 = arith.index_cast %scan3A_230 : i32 to index
        %get3A_736 = arith.constant 672 : index
        %get3A_737 = tpu.vector_load %arg9[%get3A_735, %get3A_736] {strides = array<i32>} : memref<8x768xf32, #tpu.memory_space<vmem>>, vector<16xf32>,
        %ne3A_738 = arith.constant 0.000000e+00 : f32
        %ne3A_739 = vector.broadcast %ne3A_738 : f32 to vector<16xf32>
        %ne3A_740 = arith.cmpf one, %get3A_737, %ne3A_739 : vector<16xf32>
        %jit3A_741 = arith.constant 1.000000e+00 : f32
        %jit3A_742 = arith.constant 0.000000e+00 : f32
        %broadcast_in_dim3A_743 = vector.broadcast %jit3A_741 : f32 to vector<16xf32>
        %broadcast_in_dim3A_744 = vector.broadcast %jit3A_742 : f32 to vector<16xf32>
        %select_n3A_745 = arith.select %ne3A_740, %broadcast_in_dim3A_743, %broadcast_in_dim3A_744 : vector<16xi1>, vector<16xf32>
        %max3A_746 = arith.maximumf %max3A_734, %select_n3A_745 : vector<16xf32>
        %get3A_747 = arith.index_cast %scan3A_230 : i32 to index
        %get3A_748 = arith.constant 688 : index
        %get3A_749 = tpu.vector_load %arg9[%get3A_747, %get3A_748] {strides = array<i32>} : memref<8x768xf32, #tpu.memory_space<vmem>>, vector<16xf32>,
        %ne3A_750 = arith.constant 0.000000e+00 : f32
        %ne3A_751 = vector.broadcast %ne3A_750 : f32 to vector<16xf32>
        %ne3A_752 = arith.cmpf one, %get3A_749, %ne3A_751 : vector<16xf32>
        %jit3A_753 = arith.constant 1.000000e+00 : f32
        %jit3A_754 = arith.constant 0.000000e+00 : f32
        %broadcast_in_dim3A_755 = vector.broadcast %jit3A_753 : f32 to vector<16xf32>
        %broadcast_in_dim3A_756 = vector.broadcast %jit3A_754 : f32 to vector<16xf32>
        %select_n3A_757 = arith.select %ne3A_752, %broadcast_in_dim3A_755, %broadcast_in_dim3A_756 : vector<16xi1>, vector<16xf32>
        %max3A_758 = arith.maximumf %max3A_746, %select_n3A_757 : vector<16xf32>
        %get3A_759 = arith.index_cast %scan3A_230 : i32 to index
        %get3A_760 = arith.constant 704 : index
        %get3A_761 = tpu.vector_load %arg9[%get3A_759, %get3A_760] {strides = array<i32>} : memref<8x768xf32, #tpu.memory_space<vmem>>, vector<16xf32>,
        %ne3A_762 = arith.constant 0.000000e+00 : f32
        %ne3A_763 = vector.broadcast %ne3A_762 : f32 to vector<16xf32>
        %ne3A_764 = arith.cmpf one, %get3A_761, %ne3A_763 : vector<16xf32>
        %jit3A_765 = arith.constant 1.000000e+00 : f32
        %jit3A_766 = arith.constant 0.000000e+00 : f32
        %broadcast_in_dim3A_767 = vector.broadcast %jit3A_765 : f32 to vector<16xf32>
        %broadcast_in_dim3A_768 = vector.broadcast %jit3A_766 : f32 to vector<16xf32>
        %select_n3A_769 = arith.select %ne3A_764, %broadcast_in_dim3A_767, %broadcast_in_dim3A_768 : vector<16xi1>, vector<16xf32>
        %max3A_770 = arith.maximumf %max3A_758, %select_n3A_769 : vector<16xf32>
        %get3A_771 = arith.index_cast %scan3A_230 : i32 to index
        %get3A_772 = arith.constant 720 : index
        %get3A_773 = tpu.vector_load %arg9[%get3A_771, %get3A_772] {strides = array<i32>} : memref<8x768xf32, #tpu.memory_space<vmem>>, vector<16xf32>,
        %ne3A_774 = arith.constant 0.000000e+00 : f32
        %ne3A_775 = vector.broadcast %ne3A_774 : f32 to vector<16xf32>
        %ne3A_776 = arith.cmpf one, %get3A_773, %ne3A_775 : vector<16xf32>
        %jit3A_777 = arith.constant 1.000000e+00 : f32
        %jit3A_778 = arith.constant 0.000000e+00 : f32
        %broadcast_in_dim3A_779 = vector.broadcast %jit3A_777 : f32 to vector<16xf32>
        %broadcast_in_dim3A_780 = vector.broadcast %jit3A_778 : f32 to vector<16xf32>
        %select_n3A_781 = arith.select %ne3A_776, %broadcast_in_dim3A_779, %broadcast_in_dim3A_780 : vector<16xi1>, vector<16xf32>
        %max3A_782 = arith.maximumf %max3A_770, %select_n3A_781 : vector<16xf32>
        %get3A_783 = arith.index_cast %scan3A_230 : i32 to index
        %get3A_784 = arith.constant 736 : index
        %get3A_785 = tpu.vector_load %arg9[%get3A_783, %get3A_784] {strides = array<i32>} : memref<8x768xf32, #tpu.memory_space<vmem>>, vector<16xf32>,
        %ne3A_786 = arith.constant 0.000000e+00 : f32
        %ne3A_787 = vector.broadcast %ne3A_786 : f32 to vector<16xf32>
        %ne3A_788 = arith.cmpf one, %get3A_785, %ne3A_787 : vector<16xf32>
        %jit3A_789 = arith.constant 1.000000e+00 : f32
        %jit3A_790 = arith.constant 0.000000e+00 : f32
        %broadcast_in_dim3A_791 = vector.broadcast %jit3A_789 : f32 to vector<16xf32>
        %broadcast_in_dim3A_792 = vector.broadcast %jit3A_790 : f32 to vector<16xf32>
        %select_n3A_793 = arith.select %ne3A_788, %broadcast_in_dim3A_791, %broadcast_in_dim3A_792 : vector<16xi1>, vector<16xf32>
        %max3A_794 = arith.maximumf %max3A_782, %select_n3A_793 : vector<16xf32>
        %get3A_795 = arith.index_cast %scan3A_230 : i32 to index
        %get3A_796 = arith.constant 752 : index
        %get3A_797 = tpu.vector_load %arg9[%get3A_795, %get3A_796] {strides = array<i32>} : memref<8x768xf32, #tpu.memory_space<vmem>>, vector<16xf32>,
        %ne3A_798 = arith.constant 0.000000e+00 : f32
        %ne3A_799 = vector.broadcast %ne3A_798 : f32 to vector<16xf32>
        %ne3A_800 = arith.cmpf one, %get3A_797, %ne3A_799 : vector<16xf32>
        %jit3A_801 = arith.constant 1.000000e+00 : f32
        %jit3A_802 = arith.constant 0.000000e+00 : f32
        %broadcast_in_dim3A_803 = vector.broadcast %jit3A_801 : f32 to vector<16xf32>
        %broadcast_in_dim3A_804 = vector.broadcast %jit3A_802 : f32 to vector<16xf32>
        %select_n3A_805 = arith.select %ne3A_800, %broadcast_in_dim3A_803, %broadcast_in_dim3A_804 : vector<16xi1>, vector<16xf32>
        %max3A_806 = arith.maximumf %max3A_794, %select_n3A_805 : vector<16xf32>
        scf.yield %max3A_806 : vector<16xf32>
      }
      %scan3A_190 = arith.constant 8 : i32
      %reduce_max3A_191 = arith.constant true
      %reduce_max3A_192 = vector.broadcast %reduce_max3A_191 : i1 to vector<16xi1>
      %reduce_max3A_193 = tpu.scan <max>, %scan3A_189 masked %reduce_max3A_192 : vector<16xf32>, vector<16xi1> -> vector<16xf32>
      %reduce_max3A_194 = vector.extract %reduce_max3A_193[15] : f32 from vector<16xf32>
      %dma_wait3A_195 = arith.constant 0 : i32
      %dma_wait3A_196 = arith.constant 0 : i32
      %dma_wait3A_197 = tpu.memref_slice %arg8[%dma_wait3A_195, %dma_wait3A_196] : memref<77x768xf32, #tpu.memory_space<vmem>> -> memref<64x768xf32, #tpu.memory_space<vmem>>
      %dma_wait3A_198 = arith.constant 0 : i32
      %dma_wait3A_199 = arith.constant 0 : i32
      %dma_wait3A_200 = tpu.memref_slice %arg4[%dma_wait3A_198, %dma_wait3A_199] : memref<49408x768xf32, #tpu.memory_space<hbm>> -> memref<49408x768xf32, #tpu.memory_space<hbm>>
      tpu.wait_indirect_dma semaphore(%arg13 : memref<!tpu.dma_semaphore, #tpu.memory_space<semaphore_mem>>) src(%dma_wait3A_200 : memref<49408x768xf32, #tpu.memory_space<hbm>>) dst(%dma_wait3A_197 : memref<64x768xf32, #tpu.memory_space<vmem>>)
      %dma_wait3A_201 = arith.constant 61 : i32
      %dma_wait3A_202 = arith.constant 0 : i32
      %dma_wait3A_203 = tpu.memref_slice %arg8[%dma_wait3A_201, %dma_wait3A_202] : memref<77x768xf32, #tpu.memory_space<vmem>> -> memref<16x768xf32, #tpu.memory_space<vmem>>
      %dma_wait3A_204 = arith.constant 0 : i32
      %dma_wait3A_205 = arith.constant 0 : i32
      %dma_wait3A_206 = tpu.memref_slice %arg4[%dma_wait3A_204, %dma_wait3A_205] : memref<49408x768xf32, #tpu.memory_space<hbm>> -> memref<49408x768xf32, #tpu.memory_space<hbm>>
      tpu.wait_indirect_dma semaphore(%arg13 : memref<!tpu.dma_semaphore, #tpu.memory_space<semaphore_mem>>) src(%dma_wait3A_206 : memref<49408x768xf32, #tpu.memory_space<hbm>>) dst(%dma_wait3A_203 : memref<16x768xf32, #tpu.memory_space<vmem>>)
      %eq3A_207 = arith.constant 0.000000e+00 : f32
      %eq3A_208 = arith.cmpf oeq, %reduce_max3A_194, %eq3A_207 : f32
      %select_n3A_209 = arith.select %eq3A_208, %min3A_106, %min3A_104 : i32
      %eq3A_210 = arith.constant 0.000000e+00 : f32
      %eq3A_211 = arith.cmpf oeq, %reduce_max3A_194, %eq3A_210 : f32
      %ne3A = arith.cmpi ne, %min3A_106, %min3A_104 : i32
      %and3A = arith.andi %eq3A_211, %ne3A : i1
      %convert_element_type3A_212 = arith.extui %and3A : i1 to i32
      %cond3A_213 = arith.constant 0 : i32
      %cond3A_214 = arith.cmpi ne, %convert_element_type3A_212, %cond3A_213 : i32
      scf.if %cond3A_214 {
        %add3A_230 = arith.constant 16 : i32
        %add3A_231 = arith.addi %min3A_106, %add3A_230 : i32
        %get3A_232 = arith.constant 0 : index
        %get3A_233 = tpu.vector_load %arg10[%get3A_232] {strides = array<i32>} : memref<128xi32, #tpu.memory_space<vmem>>, vector<16xi32>,
        %swap3A_234 = arith.constant 0 : index
        %swap3A_235 = tpu.vector_load %arg11[%swap3A_234] {strides = array<i32>} : memref<64xi32, #tpu.memory_space<vmem>>, vector<16xi32>,
        tpu.vector_store %arg11[%swap3A_234], %get3A_233 {strides = array<i32>} : memref<64xi32, #tpu.memory_space<vmem>>, vector<16xi32>,
        %get3A_236 = arith.constant 16 : index
        %get3A_237 = tpu.vector_load %arg10[%get3A_236] {strides = array<i32>} : memref<128xi32, #tpu.memory_space<vmem>>, vector<16xi32>,
        %get3A_238 = arith.constant 0 : index
        %get3A_239 = tpu.vector_load %arg10[%get3A_238] {strides = array<i32>} : memref<128xi32, #tpu.memory_space<vmem>>, vector<16xi32>,
        %iota3A_240 = tpu.iota {dimensions = array<i32: 0>} : vector<16xi32>
        %add3A_241 = arith.constant 16 : i32
        %add3A_242 = vector.broadcast %add3A_241 : i32 to vector<16xi32>
        %add3A_243 = arith.addi %iota3A_240, %add3A_242 : vector<16xi32>
        %lt3A_244 = vector.broadcast %add3A_231 : i32 to vector<16xi32>
        %lt3A_245 = arith.cmpi slt, %add3A_243, %lt3A_244 : vector<16xi32>
        %select_n3A_246 = arith.select %lt3A_245, %get3A_237, %get3A_239 : vector<16xi1>, vector<16xi32>
        %swap3A_247 = arith.constant 16 : index
        %swap3A_248 = tpu.vector_load %arg11[%swap3A_247] {strides = array<i32>} : memref<64xi32, #tpu.memory_space<vmem>>, vector<16xi32>,
        tpu.vector_store %arg11[%swap3A_247], %select_n3A_246 {strides = array<i32>} : memref<64xi32, #tpu.memory_space<vmem>>, vector<16xi32>,
        %get3A_249 = arith.constant 32 : index
        %get3A_250 = tpu.vector_load %arg10[%get3A_249] {strides = array<i32>} : memref<128xi32, #tpu.memory_space<vmem>>, vector<16xi32>,
        %get3A_251 = arith.constant 16 : index
        %get3A_252 = tpu.vector_load %arg10[%get3A_251] {strides = array<i32>} : memref<128xi32, #tpu.memory_space<vmem>>, vector<16xi32>,
        %iota3A_253 = tpu.iota {dimensions = array<i32: 0>} : vector<16xi32>
        %add3A_254 = arith.constant 32 : i32
        %add3A_255 = vector.broadcast %add3A_254 : i32 to vector<16xi32>
        %add3A_256 = arith.addi %iota3A_253, %add3A_255 : vector<16xi32>
        %lt3A_257 = vector.broadcast %add3A_231 : i32 to vector<16xi32>
        %lt3A_258 = arith.cmpi slt, %add3A_256, %lt3A_257 : vector<16xi32>
        %select_n3A_259 = arith.select %lt3A_258, %get3A_250, %get3A_252 : vector<16xi1>, vector<16xi32>
        %swap3A_260 = arith.constant 32 : index
        %swap3A_261 = tpu.vector_load %arg11[%swap3A_260] {strides = array<i32>} : memref<64xi32, #tpu.memory_space<vmem>>, vector<16xi32>,
        tpu.vector_store %arg11[%swap3A_260], %select_n3A_259 {strides = array<i32>} : memref<64xi32, #tpu.memory_space<vmem>>, vector<16xi32>,
        %get3A_262 = arith.constant 48 : index
        %get3A_263 = tpu.vector_load %arg10[%get3A_262] {strides = array<i32>} : memref<128xi32, #tpu.memory_space<vmem>>, vector<16xi32>,
        %get3A_264 = arith.constant 32 : index
        %get3A_265 = tpu.vector_load %arg10[%get3A_264] {strides = array<i32>} : memref<128xi32, #tpu.memory_space<vmem>>, vector<16xi32>,
        %iota3A_266 = tpu.iota {dimensions = array<i32: 0>} : vector<16xi32>
        %add3A_267 = arith.constant 48 : i32
        %add3A_268 = vector.broadcast %add3A_267 : i32 to vector<16xi32>
        %add3A_269 = arith.addi %iota3A_266, %add3A_268 : vector<16xi32>
        %lt3A_270 = vector.broadcast %add3A_231 : i32 to vector<16xi32>
        %lt3A_271 = arith.cmpi slt, %add3A_269, %lt3A_270 : vector<16xi32>
        %select_n3A_272 = arith.select %lt3A_271, %get3A_263, %get3A_265 : vector<16xi1>, vector<16xi32>
        %swap3A_273 = arith.constant 48 : index
        %swap3A_274 = tpu.vector_load %arg11[%swap3A_273] {strides = array<i32>} : memref<64xi32, #tpu.memory_space<vmem>>, vector<16xi32>,
        tpu.vector_store %arg11[%swap3A_273], %select_n3A_272 {strides = array<i32>} : memref<64xi32, #tpu.memory_space<vmem>>, vector<16xi32>,
        %get3A_275 = arith.constant 61 : index
        %get3A_276 = tpu.vector_load %arg10[%get3A_275] {strides = array<i32>} : memref<128xi32, #tpu.memory_space<vmem>>, vector<16xi32>,
        %get3A_277 = arith.constant 45 : index
        %get3A_278 = tpu.vector_load %arg10[%get3A_277] {strides = array<i32>} : memref<128xi32, #tpu.memory_space<vmem>>, vector<16xi32>,
        %iota3A_279 = tpu.iota {dimensions = array<i32: 0>} : vector<16xi32>
        %add3A_280 = arith.constant 61 : i32
        %add3A_281 = vector.broadcast %add3A_280 : i32 to vector<16xi32>
        %add3A_282 = arith.addi %iota3A_279, %add3A_281 : vector<16xi32>
        %lt3A_283 = vector.broadcast %add3A_231 : i32 to vector<16xi32>
        %lt3A_284 = arith.cmpi slt, %add3A_282, %lt3A_283 : vector<16xi32>
        %select_n3A_285 = arith.select %lt3A_284, %get3A_276, %get3A_278 : vector<16xi1>, vector<16xi32>
        %swap3A_286 = arith.constant 0 : index
        %swap3A_287 = tpu.vector_load %arg12[%swap3A_286] {strides = array<i32>} : memref<16xi32, #tpu.memory_space<vmem>>, vector<16xi32>,
        tpu.vector_store %arg12[%swap3A_286], %select_n3A_285 {strides = array<i32>} : memref<16xi32, #tpu.memory_space<vmem>>, vector<16xi32>,
        %dma_start3A_288 = arith.constant 0 : i32
        %dma_start3A_289 = arith.constant 0 : i32
        %dma_start3A_290 = tpu.memref_slice %arg8[%dma_start3A_288, %dma_start3A_289] : memref<77x768xf32, #tpu.memory_space<vmem>> -> memref<64x768xf32, #tpu.memory_space<vmem>>
        %dma_start3A_291 = arith.constant 0 : i32
        %dma_start3A_292 = arith.constant 0 : i32
        %dma_start3A_293 = tpu.memref_slice %arg4[%dma_start3A_291, %dma_start3A_292] : memref<49408x768xf32, #tpu.memory_space<hbm>> -> memref<49408x768xf32, #tpu.memory_space<hbm>>
        tpu.enqueue_indirect_dma source(%dma_start3A_293 : memref<49408x768xf32, #tpu.memory_space<hbm>>) target(%dma_start3A_290 : memref<64x768xf32, #tpu.memory_space<vmem>>) offsets(%arg11 : memref<64xi32, #tpu.memory_space<vmem>>) semaphore(%arg13 : memref<!tpu.dma_semaphore, #tpu.memory_space<semaphore_mem>>)
        %dma_start3A_294 = arith.constant 61 : i32
        %dma_start3A_295 = arith.constant 0 : i32
        %dma_start3A_296 = tpu.memref_slice %arg8[%dma_start3A_294, %dma_start3A_295] : memref<77x768xf32, #tpu.memory_space<vmem>> -> memref<16x768xf32, #tpu.memory_space<vmem>>
        %dma_start3A_297 = arith.constant 0 : i32
        %dma_start3A_298 = arith.constant 0 : i32
        %dma_start3A_299 = tpu.memref_slice %arg4[%dma_start3A_297, %dma_start3A_298] : memref<49408x768xf32, #tpu.memory_space<hbm>> -> memref<49408x768xf32, #tpu.memory_space<hbm>>
        tpu.enqueue_indirect_dma source(%dma_start3A_299 : memref<49408x768xf32, #tpu.memory_space<hbm>>) target(%dma_start3A_296 : memref<16x768xf32, #tpu.memory_space<vmem>>) offsets(%arg12 : memref<16xi32, #tpu.memory_space<vmem>>) semaphore(%arg13 : memref<!tpu.dma_semaphore, #tpu.memory_space<semaphore_mem>>)
        %dma_wait3A_300 = arith.constant 0 : i32
        %dma_wait3A_301 = arith.constant 0 : i32
        %dma_wait3A_302 = tpu.memref_slice %arg8[%dma_wait3A_300, %dma_wait3A_301] : memref<77x768xf32, #tpu.memory_space<vmem>> -> memref<64x768xf32, #tpu.memory_space<vmem>>
        %dma_wait3A_303 = arith.constant 0 : i32
        %dma_wait3A_304 = arith.constant 0 : i32
        %dma_wait3A_305 = tpu.memref_slice %arg4[%dma_wait3A_303, %dma_wait3A_304] : memref<49408x768xf32, #tpu.memory_space<hbm>> -> memref<49408x768xf32, #tpu.memory_space<hbm>>
        tpu.wait_indirect_dma semaphore(%arg13 : memref<!tpu.dma_semaphore, #tpu.memory_space<semaphore_mem>>) src(%dma_wait3A_305 : memref<49408x768xf32, #tpu.memory_space<hbm>>) dst(%dma_wait3A_302 : memref<64x768xf32, #tpu.memory_space<vmem>>)
        %dma_wait3A_306 = arith.constant 61 : i32
        %dma_wait3A_307 = arith.constant 0 : i32
        %dma_wait3A_308 = tpu.memref_slice %arg8[%dma_wait3A_306, %dma_wait3A_307] : memref<77x768xf32, #tpu.memory_space<vmem>> -> memref<16x768xf32, #tpu.memory_space<vmem>>
        %dma_wait3A_309 = arith.constant 0 : i32
        %dma_wait3A_310 = arith.constant 0 : i32
        %dma_wait3A_311 = tpu.memref_slice %arg4[%dma_wait3A_309, %dma_wait3A_310] : memref<49408x768xf32, #tpu.memory_space<hbm>> -> memref<49408x768xf32, #tpu.memory_space<hbm>>
        tpu.wait_indirect_dma semaphore(%arg13 : memref<!tpu.dma_semaphore, #tpu.memory_space<semaphore_mem>>) src(%dma_wait3A_311 : memref<49408x768xf32, #tpu.memory_space<hbm>>) dst(%dma_wait3A_308 : memref<16x768xf32, #tpu.memory_space<vmem>>)
      } else {
      }
      %parallel_loop3A = arith.constant 0 : i32
      %parallel_loop3A_215 = arith.constant 77 : i32
      %parallel_loop3A_216 = arith.constant 1 : i32
      scf.for %parallel_loop3A_230 = %parallel_loop3A to %parallel_loop3A_215 step %parallel_loop3A_216  : i32 {
        %parallel_loop3A_231 = arith.index_cast %parallel_loop3A_230 : i32 to index
        %parallel_loop3A_232 = arith.constant 0 : index
        %parallel_loop3A_233 = tpu.vector_load %arg8[%parallel_loop3A_231, %parallel_loop3A_232] {strides = array<i32>} : memref<77x768xf32, #tpu.memory_space<vmem>>, vector<16xf32>,
        %parallel_loop3A_234 = arith.index_cast %parallel_loop3A_230 : i32 to index
        %parallel_loop3A_235 = arith.constant 0 : index
        %parallel_loop3A_236 = tpu.vector_load %arg7[%parallel_loop3A_234, %parallel_loop3A_235] {strides = array<i32>} : memref<77x768xf32, #tpu.memory_space<vmem>>, vector<16xf32>,
        %parallel_loop3A_237 = arith.addf %parallel_loop3A_233, %parallel_loop3A_236 : vector<16xf32>
        %parallel_loop3A_238 = arith.index_cast %parallel_loop3A_230 : i32 to index
        %parallel_loop3A_239 = arith.constant 0 : index
        %parallel_loop3A_240 = tpu.vector_load %arg8[%parallel_loop3A_238, %parallel_loop3A_239] {strides = array<i32>} : memref<77x768xf32, #tpu.memory_space<vmem>>, vector<16xf32>,
        tpu.vector_store %arg8[%parallel_loop3A_238, %parallel_loop3A_239], %parallel_loop3A_237 {strides = array<i32>} : memref<77x768xf32, #tpu.memory_space<vmem>>, vector<16xf32>,
        %parallel_loop3A_241 = arith.index_cast %parallel_loop3A_230 : i32 to index
        %parallel_loop3A_242 = arith.constant 16 : index
        %parallel_loop3A_243 = tpu.vector_load %arg8[%parallel_loop3A_241, %parallel_loop3A_242] {strides = array<i32>} : memref<77x768xf32, #tpu.memory_space<vmem>>, vector<16xf32>,
        %parallel_loop3A_244 = arith.index_cast %parallel_loop3A_230 : i32 to index
        %parallel_loop3A_245 = arith.constant 16 : index
        %parallel_loop3A_246 = tpu.vector_load %arg7[%parallel_loop3A_244, %parallel_loop3A_245] {strides = array<i32>} : memref<77x768xf32, #tpu.memory_space<vmem>>, vector<16xf32>,
        %parallel_loop3A_247 = arith.addf %parallel_loop3A_243, %parallel_loop3A_246 : vector<16xf32>
        %parallel_loop3A_248 = arith.index_cast %parallel_loop3A_230 : i32 to index
        %parallel_loop3A_249 = arith.constant 16 : index
        %parallel_loop3A_250 = tpu.vector_load %arg8[%parallel_loop3A_248, %parallel_loop3A_249] {strides = array<i32>} : memref<77x768xf32, #tpu.memory_space<vmem>>, vector<16xf32>,
        tpu.vector_store %arg8[%parallel_loop3A_248, %parallel_loop3A_249], %parallel_loop3A_247 {strides = array<i32>} : memref<77x768xf32, #tpu.memory_space<vmem>>, vector<16xf32>,
        %parallel_loop3A_251 = arith.index_cast %parallel_loop3A_230 : i32 to index
        %parallel_loop3A_252 = arith.constant 32 : index
        %parallel_loop3A_253 = tpu.vector_load %arg8[%parallel_loop3A_251, %parallel_loop3A_252] {strides = array<i32>} : memref<77x768xf32, #tpu.memory_space<vmem>>, vector<16xf32>,
        %parallel_loop3A_254 = arith.index_cast %parallel_loop3A_230 : i32 to index
        %parallel_loop3A_255 = arith.constant 32 : index
        %parallel_loop3A_256 = tpu.vector_load %arg7[%parallel_loop3A_254, %parallel_loop3A_255] {strides = array<i32>} : memref<77x768xf32, #tpu.memory_space<vmem>>, vector<16xf32>,
        %parallel_loop3A_257 = arith.addf %parallel_loop3A_253, %parallel_loop3A_256 : vector<16xf32>
        %parallel_loop3A_258 = arith.index_cast %parallel_loop3A_230 : i32 to index
        %parallel_loop3A_259 = arith.constant 32 : index
        %parallel_loop3A_260 = tpu.vector_load %arg8[%parallel_loop3A_258, %parallel_loop3A_259] {strides = array<i32>} : memref<77x768xf32, #tpu.memory_space<vmem>>, vector<16xf32>,
        tpu.vector_store %arg8[%parallel_loop3A_258, %parallel_loop3A_259], %parallel_loop3A_257 {strides = array<i32>} : memref<77x768xf32, #tpu.memory_space<vmem>>, vector<16xf32>,
        %parallel_loop3A_261 = arith.index_cast %parallel_loop3A_230 : i32 to index
        %parallel_loop3A_262 = arith.constant 48 : index
        %parallel_loop3A_263 = tpu.vector_load %arg8[%parallel_loop3A_261, %parallel_loop3A_262] {strides = array<i32>} : memref<77x768xf32, #tpu.memory_space<vmem>>, vector<16xf32>,
        %parallel_loop3A_264 = arith.index_cast %parallel_loop3A_230 : i32 to index
        %parallel_loop3A_265 = arith.constant 48 : index
        %parallel_loop3A_266 = tpu.vector_load %arg7[%parallel_loop3A_264, %parallel_loop3A_265] {strides = array<i32>} : memref<77x768xf32, #tpu.memory_space<vmem>>, vector<16xf32>,
        %parallel_loop3A_267 = arith.addf %parallel_loop3A_263, %parallel_loop3A_266 : vector<16xf32>
        %parallel_loop3A_268 = arith.index_cast %parallel_loop3A_230 : i32 to index
        %parallel_loop3A_269 = arith.constant 48 : index
        %parallel_loop3A_270 = tpu.vector_load %arg8[%parallel_loop3A_268, %parallel_loop3A_269] {strides = array<i32>} : memref<77x768xf32, #tpu.memory_space<vmem>>, vector<16xf32>,
        tpu.vector_store %arg8[%parallel_loop3A_268, %parallel_loop3A_269], %parallel_loop3A_267 {strides = array<i32>} : memref<77x768xf32, #tpu.memory_space<vmem>>, vector<16xf32>,
        %parallel_loop3A_271 = arith.index_cast %parallel_loop3A_230 : i32 to index
        %parallel_loop3A_272 = arith.constant 64 : index
        %parallel_loop3A_273 = tpu.vector_load %arg8[%parallel_loop3A_271, %parallel_loop3A_272] {strides = array<i32>} : memref<77x768xf32, #tpu.memory_space<vmem>>, vector<16xf32>,
        %parallel_loop3A_274 = arith.index_cast %parallel_loop3A_230 : i32 to index
        %parallel_loop3A_275 = arith.constant 64 : index
        %parallel_loop3A_276 = tpu.vector_load %arg7[%parallel_loop3A_274, %parallel_loop3A_275] {strides = array<i32>} : memref<77x768xf32, #tpu.memory_space<vmem>>, vector<16xf32>,
        %parallel_loop3A_277 = arith.addf %parallel_loop3A_273, %parallel_loop3A_276 : vector<16xf32>
        %parallel_loop3A_278 = arith.index_cast %parallel_loop3A_230 : i32 to index
        %parallel_loop3A_279 = arith.constant 64 : index
        %parallel_loop3A_280 = tpu.vector_load %arg8[%parallel_loop3A_278, %parallel_loop3A_279] {strides = array<i32>} : memref<77x768xf32, #tpu.memory_space<vmem>>, vector<16xf32>,
        tpu.vector_store %arg8[%parallel_loop3A_278, %parallel_loop3A_279], %parallel_loop3A_277 {strides = array<i32>} : memref<77x768xf32, #tpu.memory_space<vmem>>, vector<16xf32>,
        %parallel_loop3A_281 = arith.index_cast %parallel_loop3A_230 : i32 to index
        %parallel_loop3A_282 = arith.constant 80 : index
        %parallel_loop3A_283 = tpu.vector_load %arg8[%parallel_loop3A_281, %parallel_loop3A_282] {strides = array<i32>} : memref<77x768xf32, #tpu.memory_space<vmem>>, vector<16xf32>,
        %parallel_loop3A_284 = arith.index_cast %parallel_loop3A_230 : i32 to index
        %parallel_loop3A_285 = arith.constant 80 : index
        %parallel_loop3A_286 = tpu.vector_load %arg7[%parallel_loop3A_284, %parallel_loop3A_285] {strides = array<i32>} : memref<77x768xf32, #tpu.memory_space<vmem>>, vector<16xf32>,
        %parallel_loop3A_287 = arith.addf %parallel_loop3A_283, %parallel_loop3A_286 : vector<16xf32>
        %parallel_loop3A_288 = arith.index_cast %parallel_loop3A_230 : i32 to index
        %parallel_loop3A_289 = arith.constant 80 : index
        %parallel_loop3A_290 = tpu.vector_load %arg8[%parallel_loop3A_288, %parallel_loop3A_289] {strides = array<i32>} : memref<77x768xf32, #tpu.memory_space<vmem>>, vector<16xf32>,
        tpu.vector_store %arg8[%parallel_loop3A_288, %parallel_loop3A_289], %parallel_loop3A_287 {strides = array<i32>} : memref<77x768xf32, #tpu.memory_space<vmem>>, vector<16xf32>,
        %parallel_loop3A_291 = arith.index_cast %parallel_loop3A_230 : i32 to index
        %parallel_loop3A_292 = arith.constant 96 : index
        %parallel_loop3A_293 = tpu.vector_load %arg8[%parallel_loop3A_291, %parallel_loop3A_292] {strides = array<i32>} : memref<77x768xf32, #tpu.memory_space<vmem>>, vector<16xf32>,
        %parallel_loop3A_294 = arith.index_cast %parallel_loop3A_230 : i32 to index
        %parallel_loop3A_295 = arith.constant 96 : index
        %parallel_loop3A_296 = tpu.vector_load %arg7[%parallel_loop3A_294, %parallel_loop3A_295] {strides = array<i32>} : memref<77x768xf32, #tpu.memory_space<vmem>>, vector<16xf32>,
        %parallel_loop3A_297 = arith.addf %parallel_loop3A_293, %parallel_loop3A_296 : vector<16xf32>
        %parallel_loop3A_298 = arith.index_cast %parallel_loop3A_230 : i32 to index
        %parallel_loop3A_299 = arith.constant 96 : index
        %parallel_loop3A_300 = tpu.vector_load %arg8[%parallel_loop3A_298, %parallel_loop3A_299] {strides = array<i32>} : memref<77x768xf32, #tpu.memory_space<vmem>>, vector<16xf32>,
        tpu.vector_store %arg8[%parallel_loop3A_298, %parallel_loop3A_299], %parallel_loop3A_297 {strides = array<i32>} : memref<77x768xf32, #tpu.memory_space<vmem>>, vector<16xf32>,
        %parallel_loop3A_301 = arith.index_cast %parallel_loop3A_230 : i32 to index
        %parallel_loop3A_302 = arith.constant 112 : index
        %parallel_loop3A_303 = tpu.vector_load %arg8[%parallel_loop3A_301, %parallel_loop3A_302] {strides = array<i32>} : memref<77x768xf32, #tpu.memory_space<vmem>>, vector<16xf32>,
        %parallel_loop3A_304 = arith.index_cast %parallel_loop3A_230 : i32 to index
        %parallel_loop3A_305 = arith.constant 112 : index
        %parallel_loop3A_306 = tpu.vector_load %arg7[%parallel_loop3A_304, %parallel_loop3A_305] {strides = array<i32>} : memref<77x768xf32, #tpu.memory_space<vmem>>, vector<16xf32>,
        %parallel_loop3A_307 = arith.addf %parallel_loop3A_303, %parallel_loop3A_306 : vector<16xf32>
        %parallel_loop3A_308 = arith.index_cast %parallel_loop3A_230 : i32 to index
        %parallel_loop3A_309 = arith.constant 112 : index
        %parallel_loop3A_310 = tpu.vector_load %arg8[%parallel_loop3A_308, %parallel_loop3A_309] {strides = array<i32>} : memref<77x768xf32, #tpu.memory_space<vmem>>, vector<16xf32>,
        tpu.vector_store %arg8[%parallel_loop3A_308, %parallel_loop3A_309], %parallel_loop3A_307 {strides = array<i32>} : memref<77x768xf32, #tpu.memory_space<vmem>>, vector<16xf32>,
        %parallel_loop3A_311 = arith.index_cast %parallel_loop3A_230 : i32 to index
        %parallel_loop3A_312 = arith.constant 128 : index
        %parallel_loop3A_313 = tpu.vector_load %arg8[%parallel_loop3A_311, %parallel_loop3A_312] {strides = array<i32>} : memref<77x768xf32, #tpu.memory_space<vmem>>, vector<16xf32>,
        %parallel_loop3A_314 = arith.index_cast %parallel_loop3A_230 : i32 to index
        %parallel_loop3A_315 = arith.constant 128 : index
        %parallel_loop3A_316 = tpu.vector_load %arg7[%parallel_loop3A_314, %parallel_loop3A_315] {strides = array<i32>} : memref<77x768xf32, #tpu.memory_space<vmem>>, vector<16xf32>,
        %parallel_loop3A_317 = arith.addf %parallel_loop3A_313, %parallel_loop3A_316 : vector<16xf32>
        %parallel_loop3A_318 = arith.index_cast %parallel_loop3A_230 : i32 to index
        %parallel_loop3A_319 = arith.constant 128 : index
        %parallel_loop3A_320 = tpu.vector_load %arg8[%parallel_loop3A_318, %parallel_loop3A_319] {strides = array<i32>} : memref<77x768xf32, #tpu.memory_space<vmem>>, vector<16xf32>,
        tpu.vector_store %arg8[%parallel_loop3A_318, %parallel_loop3A_319], %parallel_loop3A_317 {strides = array<i32>} : memref<77x768xf32, #tpu.memory_space<vmem>>, vector<16xf32>,
        %parallel_loop3A_321 = arith.index_cast %parallel_loop3A_230 : i32 to index
        %parallel_loop3A_322 = arith.constant 144 : index
        %parallel_loop3A_323 = tpu.vector_load %arg8[%parallel_loop3A_321, %parallel_loop3A_322] {strides = array<i32>} : memref<77x768xf32, #tpu.memory_space<vmem>>, vector<16xf32>,
        %parallel_loop3A_324 = arith.index_cast %parallel_loop3A_230 : i32 to index
        %parallel_loop3A_325 = arith.constant 144 : index
        %parallel_loop3A_326 = tpu.vector_load %arg7[%parallel_loop3A_324, %parallel_loop3A_325] {strides = array<i32>} : memref<77x768xf32, #tpu.memory_space<vmem>>, vector<16xf32>,
        %parallel_loop3A_327 = arith.addf %parallel_loop3A_323, %parallel_loop3A_326 : vector<16xf32>
        %parallel_loop3A_328 = arith.index_cast %parallel_loop3A_230 : i32 to index
        %parallel_loop3A_329 = arith.constant 144 : index
        %parallel_loop3A_330 = tpu.vector_load %arg8[%parallel_loop3A_328, %parallel_loop3A_329] {strides = array<i32>} : memref<77x768xf32, #tpu.memory_space<vmem>>, vector<16xf32>,
        tpu.vector_store %arg8[%parallel_loop3A_328, %parallel_loop3A_329], %parallel_loop3A_327 {strides = array<i32>} : memref<77x768xf32, #tpu.memory_space<vmem>>, vector<16xf32>,
        %parallel_loop3A_331 = arith.index_cast %parallel_loop3A_230 : i32 to index
        %parallel_loop3A_332 = arith.constant 160 : index
        %parallel_loop3A_333 = tpu.vector_load %arg8[%parallel_loop3A_331, %parallel_loop3A_332] {strides = array<i32>} : memref<77x768xf32, #tpu.memory_space<vmem>>, vector<16xf32>,
        %parallel_loop3A_334 = arith.index_cast %parallel_loop3A_230 : i32 to index
        %parallel_loop3A_335 = arith.constant 160 : index
        %parallel_loop3A_336 = tpu.vector_load %arg7[%parallel_loop3A_334, %parallel_loop3A_335] {strides = array<i32>} : memref<77x768xf32, #tpu.memory_space<vmem>>, vector<16xf32>,
        %parallel_loop3A_337 = arith.addf %parallel_loop3A_333, %parallel_loop3A_336 : vector<16xf32>
        %parallel_loop3A_338 = arith.index_cast %parallel_loop3A_230 : i32 to index
        %parallel_loop3A_339 = arith.constant 160 : index
        %parallel_loop3A_340 = tpu.vector_load %arg8[%parallel_loop3A_338, %parallel_loop3A_339] {strides = array<i32>} : memref<77x768xf32, #tpu.memory_space<vmem>>, vector<16xf32>,
        tpu.vector_store %arg8[%parallel_loop3A_338, %parallel_loop3A_339], %parallel_loop3A_337 {strides = array<i32>} : memref<77x768xf32, #tpu.memory_space<vmem>>, vector<16xf32>,
        %parallel_loop3A_341 = arith.index_cast %parallel_loop3A_230 : i32 to index
        %parallel_loop3A_342 = arith.constant 176 : index
        %parallel_loop3A_343 = tpu.vector_load %arg8[%parallel_loop3A_341, %parallel_loop3A_342] {strides = array<i32>} : memref<77x768xf32, #tpu.memory_space<vmem>>, vector<16xf32>,
        %parallel_loop3A_344 = arith.index_cast %parallel_loop3A_230 : i32 to index
        %parallel_loop3A_345 = arith.constant 176 : index
        %parallel_loop3A_346 = tpu.vector_load %arg7[%parallel_loop3A_344, %parallel_loop3A_345] {strides = array<i32>} : memref<77x768xf32, #tpu.memory_space<vmem>>, vector<16xf32>,
        %parallel_loop3A_347 = arith.addf %parallel_loop3A_343, %parallel_loop3A_346 : vector<16xf32>
        %parallel_loop3A_348 = arith.index_cast %parallel_loop3A_230 : i32 to index
        %parallel_loop3A_349 = arith.constant 176 : index
        %parallel_loop3A_350 = tpu.vector_load %arg8[%parallel_loop3A_348, %parallel_loop3A_349] {strides = array<i32>} : memref<77x768xf32, #tpu.memory_space<vmem>>, vector<16xf32>,
        tpu.vector_store %arg8[%parallel_loop3A_348, %parallel_loop3A_349], %parallel_loop3A_347 {strides = array<i32>} : memref<77x768xf32, #tpu.memory_space<vmem>>, vector<16xf32>,
        %parallel_loop3A_351 = arith.index_cast %parallel_loop3A_230 : i32 to index
        %parallel_loop3A_352 = arith.constant 192 : index
        %parallel_loop3A_353 = tpu.vector_load %arg8[%parallel_loop3A_351, %parallel_loop3A_352] {strides = array<i32>} : memref<77x768xf32, #tpu.memory_space<vmem>>, vector<16xf32>,
        %parallel_loop3A_354 = arith.index_cast %parallel_loop3A_230 : i32 to index
        %parallel_loop3A_355 = arith.constant 192 : index
        %parallel_loop3A_356 = tpu.vector_load %arg7[%parallel_loop3A_354, %parallel_loop3A_355] {strides = array<i32>} : memref<77x768xf32, #tpu.memory_space<vmem>>, vector<16xf32>,
        %parallel_loop3A_357 = arith.addf %parallel_loop3A_353, %parallel_loop3A_356 : vector<16xf32>
        %parallel_loop3A_358 = arith.index_cast %parallel_loop3A_230 : i32 to index
        %parallel_loop3A_359 = arith.constant 192 : index
        %parallel_loop3A_360 = tpu.vector_load %arg8[%parallel_loop3A_358, %parallel_loop3A_359] {strides = array<i32>} : memref<77x768xf32, #tpu.memory_space<vmem>>, vector<16xf32>,
        tpu.vector_store %arg8[%parallel_loop3A_358, %parallel_loop3A_359], %parallel_loop3A_357 {strides = array<i32>} : memref<77x768xf32, #tpu.memory_space<vmem>>, vector<16xf32>,
        %parallel_loop3A_361 = arith.index_cast %parallel_loop3A_230 : i32 to index
        %parallel_loop3A_362 = arith.constant 208 : index
        %parallel_loop3A_363 = tpu.vector_load %arg8[%parallel_loop3A_361, %parallel_loop3A_362] {strides = array<i32>} : memref<77x768xf32, #tpu.memory_space<vmem>>, vector<16xf32>,
        %parallel_loop3A_364 = arith.index_cast %parallel_loop3A_230 : i32 to index
        %parallel_loop3A_365 = arith.constant 208 : index
        %parallel_loop3A_366 = tpu.vector_load %arg7[%parallel_loop3A_364, %parallel_loop3A_365] {strides = array<i32>} : memref<77x768xf32, #tpu.memory_space<vmem>>, vector<16xf32>,
        %parallel_loop3A_367 = arith.addf %parallel_loop3A_363, %parallel_loop3A_366 : vector<16xf32>
        %parallel_loop3A_368 = arith.index_cast %parallel_loop3A_230 : i32 to index
        %parallel_loop3A_369 = arith.constant 208 : index
        %parallel_loop3A_370 = tpu.vector_load %arg8[%parallel_loop3A_368, %parallel_loop3A_369] {strides = array<i32>} : memref<77x768xf32, #tpu.memory_space<vmem>>, vector<16xf32>,
        tpu.vector_store %arg8[%parallel_loop3A_368, %parallel_loop3A_369], %parallel_loop3A_367 {strides = array<i32>} : memref<77x768xf32, #tpu.memory_space<vmem>>, vector<16xf32>,
        %parallel_loop3A_371 = arith.index_cast %parallel_loop3A_230 : i32 to index
        %parallel_loop3A_372 = arith.constant 224 : index
        %parallel_loop3A_373 = tpu.vector_load %arg8[%parallel_loop3A_371, %parallel_loop3A_372] {strides = array<i32>} : memref<77x768xf32, #tpu.memory_space<vmem>>, vector<16xf32>,
        %parallel_loop3A_374 = arith.index_cast %parallel_loop3A_230 : i32 to index
        %parallel_loop3A_375 = arith.constant 224 : index
        %parallel_loop3A_376 = tpu.vector_load %arg7[%parallel_loop3A_374, %parallel_loop3A_375] {strides = array<i32>} : memref<77x768xf32, #tpu.memory_space<vmem>>, vector<16xf32>,
        %parallel_loop3A_377 = arith.addf %parallel_loop3A_373, %parallel_loop3A_376 : vector<16xf32>
        %parallel_loop3A_378 = arith.index_cast %parallel_loop3A_230 : i32 to index
        %parallel_loop3A_379 = arith.constant 224 : index
        %parallel_loop3A_380 = tpu.vector_load %arg8[%parallel_loop3A_378, %parallel_loop3A_379] {strides = array<i32>} : memref<77x768xf32, #tpu.memory_space<vmem>>, vector<16xf32>,
        tpu.vector_store %arg8[%parallel_loop3A_378, %parallel_loop3A_379], %parallel_loop3A_377 {strides = array<i32>} : memref<77x768xf32, #tpu.memory_space<vmem>>, vector<16xf32>,
        %parallel_loop3A_381 = arith.index_cast %parallel_loop3A_230 : i32 to index
        %parallel_loop3A_382 = arith.constant 240 : index
        %parallel_loop3A_383 = tpu.vector_load %arg8[%parallel_loop3A_381, %parallel_loop3A_382] {strides = array<i32>} : memref<77x768xf32, #tpu.memory_space<vmem>>, vector<16xf32>,
        %parallel_loop3A_384 = arith.index_cast %parallel_loop3A_230 : i32 to index
        %parallel_loop3A_385 = arith.constant 240 : index
        %parallel_loop3A_386 = tpu.vector_load %arg7[%parallel_loop3A_384, %parallel_loop3A_385] {strides = array<i32>} : memref<77x768xf32, #tpu.memory_space<vmem>>, vector<16xf32>,
        %parallel_loop3A_387 = arith.addf %parallel_loop3A_383, %parallel_loop3A_386 : vector<16xf32>
        %parallel_loop3A_388 = arith.index_cast %parallel_loop3A_230 : i32 to index
        %parallel_loop3A_389 = arith.constant 240 : index
        %parallel_loop3A_390 = tpu.vector_load %arg8[%parallel_loop3A_388, %parallel_loop3A_389] {strides = array<i32>} : memref<77x768xf32, #tpu.memory_space<vmem>>, vector<16xf32>,
        tpu.vector_store %arg8[%parallel_loop3A_388, %parallel_loop3A_389], %parallel_loop3A_387 {strides = array<i32>} : memref<77x768xf32, #tpu.memory_space<vmem>>, vector<16xf32>,
        %parallel_loop3A_391 = arith.index_cast %parallel_loop3A_230 : i32 to index
        %parallel_loop3A_392 = arith.constant 256 : index
        %parallel_loop3A_393 = tpu.vector_load %arg8[%parallel_loop3A_391, %parallel_loop3A_392] {strides = array<i32>} : memref<77x768xf32, #tpu.memory_space<vmem>>, vector<16xf32>,
        %parallel_loop3A_394 = arith.index_cast %parallel_loop3A_230 : i32 to index
        %parallel_loop3A_395 = arith.constant 256 : index
        %parallel_loop3A_396 = tpu.vector_load %arg7[%parallel_loop3A_394, %parallel_loop3A_395] {strides = array<i32>} : memref<77x768xf32, #tpu.memory_space<vmem>>, vector<16xf32>,
        %parallel_loop3A_397 = arith.addf %parallel_loop3A_393, %parallel_loop3A_396 : vector<16xf32>
        %parallel_loop3A_398 = arith.index_cast %parallel_loop3A_230 : i32 to index
        %parallel_loop3A_399 = arith.constant 256 : index
        %parallel_loop3A_400 = tpu.vector_load %arg8[%parallel_loop3A_398, %parallel_loop3A_399] {strides = array<i32>} : memref<77x768xf32, #tpu.memory_space<vmem>>, vector<16xf32>,
        tpu.vector_store %arg8[%parallel_loop3A_398, %parallel_loop3A_399], %parallel_loop3A_397 {strides = array<i32>} : memref<77x768xf32, #tpu.memory_space<vmem>>, vector<16xf32>,
        %parallel_loop3A_401 = arith.index_cast %parallel_loop3A_230 : i32 to index
        %parallel_loop3A_402 = arith.constant 272 : index
        %parallel_loop3A_403 = tpu.vector_load %arg8[%parallel_loop3A_401, %parallel_loop3A_402] {strides = array<i32>} : memref<77x768xf32, #tpu.memory_space<vmem>>, vector<16xf32>,
        %parallel_loop3A_404 = arith.index_cast %parallel_loop3A_230 : i32 to index
        %parallel_loop3A_405 = arith.constant 272 : index
        %parallel_loop3A_406 = tpu.vector_load %arg7[%parallel_loop3A_404, %parallel_loop3A_405] {strides = array<i32>} : memref<77x768xf32, #tpu.memory_space<vmem>>, vector<16xf32>,
        %parallel_loop3A_407 = arith.addf %parallel_loop3A_403, %parallel_loop3A_406 : vector<16xf32>
        %parallel_loop3A_408 = arith.index_cast %parallel_loop3A_230 : i32 to index
        %parallel_loop3A_409 = arith.constant 272 : index
        %parallel_loop3A_410 = tpu.vector_load %arg8[%parallel_loop3A_408, %parallel_loop3A_409] {strides = array<i32>} : memref<77x768xf32, #tpu.memory_space<vmem>>, vector<16xf32>,
        tpu.vector_store %arg8[%parallel_loop3A_408, %parallel_loop3A_409], %parallel_loop3A_407 {strides = array<i32>} : memref<77x768xf32, #tpu.memory_space<vmem>>, vector<16xf32>,
        %parallel_loop3A_411 = arith.index_cast %parallel_loop3A_230 : i32 to index
        %parallel_loop3A_412 = arith.constant 288 : index
        %parallel_loop3A_413 = tpu.vector_load %arg8[%parallel_loop3A_411, %parallel_loop3A_412] {strides = array<i32>} : memref<77x768xf32, #tpu.memory_space<vmem>>, vector<16xf32>,
        %parallel_loop3A_414 = arith.index_cast %parallel_loop3A_230 : i32 to index
        %parallel_loop3A_415 = arith.constant 288 : index
        %parallel_loop3A_416 = tpu.vector_load %arg7[%parallel_loop3A_414, %parallel_loop3A_415] {strides = array<i32>} : memref<77x768xf32, #tpu.memory_space<vmem>>, vector<16xf32>,
        %parallel_loop3A_417 = arith.addf %parallel_loop3A_413, %parallel_loop3A_416 : vector<16xf32>
        %parallel_loop3A_418 = arith.index_cast %parallel_loop3A_230 : i32 to index
        %parallel_loop3A_419 = arith.constant 288 : index
        %parallel_loop3A_420 = tpu.vector_load %arg8[%parallel_loop3A_418, %parallel_loop3A_419] {strides = array<i32>} : memref<77x768xf32, #tpu.memory_space<vmem>>, vector<16xf32>,
        tpu.vector_store %arg8[%parallel_loop3A_418, %parallel_loop3A_419], %parallel_loop3A_417 {strides = array<i32>} : memref<77x768xf32, #tpu.memory_space<vmem>>, vector<16xf32>,
        %parallel_loop3A_421 = arith.index_cast %parallel_loop3A_230 : i32 to index
        %parallel_loop3A_422 = arith.constant 304 : index
        %parallel_loop3A_423 = tpu.vector_load %arg8[%parallel_loop3A_421, %parallel_loop3A_422] {strides = array<i32>} : memref<77x768xf32, #tpu.memory_space<vmem>>, vector<16xf32>,
        %parallel_loop3A_424 = arith.index_cast %parallel_loop3A_230 : i32 to index
        %parallel_loop3A_425 = arith.constant 304 : index
        %parallel_loop3A_426 = tpu.vector_load %arg7[%parallel_loop3A_424, %parallel_loop3A_425] {strides = array<i32>} : memref<77x768xf32, #tpu.memory_space<vmem>>, vector<16xf32>,
        %parallel_loop3A_427 = arith.addf %parallel_loop3A_423, %parallel_loop3A_426 : vector<16xf32>
        %parallel_loop3A_428 = arith.index_cast %parallel_loop3A_230 : i32 to index
        %parallel_loop3A_429 = arith.constant 304 : index
        %parallel_loop3A_430 = tpu.vector_load %arg8[%parallel_loop3A_428, %parallel_loop3A_429] {strides = array<i32>} : memref<77x768xf32, #tpu.memory_space<vmem>>, vector<16xf32>,
        tpu.vector_store %arg8[%parallel_loop3A_428, %parallel_loop3A_429], %parallel_loop3A_427 {strides = array<i32>} : memref<77x768xf32, #tpu.memory_space<vmem>>, vector<16xf32>,
        %parallel_loop3A_431 = arith.index_cast %parallel_loop3A_230 : i32 to index
        %parallel_loop3A_432 = arith.constant 320 : index
        %parallel_loop3A_433 = tpu.vector_load %arg8[%parallel_loop3A_431, %parallel_loop3A_432] {strides = array<i32>} : memref<77x768xf32, #tpu.memory_space<vmem>>, vector<16xf32>,
        %parallel_loop3A_434 = arith.index_cast %parallel_loop3A_230 : i32 to index
        %parallel_loop3A_435 = arith.constant 320 : index
        %parallel_loop3A_436 = tpu.vector_load %arg7[%parallel_loop3A_434, %parallel_loop3A_435] {strides = array<i32>} : memref<77x768xf32, #tpu.memory_space<vmem>>, vector<16xf32>,
        %parallel_loop3A_437 = arith.addf %parallel_loop3A_433, %parallel_loop3A_436 : vector<16xf32>
        %parallel_loop3A_438 = arith.index_cast %parallel_loop3A_230 : i32 to index
        %parallel_loop3A_439 = arith.constant 320 : index
        %parallel_loop3A_440 = tpu.vector_load %arg8[%parallel_loop3A_438, %parallel_loop3A_439] {strides = array<i32>} : memref<77x768xf32, #tpu.memory_space<vmem>>, vector<16xf32>,
        tpu.vector_store %arg8[%parallel_loop3A_438, %parallel_loop3A_439], %parallel_loop3A_437 {strides = array<i32>} : memref<77x768xf32, #tpu.memory_space<vmem>>, vector<16xf32>,
        %parallel_loop3A_441 = arith.index_cast %parallel_loop3A_230 : i32 to index
        %parallel_loop3A_442 = arith.constant 336 : index
        %parallel_loop3A_443 = tpu.vector_load %arg8[%parallel_loop3A_441, %parallel_loop3A_442] {strides = array<i32>} : memref<77x768xf32, #tpu.memory_space<vmem>>, vector<16xf32>,
        %parallel_loop3A_444 = arith.index_cast %parallel_loop3A_230 : i32 to index
        %parallel_loop3A_445 = arith.constant 336 : index
        %parallel_loop3A_446 = tpu.vector_load %arg7[%parallel_loop3A_444, %parallel_loop3A_445] {strides = array<i32>} : memref<77x768xf32, #tpu.memory_space<vmem>>, vector<16xf32>,
        %parallel_loop3A_447 = arith.addf %parallel_loop3A_443, %parallel_loop3A_446 : vector<16xf32>
        %parallel_loop3A_448 = arith.index_cast %parallel_loop3A_230 : i32 to index
        %parallel_loop3A_449 = arith.constant 336 : index
        %parallel_loop3A_450 = tpu.vector_load %arg8[%parallel_loop3A_448, %parallel_loop3A_449] {strides = array<i32>} : memref<77x768xf32, #tpu.memory_space<vmem>>, vector<16xf32>,
        tpu.vector_store %arg8[%parallel_loop3A_448, %parallel_loop3A_449], %parallel_loop3A_447 {strides = array<i32>} : memref<77x768xf32, #tpu.memory_space<vmem>>, vector<16xf32>,
        %parallel_loop3A_451 = arith.index_cast %parallel_loop3A_230 : i32 to index
        %parallel_loop3A_452 = arith.constant 352 : index
        %parallel_loop3A_453 = tpu.vector_load %arg8[%parallel_loop3A_451, %parallel_loop3A_452] {strides = array<i32>} : memref<77x768xf32, #tpu.memory_space<vmem>>, vector<16xf32>,
        %parallel_loop3A_454 = arith.index_cast %parallel_loop3A_230 : i32 to index
        %parallel_loop3A_455 = arith.constant 352 : index
        %parallel_loop3A_456 = tpu.vector_load %arg7[%parallel_loop3A_454, %parallel_loop3A_455] {strides = array<i32>} : memref<77x768xf32, #tpu.memory_space<vmem>>, vector<16xf32>,
        %parallel_loop3A_457 = arith.addf %parallel_loop3A_453, %parallel_loop3A_456 : vector<16xf32>
        %parallel_loop3A_458 = arith.index_cast %parallel_loop3A_230 : i32 to index
        %parallel_loop3A_459 = arith.constant 352 : index
        %parallel_loop3A_460 = tpu.vector_load %arg8[%parallel_loop3A_458, %parallel_loop3A_459] {strides = array<i32>} : memref<77x768xf32, #tpu.memory_space<vmem>>, vector<16xf32>,
        tpu.vector_store %arg8[%parallel_loop3A_458, %parallel_loop3A_459], %parallel_loop3A_457 {strides = array<i32>} : memref<77x768xf32, #tpu.memory_space<vmem>>, vector<16xf32>,
        %parallel_loop3A_461 = arith.index_cast %parallel_loop3A_230 : i32 to index
        %parallel_loop3A_462 = arith.constant 368 : index
        %parallel_loop3A_463 = tpu.vector_load %arg8[%parallel_loop3A_461, %parallel_loop3A_462] {strides = array<i32>} : memref<77x768xf32, #tpu.memory_space<vmem>>, vector<16xf32>,
        %parallel_loop3A_464 = arith.index_cast %parallel_loop3A_230 : i32 to index
        %parallel_loop3A_465 = arith.constant 368 : index
        %parallel_loop3A_466 = tpu.vector_load %arg7[%parallel_loop3A_464, %parallel_loop3A_465] {strides = array<i32>} : memref<77x768xf32, #tpu.memory_space<vmem>>, vector<16xf32>,
        %parallel_loop3A_467 = arith.addf %parallel_loop3A_463, %parallel_loop3A_466 : vector<16xf32>
        %parallel_loop3A_468 = arith.index_cast %parallel_loop3A_230 : i32 to index
        %parallel_loop3A_469 = arith.constant 368 : index
        %parallel_loop3A_470 = tpu.vector_load %arg8[%parallel_loop3A_468, %parallel_loop3A_469] {strides = array<i32>} : memref<77x768xf32, #tpu.memory_space<vmem>>, vector<16xf32>,
        tpu.vector_store %arg8[%parallel_loop3A_468, %parallel_loop3A_469], %parallel_loop3A_467 {strides = array<i32>} : memref<77x768xf32, #tpu.memory_space<vmem>>, vector<16xf32>,
        %parallel_loop3A_471 = arith.index_cast %parallel_loop3A_230 : i32 to index
        %parallel_loop3A_472 = arith.constant 384 : index
        %parallel_loop3A_473 = tpu.vector_load %arg8[%parallel_loop3A_471, %parallel_loop3A_472] {strides = array<i32>} : memref<77x768xf32, #tpu.memory_space<vmem>>, vector<16xf32>,
        %parallel_loop3A_474 = arith.index_cast %parallel_loop3A_230 : i32 to index
        %parallel_loop3A_475 = arith.constant 384 : index
        %parallel_loop3A_476 = tpu.vector_load %arg7[%parallel_loop3A_474, %parallel_loop3A_475] {strides = array<i32>} : memref<77x768xf32, #tpu.memory_space<vmem>>, vector<16xf32>,
        %parallel_loop3A_477 = arith.addf %parallel_loop3A_473, %parallel_loop3A_476 : vector<16xf32>
        %parallel_loop3A_478 = arith.index_cast %parallel_loop3A_230 : i32 to index
        %parallel_loop3A_479 = arith.constant 384 : index
        %parallel_loop3A_480 = tpu.vector_load %arg8[%parallel_loop3A_478, %parallel_loop3A_479] {strides = array<i32>} : memref<77x768xf32, #tpu.memory_space<vmem>>, vector<16xf32>,
        tpu.vector_store %arg8[%parallel_loop3A_478, %parallel_loop3A_479], %parallel_loop3A_477 {strides = array<i32>} : memref<77x768xf32, #tpu.memory_space<vmem>>, vector<16xf32>,
        %parallel_loop3A_481 = arith.index_cast %parallel_loop3A_230 : i32 to index
        %parallel_loop3A_482 = arith.constant 400 : index
        %parallel_loop3A_483 = tpu.vector_load %arg8[%parallel_loop3A_481, %parallel_loop3A_482] {strides = array<i32>} : memref<77x768xf32, #tpu.memory_space<vmem>>, vector<16xf32>,
        %parallel_loop3A_484 = arith.index_cast %parallel_loop3A_230 : i32 to index
        %parallel_loop3A_485 = arith.constant 400 : index
        %parallel_loop3A_486 = tpu.vector_load %arg7[%parallel_loop3A_484, %parallel_loop3A_485] {strides = array<i32>} : memref<77x768xf32, #tpu.memory_space<vmem>>, vector<16xf32>,
        %parallel_loop3A_487 = arith.addf %parallel_loop3A_483, %parallel_loop3A_486 : vector<16xf32>
        %parallel_loop3A_488 = arith.index_cast %parallel_loop3A_230 : i32 to index
        %parallel_loop3A_489 = arith.constant 400 : index
        %parallel_loop3A_490 = tpu.vector_load %arg8[%parallel_loop3A_488, %parallel_loop3A_489] {strides = array<i32>} : memref<77x768xf32, #tpu.memory_space<vmem>>, vector<16xf32>,
        tpu.vector_store %arg8[%parallel_loop3A_488, %parallel_loop3A_489], %parallel_loop3A_487 {strides = array<i32>} : memref<77x768xf32, #tpu.memory_space<vmem>>, vector<16xf32>,
        %parallel_loop3A_491 = arith.index_cast %parallel_loop3A_230 : i32 to index
        %parallel_loop3A_492 = arith.constant 416 : index
        %parallel_loop3A_493 = tpu.vector_load %arg8[%parallel_loop3A_491, %parallel_loop3A_492] {strides = array<i32>} : memref<77x768xf32, #tpu.memory_space<vmem>>, vector<16xf32>,
        %parallel_loop3A_494 = arith.index_cast %parallel_loop3A_230 : i32 to index
        %parallel_loop3A_495 = arith.constant 416 : index
        %parallel_loop3A_496 = tpu.vector_load %arg7[%parallel_loop3A_494, %parallel_loop3A_495] {strides = array<i32>} : memref<77x768xf32, #tpu.memory_space<vmem>>, vector<16xf32>,
        %parallel_loop3A_497 = arith.addf %parallel_loop3A_493, %parallel_loop3A_496 : vector<16xf32>
        %parallel_loop3A_498 = arith.index_cast %parallel_loop3A_230 : i32 to index
        %parallel_loop3A_499 = arith.constant 416 : index
        %parallel_loop3A_500 = tpu.vector_load %arg8[%parallel_loop3A_498, %parallel_loop3A_499] {strides = array<i32>} : memref<77x768xf32, #tpu.memory_space<vmem>>, vector<16xf32>,
        tpu.vector_store %arg8[%parallel_loop3A_498, %parallel_loop3A_499], %parallel_loop3A_497 {strides = array<i32>} : memref<77x768xf32, #tpu.memory_space<vmem>>, vector<16xf32>,
        %parallel_loop3A_501 = arith.index_cast %parallel_loop3A_230 : i32 to index
        %parallel_loop3A_502 = arith.constant 432 : index
        %parallel_loop3A_503 = tpu.vector_load %arg8[%parallel_loop3A_501, %parallel_loop3A_502] {strides = array<i32>} : memref<77x768xf32, #tpu.memory_space<vmem>>, vector<16xf32>,
        %parallel_loop3A_504 = arith.index_cast %parallel_loop3A_230 : i32 to index
        %parallel_loop3A_505 = arith.constant 432 : index
        %parallel_loop3A_506 = tpu.vector_load %arg7[%parallel_loop3A_504, %parallel_loop3A_505] {strides = array<i32>} : memref<77x768xf32, #tpu.memory_space<vmem>>, vector<16xf32>,
        %parallel_loop3A_507 = arith.addf %parallel_loop3A_503, %parallel_loop3A_506 : vector<16xf32>
        %parallel_loop3A_508 = arith.index_cast %parallel_loop3A_230 : i32 to index
        %parallel_loop3A_509 = arith.constant 432 : index
        %parallel_loop3A_510 = tpu.vector_load %arg8[%parallel_loop3A_508, %parallel_loop3A_509] {strides = array<i32>} : memref<77x768xf32, #tpu.memory_space<vmem>>, vector<16xf32>,
        tpu.vector_store %arg8[%parallel_loop3A_508, %parallel_loop3A_509], %parallel_loop3A_507 {strides = array<i32>} : memref<77x768xf32, #tpu.memory_space<vmem>>, vector<16xf32>,
        %parallel_loop3A_511 = arith.index_cast %parallel_loop3A_230 : i32 to index
        %parallel_loop3A_512 = arith.constant 448 : index
        %parallel_loop3A_513 = tpu.vector_load %arg8[%parallel_loop3A_511, %parallel_loop3A_512] {strides = array<i32>} : memref<77x768xf32, #tpu.memory_space<vmem>>, vector<16xf32>,
        %parallel_loop3A_514 = arith.index_cast %parallel_loop3A_230 : i32 to index
        %parallel_loop3A_515 = arith.constant 448 : index
        %parallel_loop3A_516 = tpu.vector_load %arg7[%parallel_loop3A_514, %parallel_loop3A_515] {strides = array<i32>} : memref<77x768xf32, #tpu.memory_space<vmem>>, vector<16xf32>,
        %parallel_loop3A_517 = arith.addf %parallel_loop3A_513, %parallel_loop3A_516 : vector<16xf32>
        %parallel_loop3A_518 = arith.index_cast %parallel_loop3A_230 : i32 to index
        %parallel_loop3A_519 = arith.constant 448 : index
        %parallel_loop3A_520 = tpu.vector_load %arg8[%parallel_loop3A_518, %parallel_loop3A_519] {strides = array<i32>} : memref<77x768xf32, #tpu.memory_space<vmem>>, vector<16xf32>,
        tpu.vector_store %arg8[%parallel_loop3A_518, %parallel_loop3A_519], %parallel_loop3A_517 {strides = array<i32>} : memref<77x768xf32, #tpu.memory_space<vmem>>, vector<16xf32>,
        %parallel_loop3A_521 = arith.index_cast %parallel_loop3A_230 : i32 to index
        %parallel_loop3A_522 = arith.constant 464 : index
        %parallel_loop3A_523 = tpu.vector_load %arg8[%parallel_loop3A_521, %parallel_loop3A_522] {strides = array<i32>} : memref<77x768xf32, #tpu.memory_space<vmem>>, vector<16xf32>,
        %parallel_loop3A_524 = arith.index_cast %parallel_loop3A_230 : i32 to index
        %parallel_loop3A_525 = arith.constant 464 : index
        %parallel_loop3A_526 = tpu.vector_load %arg7[%parallel_loop3A_524, %parallel_loop3A_525] {strides = array<i32>} : memref<77x768xf32, #tpu.memory_space<vmem>>, vector<16xf32>,
        %parallel_loop3A_527 = arith.addf %parallel_loop3A_523, %parallel_loop3A_526 : vector<16xf32>
        %parallel_loop3A_528 = arith.index_cast %parallel_loop3A_230 : i32 to index
        %parallel_loop3A_529 = arith.constant 464 : index
        %parallel_loop3A_530 = tpu.vector_load %arg8[%parallel_loop3A_528, %parallel_loop3A_529] {strides = array<i32>} : memref<77x768xf32, #tpu.memory_space<vmem>>, vector<16xf32>,
        tpu.vector_store %arg8[%parallel_loop3A_528, %parallel_loop3A_529], %parallel_loop3A_527 {strides = array<i32>} : memref<77x768xf32, #tpu.memory_space<vmem>>, vector<16xf32>,
        %parallel_loop3A_531 = arith.index_cast %parallel_loop3A_230 : i32 to index
        %parallel_loop3A_532 = arith.constant 480 : index
        %parallel_loop3A_533 = tpu.vector_load %arg8[%parallel_loop3A_531, %parallel_loop3A_532] {strides = array<i32>} : memref<77x768xf32, #tpu.memory_space<vmem>>, vector<16xf32>,
        %parallel_loop3A_534 = arith.index_cast %parallel_loop3A_230 : i32 to index
        %parallel_loop3A_535 = arith.constant 480 : index
        %parallel_loop3A_536 = tpu.vector_load %arg7[%parallel_loop3A_534, %parallel_loop3A_535] {strides = array<i32>} : memref<77x768xf32, #tpu.memory_space<vmem>>, vector<16xf32>,
        %parallel_loop3A_537 = arith.addf %parallel_loop3A_533, %parallel_loop3A_536 : vector<16xf32>
        %parallel_loop3A_538 = arith.index_cast %parallel_loop3A_230 : i32 to index
        %parallel_loop3A_539 = arith.constant 480 : index
        %parallel_loop3A_540 = tpu.vector_load %arg8[%parallel_loop3A_538, %parallel_loop3A_539] {strides = array<i32>} : memref<77x768xf32, #tpu.memory_space<vmem>>, vector<16xf32>,
        tpu.vector_store %arg8[%parallel_loop3A_538, %parallel_loop3A_539], %parallel_loop3A_537 {strides = array<i32>} : memref<77x768xf32, #tpu.memory_space<vmem>>, vector<16xf32>,
        %parallel_loop3A_541 = arith.index_cast %parallel_loop3A_230 : i32 to index
        %parallel_loop3A_542 = arith.constant 496 : index
        %parallel_loop3A_543 = tpu.vector_load %arg8[%parallel_loop3A_541, %parallel_loop3A_542] {strides = array<i32>} : memref<77x768xf32, #tpu.memory_space<vmem>>, vector<16xf32>,
        %parallel_loop3A_544 = arith.index_cast %parallel_loop3A_230 : i32 to index
        %parallel_loop3A_545 = arith.constant 496 : index
        %parallel_loop3A_546 = tpu.vector_load %arg7[%parallel_loop3A_544, %parallel_loop3A_545] {strides = array<i32>} : memref<77x768xf32, #tpu.memory_space<vmem>>, vector<16xf32>,
        %parallel_loop3A_547 = arith.addf %parallel_loop3A_543, %parallel_loop3A_546 : vector<16xf32>
        %parallel_loop3A_548 = arith.index_cast %parallel_loop3A_230 : i32 to index
        %parallel_loop3A_549 = arith.constant 496 : index
        %parallel_loop3A_550 = tpu.vector_load %arg8[%parallel_loop3A_548, %parallel_loop3A_549] {strides = array<i32>} : memref<77x768xf32, #tpu.memory_space<vmem>>, vector<16xf32>,
        tpu.vector_store %arg8[%parallel_loop3A_548, %parallel_loop3A_549], %parallel_loop3A_547 {strides = array<i32>} : memref<77x768xf32, #tpu.memory_space<vmem>>, vector<16xf32>,
        %parallel_loop3A_551 = arith.index_cast %parallel_loop3A_230 : i32 to index
        %parallel_loop3A_552 = arith.constant 512 : index
        %parallel_loop3A_553 = tpu.vector_load %arg8[%parallel_loop3A_551, %parallel_loop3A_552] {strides = array<i32>} : memref<77x768xf32, #tpu.memory_space<vmem>>, vector<16xf32>,
        %parallel_loop3A_554 = arith.index_cast %parallel_loop3A_230 : i32 to index
        %parallel_loop3A_555 = arith.constant 512 : index
        %parallel_loop3A_556 = tpu.vector_load %arg7[%parallel_loop3A_554, %parallel_loop3A_555] {strides = array<i32>} : memref<77x768xf32, #tpu.memory_space<vmem>>, vector<16xf32>,
        %parallel_loop3A_557 = arith.addf %parallel_loop3A_553, %parallel_loop3A_556 : vector<16xf32>
        %parallel_loop3A_558 = arith.index_cast %parallel_loop3A_230 : i32 to index
        %parallel_loop3A_559 = arith.constant 512 : index
        %parallel_loop3A_560 = tpu.vector_load %arg8[%parallel_loop3A_558, %parallel_loop3A_559] {strides = array<i32>} : memref<77x768xf32, #tpu.memory_space<vmem>>, vector<16xf32>,
        tpu.vector_store %arg8[%parallel_loop3A_558, %parallel_loop3A_559], %parallel_loop3A_557 {strides = array<i32>} : memref<77x768xf32, #tpu.memory_space<vmem>>, vector<16xf32>,
        %parallel_loop3A_561 = arith.index_cast %parallel_loop3A_230 : i32 to index
        %parallel_loop3A_562 = arith.constant 528 : index
        %parallel_loop3A_563 = tpu.vector_load %arg8[%parallel_loop3A_561, %parallel_loop3A_562] {strides = array<i32>} : memref<77x768xf32, #tpu.memory_space<vmem>>, vector<16xf32>,
        %parallel_loop3A_564 = arith.index_cast %parallel_loop3A_230 : i32 to index
        %parallel_loop3A_565 = arith.constant 528 : index
        %parallel_loop3A_566 = tpu.vector_load %arg7[%parallel_loop3A_564, %parallel_loop3A_565] {strides = array<i32>} : memref<77x768xf32, #tpu.memory_space<vmem>>, vector<16xf32>,
        %parallel_loop3A_567 = arith.addf %parallel_loop3A_563, %parallel_loop3A_566 : vector<16xf32>
        %parallel_loop3A_568 = arith.index_cast %parallel_loop3A_230 : i32 to index
        %parallel_loop3A_569 = arith.constant 528 : index
        %parallel_loop3A_570 = tpu.vector_load %arg8[%parallel_loop3A_568, %parallel_loop3A_569] {strides = array<i32>} : memref<77x768xf32, #tpu.memory_space<vmem>>, vector<16xf32>,
        tpu.vector_store %arg8[%parallel_loop3A_568, %parallel_loop3A_569], %parallel_loop3A_567 {strides = array<i32>} : memref<77x768xf32, #tpu.memory_space<vmem>>, vector<16xf32>,
        %parallel_loop3A_571 = arith.index_cast %parallel_loop3A_230 : i32 to index
        %parallel_loop3A_572 = arith.constant 544 : index
        %parallel_loop3A_573 = tpu.vector_load %arg8[%parallel_loop3A_571, %parallel_loop3A_572] {strides = array<i32>} : memref<77x768xf32, #tpu.memory_space<vmem>>, vector<16xf32>,
        %parallel_loop3A_574 = arith.index_cast %parallel_loop3A_230 : i32 to index
        %parallel_loop3A_575 = arith.constant 544 : index
        %parallel_loop3A_576 = tpu.vector_load %arg7[%parallel_loop3A_574, %parallel_loop3A_575] {strides = array<i32>} : memref<77x768xf32, #tpu.memory_space<vmem>>, vector<16xf32>,
        %parallel_loop3A_577 = arith.addf %parallel_loop3A_573, %parallel_loop3A_576 : vector<16xf32>
        %parallel_loop3A_578 = arith.index_cast %parallel_loop3A_230 : i32 to index
        %parallel_loop3A_579 = arith.constant 544 : index
        %parallel_loop3A_580 = tpu.vector_load %arg8[%parallel_loop3A_578, %parallel_loop3A_579] {strides = array<i32>} : memref<77x768xf32, #tpu.memory_space<vmem>>, vector<16xf32>,
        tpu.vector_store %arg8[%parallel_loop3A_578, %parallel_loop3A_579], %parallel_loop3A_577 {strides = array<i32>} : memref<77x768xf32, #tpu.memory_space<vmem>>, vector<16xf32>,
        %parallel_loop3A_581 = arith.index_cast %parallel_loop3A_230 : i32 to index
        %parallel_loop3A_582 = arith.constant 560 : index
        %parallel_loop3A_583 = tpu.vector_load %arg8[%parallel_loop3A_581, %parallel_loop3A_582] {strides = array<i32>} : memref<77x768xf32, #tpu.memory_space<vmem>>, vector<16xf32>,
        %parallel_loop3A_584 = arith.index_cast %parallel_loop3A_230 : i32 to index
        %parallel_loop3A_585 = arith.constant 560 : index
        %parallel_loop3A_586 = tpu.vector_load %arg7[%parallel_loop3A_584, %parallel_loop3A_585] {strides = array<i32>} : memref<77x768xf32, #tpu.memory_space<vmem>>, vector<16xf32>,
        %parallel_loop3A_587 = arith.addf %parallel_loop3A_583, %parallel_loop3A_586 : vector<16xf32>
        %parallel_loop3A_588 = arith.index_cast %parallel_loop3A_230 : i32 to index
        %parallel_loop3A_589 = arith.constant 560 : index
        %parallel_loop3A_590 = tpu.vector_load %arg8[%parallel_loop3A_588, %parallel_loop3A_589] {strides = array<i32>} : memref<77x768xf32, #tpu.memory_space<vmem>>, vector<16xf32>,
        tpu.vector_store %arg8[%parallel_loop3A_588, %parallel_loop3A_589], %parallel_loop3A_587 {strides = array<i32>} : memref<77x768xf32, #tpu.memory_space<vmem>>, vector<16xf32>,
        %parallel_loop3A_591 = arith.index_cast %parallel_loop3A_230 : i32 to index
        %parallel_loop3A_592 = arith.constant 576 : index
        %parallel_loop3A_593 = tpu.vector_load %arg8[%parallel_loop3A_591, %parallel_loop3A_592] {strides = array<i32>} : memref<77x768xf32, #tpu.memory_space<vmem>>, vector<16xf32>,
        %parallel_loop3A_594 = arith.index_cast %parallel_loop3A_230 : i32 to index
        %parallel_loop3A_595 = arith.constant 576 : index
        %parallel_loop3A_596 = tpu.vector_load %arg7[%parallel_loop3A_594, %parallel_loop3A_595] {strides = array<i32>} : memref<77x768xf32, #tpu.memory_space<vmem>>, vector<16xf32>,
        %parallel_loop3A_597 = arith.addf %parallel_loop3A_593, %parallel_loop3A_596 : vector<16xf32>
        %parallel_loop3A_598 = arith.index_cast %parallel_loop3A_230 : i32 to index
        %parallel_loop3A_599 = arith.constant 576 : index
        %parallel_loop3A_600 = tpu.vector_load %arg8[%parallel_loop3A_598, %parallel_loop3A_599] {strides = array<i32>} : memref<77x768xf32, #tpu.memory_space<vmem>>, vector<16xf32>,
        tpu.vector_store %arg8[%parallel_loop3A_598, %parallel_loop3A_599], %parallel_loop3A_597 {strides = array<i32>} : memref<77x768xf32, #tpu.memory_space<vmem>>, vector<16xf32>,
        %parallel_loop3A_601 = arith.index_cast %parallel_loop3A_230 : i32 to index
        %parallel_loop3A_602 = arith.constant 592 : index
        %parallel_loop3A_603 = tpu.vector_load %arg8[%parallel_loop3A_601, %parallel_loop3A_602] {strides = array<i32>} : memref<77x768xf32, #tpu.memory_space<vmem>>, vector<16xf32>,
        %parallel_loop3A_604 = arith.index_cast %parallel_loop3A_230 : i32 to index
        %parallel_loop3A_605 = arith.constant 592 : index
        %parallel_loop3A_606 = tpu.vector_load %arg7[%parallel_loop3A_604, %parallel_loop3A_605] {strides = array<i32>} : memref<77x768xf32, #tpu.memory_space<vmem>>, vector<16xf32>,
        %parallel_loop3A_607 = arith.addf %parallel_loop3A_603, %parallel_loop3A_606 : vector<16xf32>
        %parallel_loop3A_608 = arith.index_cast %parallel_loop3A_230 : i32 to index
        %parallel_loop3A_609 = arith.constant 592 : index
        %parallel_loop3A_610 = tpu.vector_load %arg8[%parallel_loop3A_608, %parallel_loop3A_609] {strides = array<i32>} : memref<77x768xf32, #tpu.memory_space<vmem>>, vector<16xf32>,
        tpu.vector_store %arg8[%parallel_loop3A_608, %parallel_loop3A_609], %parallel_loop3A_607 {strides = array<i32>} : memref<77x768xf32, #tpu.memory_space<vmem>>, vector<16xf32>,
        %parallel_loop3A_611 = arith.index_cast %parallel_loop3A_230 : i32 to index
        %parallel_loop3A_612 = arith.constant 608 : index
        %parallel_loop3A_613 = tpu.vector_load %arg8[%parallel_loop3A_611, %parallel_loop3A_612] {strides = array<i32>} : memref<77x768xf32, #tpu.memory_space<vmem>>, vector<16xf32>,
        %parallel_loop3A_614 = arith.index_cast %parallel_loop3A_230 : i32 to index
        %parallel_loop3A_615 = arith.constant 608 : index
        %parallel_loop3A_616 = tpu.vector_load %arg7[%parallel_loop3A_614, %parallel_loop3A_615] {strides = array<i32>} : memref<77x768xf32, #tpu.memory_space<vmem>>, vector<16xf32>,
        %parallel_loop3A_617 = arith.addf %parallel_loop3A_613, %parallel_loop3A_616 : vector<16xf32>
        %parallel_loop3A_618 = arith.index_cast %parallel_loop3A_230 : i32 to index
        %parallel_loop3A_619 = arith.constant 608 : index
        %parallel_loop3A_620 = tpu.vector_load %arg8[%parallel_loop3A_618, %parallel_loop3A_619] {strides = array<i32>} : memref<77x768xf32, #tpu.memory_space<vmem>>, vector<16xf32>,
        tpu.vector_store %arg8[%parallel_loop3A_618, %parallel_loop3A_619], %parallel_loop3A_617 {strides = array<i32>} : memref<77x768xf32, #tpu.memory_space<vmem>>, vector<16xf32>,
        %parallel_loop3A_621 = arith.index_cast %parallel_loop3A_230 : i32 to index
        %parallel_loop3A_622 = arith.constant 624 : index
        %parallel_loop3A_623 = tpu.vector_load %arg8[%parallel_loop3A_621, %parallel_loop3A_622] {strides = array<i32>} : memref<77x768xf32, #tpu.memory_space<vmem>>, vector<16xf32>,
        %parallel_loop3A_624 = arith.index_cast %parallel_loop3A_230 : i32 to index
        %parallel_loop3A_625 = arith.constant 624 : index
        %parallel_loop3A_626 = tpu.vector_load %arg7[%parallel_loop3A_624, %parallel_loop3A_625] {strides = array<i32>} : memref<77x768xf32, #tpu.memory_space<vmem>>, vector<16xf32>,
        %parallel_loop3A_627 = arith.addf %parallel_loop3A_623, %parallel_loop3A_626 : vector<16xf32>
        %parallel_loop3A_628 = arith.index_cast %parallel_loop3A_230 : i32 to index
        %parallel_loop3A_629 = arith.constant 624 : index
        %parallel_loop3A_630 = tpu.vector_load %arg8[%parallel_loop3A_628, %parallel_loop3A_629] {strides = array<i32>} : memref<77x768xf32, #tpu.memory_space<vmem>>, vector<16xf32>,
        tpu.vector_store %arg8[%parallel_loop3A_628, %parallel_loop3A_629], %parallel_loop3A_627 {strides = array<i32>} : memref<77x768xf32, #tpu.memory_space<vmem>>, vector<16xf32>,
        %parallel_loop3A_631 = arith.index_cast %parallel_loop3A_230 : i32 to index
        %parallel_loop3A_632 = arith.constant 640 : index
        %parallel_loop3A_633 = tpu.vector_load %arg8[%parallel_loop3A_631, %parallel_loop3A_632] {strides = array<i32>} : memref<77x768xf32, #tpu.memory_space<vmem>>, vector<16xf32>,
        %parallel_loop3A_634 = arith.index_cast %parallel_loop3A_230 : i32 to index
        %parallel_loop3A_635 = arith.constant 640 : index
        %parallel_loop3A_636 = tpu.vector_load %arg7[%parallel_loop3A_634, %parallel_loop3A_635] {strides = array<i32>} : memref<77x768xf32, #tpu.memory_space<vmem>>, vector<16xf32>,
        %parallel_loop3A_637 = arith.addf %parallel_loop3A_633, %parallel_loop3A_636 : vector<16xf32>
        %parallel_loop3A_638 = arith.index_cast %parallel_loop3A_230 : i32 to index
        %parallel_loop3A_639 = arith.constant 640 : index
        %parallel_loop3A_640 = tpu.vector_load %arg8[%parallel_loop3A_638, %parallel_loop3A_639] {strides = array<i32>} : memref<77x768xf32, #tpu.memory_space<vmem>>, vector<16xf32>,
        tpu.vector_store %arg8[%parallel_loop3A_638, %parallel_loop3A_639], %parallel_loop3A_637 {strides = array<i32>} : memref<77x768xf32, #tpu.memory_space<vmem>>, vector<16xf32>,
        %parallel_loop3A_641 = arith.index_cast %parallel_loop3A_230 : i32 to index
        %parallel_loop3A_642 = arith.constant 656 : index
        %parallel_loop3A_643 = tpu.vector_load %arg8[%parallel_loop3A_641, %parallel_loop3A_642] {strides = array<i32>} : memref<77x768xf32, #tpu.memory_space<vmem>>, vector<16xf32>,
        %parallel_loop3A_644 = arith.index_cast %parallel_loop3A_230 : i32 to index
        %parallel_loop3A_645 = arith.constant 656 : index
        %parallel_loop3A_646 = tpu.vector_load %arg7[%parallel_loop3A_644, %parallel_loop3A_645] {strides = array<i32>} : memref<77x768xf32, #tpu.memory_space<vmem>>, vector<16xf32>,
        %parallel_loop3A_647 = arith.addf %parallel_loop3A_643, %parallel_loop3A_646 : vector<16xf32>
        %parallel_loop3A_648 = arith.index_cast %parallel_loop3A_230 : i32 to index
        %parallel_loop3A_649 = arith.constant 656 : index
        %parallel_loop3A_650 = tpu.vector_load %arg8[%parallel_loop3A_648, %parallel_loop3A_649] {strides = array<i32>} : memref<77x768xf32, #tpu.memory_space<vmem>>, vector<16xf32>,
        tpu.vector_store %arg8[%parallel_loop3A_648, %parallel_loop3A_649], %parallel_loop3A_647 {strides = array<i32>} : memref<77x768xf32, #tpu.memory_space<vmem>>, vector<16xf32>,
        %parallel_loop3A_651 = arith.index_cast %parallel_loop3A_230 : i32 to index
        %parallel_loop3A_652 = arith.constant 672 : index
        %parallel_loop3A_653 = tpu.vector_load %arg8[%parallel_loop3A_651, %parallel_loop3A_652] {strides = array<i32>} : memref<77x768xf32, #tpu.memory_space<vmem>>, vector<16xf32>,
        %parallel_loop3A_654 = arith.index_cast %parallel_loop3A_230 : i32 to index
        %parallel_loop3A_655 = arith.constant 672 : index
        %parallel_loop3A_656 = tpu.vector_load %arg7[%parallel_loop3A_654, %parallel_loop3A_655] {strides = array<i32>} : memref<77x768xf32, #tpu.memory_space<vmem>>, vector<16xf32>,
        %parallel_loop3A_657 = arith.addf %parallel_loop3A_653, %parallel_loop3A_656 : vector<16xf32>
        %parallel_loop3A_658 = arith.index_cast %parallel_loop3A_230 : i32 to index
        %parallel_loop3A_659 = arith.constant 672 : index
        %parallel_loop3A_660 = tpu.vector_load %arg8[%parallel_loop3A_658, %parallel_loop3A_659] {strides = array<i32>} : memref<77x768xf32, #tpu.memory_space<vmem>>, vector<16xf32>,
        tpu.vector_store %arg8[%parallel_loop3A_658, %parallel_loop3A_659], %parallel_loop3A_657 {strides = array<i32>} : memref<77x768xf32, #tpu.memory_space<vmem>>, vector<16xf32>,
        %parallel_loop3A_661 = arith.index_cast %parallel_loop3A_230 : i32 to index
        %parallel_loop3A_662 = arith.constant 688 : index
        %parallel_loop3A_663 = tpu.vector_load %arg8[%parallel_loop3A_661, %parallel_loop3A_662] {strides = array<i32>} : memref<77x768xf32, #tpu.memory_space<vmem>>, vector<16xf32>,
        %parallel_loop3A_664 = arith.index_cast %parallel_loop3A_230 : i32 to index
        %parallel_loop3A_665 = arith.constant 688 : index
        %parallel_loop3A_666 = tpu.vector_load %arg7[%parallel_loop3A_664, %parallel_loop3A_665] {strides = array<i32>} : memref<77x768xf32, #tpu.memory_space<vmem>>, vector<16xf32>,
        %parallel_loop3A_667 = arith.addf %parallel_loop3A_663, %parallel_loop3A_666 : vector<16xf32>
        %parallel_loop3A_668 = arith.index_cast %parallel_loop3A_230 : i32 to index
        %parallel_loop3A_669 = arith.constant 688 : index
        %parallel_loop3A_670 = tpu.vector_load %arg8[%parallel_loop3A_668, %parallel_loop3A_669] {strides = array<i32>} : memref<77x768xf32, #tpu.memory_space<vmem>>, vector<16xf32>,
        tpu.vector_store %arg8[%parallel_loop3A_668, %parallel_loop3A_669], %parallel_loop3A_667 {strides = array<i32>} : memref<77x768xf32, #tpu.memory_space<vmem>>, vector<16xf32>,
        %parallel_loop3A_671 = arith.index_cast %parallel_loop3A_230 : i32 to index
        %parallel_loop3A_672 = arith.constant 704 : index
        %parallel_loop3A_673 = tpu.vector_load %arg8[%parallel_loop3A_671, %parallel_loop3A_672] {strides = array<i32>} : memref<77x768xf32, #tpu.memory_space<vmem>>, vector<16xf32>,
        %parallel_loop3A_674 = arith.index_cast %parallel_loop3A_230 : i32 to index
        %parallel_loop3A_675 = arith.constant 704 : index
        %parallel_loop3A_676 = tpu.vector_load %arg7[%parallel_loop3A_674, %parallel_loop3A_675] {strides = array<i32>} : memref<77x768xf32, #tpu.memory_space<vmem>>, vector<16xf32>,
        %parallel_loop3A_677 = arith.addf %parallel_loop3A_673, %parallel_loop3A_676 : vector<16xf32>
        %parallel_loop3A_678 = arith.index_cast %parallel_loop3A_230 : i32 to index
        %parallel_loop3A_679 = arith.constant 704 : index
        %parallel_loop3A_680 = tpu.vector_load %arg8[%parallel_loop3A_678, %parallel_loop3A_679] {strides = array<i32>} : memref<77x768xf32, #tpu.memory_space<vmem>>, vector<16xf32>,
        tpu.vector_store %arg8[%parallel_loop3A_678, %parallel_loop3A_679], %parallel_loop3A_677 {strides = array<i32>} : memref<77x768xf32, #tpu.memory_space<vmem>>, vector<16xf32>,
        %parallel_loop3A_681 = arith.index_cast %parallel_loop3A_230 : i32 to index
        %parallel_loop3A_682 = arith.constant 720 : index
        %parallel_loop3A_683 = tpu.vector_load %arg8[%parallel_loop3A_681, %parallel_loop3A_682] {strides = array<i32>} : memref<77x768xf32, #tpu.memory_space<vmem>>, vector<16xf32>,
        %parallel_loop3A_684 = arith.index_cast %parallel_loop3A_230 : i32 to index
        %parallel_loop3A_685 = arith.constant 720 : index
        %parallel_loop3A_686 = tpu.vector_load %arg7[%parallel_loop3A_684, %parallel_loop3A_685] {strides = array<i32>} : memref<77x768xf32, #tpu.memory_space<vmem>>, vector<16xf32>,
        %parallel_loop3A_687 = arith.addf %parallel_loop3A_683, %parallel_loop3A_686 : vector<16xf32>
        %parallel_loop3A_688 = arith.index_cast %parallel_loop3A_230 : i32 to index
        %parallel_loop3A_689 = arith.constant 720 : index
        %parallel_loop3A_690 = tpu.vector_load %arg8[%parallel_loop3A_688, %parallel_loop3A_689] {strides = array<i32>} : memref<77x768xf32, #tpu.memory_space<vmem>>, vector<16xf32>,
        tpu.vector_store %arg8[%parallel_loop3A_688, %parallel_loop3A_689], %parallel_loop3A_687 {strides = array<i32>} : memref<77x768xf32, #tpu.memory_space<vmem>>, vector<16xf32>,
        %parallel_loop3A_691 = arith.index_cast %parallel_loop3A_230 : i32 to index
        %parallel_loop3A_692 = arith.constant 736 : index
        %parallel_loop3A_693 = tpu.vector_load %arg8[%parallel_loop3A_691, %parallel_loop3A_692] {strides = array<i32>} : memref<77x768xf32, #tpu.memory_space<vmem>>, vector<16xf32>,
        %parallel_loop3A_694 = arith.index_cast %parallel_loop3A_230 : i32 to index
        %parallel_loop3A_695 = arith.constant 736 : index
        %parallel_loop3A_696 = tpu.vector_load %arg7[%parallel_loop3A_694, %parallel_loop3A_695] {strides = array<i32>} : memref<77x768xf32, #tpu.memory_space<vmem>>, vector<16xf32>,
        %parallel_loop3A_697 = arith.addf %parallel_loop3A_693, %parallel_loop3A_696 : vector<16xf32>
        %parallel_loop3A_698 = arith.index_cast %parallel_loop3A_230 : i32 to index
        %parallel_loop3A_699 = arith.constant 736 : index
        %parallel_loop3A_700 = tpu.vector_load %arg8[%parallel_loop3A_698, %parallel_loop3A_699] {strides = array<i32>} : memref<77x768xf32, #tpu.memory_space<vmem>>, vector<16xf32>,
        tpu.vector_store %arg8[%parallel_loop3A_698, %parallel_loop3A_699], %parallel_loop3A_697 {strides = array<i32>} : memref<77x768xf32, #tpu.memory_space<vmem>>, vector<16xf32>,
        %parallel_loop3A_701 = arith.index_cast %parallel_loop3A_230 : i32 to index
        %parallel_loop3A_702 = arith.constant 752 : index
        %parallel_loop3A_703 = tpu.vector_load %arg8[%parallel_loop3A_701, %parallel_loop3A_702] {strides = array<i32>} : memref<77x768xf32, #tpu.memory_space<vmem>>, vector<16xf32>,
        %parallel_loop3A_704 = arith.index_cast %parallel_loop3A_230 : i32 to index
        %parallel_loop3A_705 = arith.constant 752 : index
        %parallel_loop3A_706 = tpu.vector_load %arg7[%parallel_loop3A_704, %parallel_loop3A_705] {strides = array<i32>} : memref<77x768xf32, #tpu.memory_space<vmem>>, vector<16xf32>,
        %parallel_loop3A_707 = arith.addf %parallel_loop3A_703, %parallel_loop3A_706 : vector<16xf32>
        %parallel_loop3A_708 = arith.index_cast %parallel_loop3A_230 : i32 to index
        %parallel_loop3A_709 = arith.constant 752 : index
        %parallel_loop3A_710 = tpu.vector_load %arg8[%parallel_loop3A_708, %parallel_loop3A_709] {strides = array<i32>} : memref<77x768xf32, #tpu.memory_space<vmem>>, vector<16xf32>,
        tpu.vector_store %arg8[%parallel_loop3A_708, %parallel_loop3A_709], %parallel_loop3A_707 {strides = array<i32>} : memref<77x768xf32, #tpu.memory_space<vmem>>, vector<16xf32>,
      } {sc.loop_unroll_factor = 2 : i64, sc.parallel_access}
      %gt3A_217 = arith.constant 0.000000e+00 : f32
      %gt3A_218 = arith.cmpf ogt, %reduce_max3A_194, %gt3A_217 : f32
      %convert_element_type3A_219 = arith.extui %gt3A_218 : i1 to i32
      %cond3A_220 = arith.constant 0 : i32
      %cond3A_221 = arith.cmpi ne, %convert_element_type3A_219, %cond3A_220 : i32
      scf.if %cond3A_221 {
        %scan3A_230 = arith.constant 0 : i32
        %scan3A_231 = arith.constant 0 : i32
        %scan3A_232 = arith.constant 8 : i32
        %scan3A_233 = arith.addi %scan3A_231, %scan3A_232 : i32
        %scan3A_234 = arith.constant 1 : i32
        %scan3A_235 = scf.for %scan3A_244 = %scan3A_231 to %scan3A_233 step %scan3A_234 iter_args(%scan3A_245 = %scan3A_230) -> (i32)  : i32 {
          %add3A_246 = arith.constant 8 : i32
          %add3A_247 = arith.addi %select_n3A_209, %add3A_246 : i32
          %add3A_248 = arith.addi %add3A_247, %scan3A_244 : i32
          %get3A_249 = arith.index_cast %scan3A_244 : i32 to index
          %get3A_250 = arith.constant 0 : index
          %get3A_251 = tpu.vector_load %arg9[%get3A_249, %get3A_250] {strides = array<i32>} : memref<8x768xf32, #tpu.memory_space<vmem>>, vector<16xf32>,
          %get3A_252 = arith.index_cast %add3A_248 : i32 to index
          %get3A_253 = arith.constant 0 : index
          %get3A_254 = tpu.vector_load %arg7[%get3A_252, %get3A_253] {strides = array<i32>} : memref<77x768xf32, #tpu.memory_space<vmem>>, vector<16xf32>,
          %add3A_255 = arith.addf %get3A_251, %get3A_254 : vector<16xf32>
          %swap3A_256 = arith.index_cast %add3A_248 : i32 to index
          %swap3A_257 = arith.constant 0 : index
          %swap3A_258 = tpu.vector_load %arg8[%swap3A_256, %swap3A_257] {strides = array<i32>} : memref<77x768xf32, #tpu.memory_space<vmem>>, vector<16xf32>,
          tpu.vector_store %arg8[%swap3A_256, %swap3A_257], %add3A_255 {strides = array<i32>} : memref<77x768xf32, #tpu.memory_space<vmem>>, vector<16xf32>,
          %get3A_259 = arith.index_cast %scan3A_244 : i32 to index
          %get3A_260 = arith.constant 16 : index
          %get3A_261 = tpu.vector_load %arg9[%get3A_259, %get3A_260] {strides = array<i32>} : memref<8x768xf32, #tpu.memory_space<vmem>>, vector<16xf32>,
          %get3A_262 = arith.index_cast %add3A_248 : i32 to index
          %get3A_263 = arith.constant 16 : index
          %get3A_264 = tpu.vector_load %arg7[%get3A_262, %get3A_263] {strides = array<i32>} : memref<77x768xf32, #tpu.memory_space<vmem>>, vector<16xf32>,
          %add3A_265 = arith.addf %get3A_261, %get3A_264 : vector<16xf32>
          %swap3A_266 = arith.index_cast %add3A_248 : i32 to index
          %swap3A_267 = arith.constant 16 : index
          %swap3A_268 = tpu.vector_load %arg8[%swap3A_266, %swap3A_267] {strides = array<i32>} : memref<77x768xf32, #tpu.memory_space<vmem>>, vector<16xf32>,
          tpu.vector_store %arg8[%swap3A_266, %swap3A_267], %add3A_265 {strides = array<i32>} : memref<77x768xf32, #tpu.memory_space<vmem>>, vector<16xf32>,
          %get3A_269 = arith.index_cast %scan3A_244 : i32 to index
          %get3A_270 = arith.constant 32 : index
          %get3A_271 = tpu.vector_load %arg9[%get3A_269, %get3A_270] {strides = array<i32>} : memref<8x768xf32, #tpu.memory_space<vmem>>, vector<16xf32>,
          %get3A_272 = arith.index_cast %add3A_248 : i32 to index
          %get3A_273 = arith.constant 32 : index
          %get3A_274 = tpu.vector_load %arg7[%get3A_272, %get3A_273] {strides = array<i32>} : memref<77x768xf32, #tpu.memory_space<vmem>>, vector<16xf32>,
          %add3A_275 = arith.addf %get3A_271, %get3A_274 : vector<16xf32>
          %swap3A_276 = arith.index_cast %add3A_248 : i32 to index
          %swap3A_277 = arith.constant 32 : index
          %swap3A_278 = tpu.vector_load %arg8[%swap3A_276, %swap3A_277] {strides = array<i32>} : memref<77x768xf32, #tpu.memory_space<vmem>>, vector<16xf32>,
          tpu.vector_store %arg8[%swap3A_276, %swap3A_277], %add3A_275 {strides = array<i32>} : memref<77x768xf32, #tpu.memory_space<vmem>>, vector<16xf32>,
          %get3A_279 = arith.index_cast %scan3A_244 : i32 to index
          %get3A_280 = arith.constant 48 : index
          %get3A_281 = tpu.vector_load %arg9[%get3A_279, %get3A_280] {strides = array<i32>} : memref<8x768xf32, #tpu.memory_space<vmem>>, vector<16xf32>,
          %get3A_282 = arith.index_cast %add3A_248 : i32 to index
          %get3A_283 = arith.constant 48 : index
          %get3A_284 = tpu.vector_load %arg7[%get3A_282, %get3A_283] {strides = array<i32>} : memref<77x768xf32, #tpu.memory_space<vmem>>, vector<16xf32>,
          %add3A_285 = arith.addf %get3A_281, %get3A_284 : vector<16xf32>
          %swap3A_286 = arith.index_cast %add3A_248 : i32 to index
          %swap3A_287 = arith.constant 48 : index
          %swap3A_288 = tpu.vector_load %arg8[%swap3A_286, %swap3A_287] {strides = array<i32>} : memref<77x768xf32, #tpu.memory_space<vmem>>, vector<16xf32>,
          tpu.vector_store %arg8[%swap3A_286, %swap3A_287], %add3A_285 {strides = array<i32>} : memref<77x768xf32, #tpu.memory_space<vmem>>, vector<16xf32>,
          %get3A_289 = arith.index_cast %scan3A_244 : i32 to index
          %get3A_290 = arith.constant 64 : index
          %get3A_291 = tpu.vector_load %arg9[%get3A_289, %get3A_290] {strides = array<i32>} : memref<8x768xf32, #tpu.memory_space<vmem>>, vector<16xf32>,
          %get3A_292 = arith.index_cast %add3A_248 : i32 to index
          %get3A_293 = arith.constant 64 : index
          %get3A_294 = tpu.vector_load %arg7[%get3A_292, %get3A_293] {strides = array<i32>} : memref<77x768xf32, #tpu.memory_space<vmem>>, vector<16xf32>,
          %add3A_295 = arith.addf %get3A_291, %get3A_294 : vector<16xf32>
          %swap3A_296 = arith.index_cast %add3A_248 : i32 to index
          %swap3A_297 = arith.constant 64 : index
          %swap3A_298 = tpu.vector_load %arg8[%swap3A_296, %swap3A_297] {strides = array<i32>} : memref<77x768xf32, #tpu.memory_space<vmem>>, vector<16xf32>,
          tpu.vector_store %arg8[%swap3A_296, %swap3A_297], %add3A_295 {strides = array<i32>} : memref<77x768xf32, #tpu.memory_space<vmem>>, vector<16xf32>,
          %get3A_299 = arith.index_cast %scan3A_244 : i32 to index
          %get3A_300 = arith.constant 80 : index
          %get3A_301 = tpu.vector_load %arg9[%get3A_299, %get3A_300] {strides = array<i32>} : memref<8x768xf32, #tpu.memory_space<vmem>>, vector<16xf32>,
          %get3A_302 = arith.index_cast %add3A_248 : i32 to index
          %get3A_303 = arith.constant 80 : index
          %get3A_304 = tpu.vector_load %arg7[%get3A_302, %get3A_303] {strides = array<i32>} : memref<77x768xf32, #tpu.memory_space<vmem>>, vector<16xf32>,
          %add3A_305 = arith.addf %get3A_301, %get3A_304 : vector<16xf32>
          %swap3A_306 = arith.index_cast %add3A_248 : i32 to index
          %swap3A_307 = arith.constant 80 : index
          %swap3A_308 = tpu.vector_load %arg8[%swap3A_306, %swap3A_307] {strides = array<i32>} : memref<77x768xf32, #tpu.memory_space<vmem>>, vector<16xf32>,
          tpu.vector_store %arg8[%swap3A_306, %swap3A_307], %add3A_305 {strides = array<i32>} : memref<77x768xf32, #tpu.memory_space<vmem>>, vector<16xf32>,
          %get3A_309 = arith.index_cast %scan3A_244 : i32 to index
          %get3A_310 = arith.constant 96 : index
          %get3A_311 = tpu.vector_load %arg9[%get3A_309, %get3A_310] {strides = array<i32>} : memref<8x768xf32, #tpu.memory_space<vmem>>, vector<16xf32>,
          %get3A_312 = arith.index_cast %add3A_248 : i32 to index
          %get3A_313 = arith.constant 96 : index
          %get3A_314 = tpu.vector_load %arg7[%get3A_312, %get3A_313] {strides = array<i32>} : memref<77x768xf32, #tpu.memory_space<vmem>>, vector<16xf32>,
          %add3A_315 = arith.addf %get3A_311, %get3A_314 : vector<16xf32>
          %swap3A_316 = arith.index_cast %add3A_248 : i32 to index
          %swap3A_317 = arith.constant 96 : index
          %swap3A_318 = tpu.vector_load %arg8[%swap3A_316, %swap3A_317] {strides = array<i32>} : memref<77x768xf32, #tpu.memory_space<vmem>>, vector<16xf32>,
          tpu.vector_store %arg8[%swap3A_316, %swap3A_317], %add3A_315 {strides = array<i32>} : memref<77x768xf32, #tpu.memory_space<vmem>>, vector<16xf32>,
          %get3A_319 = arith.index_cast %scan3A_244 : i32 to index
          %get3A_320 = arith.constant 112 : index
          %get3A_321 = tpu.vector_load %arg9[%get3A_319, %get3A_320] {strides = array<i32>} : memref<8x768xf32, #tpu.memory_space<vmem>>, vector<16xf32>,
          %get3A_322 = arith.index_cast %add3A_248 : i32 to index
          %get3A_323 = arith.constant 112 : index
          %get3A_324 = tpu.vector_load %arg7[%get3A_322, %get3A_323] {strides = array<i32>} : memref<77x768xf32, #tpu.memory_space<vmem>>, vector<16xf32>,
          %add3A_325 = arith.addf %get3A_321, %get3A_324 : vector<16xf32>
          %swap3A_326 = arith.index_cast %add3A_248 : i32 to index
          %swap3A_327 = arith.constant 112 : index
          %swap3A_328 = tpu.vector_load %arg8[%swap3A_326, %swap3A_327] {strides = array<i32>} : memref<77x768xf32, #tpu.memory_space<vmem>>, vector<16xf32>,
          tpu.vector_store %arg8[%swap3A_326, %swap3A_327], %add3A_325 {strides = array<i32>} : memref<77x768xf32, #tpu.memory_space<vmem>>, vector<16xf32>,
          %get3A_329 = arith.index_cast %scan3A_244 : i32 to index
          %get3A_330 = arith.constant 128 : index
          %get3A_331 = tpu.vector_load %arg9[%get3A_329, %get3A_330] {strides = array<i32>} : memref<8x768xf32, #tpu.memory_space<vmem>>, vector<16xf32>,
          %get3A_332 = arith.index_cast %add3A_248 : i32 to index
          %get3A_333 = arith.constant 128 : index
          %get3A_334 = tpu.vector_load %arg7[%get3A_332, %get3A_333] {strides = array<i32>} : memref<77x768xf32, #tpu.memory_space<vmem>>, vector<16xf32>,
          %add3A_335 = arith.addf %get3A_331, %get3A_334 : vector<16xf32>
          %swap3A_336 = arith.index_cast %add3A_248 : i32 to index
          %swap3A_337 = arith.constant 128 : index
          %swap3A_338 = tpu.vector_load %arg8[%swap3A_336, %swap3A_337] {strides = array<i32>} : memref<77x768xf32, #tpu.memory_space<vmem>>, vector<16xf32>,
          tpu.vector_store %arg8[%swap3A_336, %swap3A_337], %add3A_335 {strides = array<i32>} : memref<77x768xf32, #tpu.memory_space<vmem>>, vector<16xf32>,
          %get3A_339 = arith.index_cast %scan3A_244 : i32 to index
          %get3A_340 = arith.constant 144 : index
          %get3A_341 = tpu.vector_load %arg9[%get3A_339, %get3A_340] {strides = array<i32>} : memref<8x768xf32, #tpu.memory_space<vmem>>, vector<16xf32>,
          %get3A_342 = arith.index_cast %add3A_248 : i32 to index
          %get3A_343 = arith.constant 144 : index
          %get3A_344 = tpu.vector_load %arg7[%get3A_342, %get3A_343] {strides = array<i32>} : memref<77x768xf32, #tpu.memory_space<vmem>>, vector<16xf32>,
          %add3A_345 = arith.addf %get3A_341, %get3A_344 : vector<16xf32>
          %swap3A_346 = arith.index_cast %add3A_248 : i32 to index
          %swap3A_347 = arith.constant 144 : index
          %swap3A_348 = tpu.vector_load %arg8[%swap3A_346, %swap3A_347] {strides = array<i32>} : memref<77x768xf32, #tpu.memory_space<vmem>>, vector<16xf32>,
          tpu.vector_store %arg8[%swap3A_346, %swap3A_347], %add3A_345 {strides = array<i32>} : memref<77x768xf32, #tpu.memory_space<vmem>>, vector<16xf32>,
          %get3A_349 = arith.index_cast %scan3A_244 : i32 to index
          %get3A_350 = arith.constant 160 : index
          %get3A_351 = tpu.vector_load %arg9[%get3A_349, %get3A_350] {strides = array<i32>} : memref<8x768xf32, #tpu.memory_space<vmem>>, vector<16xf32>,
          %get3A_352 = arith.index_cast %add3A_248 : i32 to index
          %get3A_353 = arith.constant 160 : index
          %get3A_354 = tpu.vector_load %arg7[%get3A_352, %get3A_353] {strides = array<i32>} : memref<77x768xf32, #tpu.memory_space<vmem>>, vector<16xf32>,
          %add3A_355 = arith.addf %get3A_351, %get3A_354 : vector<16xf32>
          %swap3A_356 = arith.index_cast %add3A_248 : i32 to index
          %swap3A_357 = arith.constant 160 : index
          %swap3A_358 = tpu.vector_load %arg8[%swap3A_356, %swap3A_357] {strides = array<i32>} : memref<77x768xf32, #tpu.memory_space<vmem>>, vector<16xf32>,
          tpu.vector_store %arg8[%swap3A_356, %swap3A_357], %add3A_355 {strides = array<i32>} : memref<77x768xf32, #tpu.memory_space<vmem>>, vector<16xf32>,
          %get3A_359 = arith.index_cast %scan3A_244 : i32 to index
          %get3A_360 = arith.constant 176 : index
          %get3A_361 = tpu.vector_load %arg9[%get3A_359, %get3A_360] {strides = array<i32>} : memref<8x768xf32, #tpu.memory_space<vmem>>, vector<16xf32>,
          %get3A_362 = arith.index_cast %add3A_248 : i32 to index
          %get3A_363 = arith.constant 176 : index
          %get3A_364 = tpu.vector_load %arg7[%get3A_362, %get3A_363] {strides = array<i32>} : memref<77x768xf32, #tpu.memory_space<vmem>>, vector<16xf32>,
          %add3A_365 = arith.addf %get3A_361, %get3A_364 : vector<16xf32>
          %swap3A_366 = arith.index_cast %add3A_248 : i32 to index
          %swap3A_367 = arith.constant 176 : index
          %swap3A_368 = tpu.vector_load %arg8[%swap3A_366, %swap3A_367] {strides = array<i32>} : memref<77x768xf32, #tpu.memory_space<vmem>>, vector<16xf32>,
          tpu.vector_store %arg8[%swap3A_366, %swap3A_367], %add3A_365 {strides = array<i32>} : memref<77x768xf32, #tpu.memory_space<vmem>>, vector<16xf32>,
          %get3A_369 = arith.index_cast %scan3A_244 : i32 to index
          %get3A_370 = arith.constant 192 : index
          %get3A_371 = tpu.vector_load %arg9[%get3A_369, %get3A_370] {strides = array<i32>} : memref<8x768xf32, #tpu.memory_space<vmem>>, vector<16xf32>,
          %get3A_372 = arith.index_cast %add3A_248 : i32 to index
          %get3A_373 = arith.constant 192 : index
          %get3A_374 = tpu.vector_load %arg7[%get3A_372, %get3A_373] {strides = array<i32>} : memref<77x768xf32, #tpu.memory_space<vmem>>, vector<16xf32>,
          %add3A_375 = arith.addf %get3A_371, %get3A_374 : vector<16xf32>
          %swap3A_376 = arith.index_cast %add3A_248 : i32 to index
          %swap3A_377 = arith.constant 192 : index
          %swap3A_378 = tpu.vector_load %arg8[%swap3A_376, %swap3A_377] {strides = array<i32>} : memref<77x768xf32, #tpu.memory_space<vmem>>, vector<16xf32>,
          tpu.vector_store %arg8[%swap3A_376, %swap3A_377], %add3A_375 {strides = array<i32>} : memref<77x768xf32, #tpu.memory_space<vmem>>, vector<16xf32>,
          %get3A_379 = arith.index_cast %scan3A_244 : i32 to index
          %get3A_380 = arith.constant 208 : index
          %get3A_381 = tpu.vector_load %arg9[%get3A_379, %get3A_380] {strides = array<i32>} : memref<8x768xf32, #tpu.memory_space<vmem>>, vector<16xf32>,
          %get3A_382 = arith.index_cast %add3A_248 : i32 to index
          %get3A_383 = arith.constant 208 : index
          %get3A_384 = tpu.vector_load %arg7[%get3A_382, %get3A_383] {strides = array<i32>} : memref<77x768xf32, #tpu.memory_space<vmem>>, vector<16xf32>,
          %add3A_385 = arith.addf %get3A_381, %get3A_384 : vector<16xf32>
          %swap3A_386 = arith.index_cast %add3A_248 : i32 to index
          %swap3A_387 = arith.constant 208 : index
          %swap3A_388 = tpu.vector_load %arg8[%swap3A_386, %swap3A_387] {strides = array<i32>} : memref<77x768xf32, #tpu.memory_space<vmem>>, vector<16xf32>,
          tpu.vector_store %arg8[%swap3A_386, %swap3A_387], %add3A_385 {strides = array<i32>} : memref<77x768xf32, #tpu.memory_space<vmem>>, vector<16xf32>,
          %get3A_389 = arith.index_cast %scan3A_244 : i32 to index
          %get3A_390 = arith.constant 224 : index
          %get3A_391 = tpu.vector_load %arg9[%get3A_389, %get3A_390] {strides = array<i32>} : memref<8x768xf32, #tpu.memory_space<vmem>>, vector<16xf32>,
          %get3A_392 = arith.index_cast %add3A_248 : i32 to index
          %get3A_393 = arith.constant 224 : index
          %get3A_394 = tpu.vector_load %arg7[%get3A_392, %get3A_393] {strides = array<i32>} : memref<77x768xf32, #tpu.memory_space<vmem>>, vector<16xf32>,
          %add3A_395 = arith.addf %get3A_391, %get3A_394 : vector<16xf32>
          %swap3A_396 = arith.index_cast %add3A_248 : i32 to index
          %swap3A_397 = arith.constant 224 : index
          %swap3A_398 = tpu.vector_load %arg8[%swap3A_396, %swap3A_397] {strides = array<i32>} : memref<77x768xf32, #tpu.memory_space<vmem>>, vector<16xf32>,
          tpu.vector_store %arg8[%swap3A_396, %swap3A_397], %add3A_395 {strides = array<i32>} : memref<77x768xf32, #tpu.memory_space<vmem>>, vector<16xf32>,
          %get3A_399 = arith.index_cast %scan3A_244 : i32 to index
          %get3A_400 = arith.constant 240 : index
          %get3A_401 = tpu.vector_load %arg9[%get3A_399, %get3A_400] {strides = array<i32>} : memref<8x768xf32, #tpu.memory_space<vmem>>, vector<16xf32>,
          %get3A_402 = arith.index_cast %add3A_248 : i32 to index
          %get3A_403 = arith.constant 240 : index
          %get3A_404 = tpu.vector_load %arg7[%get3A_402, %get3A_403] {strides = array<i32>} : memref<77x768xf32, #tpu.memory_space<vmem>>, vector<16xf32>,
          %add3A_405 = arith.addf %get3A_401, %get3A_404 : vector<16xf32>
          %swap3A_406 = arith.index_cast %add3A_248 : i32 to index
          %swap3A_407 = arith.constant 240 : index
          %swap3A_408 = tpu.vector_load %arg8[%swap3A_406, %swap3A_407] {strides = array<i32>} : memref<77x768xf32, #tpu.memory_space<vmem>>, vector<16xf32>,
          tpu.vector_store %arg8[%swap3A_406, %swap3A_407], %add3A_405 {strides = array<i32>} : memref<77x768xf32, #tpu.memory_space<vmem>>, vector<16xf32>,
          %get3A_409 = arith.index_cast %scan3A_244 : i32 to index
          %get3A_410 = arith.constant 256 : index
          %get3A_411 = tpu.vector_load %arg9[%get3A_409, %get3A_410] {strides = array<i32>} : memref<8x768xf32, #tpu.memory_space<vmem>>, vector<16xf32>,
          %get3A_412 = arith.index_cast %add3A_248 : i32 to index
          %get3A_413 = arith.constant 256 : index
          %get3A_414 = tpu.vector_load %arg7[%get3A_412, %get3A_413] {strides = array<i32>} : memref<77x768xf32, #tpu.memory_space<vmem>>, vector<16xf32>,
          %add3A_415 = arith.addf %get3A_411, %get3A_414 : vector<16xf32>
          %swap3A_416 = arith.index_cast %add3A_248 : i32 to index
          %swap3A_417 = arith.constant 256 : index
          %swap3A_418 = tpu.vector_load %arg8[%swap3A_416, %swap3A_417] {strides = array<i32>} : memref<77x768xf32, #tpu.memory_space<vmem>>, vector<16xf32>,
          tpu.vector_store %arg8[%swap3A_416, %swap3A_417], %add3A_415 {strides = array<i32>} : memref<77x768xf32, #tpu.memory_space<vmem>>, vector<16xf32>,
          %get3A_419 = arith.index_cast %scan3A_244 : i32 to index
          %get3A_420 = arith.constant 272 : index
          %get3A_421 = tpu.vector_load %arg9[%get3A_419, %get3A_420] {strides = array<i32>} : memref<8x768xf32, #tpu.memory_space<vmem>>, vector<16xf32>,
          %get3A_422 = arith.index_cast %add3A_248 : i32 to index
          %get3A_423 = arith.constant 272 : index
          %get3A_424 = tpu.vector_load %arg7[%get3A_422, %get3A_423] {strides = array<i32>} : memref<77x768xf32, #tpu.memory_space<vmem>>, vector<16xf32>,
          %add3A_425 = arith.addf %get3A_421, %get3A_424 : vector<16xf32>
          %swap3A_426 = arith.index_cast %add3A_248 : i32 to index
          %swap3A_427 = arith.constant 272 : index
          %swap3A_428 = tpu.vector_load %arg8[%swap3A_426, %swap3A_427] {strides = array<i32>} : memref<77x768xf32, #tpu.memory_space<vmem>>, vector<16xf32>,
          tpu.vector_store %arg8[%swap3A_426, %swap3A_427], %add3A_425 {strides = array<i32>} : memref<77x768xf32, #tpu.memory_space<vmem>>, vector<16xf32>,
          %get3A_429 = arith.index_cast %scan3A_244 : i32 to index
          %get3A_430 = arith.constant 288 : index
          %get3A_431 = tpu.vector_load %arg9[%get3A_429, %get3A_430] {strides = array<i32>} : memref<8x768xf32, #tpu.memory_space<vmem>>, vector<16xf32>,
          %get3A_432 = arith.index_cast %add3A_248 : i32 to index
          %get3A_433 = arith.constant 288 : index
          %get3A_434 = tpu.vector_load %arg7[%get3A_432, %get3A_433] {strides = array<i32>} : memref<77x768xf32, #tpu.memory_space<vmem>>, vector<16xf32>,
          %add3A_435 = arith.addf %get3A_431, %get3A_434 : vector<16xf32>
          %swap3A_436 = arith.index_cast %add3A_248 : i32 to index
          %swap3A_437 = arith.constant 288 : index
          %swap3A_438 = tpu.vector_load %arg8[%swap3A_436, %swap3A_437] {strides = array<i32>} : memref<77x768xf32, #tpu.memory_space<vmem>>, vector<16xf32>,
          tpu.vector_store %arg8[%swap3A_436, %swap3A_437], %add3A_435 {strides = array<i32>} : memref<77x768xf32, #tpu.memory_space<vmem>>, vector<16xf32>,
          %get3A_439 = arith.index_cast %scan3A_244 : i32 to index
          %get3A_440 = arith.constant 304 : index
          %get3A_441 = tpu.vector_load %arg9[%get3A_439, %get3A_440] {strides = array<i32>} : memref<8x768xf32, #tpu.memory_space<vmem>>, vector<16xf32>,
          %get3A_442 = arith.index_cast %add3A_248 : i32 to index
          %get3A_443 = arith.constant 304 : index
          %get3A_444 = tpu.vector_load %arg7[%get3A_442, %get3A_443] {strides = array<i32>} : memref<77x768xf32, #tpu.memory_space<vmem>>, vector<16xf32>,
          %add3A_445 = arith.addf %get3A_441, %get3A_444 : vector<16xf32>
          %swap3A_446 = arith.index_cast %add3A_248 : i32 to index
          %swap3A_447 = arith.constant 304 : index
          %swap3A_448 = tpu.vector_load %arg8[%swap3A_446, %swap3A_447] {strides = array<i32>} : memref<77x768xf32, #tpu.memory_space<vmem>>, vector<16xf32>,
          tpu.vector_store %arg8[%swap3A_446, %swap3A_447], %add3A_445 {strides = array<i32>} : memref<77x768xf32, #tpu.memory_space<vmem>>, vector<16xf32>,
          %get3A_449 = arith.index_cast %scan3A_244 : i32 to index
          %get3A_450 = arith.constant 320 : index
          %get3A_451 = tpu.vector_load %arg9[%get3A_449, %get3A_450] {strides = array<i32>} : memref<8x768xf32, #tpu.memory_space<vmem>>, vector<16xf32>,
          %get3A_452 = arith.index_cast %add3A_248 : i32 to index
          %get3A_453 = arith.constant 320 : index
          %get3A_454 = tpu.vector_load %arg7[%get3A_452, %get3A_453] {strides = array<i32>} : memref<77x768xf32, #tpu.memory_space<vmem>>, vector<16xf32>,
          %add3A_455 = arith.addf %get3A_451, %get3A_454 : vector<16xf32>
          %swap3A_456 = arith.index_cast %add3A_248 : i32 to index
          %swap3A_457 = arith.constant 320 : index
          %swap3A_458 = tpu.vector_load %arg8[%swap3A_456, %swap3A_457] {strides = array<i32>} : memref<77x768xf32, #tpu.memory_space<vmem>>, vector<16xf32>,
          tpu.vector_store %arg8[%swap3A_456, %swap3A_457], %add3A_455 {strides = array<i32>} : memref<77x768xf32, #tpu.memory_space<vmem>>, vector<16xf32>,
          %get3A_459 = arith.index_cast %scan3A_244 : i32 to index
          %get3A_460 = arith.constant 336 : index
          %get3A_461 = tpu.vector_load %arg9[%get3A_459, %get3A_460] {strides = array<i32>} : memref<8x768xf32, #tpu.memory_space<vmem>>, vector<16xf32>,
          %get3A_462 = arith.index_cast %add3A_248 : i32 to index
          %get3A_463 = arith.constant 336 : index
          %get3A_464 = tpu.vector_load %arg7[%get3A_462, %get3A_463] {strides = array<i32>} : memref<77x768xf32, #tpu.memory_space<vmem>>, vector<16xf32>,
          %add3A_465 = arith.addf %get3A_461, %get3A_464 : vector<16xf32>
          %swap3A_466 = arith.index_cast %add3A_248 : i32 to index
          %swap3A_467 = arith.constant 336 : index
          %swap3A_468 = tpu.vector_load %arg8[%swap3A_466, %swap3A_467] {strides = array<i32>} : memref<77x768xf32, #tpu.memory_space<vmem>>, vector<16xf32>,
          tpu.vector_store %arg8[%swap3A_466, %swap3A_467], %add3A_465 {strides = array<i32>} : memref<77x768xf32, #tpu.memory_space<vmem>>, vector<16xf32>,
          %get3A_469 = arith.index_cast %scan3A_244 : i32 to index
          %get3A_470 = arith.constant 352 : index
          %get3A_471 = tpu.vector_load %arg9[%get3A_469, %get3A_470] {strides = array<i32>} : memref<8x768xf32, #tpu.memory_space<vmem>>, vector<16xf32>,
          %get3A_472 = arith.index_cast %add3A_248 : i32 to index
          %get3A_473 = arith.constant 352 : index
          %get3A_474 = tpu.vector_load %arg7[%get3A_472, %get3A_473] {strides = array<i32>} : memref<77x768xf32, #tpu.memory_space<vmem>>, vector<16xf32>,
          %add3A_475 = arith.addf %get3A_471, %get3A_474 : vector<16xf32>
          %swap3A_476 = arith.index_cast %add3A_248 : i32 to index
          %swap3A_477 = arith.constant 352 : index
          %swap3A_478 = tpu.vector_load %arg8[%swap3A_476, %swap3A_477] {strides = array<i32>} : memref<77x768xf32, #tpu.memory_space<vmem>>, vector<16xf32>,
          tpu.vector_store %arg8[%swap3A_476, %swap3A_477], %add3A_475 {strides = array<i32>} : memref<77x768xf32, #tpu.memory_space<vmem>>, vector<16xf32>,
          %get3A_479 = arith.index_cast %scan3A_244 : i32 to index
          %get3A_480 = arith.constant 368 : index
          %get3A_481 = tpu.vector_load %arg9[%get3A_479, %get3A_480] {strides = array<i32>} : memref<8x768xf32, #tpu.memory_space<vmem>>, vector<16xf32>,
          %get3A_482 = arith.index_cast %add3A_248 : i32 to index
          %get3A_483 = arith.constant 368 : index
          %get3A_484 = tpu.vector_load %arg7[%get3A_482, %get3A_483] {strides = array<i32>} : memref<77x768xf32, #tpu.memory_space<vmem>>, vector<16xf32>,
          %add3A_485 = arith.addf %get3A_481, %get3A_484 : vector<16xf32>
          %swap3A_486 = arith.index_cast %add3A_248 : i32 to index
          %swap3A_487 = arith.constant 368 : index
          %swap3A_488 = tpu.vector_load %arg8[%swap3A_486, %swap3A_487] {strides = array<i32>} : memref<77x768xf32, #tpu.memory_space<vmem>>, vector<16xf32>,
          tpu.vector_store %arg8[%swap3A_486, %swap3A_487], %add3A_485 {strides = array<i32>} : memref<77x768xf32, #tpu.memory_space<vmem>>, vector<16xf32>,
          %get3A_489 = arith.index_cast %scan3A_244 : i32 to index
          %get3A_490 = arith.constant 384 : index
          %get3A_491 = tpu.vector_load %arg9[%get3A_489, %get3A_490] {strides = array<i32>} : memref<8x768xf32, #tpu.memory_space<vmem>>, vector<16xf32>,
          %get3A_492 = arith.index_cast %add3A_248 : i32 to index
          %get3A_493 = arith.constant 384 : index
          %get3A_494 = tpu.vector_load %arg7[%get3A_492, %get3A_493] {strides = array<i32>} : memref<77x768xf32, #tpu.memory_space<vmem>>, vector<16xf32>,
          %add3A_495 = arith.addf %get3A_491, %get3A_494 : vector<16xf32>
          %swap3A_496 = arith.index_cast %add3A_248 : i32 to index
          %swap3A_497 = arith.constant 384 : index
          %swap3A_498 = tpu.vector_load %arg8[%swap3A_496, %swap3A_497] {strides = array<i32>} : memref<77x768xf32, #tpu.memory_space<vmem>>, vector<16xf32>,
          tpu.vector_store %arg8[%swap3A_496, %swap3A_497], %add3A_495 {strides = array<i32>} : memref<77x768xf32, #tpu.memory_space<vmem>>, vector<16xf32>,
          %get3A_499 = arith.index_cast %scan3A_244 : i32 to index
          %get3A_500 = arith.constant 400 : index
          %get3A_501 = tpu.vector_load %arg9[%get3A_499, %get3A_500] {strides = array<i32>} : memref<8x768xf32, #tpu.memory_space<vmem>>, vector<16xf32>,
          %get3A_502 = arith.index_cast %add3A_248 : i32 to index
          %get3A_503 = arith.constant 400 : index
          %get3A_504 = tpu.vector_load %arg7[%get3A_502, %get3A_503] {strides = array<i32>} : memref<77x768xf32, #tpu.memory_space<vmem>>, vector<16xf32>,
          %add3A_505 = arith.addf %get3A_501, %get3A_504 : vector<16xf32>
          %swap3A_506 = arith.index_cast %add3A_248 : i32 to index
          %swap3A_507 = arith.constant 400 : index
          %swap3A_508 = tpu.vector_load %arg8[%swap3A_506, %swap3A_507] {strides = array<i32>} : memref<77x768xf32, #tpu.memory_space<vmem>>, vector<16xf32>,
          tpu.vector_store %arg8[%swap3A_506, %swap3A_507], %add3A_505 {strides = array<i32>} : memref<77x768xf32, #tpu.memory_space<vmem>>, vector<16xf32>,
          %get3A_509 = arith.index_cast %scan3A_244 : i32 to index
          %get3A_510 = arith.constant 416 : index
          %get3A_511 = tpu.vector_load %arg9[%get3A_509, %get3A_510] {strides = array<i32>} : memref<8x768xf32, #tpu.memory_space<vmem>>, vector<16xf32>,
          %get3A_512 = arith.index_cast %add3A_248 : i32 to index
          %get3A_513 = arith.constant 416 : index
          %get3A_514 = tpu.vector_load %arg7[%get3A_512, %get3A_513] {strides = array<i32>} : memref<77x768xf32, #tpu.memory_space<vmem>>, vector<16xf32>,
          %add3A_515 = arith.addf %get3A_511, %get3A_514 : vector<16xf32>
          %swap3A_516 = arith.index_cast %add3A_248 : i32 to index
          %swap3A_517 = arith.constant 416 : index
          %swap3A_518 = tpu.vector_load %arg8[%swap3A_516, %swap3A_517] {strides = array<i32>} : memref<77x768xf32, #tpu.memory_space<vmem>>, vector<16xf32>,
          tpu.vector_store %arg8[%swap3A_516, %swap3A_517], %add3A_515 {strides = array<i32>} : memref<77x768xf32, #tpu.memory_space<vmem>>, vector<16xf32>,
          %get3A_519 = arith.index_cast %scan3A_244 : i32 to index
          %get3A_520 = arith.constant 432 : index
          %get3A_521 = tpu.vector_load %arg9[%get3A_519, %get3A_520] {strides = array<i32>} : memref<8x768xf32, #tpu.memory_space<vmem>>, vector<16xf32>,
          %get3A_522 = arith.index_cast %add3A_248 : i32 to index
          %get3A_523 = arith.constant 432 : index
          %get3A_524 = tpu.vector_load %arg7[%get3A_522, %get3A_523] {strides = array<i32>} : memref<77x768xf32, #tpu.memory_space<vmem>>, vector<16xf32>,
          %add3A_525 = arith.addf %get3A_521, %get3A_524 : vector<16xf32>
          %swap3A_526 = arith.index_cast %add3A_248 : i32 to index
          %swap3A_527 = arith.constant 432 : index
          %swap3A_528 = tpu.vector_load %arg8[%swap3A_526, %swap3A_527] {strides = array<i32>} : memref<77x768xf32, #tpu.memory_space<vmem>>, vector<16xf32>,
          tpu.vector_store %arg8[%swap3A_526, %swap3A_527], %add3A_525 {strides = array<i32>} : memref<77x768xf32, #tpu.memory_space<vmem>>, vector<16xf32>,
          %get3A_529 = arith.index_cast %scan3A_244 : i32 to index
          %get3A_530 = arith.constant 448 : index
          %get3A_531 = tpu.vector_load %arg9[%get3A_529, %get3A_530] {strides = array<i32>} : memref<8x768xf32, #tpu.memory_space<vmem>>, vector<16xf32>,
          %get3A_532 = arith.index_cast %add3A_248 : i32 to index
          %get3A_533 = arith.constant 448 : index
          %get3A_534 = tpu.vector_load %arg7[%get3A_532, %get3A_533] {strides = array<i32>} : memref<77x768xf32, #tpu.memory_space<vmem>>, vector<16xf32>,
          %add3A_535 = arith.addf %get3A_531, %get3A_534 : vector<16xf32>
          %swap3A_536 = arith.index_cast %add3A_248 : i32 to index
          %swap3A_537 = arith.constant 448 : index
          %swap3A_538 = tpu.vector_load %arg8[%swap3A_536, %swap3A_537] {strides = array<i32>} : memref<77x768xf32, #tpu.memory_space<vmem>>, vector<16xf32>,
          tpu.vector_store %arg8[%swap3A_536, %swap3A_537], %add3A_535 {strides = array<i32>} : memref<77x768xf32, #tpu.memory_space<vmem>>, vector<16xf32>,
          %get3A_539 = arith.index_cast %scan3A_244 : i32 to index
          %get3A_540 = arith.constant 464 : index
          %get3A_541 = tpu.vector_load %arg9[%get3A_539, %get3A_540] {strides = array<i32>} : memref<8x768xf32, #tpu.memory_space<vmem>>, vector<16xf32>,
          %get3A_542 = arith.index_cast %add3A_248 : i32 to index
          %get3A_543 = arith.constant 464 : index
          %get3A_544 = tpu.vector_load %arg7[%get3A_542, %get3A_543] {strides = array<i32>} : memref<77x768xf32, #tpu.memory_space<vmem>>, vector<16xf32>,
          %add3A_545 = arith.addf %get3A_541, %get3A_544 : vector<16xf32>
          %swap3A_546 = arith.index_cast %add3A_248 : i32 to index
          %swap3A_547 = arith.constant 464 : index
          %swap3A_548 = tpu.vector_load %arg8[%swap3A_546, %swap3A_547] {strides = array<i32>} : memref<77x768xf32, #tpu.memory_space<vmem>>, vector<16xf32>,
          tpu.vector_store %arg8[%swap3A_546, %swap3A_547], %add3A_545 {strides = array<i32>} : memref<77x768xf32, #tpu.memory_space<vmem>>, vector<16xf32>,
          %get3A_549 = arith.index_cast %scan3A_244 : i32 to index
          %get3A_550 = arith.constant 480 : index
          %get3A_551 = tpu.vector_load %arg9[%get3A_549, %get3A_550] {strides = array<i32>} : memref<8x768xf32, #tpu.memory_space<vmem>>, vector<16xf32>,
          %get3A_552 = arith.index_cast %add3A_248 : i32 to index
          %get3A_553 = arith.constant 480 : index
          %get3A_554 = tpu.vector_load %arg7[%get3A_552, %get3A_553] {strides = array<i32>} : memref<77x768xf32, #tpu.memory_space<vmem>>, vector<16xf32>,
          %add3A_555 = arith.addf %get3A_551, %get3A_554 : vector<16xf32>
          %swap3A_556 = arith.index_cast %add3A_248 : i32 to index
          %swap3A_557 = arith.constant 480 : index
          %swap3A_558 = tpu.vector_load %arg8[%swap3A_556, %swap3A_557] {strides = array<i32>} : memref<77x768xf32, #tpu.memory_space<vmem>>, vector<16xf32>,
          tpu.vector_store %arg8[%swap3A_556, %swap3A_557], %add3A_555 {strides = array<i32>} : memref<77x768xf32, #tpu.memory_space<vmem>>, vector<16xf32>,
          %get3A_559 = arith.index_cast %scan3A_244 : i32 to index
          %get3A_560 = arith.constant 496 : index
          %get3A_561 = tpu.vector_load %arg9[%get3A_559, %get3A_560] {strides = array<i32>} : memref<8x768xf32, #tpu.memory_space<vmem>>, vector<16xf32>,
          %get3A_562 = arith.index_cast %add3A_248 : i32 to index
          %get3A_563 = arith.constant 496 : index
          %get3A_564 = tpu.vector_load %arg7[%get3A_562, %get3A_563] {strides = array<i32>} : memref<77x768xf32, #tpu.memory_space<vmem>>, vector<16xf32>,
          %add3A_565 = arith.addf %get3A_561, %get3A_564 : vector<16xf32>
          %swap3A_566 = arith.index_cast %add3A_248 : i32 to index
          %swap3A_567 = arith.constant 496 : index
          %swap3A_568 = tpu.vector_load %arg8[%swap3A_566, %swap3A_567] {strides = array<i32>} : memref<77x768xf32, #tpu.memory_space<vmem>>, vector<16xf32>,
          tpu.vector_store %arg8[%swap3A_566, %swap3A_567], %add3A_565 {strides = array<i32>} : memref<77x768xf32, #tpu.memory_space<vmem>>, vector<16xf32>,
          %get3A_569 = arith.index_cast %scan3A_244 : i32 to index
          %get3A_570 = arith.constant 512 : index
          %get3A_571 = tpu.vector_load %arg9[%get3A_569, %get3A_570] {strides = array<i32>} : memref<8x768xf32, #tpu.memory_space<vmem>>, vector<16xf32>,
          %get3A_572 = arith.index_cast %add3A_248 : i32 to index
          %get3A_573 = arith.constant 512 : index
          %get3A_574 = tpu.vector_load %arg7[%get3A_572, %get3A_573] {strides = array<i32>} : memref<77x768xf32, #tpu.memory_space<vmem>>, vector<16xf32>,
          %add3A_575 = arith.addf %get3A_571, %get3A_574 : vector<16xf32>
          %swap3A_576 = arith.index_cast %add3A_248 : i32 to index
          %swap3A_577 = arith.constant 512 : index
          %swap3A_578 = tpu.vector_load %arg8[%swap3A_576, %swap3A_577] {strides = array<i32>} : memref<77x768xf32, #tpu.memory_space<vmem>>, vector<16xf32>,
          tpu.vector_store %arg8[%swap3A_576, %swap3A_577], %add3A_575 {strides = array<i32>} : memref<77x768xf32, #tpu.memory_space<vmem>>, vector<16xf32>,
          %get3A_579 = arith.index_cast %scan3A_244 : i32 to index
          %get3A_580 = arith.constant 528 : index
          %get3A_581 = tpu.vector_load %arg9[%get3A_579, %get3A_580] {strides = array<i32>} : memref<8x768xf32, #tpu.memory_space<vmem>>, vector<16xf32>,
          %get3A_582 = arith.index_cast %add3A_248 : i32 to index
          %get3A_583 = arith.constant 528 : index
          %get3A_584 = tpu.vector_load %arg7[%get3A_582, %get3A_583] {strides = array<i32>} : memref<77x768xf32, #tpu.memory_space<vmem>>, vector<16xf32>,
          %add3A_585 = arith.addf %get3A_581, %get3A_584 : vector<16xf32>
          %swap3A_586 = arith.index_cast %add3A_248 : i32 to index
          %swap3A_587 = arith.constant 528 : index
          %swap3A_588 = tpu.vector_load %arg8[%swap3A_586, %swap3A_587] {strides = array<i32>} : memref<77x768xf32, #tpu.memory_space<vmem>>, vector<16xf32>,
          tpu.vector_store %arg8[%swap3A_586, %swap3A_587], %add3A_585 {strides = array<i32>} : memref<77x768xf32, #tpu.memory_space<vmem>>, vector<16xf32>,
          %get3A_589 = arith.index_cast %scan3A_244 : i32 to index
          %get3A_590 = arith.constant 544 : index
          %get3A_591 = tpu.vector_load %arg9[%get3A_589, %get3A_590] {strides = array<i32>} : memref<8x768xf32, #tpu.memory_space<vmem>>, vector<16xf32>,
          %get3A_592 = arith.index_cast %add3A_248 : i32 to index
          %get3A_593 = arith.constant 544 : index
          %get3A_594 = tpu.vector_load %arg7[%get3A_592, %get3A_593] {strides = array<i32>} : memref<77x768xf32, #tpu.memory_space<vmem>>, vector<16xf32>,
          %add3A_595 = arith.addf %get3A_591, %get3A_594 : vector<16xf32>
          %swap3A_596 = arith.index_cast %add3A_248 : i32 to index
          %swap3A_597 = arith.constant 544 : index
          %swap3A_598 = tpu.vector_load %arg8[%swap3A_596, %swap3A_597] {strides = array<i32>} : memref<77x768xf32, #tpu.memory_space<vmem>>, vector<16xf32>,
          tpu.vector_store %arg8[%swap3A_596, %swap3A_597], %add3A_595 {strides = array<i32>} : memref<77x768xf32, #tpu.memory_space<vmem>>, vector<16xf32>,
          %get3A_599 = arith.index_cast %scan3A_244 : i32 to index
          %get3A_600 = arith.constant 560 : index
          %get3A_601 = tpu.vector_load %arg9[%get3A_599, %get3A_600] {strides = array<i32>} : memref<8x768xf32, #tpu.memory_space<vmem>>, vector<16xf32>,
          %get3A_602 = arith.index_cast %add3A_248 : i32 to index
          %get3A_603 = arith.constant 560 : index
          %get3A_604 = tpu.vector_load %arg7[%get3A_602, %get3A_603] {strides = array<i32>} : memref<77x768xf32, #tpu.memory_space<vmem>>, vector<16xf32>,
          %add3A_605 = arith.addf %get3A_601, %get3A_604 : vector<16xf32>
          %swap3A_606 = arith.index_cast %add3A_248 : i32 to index
          %swap3A_607 = arith.constant 560 : index
          %swap3A_608 = tpu.vector_load %arg8[%swap3A_606, %swap3A_607] {strides = array<i32>} : memref<77x768xf32, #tpu.memory_space<vmem>>, vector<16xf32>,
          tpu.vector_store %arg8[%swap3A_606, %swap3A_607], %add3A_605 {strides = array<i32>} : memref<77x768xf32, #tpu.memory_space<vmem>>, vector<16xf32>,
          %get3A_609 = arith.index_cast %scan3A_244 : i32 to index
          %get3A_610 = arith.constant 576 : index
          %get3A_611 = tpu.vector_load %arg9[%get3A_609, %get3A_610] {strides = array<i32>} : memref<8x768xf32, #tpu.memory_space<vmem>>, vector<16xf32>,
          %get3A_612 = arith.index_cast %add3A_248 : i32 to index
          %get3A_613 = arith.constant 576 : index
          %get3A_614 = tpu.vector_load %arg7[%get3A_612, %get3A_613] {strides = array<i32>} : memref<77x768xf32, #tpu.memory_space<vmem>>, vector<16xf32>,
          %add3A_615 = arith.addf %get3A_611, %get3A_614 : vector<16xf32>
          %swap3A_616 = arith.index_cast %add3A_248 : i32 to index
          %swap3A_617 = arith.constant 576 : index
          %swap3A_618 = tpu.vector_load %arg8[%swap3A_616, %swap3A_617] {strides = array<i32>} : memref<77x768xf32, #tpu.memory_space<vmem>>, vector<16xf32>,
          tpu.vector_store %arg8[%swap3A_616, %swap3A_617], %add3A_615 {strides = array<i32>} : memref<77x768xf32, #tpu.memory_space<vmem>>, vector<16xf32>,
          %get3A_619 = arith.index_cast %scan3A_244 : i32 to index
          %get3A_620 = arith.constant 592 : index
          %get3A_621 = tpu.vector_load %arg9[%get3A_619, %get3A_620] {strides = array<i32>} : memref<8x768xf32, #tpu.memory_space<vmem>>, vector<16xf32>,
          %get3A_622 = arith.index_cast %add3A_248 : i32 to index
          %get3A_623 = arith.constant 592 : index
          %get3A_624 = tpu.vector_load %arg7[%get3A_622, %get3A_623] {strides = array<i32>} : memref<77x768xf32, #tpu.memory_space<vmem>>, vector<16xf32>,
          %add3A_625 = arith.addf %get3A_621, %get3A_624 : vector<16xf32>
          %swap3A_626 = arith.index_cast %add3A_248 : i32 to index
          %swap3A_627 = arith.constant 592 : index
          %swap3A_628 = tpu.vector_load %arg8[%swap3A_626, %swap3A_627] {strides = array<i32>} : memref<77x768xf32, #tpu.memory_space<vmem>>, vector<16xf32>,
          tpu.vector_store %arg8[%swap3A_626, %swap3A_627], %add3A_625 {strides = array<i32>} : memref<77x768xf32, #tpu.memory_space<vmem>>, vector<16xf32>,
          %get3A_629 = arith.index_cast %scan3A_244 : i32 to index
          %get3A_630 = arith.constant 608 : index
          %get3A_631 = tpu.vector_load %arg9[%get3A_629, %get3A_630] {strides = array<i32>} : memref<8x768xf32, #tpu.memory_space<vmem>>, vector<16xf32>,
          %get3A_632 = arith.index_cast %add3A_248 : i32 to index
          %get3A_633 = arith.constant 608 : index
          %get3A_634 = tpu.vector_load %arg7[%get3A_632, %get3A_633] {strides = array<i32>} : memref<77x768xf32, #tpu.memory_space<vmem>>, vector<16xf32>,
          %add3A_635 = arith.addf %get3A_631, %get3A_634 : vector<16xf32>
          %swap3A_636 = arith.index_cast %add3A_248 : i32 to index
          %swap3A_637 = arith.constant 608 : index
          %swap3A_638 = tpu.vector_load %arg8[%swap3A_636, %swap3A_637] {strides = array<i32>} : memref<77x768xf32, #tpu.memory_space<vmem>>, vector<16xf32>,
          tpu.vector_store %arg8[%swap3A_636, %swap3A_637], %add3A_635 {strides = array<i32>} : memref<77x768xf32, #tpu.memory_space<vmem>>, vector<16xf32>,
          %get3A_639 = arith.index_cast %scan3A_244 : i32 to index
          %get3A_640 = arith.constant 624 : index
          %get3A_641 = tpu.vector_load %arg9[%get3A_639, %get3A_640] {strides = array<i32>} : memref<8x768xf32, #tpu.memory_space<vmem>>, vector<16xf32>,
          %get3A_642 = arith.index_cast %add3A_248 : i32 to index
          %get3A_643 = arith.constant 624 : index
          %get3A_644 = tpu.vector_load %arg7[%get3A_642, %get3A_643] {strides = array<i32>} : memref<77x768xf32, #tpu.memory_space<vmem>>, vector<16xf32>,
          %add3A_645 = arith.addf %get3A_641, %get3A_644 : vector<16xf32>
          %swap3A_646 = arith.index_cast %add3A_248 : i32 to index
          %swap3A_647 = arith.constant 624 : index
          %swap3A_648 = tpu.vector_load %arg8[%swap3A_646, %swap3A_647] {strides = array<i32>} : memref<77x768xf32, #tpu.memory_space<vmem>>, vector<16xf32>,
          tpu.vector_store %arg8[%swap3A_646, %swap3A_647], %add3A_645 {strides = array<i32>} : memref<77x768xf32, #tpu.memory_space<vmem>>, vector<16xf32>,
          %get3A_649 = arith.index_cast %scan3A_244 : i32 to index
          %get3A_650 = arith.constant 640 : index
          %get3A_651 = tpu.vector_load %arg9[%get3A_649, %get3A_650] {strides = array<i32>} : memref<8x768xf32, #tpu.memory_space<vmem>>, vector<16xf32>,
          %get3A_652 = arith.index_cast %add3A_248 : i32 to index
          %get3A_653 = arith.constant 640 : index
          %get3A_654 = tpu.vector_load %arg7[%get3A_652, %get3A_653] {strides = array<i32>} : memref<77x768xf32, #tpu.memory_space<vmem>>, vector<16xf32>,
          %add3A_655 = arith.addf %get3A_651, %get3A_654 : vector<16xf32>
          %swap3A_656 = arith.index_cast %add3A_248 : i32 to index
          %swap3A_657 = arith.constant 640 : index
          %swap3A_658 = tpu.vector_load %arg8[%swap3A_656, %swap3A_657] {strides = array<i32>} : memref<77x768xf32, #tpu.memory_space<vmem>>, vector<16xf32>,
          tpu.vector_store %arg8[%swap3A_656, %swap3A_657], %add3A_655 {strides = array<i32>} : memref<77x768xf32, #tpu.memory_space<vmem>>, vector<16xf32>,
          %get3A_659 = arith.index_cast %scan3A_244 : i32 to index
          %get3A_660 = arith.constant 656 : index
          %get3A_661 = tpu.vector_load %arg9[%get3A_659, %get3A_660] {strides = array<i32>} : memref<8x768xf32, #tpu.memory_space<vmem>>, vector<16xf32>,
          %get3A_662 = arith.index_cast %add3A_248 : i32 to index
          %get3A_663 = arith.constant 656 : index
          %get3A_664 = tpu.vector_load %arg7[%get3A_662, %get3A_663] {strides = array<i32>} : memref<77x768xf32, #tpu.memory_space<vmem>>, vector<16xf32>,
          %add3A_665 = arith.addf %get3A_661, %get3A_664 : vector<16xf32>
          %swap3A_666 = arith.index_cast %add3A_248 : i32 to index
          %swap3A_667 = arith.constant 656 : index
          %swap3A_668 = tpu.vector_load %arg8[%swap3A_666, %swap3A_667] {strides = array<i32>} : memref<77x768xf32, #tpu.memory_space<vmem>>, vector<16xf32>,
          tpu.vector_store %arg8[%swap3A_666, %swap3A_667], %add3A_665 {strides = array<i32>} : memref<77x768xf32, #tpu.memory_space<vmem>>, vector<16xf32>,
          %get3A_669 = arith.index_cast %scan3A_244 : i32 to index
          %get3A_670 = arith.constant 672 : index
          %get3A_671 = tpu.vector_load %arg9[%get3A_669, %get3A_670] {strides = array<i32>} : memref<8x768xf32, #tpu.memory_space<vmem>>, vector<16xf32>,
          %get3A_672 = arith.index_cast %add3A_248 : i32 to index
          %get3A_673 = arith.constant 672 : index
          %get3A_674 = tpu.vector_load %arg7[%get3A_672, %get3A_673] {strides = array<i32>} : memref<77x768xf32, #tpu.memory_space<vmem>>, vector<16xf32>,
          %add3A_675 = arith.addf %get3A_671, %get3A_674 : vector<16xf32>
          %swap3A_676 = arith.index_cast %add3A_248 : i32 to index
          %swap3A_677 = arith.constant 672 : index
          %swap3A_678 = tpu.vector_load %arg8[%swap3A_676, %swap3A_677] {strides = array<i32>} : memref<77x768xf32, #tpu.memory_space<vmem>>, vector<16xf32>,
          tpu.vector_store %arg8[%swap3A_676, %swap3A_677], %add3A_675 {strides = array<i32>} : memref<77x768xf32, #tpu.memory_space<vmem>>, vector<16xf32>,
          %get3A_679 = arith.index_cast %scan3A_244 : i32 to index
          %get3A_680 = arith.constant 688 : index
          %get3A_681 = tpu.vector_load %arg9[%get3A_679, %get3A_680] {strides = array<i32>} : memref<8x768xf32, #tpu.memory_space<vmem>>, vector<16xf32>,
          %get3A_682 = arith.index_cast %add3A_248 : i32 to index
          %get3A_683 = arith.constant 688 : index
          %get3A_684 = tpu.vector_load %arg7[%get3A_682, %get3A_683] {strides = array<i32>} : memref<77x768xf32, #tpu.memory_space<vmem>>, vector<16xf32>,
          %add3A_685 = arith.addf %get3A_681, %get3A_684 : vector<16xf32>
          %swap3A_686 = arith.index_cast %add3A_248 : i32 to index
          %swap3A_687 = arith.constant 688 : index
          %swap3A_688 = tpu.vector_load %arg8[%swap3A_686, %swap3A_687] {strides = array<i32>} : memref<77x768xf32, #tpu.memory_space<vmem>>, vector<16xf32>,
          tpu.vector_store %arg8[%swap3A_686, %swap3A_687], %add3A_685 {strides = array<i32>} : memref<77x768xf32, #tpu.memory_space<vmem>>, vector<16xf32>,
          %get3A_689 = arith.index_cast %scan3A_244 : i32 to index
          %get3A_690 = arith.constant 704 : index
          %get3A_691 = tpu.vector_load %arg9[%get3A_689, %get3A_690] {strides = array<i32>} : memref<8x768xf32, #tpu.memory_space<vmem>>, vector<16xf32>,
          %get3A_692 = arith.index_cast %add3A_248 : i32 to index
          %get3A_693 = arith.constant 704 : index
          %get3A_694 = tpu.vector_load %arg7[%get3A_692, %get3A_693] {strides = array<i32>} : memref<77x768xf32, #tpu.memory_space<vmem>>, vector<16xf32>,
          %add3A_695 = arith.addf %get3A_691, %get3A_694 : vector<16xf32>
          %swap3A_696 = arith.index_cast %add3A_248 : i32 to index
          %swap3A_697 = arith.constant 704 : index
          %swap3A_698 = tpu.vector_load %arg8[%swap3A_696, %swap3A_697] {strides = array<i32>} : memref<77x768xf32, #tpu.memory_space<vmem>>, vector<16xf32>,
          tpu.vector_store %arg8[%swap3A_696, %swap3A_697], %add3A_695 {strides = array<i32>} : memref<77x768xf32, #tpu.memory_space<vmem>>, vector<16xf32>,
          %get3A_699 = arith.index_cast %scan3A_244 : i32 to index
          %get3A_700 = arith.constant 720 : index
          %get3A_701 = tpu.vector_load %arg9[%get3A_699, %get3A_700] {strides = array<i32>} : memref<8x768xf32, #tpu.memory_space<vmem>>, vector<16xf32>,
          %get3A_702 = arith.index_cast %add3A_248 : i32 to index
          %get3A_703 = arith.constant 720 : index
          %get3A_704 = tpu.vector_load %arg7[%get3A_702, %get3A_703] {strides = array<i32>} : memref<77x768xf32, #tpu.memory_space<vmem>>, vector<16xf32>,
          %add3A_705 = arith.addf %get3A_701, %get3A_704 : vector<16xf32>
          %swap3A_706 = arith.index_cast %add3A_248 : i32 to index
          %swap3A_707 = arith.constant 720 : index
          %swap3A_708 = tpu.vector_load %arg8[%swap3A_706, %swap3A_707] {strides = array<i32>} : memref<77x768xf32, #tpu.memory_space<vmem>>, vector<16xf32>,
          tpu.vector_store %arg8[%swap3A_706, %swap3A_707], %add3A_705 {strides = array<i32>} : memref<77x768xf32, #tpu.memory_space<vmem>>, vector<16xf32>,
          %get3A_709 = arith.index_cast %scan3A_244 : i32 to index
          %get3A_710 = arith.constant 736 : index
          %get3A_711 = tpu.vector_load %arg9[%get3A_709, %get3A_710] {strides = array<i32>} : memref<8x768xf32, #tpu.memory_space<vmem>>, vector<16xf32>,
          %get3A_712 = arith.index_cast %add3A_248 : i32 to index
          %get3A_713 = arith.constant 736 : index
          %get3A_714 = tpu.vector_load %arg7[%get3A_712, %get3A_713] {strides = array<i32>} : memref<77x768xf32, #tpu.memory_space<vmem>>, vector<16xf32>,
          %add3A_715 = arith.addf %get3A_711, %get3A_714 : vector<16xf32>
          %swap3A_716 = arith.index_cast %add3A_248 : i32 to index
          %swap3A_717 = arith.constant 736 : index
          %swap3A_718 = tpu.vector_load %arg8[%swap3A_716, %swap3A_717] {strides = array<i32>} : memref<77x768xf32, #tpu.memory_space<vmem>>, vector<16xf32>,
          tpu.vector_store %arg8[%swap3A_716, %swap3A_717], %add3A_715 {strides = array<i32>} : memref<77x768xf32, #tpu.memory_space<vmem>>, vector<16xf32>,
          %get3A_719 = arith.index_cast %scan3A_244 : i32 to index
          %get3A_720 = arith.constant 752 : index
          %get3A_721 = tpu.vector_load %arg9[%get3A_719, %get3A_720] {strides = array<i32>} : memref<8x768xf32, #tpu.memory_space<vmem>>, vector<16xf32>,
          %get3A_722 = arith.index_cast %add3A_248 : i32 to index
          %get3A_723 = arith.constant 752 : index
          %get3A_724 = tpu.vector_load %arg7[%get3A_722, %get3A_723] {strides = array<i32>} : memref<77x768xf32, #tpu.memory_space<vmem>>, vector<16xf32>,
          %add3A_725 = arith.addf %get3A_721, %get3A_724 : vector<16xf32>
          %swap3A_726 = arith.index_cast %add3A_248 : i32 to index
          %swap3A_727 = arith.constant 752 : index
          %swap3A_728 = tpu.vector_load %arg8[%swap3A_726, %swap3A_727] {strides = array<i32>} : memref<77x768xf32, #tpu.memory_space<vmem>>, vector<16xf32>,
          tpu.vector_store %arg8[%swap3A_726, %swap3A_727], %add3A_725 {strides = array<i32>} : memref<77x768xf32, #tpu.memory_space<vmem>>, vector<16xf32>,
          %scan3A_729 = arith.constant 0 : i32
          scf.yield %scan3A_729 : i32
        }
        %scan3A_236 = arith.constant 8 : i32
        "tpu.region"() ({
          %run_scoped3A = tpu.sem_alloc : memref<!tpu.dma_semaphore, #tpu.memory_space<semaphore_mem>>
          %dma_start3A_244 = arith.constant 0 : i32
          %dma_start3A_245 = arith.constant 0 : i32
          %dma_start3A_246 = tpu.memref_slice %arg2[%add3A_21, %dma_start3A_244, %dma_start3A_245] : memref<1024x16x768xf32, #tpu.memory_space<hbm>> -> memref<1x8x768xf32, #tpu.memory_space<hbm>>
          %dma_start3A_247 = tpu.memref_squeeze %dma_start3A_246 : memref<1x8x768xf32, #tpu.memory_space<hbm>> -> memref<8x768xf32, #tpu.memory_space<hbm>>
          %dma_start3A_248 = arith.constant 0 : i32
          %dma_start3A_249 = arith.constant 0 : i32
          %dma_start3A_250 = tpu.memref_slice %arg2[%add3A_21, %dma_start3A_248, %dma_start3A_249] : memref<1024x16x768xf32, #tpu.memory_space<hbm>> -> memref<1x8x768xf32, #tpu.memory_space<hbm>>
          %dma_start3A_251 = tpu.memref_squeeze %dma_start3A_250 : memref<1x8x768xf32, #tpu.memory_space<hbm>> -> memref<8x768xf32, #tpu.memory_space<hbm>>
          tpu.enqueue_dma source(%dma_start3A_251 : memref<8x768xf32, #tpu.memory_space<hbm>>) target(%arg9 : memref<8x768xf32, #tpu.memory_space<vmem>>) target_semaphore(%run_scoped3A : memref<!tpu.dma_semaphore, #tpu.memory_space<semaphore_mem>>)
          %dma_wait3A_252 = arith.constant 0 : i32
          %dma_wait3A_253 = arith.constant 0 : i32
          %dma_wait3A_254 = tpu.memref_slice %arg2[%add3A_21, %dma_wait3A_252, %dma_wait3A_253] : memref<1024x16x768xf32, #tpu.memory_space<hbm>> -> memref<1x8x768xf32, #tpu.memory_space<hbm>>
          %dma_wait3A_255 = tpu.memref_squeeze %dma_wait3A_254 : memref<1x8x768xf32, #tpu.memory_space<hbm>> -> memref<8x768xf32, #tpu.memory_space<hbm>>
          %dma_wait3A_256 = arith.constant 0 : i32
          %dma_wait3A_257 = arith.constant 0 : i32
          %dma_wait3A_258 = tpu.memref_slice %arg2[%add3A_21, %dma_wait3A_256, %dma_wait3A_257] : memref<1024x16x768xf32, #tpu.memory_space<hbm>> -> memref<1x8x768xf32, #tpu.memory_space<hbm>>
          %dma_wait3A_259 = tpu.memref_squeeze %dma_wait3A_258 : memref<1x8x768xf32, #tpu.memory_space<hbm>> -> memref<8x768xf32, #tpu.memory_space<hbm>>
          tpu.wait_dma2 semaphore(%run_scoped3A : memref<!tpu.dma_semaphore, #tpu.memory_space<semaphore_mem>>) src(%dma_wait3A_259 : memref<8x768xf32, #tpu.memory_space<hbm>>) dst(%arg9 : memref<8x768xf32, #tpu.memory_space<vmem>>)
          tpu.yield
        }) : () -> ()
        %scan3A_237 = arith.constant 0 : i32
        %scan3A_238 = arith.constant 0 : i32
        %scan3A_239 = arith.constant 8 : i32
        %scan3A_240 = arith.addi %scan3A_238, %scan3A_239 : i32
        %scan3A_241 = arith.constant 1 : i32
        %scan3A_242 = scf.for %scan3A_244 = %scan3A_238 to %scan3A_240 step %scan3A_241 iter_args(%scan3A_245 = %scan3A_237) -> (i32)  : i32 {
          %add3A_246 = arith.constant 0 : i32
          %add3A_247 = arith.addi %select_n3A_209, %add3A_246 : i32
          %add3A_248 = arith.addi %add3A_247, %scan3A_244 : i32
          %get3A_249 = arith.index_cast %scan3A_244 : i32 to index
          %get3A_250 = arith.constant 0 : index
          %get3A_251 = tpu.vector_load %arg9[%get3A_249, %get3A_250] {strides = array<i32>} : memref<8x768xf32, #tpu.memory_space<vmem>>, vector<16xf32>,
          %get3A_252 = arith.index_cast %add3A_248 : i32 to index
          %get3A_253 = arith.constant 0 : index
          %get3A_254 = tpu.vector_load %arg7[%get3A_252, %get3A_253] {strides = array<i32>} : memref<77x768xf32, #tpu.memory_space<vmem>>, vector<16xf32>,
          %add3A_255 = arith.addf %get3A_251, %get3A_254 : vector<16xf32>
          %swap3A_256 = arith.index_cast %add3A_248 : i32 to index
          %swap3A_257 = arith.constant 0 : index
          %swap3A_258 = tpu.vector_load %arg8[%swap3A_256, %swap3A_257] {strides = array<i32>} : memref<77x768xf32, #tpu.memory_space<vmem>>, vector<16xf32>,
          tpu.vector_store %arg8[%swap3A_256, %swap3A_257], %add3A_255 {strides = array<i32>} : memref<77x768xf32, #tpu.memory_space<vmem>>, vector<16xf32>,
          %get3A_259 = arith.index_cast %scan3A_244 : i32 to index
          %get3A_260 = arith.constant 16 : index
          %get3A_261 = tpu.vector_load %arg9[%get3A_259, %get3A_260] {strides = array<i32>} : memref<8x768xf32, #tpu.memory_space<vmem>>, vector<16xf32>,
          %get3A_262 = arith.index_cast %add3A_248 : i32 to index
          %get3A_263 = arith.constant 16 : index
          %get3A_264 = tpu.vector_load %arg7[%get3A_262, %get3A_263] {strides = array<i32>} : memref<77x768xf32, #tpu.memory_space<vmem>>, vector<16xf32>,
          %add3A_265 = arith.addf %get3A_261, %get3A_264 : vector<16xf32>
          %swap3A_266 = arith.index_cast %add3A_248 : i32 to index
          %swap3A_267 = arith.constant 16 : index
          %swap3A_268 = tpu.vector_load %arg8[%swap3A_266, %swap3A_267] {strides = array<i32>} : memref<77x768xf32, #tpu.memory_space<vmem>>, vector<16xf32>,
          tpu.vector_store %arg8[%swap3A_266, %swap3A_267], %add3A_265 {strides = array<i32>} : memref<77x768xf32, #tpu.memory_space<vmem>>, vector<16xf32>,
          %get3A_269 = arith.index_cast %scan3A_244 : i32 to index
          %get3A_270 = arith.constant 32 : index
          %get3A_271 = tpu.vector_load %arg9[%get3A_269, %get3A_270] {strides = array<i32>} : memref<8x768xf32, #tpu.memory_space<vmem>>, vector<16xf32>,
          %get3A_272 = arith.index_cast %add3A_248 : i32 to index
          %get3A_273 = arith.constant 32 : index
          %get3A_274 = tpu.vector_load %arg7[%get3A_272, %get3A_273] {strides = array<i32>} : memref<77x768xf32, #tpu.memory_space<vmem>>, vector<16xf32>,
          %add3A_275 = arith.addf %get3A_271, %get3A_274 : vector<16xf32>
          %swap3A_276 = arith.index_cast %add3A_248 : i32 to index
          %swap3A_277 = arith.constant 32 : index
          %swap3A_278 = tpu.vector_load %arg8[%swap3A_276, %swap3A_277] {strides = array<i32>} : memref<77x768xf32, #tpu.memory_space<vmem>>, vector<16xf32>,
          tpu.vector_store %arg8[%swap3A_276, %swap3A_277], %add3A_275 {strides = array<i32>} : memref<77x768xf32, #tpu.memory_space<vmem>>, vector<16xf32>,
          %get3A_279 = arith.index_cast %scan3A_244 : i32 to index
          %get3A_280 = arith.constant 48 : index
          %get3A_281 = tpu.vector_load %arg9[%get3A_279, %get3A_280] {strides = array<i32>} : memref<8x768xf32, #tpu.memory_space<vmem>>, vector<16xf32>,
          %get3A_282 = arith.index_cast %add3A_248 : i32 to index
          %get3A_283 = arith.constant 48 : index
          %get3A_284 = tpu.vector_load %arg7[%get3A_282, %get3A_283] {strides = array<i32>} : memref<77x768xf32, #tpu.memory_space<vmem>>, vector<16xf32>,
          %add3A_285 = arith.addf %get3A_281, %get3A_284 : vector<16xf32>
          %swap3A_286 = arith.index_cast %add3A_248 : i32 to index
          %swap3A_287 = arith.constant 48 : index
          %swap3A_288 = tpu.vector_load %arg8[%swap3A_286, %swap3A_287] {strides = array<i32>} : memref<77x768xf32, #tpu.memory_space<vmem>>, vector<16xf32>,
          tpu.vector_store %arg8[%swap3A_286, %swap3A_287], %add3A_285 {strides = array<i32>} : memref<77x768xf32, #tpu.memory_space<vmem>>, vector<16xf32>,
          %get3A_289 = arith.index_cast %scan3A_244 : i32 to index
          %get3A_290 = arith.constant 64 : index
          %get3A_291 = tpu.vector_load %arg9[%get3A_289, %get3A_290] {strides = array<i32>} : memref<8x768xf32, #tpu.memory_space<vmem>>, vector<16xf32>,
          %get3A_292 = arith.index_cast %add3A_248 : i32 to index
          %get3A_293 = arith.constant 64 : index
          %get3A_294 = tpu.vector_load %arg7[%get3A_292, %get3A_293] {strides = array<i32>} : memref<77x768xf32, #tpu.memory_space<vmem>>, vector<16xf32>,
          %add3A_295 = arith.addf %get3A_291, %get3A_294 : vector<16xf32>
          %swap3A_296 = arith.index_cast %add3A_248 : i32 to index
          %swap3A_297 = arith.constant 64 : index
          %swap3A_298 = tpu.vector_load %arg8[%swap3A_296, %swap3A_297] {strides = array<i32>} : memref<77x768xf32, #tpu.memory_space<vmem>>, vector<16xf32>,
          tpu.vector_store %arg8[%swap3A_296, %swap3A_297], %add3A_295 {strides = array<i32>} : memref<77x768xf32, #tpu.memory_space<vmem>>, vector<16xf32>,
          %get3A_299 = arith.index_cast %scan3A_244 : i32 to index
          %get3A_300 = arith.constant 80 : index
          %get3A_301 = tpu.vector_load %arg9[%get3A_299, %get3A_300] {strides = array<i32>} : memref<8x768xf32, #tpu.memory_space<vmem>>, vector<16xf32>,
          %get3A_302 = arith.index_cast %add3A_248 : i32 to index
          %get3A_303 = arith.constant 80 : index
          %get3A_304 = tpu.vector_load %arg7[%get3A_302, %get3A_303] {strides = array<i32>} : memref<77x768xf32, #tpu.memory_space<vmem>>, vector<16xf32>,
          %add3A_305 = arith.addf %get3A_301, %get3A_304 : vector<16xf32>
          %swap3A_306 = arith.index_cast %add3A_248 : i32 to index
          %swap3A_307 = arith.constant 80 : index
          %swap3A_308 = tpu.vector_load %arg8[%swap3A_306, %swap3A_307] {strides = array<i32>} : memref<77x768xf32, #tpu.memory_space<vmem>>, vector<16xf32>,
          tpu.vector_store %arg8[%swap3A_306, %swap3A_307], %add3A_305 {strides = array<i32>} : memref<77x768xf32, #tpu.memory_space<vmem>>, vector<16xf32>,
          %get3A_309 = arith.index_cast %scan3A_244 : i32 to index
          %get3A_310 = arith.constant 96 : index
          %get3A_311 = tpu.vector_load %arg9[%get3A_309, %get3A_310] {strides = array<i32>} : memref<8x768xf32, #tpu.memory_space<vmem>>, vector<16xf32>,
          %get3A_312 = arith.index_cast %add3A_248 : i32 to index
          %get3A_313 = arith.constant 96 : index
          %get3A_314 = tpu.vector_load %arg7[%get3A_312, %get3A_313] {strides = array<i32>} : memref<77x768xf32, #tpu.memory_space<vmem>>, vector<16xf32>,
          %add3A_315 = arith.addf %get3A_311, %get3A_314 : vector<16xf32>
          %swap3A_316 = arith.index_cast %add3A_248 : i32 to index
          %swap3A_317 = arith.constant 96 : index
          %swap3A_318 = tpu.vector_load %arg8[%swap3A_316, %swap3A_317] {strides = array<i32>} : memref<77x768xf32, #tpu.memory_space<vmem>>, vector<16xf32>,
          tpu.vector_store %arg8[%swap3A_316, %swap3A_317], %add3A_315 {strides = array<i32>} : memref<77x768xf32, #tpu.memory_space<vmem>>, vector<16xf32>,
          %get3A_319 = arith.index_cast %scan3A_244 : i32 to index
          %get3A_320 = arith.constant 112 : index
          %get3A_321 = tpu.vector_load %arg9[%get3A_319, %get3A_320] {strides = array<i32>} : memref<8x768xf32, #tpu.memory_space<vmem>>, vector<16xf32>,
          %get3A_322 = arith.index_cast %add3A_248 : i32 to index
          %get3A_323 = arith.constant 112 : index
          %get3A_324 = tpu.vector_load %arg7[%get3A_322, %get3A_323] {strides = array<i32>} : memref<77x768xf32, #tpu.memory_space<vmem>>, vector<16xf32>,
          %add3A_325 = arith.addf %get3A_321, %get3A_324 : vector<16xf32>
          %swap3A_326 = arith.index_cast %add3A_248 : i32 to index
          %swap3A_327 = arith.constant 112 : index
          %swap3A_328 = tpu.vector_load %arg8[%swap3A_326, %swap3A_327] {strides = array<i32>} : memref<77x768xf32, #tpu.memory_space<vmem>>, vector<16xf32>,
          tpu.vector_store %arg8[%swap3A_326, %swap3A_327], %add3A_325 {strides = array<i32>} : memref<77x768xf32, #tpu.memory_space<vmem>>, vector<16xf32>,
          %get3A_329 = arith.index_cast %scan3A_244 : i32 to index
          %get3A_330 = arith.constant 128 : index
          %get3A_331 = tpu.vector_load %arg9[%get3A_329, %get3A_330] {strides = array<i32>} : memref<8x768xf32, #tpu.memory_space<vmem>>, vector<16xf32>,
          %get3A_332 = arith.index_cast %add3A_248 : i32 to index
          %get3A_333 = arith.constant 128 : index
          %get3A_334 = tpu.vector_load %arg7[%get3A_332, %get3A_333] {strides = array<i32>} : memref<77x768xf32, #tpu.memory_space<vmem>>, vector<16xf32>,
          %add3A_335 = arith.addf %get3A_331, %get3A_334 : vector<16xf32>
          %swap3A_336 = arith.index_cast %add3A_248 : i32 to index
          %swap3A_337 = arith.constant 128 : index
          %swap3A_338 = tpu.vector_load %arg8[%swap3A_336, %swap3A_337] {strides = array<i32>} : memref<77x768xf32, #tpu.memory_space<vmem>>, vector<16xf32>,
          tpu.vector_store %arg8[%swap3A_336, %swap3A_337], %add3A_335 {strides = array<i32>} : memref<77x768xf32, #tpu.memory_space<vmem>>, vector<16xf32>,
          %get3A_339 = arith.index_cast %scan3A_244 : i32 to index
          %get3A_340 = arith.constant 144 : index
          %get3A_341 = tpu.vector_load %arg9[%get3A_339, %get3A_340] {strides = array<i32>} : memref<8x768xf32, #tpu.memory_space<vmem>>, vector<16xf32>,
          %get3A_342 = arith.index_cast %add3A_248 : i32 to index
          %get3A_343 = arith.constant 144 : index
          %get3A_344 = tpu.vector_load %arg7[%get3A_342, %get3A_343] {strides = array<i32>} : memref<77x768xf32, #tpu.memory_space<vmem>>, vector<16xf32>,
          %add3A_345 = arith.addf %get3A_341, %get3A_344 : vector<16xf32>
          %swap3A_346 = arith.index_cast %add3A_248 : i32 to index
          %swap3A_347 = arith.constant 144 : index
          %swap3A_348 = tpu.vector_load %arg8[%swap3A_346, %swap3A_347] {strides = array<i32>} : memref<77x768xf32, #tpu.memory_space<vmem>>, vector<16xf32>,
          tpu.vector_store %arg8[%swap3A_346, %swap3A_347], %add3A_345 {strides = array<i32>} : memref<77x768xf32, #tpu.memory_space<vmem>>, vector<16xf32>,
          %get3A_349 = arith.index_cast %scan3A_244 : i32 to index
          %get3A_350 = arith.constant 160 : index
          %get3A_351 = tpu.vector_load %arg9[%get3A_349, %get3A_350] {strides = array<i32>} : memref<8x768xf32, #tpu.memory_space<vmem>>, vector<16xf32>,
          %get3A_352 = arith.index_cast %add3A_248 : i32 to index
          %get3A_353 = arith.constant 160 : index
          %get3A_354 = tpu.vector_load %arg7[%get3A_352, %get3A_353] {strides = array<i32>} : memref<77x768xf32, #tpu.memory_space<vmem>>, vector<16xf32>,
          %add3A_355 = arith.addf %get3A_351, %get3A_354 : vector<16xf32>
          %swap3A_356 = arith.index_cast %add3A_248 : i32 to index
          %swap3A_357 = arith.constant 160 : index
          %swap3A_358 = tpu.vector_load %arg8[%swap3A_356, %swap3A_357] {strides = array<i32>} : memref<77x768xf32, #tpu.memory_space<vmem>>, vector<16xf32>,
          tpu.vector_store %arg8[%swap3A_356, %swap3A_357], %add3A_355 {strides = array<i32>} : memref<77x768xf32, #tpu.memory_space<vmem>>, vector<16xf32>,
          %get3A_359 = arith.index_cast %scan3A_244 : i32 to index
          %get3A_360 = arith.constant 176 : index
          %get3A_361 = tpu.vector_load %arg9[%get3A_359, %get3A_360] {strides = array<i32>} : memref<8x768xf32, #tpu.memory_space<vmem>>, vector<16xf32>,
          %get3A_362 = arith.index_cast %add3A_248 : i32 to index
          %get3A_363 = arith.constant 176 : index
          %get3A_364 = tpu.vector_load %arg7[%get3A_362, %get3A_363] {strides = array<i32>} : memref<77x768xf32, #tpu.memory_space<vmem>>, vector<16xf32>,
          %add3A_365 = arith.addf %get3A_361, %get3A_364 : vector<16xf32>
          %swap3A_366 = arith.index_cast %add3A_248 : i32 to index
          %swap3A_367 = arith.constant 176 : index
          %swap3A_368 = tpu.vector_load %arg8[%swap3A_366, %swap3A_367] {strides = array<i32>} : memref<77x768xf32, #tpu.memory_space<vmem>>, vector<16xf32>,
          tpu.vector_store %arg8[%swap3A_366, %swap3A_367], %add3A_365 {strides = array<i32>} : memref<77x768xf32, #tpu.memory_space<vmem>>, vector<16xf32>,
          %get3A_369 = arith.index_cast %scan3A_244 : i32 to index
          %get3A_370 = arith.constant 192 : index
          %get3A_371 = tpu.vector_load %arg9[%get3A_369, %get3A_370] {strides = array<i32>} : memref<8x768xf32, #tpu.memory_space<vmem>>, vector<16xf32>,
          %get3A_372 = arith.index_cast %add3A_248 : i32 to index
          %get3A_373 = arith.constant 192 : index
          %get3A_374 = tpu.vector_load %arg7[%get3A_372, %get3A_373] {strides = array<i32>} : memref<77x768xf32, #tpu.memory_space<vmem>>, vector<16xf32>,
          %add3A_375 = arith.addf %get3A_371, %get3A_374 : vector<16xf32>
          %swap3A_376 = arith.index_cast %add3A_248 : i32 to index
          %swap3A_377 = arith.constant 192 : index
          %swap3A_378 = tpu.vector_load %arg8[%swap3A_376, %swap3A_377] {strides = array<i32>} : memref<77x768xf32, #tpu.memory_space<vmem>>, vector<16xf32>,
          tpu.vector_store %arg8[%swap3A_376, %swap3A_377], %add3A_375 {strides = array<i32>} : memref<77x768xf32, #tpu.memory_space<vmem>>, vector<16xf32>,
          %get3A_379 = arith.index_cast %scan3A_244 : i32 to index
          %get3A_380 = arith.constant 208 : index
          %get3A_381 = tpu.vector_load %arg9[%get3A_379, %get3A_380] {strides = array<i32>} : memref<8x768xf32, #tpu.memory_space<vmem>>, vector<16xf32>,
          %get3A_382 = arith.index_cast %add3A_248 : i32 to index
          %get3A_383 = arith.constant 208 : index
          %get3A_384 = tpu.vector_load %arg7[%get3A_382, %get3A_383] {strides = array<i32>} : memref<77x768xf32, #tpu.memory_space<vmem>>, vector<16xf32>,
          %add3A_385 = arith.addf %get3A_381, %get3A_384 : vector<16xf32>
          %swap3A_386 = arith.index_cast %add3A_248 : i32 to index
          %swap3A_387 = arith.constant 208 : index
          %swap3A_388 = tpu.vector_load %arg8[%swap3A_386, %swap3A_387] {strides = array<i32>} : memref<77x768xf32, #tpu.memory_space<vmem>>, vector<16xf32>,
          tpu.vector_store %arg8[%swap3A_386, %swap3A_387], %add3A_385 {strides = array<i32>} : memref<77x768xf32, #tpu.memory_space<vmem>>, vector<16xf32>,
          %get3A_389 = arith.index_cast %scan3A_244 : i32 to index
          %get3A_390 = arith.constant 224 : index
          %get3A_391 = tpu.vector_load %arg9[%get3A_389, %get3A_390] {strides = array<i32>} : memref<8x768xf32, #tpu.memory_space<vmem>>, vector<16xf32>,
          %get3A_392 = arith.index_cast %add3A_248 : i32 to index
          %get3A_393 = arith.constant 224 : index
          %get3A_394 = tpu.vector_load %arg7[%get3A_392, %get3A_393] {strides = array<i32>} : memref<77x768xf32, #tpu.memory_space<vmem>>, vector<16xf32>,
          %add3A_395 = arith.addf %get3A_391, %get3A_394 : vector<16xf32>
          %swap3A_396 = arith.index_cast %add3A_248 : i32 to index
          %swap3A_397 = arith.constant 224 : index
          %swap3A_398 = tpu.vector_load %arg8[%swap3A_396, %swap3A_397] {strides = array<i32>} : memref<77x768xf32, #tpu.memory_space<vmem>>, vector<16xf32>,
          tpu.vector_store %arg8[%swap3A_396, %swap3A_397], %add3A_395 {strides = array<i32>} : memref<77x768xf32, #tpu.memory_space<vmem>>, vector<16xf32>,
          %get3A_399 = arith.index_cast %scan3A_244 : i32 to index
          %get3A_400 = arith.constant 240 : index
          %get3A_401 = tpu.vector_load %arg9[%get3A_399, %get3A_400] {strides = array<i32>} : memref<8x768xf32, #tpu.memory_space<vmem>>, vector<16xf32>,
          %get3A_402 = arith.index_cast %add3A_248 : i32 to index
          %get3A_403 = arith.constant 240 : index
          %get3A_404 = tpu.vector_load %arg7[%get3A_402, %get3A_403] {strides = array<i32>} : memref<77x768xf32, #tpu.memory_space<vmem>>, vector<16xf32>,
          %add3A_405 = arith.addf %get3A_401, %get3A_404 : vector<16xf32>
          %swap3A_406 = arith.index_cast %add3A_248 : i32 to index
          %swap3A_407 = arith.constant 240 : index
          %swap3A_408 = tpu.vector_load %arg8[%swap3A_406, %swap3A_407] {strides = array<i32>} : memref<77x768xf32, #tpu.memory_space<vmem>>, vector<16xf32>,
          tpu.vector_store %arg8[%swap3A_406, %swap3A_407], %add3A_405 {strides = array<i32>} : memref<77x768xf32, #tpu.memory_space<vmem>>, vector<16xf32>,
          %get3A_409 = arith.index_cast %scan3A_244 : i32 to index
          %get3A_410 = arith.constant 256 : index
          %get3A_411 = tpu.vector_load %arg9[%get3A_409, %get3A_410] {strides = array<i32>} : memref<8x768xf32, #tpu.memory_space<vmem>>, vector<16xf32>,
          %get3A_412 = arith.index_cast %add3A_248 : i32 to index
          %get3A_413 = arith.constant 256 : index
          %get3A_414 = tpu.vector_load %arg7[%get3A_412, %get3A_413] {strides = array<i32>} : memref<77x768xf32, #tpu.memory_space<vmem>>, vector<16xf32>,
          %add3A_415 = arith.addf %get3A_411, %get3A_414 : vector<16xf32>
          %swap3A_416 = arith.index_cast %add3A_248 : i32 to index
          %swap3A_417 = arith.constant 256 : index
          %swap3A_418 = tpu.vector_load %arg8[%swap3A_416, %swap3A_417] {strides = array<i32>} : memref<77x768xf32, #tpu.memory_space<vmem>>, vector<16xf32>,
          tpu.vector_store %arg8[%swap3A_416, %swap3A_417], %add3A_415 {strides = array<i32>} : memref<77x768xf32, #tpu.memory_space<vmem>>, vector<16xf32>,
          %get3A_419 = arith.index_cast %scan3A_244 : i32 to index
          %get3A_420 = arith.constant 272 : index
          %get3A_421 = tpu.vector_load %arg9[%get3A_419, %get3A_420] {strides = array<i32>} : memref<8x768xf32, #tpu.memory_space<vmem>>, vector<16xf32>,
          %get3A_422 = arith.index_cast %add3A_248 : i32 to index
          %get3A_423 = arith.constant 272 : index
          %get3A_424 = tpu.vector_load %arg7[%get3A_422, %get3A_423] {strides = array<i32>} : memref<77x768xf32, #tpu.memory_space<vmem>>, vector<16xf32>,
          %add3A_425 = arith.addf %get3A_421, %get3A_424 : vector<16xf32>
          %swap3A_426 = arith.index_cast %add3A_248 : i32 to index
          %swap3A_427 = arith.constant 272 : index
          %swap3A_428 = tpu.vector_load %arg8[%swap3A_426, %swap3A_427] {strides = array<i32>} : memref<77x768xf32, #tpu.memory_space<vmem>>, vector<16xf32>,
          tpu.vector_store %arg8[%swap3A_426, %swap3A_427], %add3A_425 {strides = array<i32>} : memref<77x768xf32, #tpu.memory_space<vmem>>, vector<16xf32>,
          %get3A_429 = arith.index_cast %scan3A_244 : i32 to index
          %get3A_430 = arith.constant 288 : index
          %get3A_431 = tpu.vector_load %arg9[%get3A_429, %get3A_430] {strides = array<i32>} : memref<8x768xf32, #tpu.memory_space<vmem>>, vector<16xf32>,
          %get3A_432 = arith.index_cast %add3A_248 : i32 to index
          %get3A_433 = arith.constant 288 : index
          %get3A_434 = tpu.vector_load %arg7[%get3A_432, %get3A_433] {strides = array<i32>} : memref<77x768xf32, #tpu.memory_space<vmem>>, vector<16xf32>,
          %add3A_435 = arith.addf %get3A_431, %get3A_434 : vector<16xf32>
          %swap3A_436 = arith.index_cast %add3A_248 : i32 to index
          %swap3A_437 = arith.constant 288 : index
          %swap3A_438 = tpu.vector_load %arg8[%swap3A_436, %swap3A_437] {strides = array<i32>} : memref<77x768xf32, #tpu.memory_space<vmem>>, vector<16xf32>,
          tpu.vector_store %arg8[%swap3A_436, %swap3A_437], %add3A_435 {strides = array<i32>} : memref<77x768xf32, #tpu.memory_space<vmem>>, vector<16xf32>,
          %get3A_439 = arith.index_cast %scan3A_244 : i32 to index
          %get3A_440 = arith.constant 304 : index
          %get3A_441 = tpu.vector_load %arg9[%get3A_439, %get3A_440] {strides = array<i32>} : memref<8x768xf32, #tpu.memory_space<vmem>>, vector<16xf32>,
          %get3A_442 = arith.index_cast %add3A_248 : i32 to index
          %get3A_443 = arith.constant 304 : index
          %get3A_444 = tpu.vector_load %arg7[%get3A_442, %get3A_443] {strides = array<i32>} : memref<77x768xf32, #tpu.memory_space<vmem>>, vector<16xf32>,
          %add3A_445 = arith.addf %get3A_441, %get3A_444 : vector<16xf32>
          %swap3A_446 = arith.index_cast %add3A_248 : i32 to index
          %swap3A_447 = arith.constant 304 : index
          %swap3A_448 = tpu.vector_load %arg8[%swap3A_446, %swap3A_447] {strides = array<i32>} : memref<77x768xf32, #tpu.memory_space<vmem>>, vector<16xf32>,
          tpu.vector_store %arg8[%swap3A_446, %swap3A_447], %add3A_445 {strides = array<i32>} : memref<77x768xf32, #tpu.memory_space<vmem>>, vector<16xf32>,
          %get3A_449 = arith.index_cast %scan3A_244 : i32 to index
          %get3A_450 = arith.constant 320 : index
          %get3A_451 = tpu.vector_load %arg9[%get3A_449, %get3A_450] {strides = array<i32>} : memref<8x768xf32, #tpu.memory_space<vmem>>, vector<16xf32>,
          %get3A_452 = arith.index_cast %add3A_248 : i32 to index
          %get3A_453 = arith.constant 320 : index
          %get3A_454 = tpu.vector_load %arg7[%get3A_452, %get3A_453] {strides = array<i32>} : memref<77x768xf32, #tpu.memory_space<vmem>>, vector<16xf32>,
          %add3A_455 = arith.addf %get3A_451, %get3A_454 : vector<16xf32>
          %swap3A_456 = arith.index_cast %add3A_248 : i32 to index
          %swap3A_457 = arith.constant 320 : index
          %swap3A_458 = tpu.vector_load %arg8[%swap3A_456, %swap3A_457] {strides = array<i32>} : memref<77x768xf32, #tpu.memory_space<vmem>>, vector<16xf32>,
          tpu.vector_store %arg8[%swap3A_456, %swap3A_457], %add3A_455 {strides = array<i32>} : memref<77x768xf32, #tpu.memory_space<vmem>>, vector<16xf32>,
          %get3A_459 = arith.index_cast %scan3A_244 : i32 to index
          %get3A_460 = arith.constant 336 : index
          %get3A_461 = tpu.vector_load %arg9[%get3A_459, %get3A_460] {strides = array<i32>} : memref<8x768xf32, #tpu.memory_space<vmem>>, vector<16xf32>,
          %get3A_462 = arith.index_cast %add3A_248 : i32 to index
          %get3A_463 = arith.constant 336 : index
          %get3A_464 = tpu.vector_load %arg7[%get3A_462, %get3A_463] {strides = array<i32>} : memref<77x768xf32, #tpu.memory_space<vmem>>, vector<16xf32>,
          %add3A_465 = arith.addf %get3A_461, %get3A_464 : vector<16xf32>
          %swap3A_466 = arith.index_cast %add3A_248 : i32 to index
          %swap3A_467 = arith.constant 336 : index
          %swap3A_468 = tpu.vector_load %arg8[%swap3A_466, %swap3A_467] {strides = array<i32>} : memref<77x768xf32, #tpu.memory_space<vmem>>, vector<16xf32>,
          tpu.vector_store %arg8[%swap3A_466, %swap3A_467], %add3A_465 {strides = array<i32>} : memref<77x768xf32, #tpu.memory_space<vmem>>, vector<16xf32>,
          %get3A_469 = arith.index_cast %scan3A_244 : i32 to index
          %get3A_470 = arith.constant 352 : index
          %get3A_471 = tpu.vector_load %arg9[%get3A_469, %get3A_470] {strides = array<i32>} : memref<8x768xf32, #tpu.memory_space<vmem>>, vector<16xf32>,
          %get3A_472 = arith.index_cast %add3A_248 : i32 to index
          %get3A_473 = arith.constant 352 : index
          %get3A_474 = tpu.vector_load %arg7[%get3A_472, %get3A_473] {strides = array<i32>} : memref<77x768xf32, #tpu.memory_space<vmem>>, vector<16xf32>,
          %add3A_475 = arith.addf %get3A_471, %get3A_474 : vector<16xf32>
          %swap3A_476 = arith.index_cast %add3A_248 : i32 to index
          %swap3A_477 = arith.constant 352 : index
          %swap3A_478 = tpu.vector_load %arg8[%swap3A_476, %swap3A_477] {strides = array<i32>} : memref<77x768xf32, #tpu.memory_space<vmem>>, vector<16xf32>,
          tpu.vector_store %arg8[%swap3A_476, %swap3A_477], %add3A_475 {strides = array<i32>} : memref<77x768xf32, #tpu.memory_space<vmem>>, vector<16xf32>,
          %get3A_479 = arith.index_cast %scan3A_244 : i32 to index
          %get3A_480 = arith.constant 368 : index
          %get3A_481 = tpu.vector_load %arg9[%get3A_479, %get3A_480] {strides = array<i32>} : memref<8x768xf32, #tpu.memory_space<vmem>>, vector<16xf32>,
          %get3A_482 = arith.index_cast %add3A_248 : i32 to index
          %get3A_483 = arith.constant 368 : index
          %get3A_484 = tpu.vector_load %arg7[%get3A_482, %get3A_483] {strides = array<i32>} : memref<77x768xf32, #tpu.memory_space<vmem>>, vector<16xf32>,
          %add3A_485 = arith.addf %get3A_481, %get3A_484 : vector<16xf32>
          %swap3A_486 = arith.index_cast %add3A_248 : i32 to index
          %swap3A_487 = arith.constant 368 : index
          %swap3A_488 = tpu.vector_load %arg8[%swap3A_486, %swap3A_487] {strides = array<i32>} : memref<77x768xf32, #tpu.memory_space<vmem>>, vector<16xf32>,
          tpu.vector_store %arg8[%swap3A_486, %swap3A_487], %add3A_485 {strides = array<i32>} : memref<77x768xf32, #tpu.memory_space<vmem>>, vector<16xf32>,
          %get3A_489 = arith.index_cast %scan3A_244 : i32 to index
          %get3A_490 = arith.constant 384 : index
          %get3A_491 = tpu.vector_load %arg9[%get3A_489, %get3A_490] {strides = array<i32>} : memref<8x768xf32, #tpu.memory_space<vmem>>, vector<16xf32>,
          %get3A_492 = arith.index_cast %add3A_248 : i32 to index
          %get3A_493 = arith.constant 384 : index
          %get3A_494 = tpu.vector_load %arg7[%get3A_492, %get3A_493] {strides = array<i32>} : memref<77x768xf32, #tpu.memory_space<vmem>>, vector<16xf32>,
          %add3A_495 = arith.addf %get3A_491, %get3A_494 : vector<16xf32>
          %swap3A_496 = arith.index_cast %add3A_248 : i32 to index
          %swap3A_497 = arith.constant 384 : index
          %swap3A_498 = tpu.vector_load %arg8[%swap3A_496, %swap3A_497] {strides = array<i32>} : memref<77x768xf32, #tpu.memory_space<vmem>>, vector<16xf32>,
          tpu.vector_store %arg8[%swap3A_496, %swap3A_497], %add3A_495 {strides = array<i32>} : memref<77x768xf32, #tpu.memory_space<vmem>>, vector<16xf32>,
          %get3A_499 = arith.index_cast %scan3A_244 : i32 to index
          %get3A_500 = arith.constant 400 : index
          %get3A_501 = tpu.vector_load %arg9[%get3A_499, %get3A_500] {strides = array<i32>} : memref<8x768xf32, #tpu.memory_space<vmem>>, vector<16xf32>,
          %get3A_502 = arith.index_cast %add3A_248 : i32 to index
          %get3A_503 = arith.constant 400 : index
          %get3A_504 = tpu.vector_load %arg7[%get3A_502, %get3A_503] {strides = array<i32>} : memref<77x768xf32, #tpu.memory_space<vmem>>, vector<16xf32>,
          %add3A_505 = arith.addf %get3A_501, %get3A_504 : vector<16xf32>
          %swap3A_506 = arith.index_cast %add3A_248 : i32 to index
          %swap3A_507 = arith.constant 400 : index
          %swap3A_508 = tpu.vector_load %arg8[%swap3A_506, %swap3A_507] {strides = array<i32>} : memref<77x768xf32, #tpu.memory_space<vmem>>, vector<16xf32>,
          tpu.vector_store %arg8[%swap3A_506, %swap3A_507], %add3A_505 {strides = array<i32>} : memref<77x768xf32, #tpu.memory_space<vmem>>, vector<16xf32>,
          %get3A_509 = arith.index_cast %scan3A_244 : i32 to index
          %get3A_510 = arith.constant 416 : index
          %get3A_511 = tpu.vector_load %arg9[%get3A_509, %get3A_510] {strides = array<i32>} : memref<8x768xf32, #tpu.memory_space<vmem>>, vector<16xf32>,
          %get3A_512 = arith.index_cast %add3A_248 : i32 to index
          %get3A_513 = arith.constant 416 : index
          %get3A_514 = tpu.vector_load %arg7[%get3A_512, %get3A_513] {strides = array<i32>} : memref<77x768xf32, #tpu.memory_space<vmem>>, vector<16xf32>,
          %add3A_515 = arith.addf %get3A_511, %get3A_514 : vector<16xf32>
          %swap3A_516 = arith.index_cast %add3A_248 : i32 to index
          %swap3A_517 = arith.constant 416 : index
          %swap3A_518 = tpu.vector_load %arg8[%swap3A_516, %swap3A_517] {strides = array<i32>} : memref<77x768xf32, #tpu.memory_space<vmem>>, vector<16xf32>,
          tpu.vector_store %arg8[%swap3A_516, %swap3A_517], %add3A_515 {strides = array<i32>} : memref<77x768xf32, #tpu.memory_space<vmem>>, vector<16xf32>,
          %get3A_519 = arith.index_cast %scan3A_244 : i32 to index
          %get3A_520 = arith.constant 432 : index
          %get3A_521 = tpu.vector_load %arg9[%get3A_519, %get3A_520] {strides = array<i32>} : memref<8x768xf32, #tpu.memory_space<vmem>>, vector<16xf32>,
          %get3A_522 = arith.index_cast %add3A_248 : i32 to index
          %get3A_523 = arith.constant 432 : index
          %get3A_524 = tpu.vector_load %arg7[%get3A_522, %get3A_523] {strides = array<i32>} : memref<77x768xf32, #tpu.memory_space<vmem>>, vector<16xf32>,
          %add3A_525 = arith.addf %get3A_521, %get3A_524 : vector<16xf32>
          %swap3A_526 = arith.index_cast %add3A_248 : i32 to index
          %swap3A_527 = arith.constant 432 : index
          %swap3A_528 = tpu.vector_load %arg8[%swap3A_526, %swap3A_527] {strides = array<i32>} : memref<77x768xf32, #tpu.memory_space<vmem>>, vector<16xf32>,
          tpu.vector_store %arg8[%swap3A_526, %swap3A_527], %add3A_525 {strides = array<i32>} : memref<77x768xf32, #tpu.memory_space<vmem>>, vector<16xf32>,
          %get3A_529 = arith.index_cast %scan3A_244 : i32 to index
          %get3A_530 = arith.constant 448 : index
          %get3A_531 = tpu.vector_load %arg9[%get3A_529, %get3A_530] {strides = array<i32>} : memref<8x768xf32, #tpu.memory_space<vmem>>, vector<16xf32>,
          %get3A_532 = arith.index_cast %add3A_248 : i32 to index
          %get3A_533 = arith.constant 448 : index
          %get3A_534 = tpu.vector_load %arg7[%get3A_532, %get3A_533] {strides = array<i32>} : memref<77x768xf32, #tpu.memory_space<vmem>>, vector<16xf32>,
          %add3A_535 = arith.addf %get3A_531, %get3A_534 : vector<16xf32>
          %swap3A_536 = arith.index_cast %add3A_248 : i32 to index
          %swap3A_537 = arith.constant 448 : index
          %swap3A_538 = tpu.vector_load %arg8[%swap3A_536, %swap3A_537] {strides = array<i32>} : memref<77x768xf32, #tpu.memory_space<vmem>>, vector<16xf32>,
          tpu.vector_store %arg8[%swap3A_536, %swap3A_537], %add3A_535 {strides = array<i32>} : memref<77x768xf32, #tpu.memory_space<vmem>>, vector<16xf32>,
          %get3A_539 = arith.index_cast %scan3A_244 : i32 to index
          %get3A_540 = arith.constant 464 : index
          %get3A_541 = tpu.vector_load %arg9[%get3A_539, %get3A_540] {strides = array<i32>} : memref<8x768xf32, #tpu.memory_space<vmem>>, vector<16xf32>,
          %get3A_542 = arith.index_cast %add3A_248 : i32 to index
          %get3A_543 = arith.constant 464 : index
          %get3A_544 = tpu.vector_load %arg7[%get3A_542, %get3A_543] {strides = array<i32>} : memref<77x768xf32, #tpu.memory_space<vmem>>, vector<16xf32>,
          %add3A_545 = arith.addf %get3A_541, %get3A_544 : vector<16xf32>
          %swap3A_546 = arith.index_cast %add3A_248 : i32 to index
          %swap3A_547 = arith.constant 464 : index
          %swap3A_548 = tpu.vector_load %arg8[%swap3A_546, %swap3A_547] {strides = array<i32>} : memref<77x768xf32, #tpu.memory_space<vmem>>, vector<16xf32>,
          tpu.vector_store %arg8[%swap3A_546, %swap3A_547], %add3A_545 {strides = array<i32>} : memref<77x768xf32, #tpu.memory_space<vmem>>, vector<16xf32>,
          %get3A_549 = arith.index_cast %scan3A_244 : i32 to index
          %get3A_550 = arith.constant 480 : index
          %get3A_551 = tpu.vector_load %arg9[%get3A_549, %get3A_550] {strides = array<i32>} : memref<8x768xf32, #tpu.memory_space<vmem>>, vector<16xf32>,
          %get3A_552 = arith.index_cast %add3A_248 : i32 to index
          %get3A_553 = arith.constant 480 : index
          %get3A_554 = tpu.vector_load %arg7[%get3A_552, %get3A_553] {strides = array<i32>} : memref<77x768xf32, #tpu.memory_space<vmem>>, vector<16xf32>,
          %add3A_555 = arith.addf %get3A_551, %get3A_554 : vector<16xf32>
          %swap3A_556 = arith.index_cast %add3A_248 : i32 to index
          %swap3A_557 = arith.constant 480 : index
          %swap3A_558 = tpu.vector_load %arg8[%swap3A_556, %swap3A_557] {strides = array<i32>} : memref<77x768xf32, #tpu.memory_space<vmem>>, vector<16xf32>,
          tpu.vector_store %arg8[%swap3A_556, %swap3A_557], %add3A_555 {strides = array<i32>} : memref<77x768xf32, #tpu.memory_space<vmem>>, vector<16xf32>,
          %get3A_559 = arith.index_cast %scan3A_244 : i32 to index
          %get3A_560 = arith.constant 496 : index
          %get3A_561 = tpu.vector_load %arg9[%get3A_559, %get3A_560] {strides = array<i32>} : memref<8x768xf32, #tpu.memory_space<vmem>>, vector<16xf32>,
          %get3A_562 = arith.index_cast %add3A_248 : i32 to index
          %get3A_563 = arith.constant 496 : index
          %get3A_564 = tpu.vector_load %arg7[%get3A_562, %get3A_563] {strides = array<i32>} : memref<77x768xf32, #tpu.memory_space<vmem>>, vector<16xf32>,
          %add3A_565 = arith.addf %get3A_561, %get3A_564 : vector<16xf32>
          %swap3A_566 = arith.index_cast %add3A_248 : i32 to index
          %swap3A_567 = arith.constant 496 : index
          %swap3A_568 = tpu.vector_load %arg8[%swap3A_566, %swap3A_567] {strides = array<i32>} : memref<77x768xf32, #tpu.memory_space<vmem>>, vector<16xf32>,
          tpu.vector_store %arg8[%swap3A_566, %swap3A_567], %add3A_565 {strides = array<i32>} : memref<77x768xf32, #tpu.memory_space<vmem>>, vector<16xf32>,
          %get3A_569 = arith.index_cast %scan3A_244 : i32 to index
          %get3A_570 = arith.constant 512 : index
          %get3A_571 = tpu.vector_load %arg9[%get3A_569, %get3A_570] {strides = array<i32>} : memref<8x768xf32, #tpu.memory_space<vmem>>, vector<16xf32>,
          %get3A_572 = arith.index_cast %add3A_248 : i32 to index
          %get3A_573 = arith.constant 512 : index
          %get3A_574 = tpu.vector_load %arg7[%get3A_572, %get3A_573] {strides = array<i32>} : memref<77x768xf32, #tpu.memory_space<vmem>>, vector<16xf32>,
          %add3A_575 = arith.addf %get3A_571, %get3A_574 : vector<16xf32>
          %swap3A_576 = arith.index_cast %add3A_248 : i32 to index
          %swap3A_577 = arith.constant 512 : index
          %swap3A_578 = tpu.vector_load %arg8[%swap3A_576, %swap3A_577] {strides = array<i32>} : memref<77x768xf32, #tpu.memory_space<vmem>>, vector<16xf32>,
          tpu.vector_store %arg8[%swap3A_576, %swap3A_577], %add3A_575 {strides = array<i32>} : memref<77x768xf32, #tpu.memory_space<vmem>>, vector<16xf32>,
          %get3A_579 = arith.index_cast %scan3A_244 : i32 to index
          %get3A_580 = arith.constant 528 : index
          %get3A_581 = tpu.vector_load %arg9[%get3A_579, %get3A_580] {strides = array<i32>} : memref<8x768xf32, #tpu.memory_space<vmem>>, vector<16xf32>,
          %get3A_582 = arith.index_cast %add3A_248 : i32 to index
          %get3A_583 = arith.constant 528 : index
          %get3A_584 = tpu.vector_load %arg7[%get3A_582, %get3A_583] {strides = array<i32>} : memref<77x768xf32, #tpu.memory_space<vmem>>, vector<16xf32>,
          %add3A_585 = arith.addf %get3A_581, %get3A_584 : vector<16xf32>
          %swap3A_586 = arith.index_cast %add3A_248 : i32 to index
          %swap3A_587 = arith.constant 528 : index
          %swap3A_588 = tpu.vector_load %arg8[%swap3A_586, %swap3A_587] {strides = array<i32>} : memref<77x768xf32, #tpu.memory_space<vmem>>, vector<16xf32>,
          tpu.vector_store %arg8[%swap3A_586, %swap3A_587], %add3A_585 {strides = array<i32>} : memref<77x768xf32, #tpu.memory_space<vmem>>, vector<16xf32>,
          %get3A_589 = arith.index_cast %scan3A_244 : i32 to index
          %get3A_590 = arith.constant 544 : index
          %get3A_591 = tpu.vector_load %arg9[%get3A_589, %get3A_590] {strides = array<i32>} : memref<8x768xf32, #tpu.memory_space<vmem>>, vector<16xf32>,
          %get3A_592 = arith.index_cast %add3A_248 : i32 to index
          %get3A_593 = arith.constant 544 : index
          %get3A_594 = tpu.vector_load %arg7[%get3A_592, %get3A_593] {strides = array<i32>} : memref<77x768xf32, #tpu.memory_space<vmem>>, vector<16xf32>,
          %add3A_595 = arith.addf %get3A_591, %get3A_594 : vector<16xf32>
          %swap3A_596 = arith.index_cast %add3A_248 : i32 to index
          %swap3A_597 = arith.constant 544 : index
          %swap3A_598 = tpu.vector_load %arg8[%swap3A_596, %swap3A_597] {strides = array<i32>} : memref<77x768xf32, #tpu.memory_space<vmem>>, vector<16xf32>,
          tpu.vector_store %arg8[%swap3A_596, %swap3A_597], %add3A_595 {strides = array<i32>} : memref<77x768xf32, #tpu.memory_space<vmem>>, vector<16xf32>,
          %get3A_599 = arith.index_cast %scan3A_244 : i32 to index
          %get3A_600 = arith.constant 560 : index
          %get3A_601 = tpu.vector_load %arg9[%get3A_599, %get3A_600] {strides = array<i32>} : memref<8x768xf32, #tpu.memory_space<vmem>>, vector<16xf32>,
          %get3A_602 = arith.index_cast %add3A_248 : i32 to index
          %get3A_603 = arith.constant 560 : index
          %get3A_604 = tpu.vector_load %arg7[%get3A_602, %get3A_603] {strides = array<i32>} : memref<77x768xf32, #tpu.memory_space<vmem>>, vector<16xf32>,
          %add3A_605 = arith.addf %get3A_601, %get3A_604 : vector<16xf32>
          %swap3A_606 = arith.index_cast %add3A_248 : i32 to index
          %swap3A_607 = arith.constant 560 : index
          %swap3A_608 = tpu.vector_load %arg8[%swap3A_606, %swap3A_607] {strides = array<i32>} : memref<77x768xf32, #tpu.memory_space<vmem>>, vector<16xf32>,
          tpu.vector_store %arg8[%swap3A_606, %swap3A_607], %add3A_605 {strides = array<i32>} : memref<77x768xf32, #tpu.memory_space<vmem>>, vector<16xf32>,
          %get3A_609 = arith.index_cast %scan3A_244 : i32 to index
          %get3A_610 = arith.constant 576 : index
          %get3A_611 = tpu.vector_load %arg9[%get3A_609, %get3A_610] {strides = array<i32>} : memref<8x768xf32, #tpu.memory_space<vmem>>, vector<16xf32>,
          %get3A_612 = arith.index_cast %add3A_248 : i32 to index
          %get3A_613 = arith.constant 576 : index
          %get3A_614 = tpu.vector_load %arg7[%get3A_612, %get3A_613] {strides = array<i32>} : memref<77x768xf32, #tpu.memory_space<vmem>>, vector<16xf32>,
          %add3A_615 = arith.addf %get3A_611, %get3A_614 : vector<16xf32>
          %swap3A_616 = arith.index_cast %add3A_248 : i32 to index
          %swap3A_617 = arith.constant 576 : index
          %swap3A_618 = tpu.vector_load %arg8[%swap3A_616, %swap3A_617] {strides = array<i32>} : memref<77x768xf32, #tpu.memory_space<vmem>>, vector<16xf32>,
          tpu.vector_store %arg8[%swap3A_616, %swap3A_617], %add3A_615 {strides = array<i32>} : memref<77x768xf32, #tpu.memory_space<vmem>>, vector<16xf32>,
          %get3A_619 = arith.index_cast %scan3A_244 : i32 to index
          %get3A_620 = arith.constant 592 : index
          %get3A_621 = tpu.vector_load %arg9[%get3A_619, %get3A_620] {strides = array<i32>} : memref<8x768xf32, #tpu.memory_space<vmem>>, vector<16xf32>,
          %get3A_622 = arith.index_cast %add3A_248 : i32 to index
          %get3A_623 = arith.constant 592 : index
          %get3A_624 = tpu.vector_load %arg7[%get3A_622, %get3A_623] {strides = array<i32>} : memref<77x768xf32, #tpu.memory_space<vmem>>, vector<16xf32>,
          %add3A_625 = arith.addf %get3A_621, %get3A_624 : vector<16xf32>
          %swap3A_626 = arith.index_cast %add3A_248 : i32 to index
          %swap3A_627 = arith.constant 592 : index
          %swap3A_628 = tpu.vector_load %arg8[%swap3A_626, %swap3A_627] {strides = array<i32>} : memref<77x768xf32, #tpu.memory_space<vmem>>, vector<16xf32>,
          tpu.vector_store %arg8[%swap3A_626, %swap3A_627], %add3A_625 {strides = array<i32>} : memref<77x768xf32, #tpu.memory_space<vmem>>, vector<16xf32>,
          %get3A_629 = arith.index_cast %scan3A_244 : i32 to index
          %get3A_630 = arith.constant 608 : index
          %get3A_631 = tpu.vector_load %arg9[%get3A_629, %get3A_630] {strides = array<i32>} : memref<8x768xf32, #tpu.memory_space<vmem>>, vector<16xf32>,
          %get3A_632 = arith.index_cast %add3A_248 : i32 to index
          %get3A_633 = arith.constant 608 : index
          %get3A_634 = tpu.vector_load %arg7[%get3A_632, %get3A_633] {strides = array<i32>} : memref<77x768xf32, #tpu.memory_space<vmem>>, vector<16xf32>,
          %add3A_635 = arith.addf %get3A_631, %get3A_634 : vector<16xf32>
          %swap3A_636 = arith.index_cast %add3A_248 : i32 to index
          %swap3A_637 = arith.constant 608 : index
          %swap3A_638 = tpu.vector_load %arg8[%swap3A_636, %swap3A_637] {strides = array<i32>} : memref<77x768xf32, #tpu.memory_space<vmem>>, vector<16xf32>,
          tpu.vector_store %arg8[%swap3A_636, %swap3A_637], %add3A_635 {strides = array<i32>} : memref<77x768xf32, #tpu.memory_space<vmem>>, vector<16xf32>,
          %get3A_639 = arith.index_cast %scan3A_244 : i32 to index
          %get3A_640 = arith.constant 624 : index
          %get3A_641 = tpu.vector_load %arg9[%get3A_639, %get3A_640] {strides = array<i32>} : memref<8x768xf32, #tpu.memory_space<vmem>>, vector<16xf32>,
          %get3A_642 = arith.index_cast %add3A_248 : i32 to index
          %get3A_643 = arith.constant 624 : index
          %get3A_644 = tpu.vector_load %arg7[%get3A_642, %get3A_643] {strides = array<i32>} : memref<77x768xf32, #tpu.memory_space<vmem>>, vector<16xf32>,
          %add3A_645 = arith.addf %get3A_641, %get3A_644 : vector<16xf32>
          %swap3A_646 = arith.index_cast %add3A_248 : i32 to index
          %swap3A_647 = arith.constant 624 : index
          %swap3A_648 = tpu.vector_load %arg8[%swap3A_646, %swap3A_647] {strides = array<i32>} : memref<77x768xf32, #tpu.memory_space<vmem>>, vector<16xf32>,
          tpu.vector_store %arg8[%swap3A_646, %swap3A_647], %add3A_645 {strides = array<i32>} : memref<77x768xf32, #tpu.memory_space<vmem>>, vector<16xf32>,
          %get3A_649 = arith.index_cast %scan3A_244 : i32 to index
          %get3A_650 = arith.constant 640 : index
          %get3A_651 = tpu.vector_load %arg9[%get3A_649, %get3A_650] {strides = array<i32>} : memref<8x768xf32, #tpu.memory_space<vmem>>, vector<16xf32>,
          %get3A_652 = arith.index_cast %add3A_248 : i32 to index
          %get3A_653 = arith.constant 640 : index
          %get3A_654 = tpu.vector_load %arg7[%get3A_652, %get3A_653] {strides = array<i32>} : memref<77x768xf32, #tpu.memory_space<vmem>>, vector<16xf32>,
          %add3A_655 = arith.addf %get3A_651, %get3A_654 : vector<16xf32>
          %swap3A_656 = arith.index_cast %add3A_248 : i32 to index
          %swap3A_657 = arith.constant 640 : index
          %swap3A_658 = tpu.vector_load %arg8[%swap3A_656, %swap3A_657] {strides = array<i32>} : memref<77x768xf32, #tpu.memory_space<vmem>>, vector<16xf32>,
          tpu.vector_store %arg8[%swap3A_656, %swap3A_657], %add3A_655 {strides = array<i32>} : memref<77x768xf32, #tpu.memory_space<vmem>>, vector<16xf32>,
          %get3A_659 = arith.index_cast %scan3A_244 : i32 to index
          %get3A_660 = arith.constant 656 : index
          %get3A_661 = tpu.vector_load %arg9[%get3A_659, %get3A_660] {strides = array<i32>} : memref<8x768xf32, #tpu.memory_space<vmem>>, vector<16xf32>,
          %get3A_662 = arith.index_cast %add3A_248 : i32 to index
          %get3A_663 = arith.constant 656 : index
          %get3A_664 = tpu.vector_load %arg7[%get3A_662, %get3A_663] {strides = array<i32>} : memref<77x768xf32, #tpu.memory_space<vmem>>, vector<16xf32>,
          %add3A_665 = arith.addf %get3A_661, %get3A_664 : vector<16xf32>
          %swap3A_666 = arith.index_cast %add3A_248 : i32 to index
          %swap3A_667 = arith.constant 656 : index
          %swap3A_668 = tpu.vector_load %arg8[%swap3A_666, %swap3A_667] {strides = array<i32>} : memref<77x768xf32, #tpu.memory_space<vmem>>, vector<16xf32>,
          tpu.vector_store %arg8[%swap3A_666, %swap3A_667], %add3A_665 {strides = array<i32>} : memref<77x768xf32, #tpu.memory_space<vmem>>, vector<16xf32>,
          %get3A_669 = arith.index_cast %scan3A_244 : i32 to index
          %get3A_670 = arith.constant 672 : index
          %get3A_671 = tpu.vector_load %arg9[%get3A_669, %get3A_670] {strides = array<i32>} : memref<8x768xf32, #tpu.memory_space<vmem>>, vector<16xf32>,
          %get3A_672 = arith.index_cast %add3A_248 : i32 to index
          %get3A_673 = arith.constant 672 : index
          %get3A_674 = tpu.vector_load %arg7[%get3A_672, %get3A_673] {strides = array<i32>} : memref<77x768xf32, #tpu.memory_space<vmem>>, vector<16xf32>,
          %add3A_675 = arith.addf %get3A_671, %get3A_674 : vector<16xf32>
          %swap3A_676 = arith.index_cast %add3A_248 : i32 to index
          %swap3A_677 = arith.constant 672 : index
          %swap3A_678 = tpu.vector_load %arg8[%swap3A_676, %swap3A_677] {strides = array<i32>} : memref<77x768xf32, #tpu.memory_space<vmem>>, vector<16xf32>,
          tpu.vector_store %arg8[%swap3A_676, %swap3A_677], %add3A_675 {strides = array<i32>} : memref<77x768xf32, #tpu.memory_space<vmem>>, vector<16xf32>,
          %get3A_679 = arith.index_cast %scan3A_244 : i32 to index
          %get3A_680 = arith.constant 688 : index
          %get3A_681 = tpu.vector_load %arg9[%get3A_679, %get3A_680] {strides = array<i32>} : memref<8x768xf32, #tpu.memory_space<vmem>>, vector<16xf32>,
          %get3A_682 = arith.index_cast %add3A_248 : i32 to index
          %get3A_683 = arith.constant 688 : index
          %get3A_684 = tpu.vector_load %arg7[%get3A_682, %get3A_683] {strides = array<i32>} : memref<77x768xf32, #tpu.memory_space<vmem>>, vector<16xf32>,
          %add3A_685 = arith.addf %get3A_681, %get3A_684 : vector<16xf32>
          %swap3A_686 = arith.index_cast %add3A_248 : i32 to index
          %swap3A_687 = arith.constant 688 : index
          %swap3A_688 = tpu.vector_load %arg8[%swap3A_686, %swap3A_687] {strides = array<i32>} : memref<77x768xf32, #tpu.memory_space<vmem>>, vector<16xf32>,
          tpu.vector_store %arg8[%swap3A_686, %swap3A_687], %add3A_685 {strides = array<i32>} : memref<77x768xf32, #tpu.memory_space<vmem>>, vector<16xf32>,
          %get3A_689 = arith.index_cast %scan3A_244 : i32 to index
          %get3A_690 = arith.constant 704 : index
          %get3A_691 = tpu.vector_load %arg9[%get3A_689, %get3A_690] {strides = array<i32>} : memref<8x768xf32, #tpu.memory_space<vmem>>, vector<16xf32>,
          %get3A_692 = arith.index_cast %add3A_248 : i32 to index
          %get3A_693 = arith.constant 704 : index
          %get3A_694 = tpu.vector_load %arg7[%get3A_692, %get3A_693] {strides = array<i32>} : memref<77x768xf32, #tpu.memory_space<vmem>>, vector<16xf32>,
          %add3A_695 = arith.addf %get3A_691, %get3A_694 : vector<16xf32>
          %swap3A_696 = arith.index_cast %add3A_248 : i32 to index
          %swap3A_697 = arith.constant 704 : index
          %swap3A_698 = tpu.vector_load %arg8[%swap3A_696, %swap3A_697] {strides = array<i32>} : memref<77x768xf32, #tpu.memory_space<vmem>>, vector<16xf32>,
          tpu.vector_store %arg8[%swap3A_696, %swap3A_697], %add3A_695 {strides = array<i32>} : memref<77x768xf32, #tpu.memory_space<vmem>>, vector<16xf32>,
          %get3A_699 = arith.index_cast %scan3A_244 : i32 to index
          %get3A_700 = arith.constant 720 : index
          %get3A_701 = tpu.vector_load %arg9[%get3A_699, %get3A_700] {strides = array<i32>} : memref<8x768xf32, #tpu.memory_space<vmem>>, vector<16xf32>,
          %get3A_702 = arith.index_cast %add3A_248 : i32 to index
          %get3A_703 = arith.constant 720 : index
          %get3A_704 = tpu.vector_load %arg7[%get3A_702, %get3A_703] {strides = array<i32>} : memref<77x768xf32, #tpu.memory_space<vmem>>, vector<16xf32>,
          %add3A_705 = arith.addf %get3A_701, %get3A_704 : vector<16xf32>
          %swap3A_706 = arith.index_cast %add3A_248 : i32 to index
          %swap3A_707 = arith.constant 720 : index
          %swap3A_708 = tpu.vector_load %arg8[%swap3A_706, %swap3A_707] {strides = array<i32>} : memref<77x768xf32, #tpu.memory_space<vmem>>, vector<16xf32>,
          tpu.vector_store %arg8[%swap3A_706, %swap3A_707], %add3A_705 {strides = array<i32>} : memref<77x768xf32, #tpu.memory_space<vmem>>, vector<16xf32>,
          %get3A_709 = arith.index_cast %scan3A_244 : i32 to index
          %get3A_710 = arith.constant 736 : index
          %get3A_711 = tpu.vector_load %arg9[%get3A_709, %get3A_710] {strides = array<i32>} : memref<8x768xf32, #tpu.memory_space<vmem>>, vector<16xf32>,
          %get3A_712 = arith.index_cast %add3A_248 : i32 to index
          %get3A_713 = arith.constant 736 : index
          %get3A_714 = tpu.vector_load %arg7[%get3A_712, %get3A_713] {strides = array<i32>} : memref<77x768xf32, #tpu.memory_space<vmem>>, vector<16xf32>,
          %add3A_715 = arith.addf %get3A_711, %get3A_714 : vector<16xf32>
          %swap3A_716 = arith.index_cast %add3A_248 : i32 to index
          %swap3A_717 = arith.constant 736 : index
          %swap3A_718 = tpu.vector_load %arg8[%swap3A_716, %swap3A_717] {strides = array<i32>} : memref<77x768xf32, #tpu.memory_space<vmem>>, vector<16xf32>,
          tpu.vector_store %arg8[%swap3A_716, %swap3A_717], %add3A_715 {strides = array<i32>} : memref<77x768xf32, #tpu.memory_space<vmem>>, vector<16xf32>,
          %get3A_719 = arith.index_cast %scan3A_244 : i32 to index
          %get3A_720 = arith.constant 752 : index
          %get3A_721 = tpu.vector_load %arg9[%get3A_719, %get3A_720] {strides = array<i32>} : memref<8x768xf32, #tpu.memory_space<vmem>>, vector<16xf32>,
          %get3A_722 = arith.index_cast %add3A_248 : i32 to index
          %get3A_723 = arith.constant 752 : index
          %get3A_724 = tpu.vector_load %arg7[%get3A_722, %get3A_723] {strides = array<i32>} : memref<77x768xf32, #tpu.memory_space<vmem>>, vector<16xf32>,
          %add3A_725 = arith.addf %get3A_721, %get3A_724 : vector<16xf32>
          %swap3A_726 = arith.index_cast %add3A_248 : i32 to index
          %swap3A_727 = arith.constant 752 : index
          %swap3A_728 = tpu.vector_load %arg8[%swap3A_726, %swap3A_727] {strides = array<i32>} : memref<77x768xf32, #tpu.memory_space<vmem>>, vector<16xf32>,
          tpu.vector_store %arg8[%swap3A_726, %swap3A_727], %add3A_725 {strides = array<i32>} : memref<77x768xf32, #tpu.memory_space<vmem>>, vector<16xf32>,
          %scan3A_729 = arith.constant 0 : i32
          scf.yield %scan3A_729 : i32
        }
        %scan3A_243 = arith.constant 8 : i32
      } else {
      }
      %dma_start3A_222 = arith.constant 0 : i32
      %dma_start3A_223 = arith.constant 0 : i32
      %dma_start3A_224 = tpu.memref_slice %arg6[%add3A_21, %dma_start3A_222, %dma_start3A_223] : memref<1024x77x768xf32, #tpu.memory_space<hbm>> -> memref<1x77x768xf32, #tpu.memory_space<hbm>>
      %dma_start3A_225 = tpu.memref_squeeze %dma_start3A_224 : memref<1x77x768xf32, #tpu.memory_space<hbm>> -> memref<77x768xf32, #tpu.memory_space<hbm>>
      %dma_start3A_226 = arith.constant 0 : i32
      %dma_start3A_227 = arith.constant 0 : i32
      %dma_start3A_228 = tpu.memref_slice %arg6[%add3A_21, %dma_start3A_226, %dma_start3A_227] : memref<1024x77x768xf32, #tpu.memory_space<hbm>> -> memref<1x77x768xf32, #tpu.memory_space<hbm>>
      %dma_start3A_229 = tpu.memref_squeeze %dma_start3A_228 : memref<1x77x768xf32, #tpu.memory_space<hbm>> -> memref<77x768xf32, #tpu.memory_space<hbm>>
      tpu.enqueue_dma source(%arg8 : memref<77x768xf32, #tpu.memory_space<vmem>>) target(%dma_start3A_229 : memref<77x768xf32, #tpu.memory_space<hbm>>) target_semaphore(%arg14 : memref<!tpu.dma_semaphore, #tpu.memory_space<semaphore_mem>>)
    }
    %scan3A_5 = arith.constant 32 : i32
    %mul3A_6 = arith.constant 32 : i32
    %mul3A_7 = arith.muli %add3A, %mul3A_6 : i32
    %add3A_8 = arith.constant 32 : i32
    %add3A_9 = arith.addi %mul3A_7, %add3A_8 : i32
    %sub3A = arith.constant 1 : i32
    %sub3A_10 = arith.subi %add3A_9, %sub3A : i32
    %dma_wait3A = arith.constant 0 : i32
    %dma_wait3A_11 = arith.constant 0 : i32
    %dma_wait3A_12 = tpu.memref_slice %arg6[%sub3A_10, %dma_wait3A, %dma_wait3A_11] : memref<1024x77x768xf32, #tpu.memory_space<hbm>> -> memref<1x77x768xf32, #tpu.memory_space<hbm>>
    %dma_wait3A_13 = tpu.memref_squeeze %dma_wait3A_12 : memref<1x77x768xf32, #tpu.memory_space<hbm>> -> memref<77x768xf32, #tpu.memory_space<hbm>>
    %dma_wait3A_14 = arith.constant 0 : i32
    %dma_wait3A_15 = arith.constant 0 : i32
    %dma_wait3A_16 = tpu.memref_slice %arg6[%sub3A_10, %dma_wait3A_14, %dma_wait3A_15] : memref<1024x77x768xf32, #tpu.memory_space<hbm>> -> memref<1x77x768xf32, #tpu.memory_space<hbm>>
    %dma_wait3A_17 = tpu.memref_squeeze %dma_wait3A_16 : memref<1x77x768xf32, #tpu.memory_space<hbm>> -> memref<77x768xf32, #tpu.memory_space<hbm>>
    tpu.wait_dma2 semaphore(%arg14 : memref<!tpu.dma_semaphore, #tpu.memory_space<semaphore_mem>>) src(%arg8 : memref<77x768xf32, #tpu.memory_space<vmem>>) dst(%dma_wait3A_17 : memref<77x768xf32, #tpu.memory_space<hbm>>)
    return
  }
}

</mosaic_0001>

<sc_bundles>
// kernel: _run.3.cloned.1.call-start
scs
__scs_entry_jumppad:
0x0: {  	(pc) =	sbr.rel $0x88, $3  }
0x1: {  	(tag) =	ssettag $0x0;
	lr =	simm.s32 $0x1  }
0x2: {  	[smem:$0x3F9D] =	sst lr;
	_ =	strace $0xD0000000  }
0x3: {  	_ = 	snop  }
0x4: {  	_ = 	snop  }
0x5: {  	_ = 	snop  }
0x6: {  	_ = 	snop  }
0x7: {  	_ = 	snop  }
__scs_overlays_trampoline_lowered:
0x8: {  	[smem:$0x3FAC] =	sst s0  }
0x9: {  	[smem:$0x3FAD] =	sst s1  }
0xa: {  	[smem:$0x3FAE] =	sst s2  }
0xb: {  	[smem:$0x3FAF] =	sst s3  }
0xc: {  	[smem:$0x3FB0] =	sst s4  }
0xd: {  	[smem:$0x3FB1] =	sst s5  }
0xe: {  	[smem:$0x3FB2] =	sst s6  }
0xf: {  	[smem:$0x3FB3] =	sst s7  }
0x10: {  	[smem:$0x3FB4] =	sst s8  }
0x11: {  	[smem:$0x3FB5] =	sst s9;
	s0 =	simm.s32 @!p0 $0x0  }
0x12: {  	s1 =	sld [smem:$0x3F9B];
	s0 =	simm.s32 @p0 $0x1  }
0x13: {  	[smem:$0x3FB6] =	sst s0;
	s0 =	simm.s32 @!p1 $0x0  }
0x14: {  	s2 =	sld [smem:$0x3F9A];
	s0 =	simm.s32 @p1 $0x1  }
0x15: {  	[smem:$0x3FB7] =	sst s0;
	s0 =	simm.s32 @!p2 $0x0  }
0x16: {  	s3 =	sld [smem:$0x3FDB];
	s0 =	simm.s32 @p2 $0x1  }
0x17: {  	s4 =	simm.s32 $0x1BF5;
	[smem:$0x3FB9] =	sst s0  }
0x18: {  	s0 =	sld [smem:$0x3F9C];
	_ =	swait.ge [sflag:s4], $0x0  }
0x19: {  	s7 =	sld [smem:$0x3F9D]  }
0x1a: {  	s8 =	sadd.s32 $0xFFFFE003, lr  }
0x1b: {  	s9 =	sadd.s32 $0xFFFFFEF7, lr;
	s5 =	simm.s32 $0xFFFFFFFF;
	p2 =	slt.u32 s8, $0xFFFFF086  }
0x1c: {  	p1 =	slt.u32 s9, $0xF7A;
	s5 =	simm.s32 @!p2 $0x0  }
0x1d: {  	s5 =	simm.s32 @p1 $0x1;
	p0 =	seq.s32 s7, s2  }
0x1e: {  	s7 =	smul.u32 @!p0 $0xF7A, s2;
	p2 =	seq.s32 @!p0 s5, $0x0  }
0x1f: {  	s9 =	smul.u32 $0xF7A, s1;
	s8 =	simm.s32 @!p0 $0x1BF5;
	p2 =	por !p2, p0  }
0x20: {  	[sflag:s8] =	ssyncset.s32 @!p0 $0xFFFFF086;
	s6 =	sadd.s32 @!p0 s3, s7;
	s7 =	simm.s32 @!p0 $0x108  }
0x21: {  	s3 =	sadd.s32 s3, s9;
	s6 =	sadd.s32 @!p0 $0x88, s6;
	s7 =	simm.s32 @p2 $0x1082  }
0x22: {  	[simem:s7], [sflag:s8] =	dma.local @!p0 [hbm:s6], $0xF7A  }
0x23: {  	s9 =	sor.u32 $0xD0000000, s2;
	s6 =	simm.s32 $0x108;
	_ =	swait.ge @!p0 [sflag:s8], $0x0  }
0x24: {  	s3 =	sadd.s32 $0x88, s3;
	s6 =	simm.s32 @!p1 $0x1082;
	[sflag:s4] =	ssyncset.s32 $0xFFFFF086  }
0x25: {  	[simem:s6], [sflag:s4] =	dma.local [hbm:s3], $0xF7A  }
0x26: {  	[smem:$0x3F9D] =	sst s1;
	(tag) =	ssettag s2;
	_ =	strace s9  }
0x27: {  	s1 =	sld [smem:$0x3FAD]  }
0x28: {  	s2 =	sld [smem:$0x3FAE]  }
0x29: {  	s4 =	sld [smem:$0x3FB0]  }
0x2a: {  	p0 =	seq.s32 s5, $0x0;
	s5 =	sld [smem:$0x3FB1]  }
0x2b: {  	s6 =	sld [smem:$0x3FB2]  }
0x2c: {  	s7 =	sld [smem:$0x3FB3]  }
0x2d: {  	s3 =	simm.s32 $0x108;
	s8 =	sld [smem:$0x3FB4]  }
0x2e: {  	s3 =	simm.s32 @!p0 $0x1082;
	s9 =	sld [smem:$0x3FB5]  }
0x2f: {  	lr =	sadd.s32 s0, s3;
	s0 =	sld [smem:$0x3FAC]  }
0x30: {  	s3 =	sld [smem:$0x3FAF]  }
0x31: {  	[smem:$0x3FB8] =	sst s10  }
0x32: {  	s10 =	sld [smem:$0x3FB6];
	_ =	sdelay $0x3  }
0x33: {  	p0 =	seq.s32 s10, $0x1;
	s10 =	sld [smem:$0x3FB8];
	_ =	sdelay $0x3  }
0x34: {  	[smem:$0x3FB8] =	sst s10  }
0x35: {  	s10 =	sld [smem:$0x3FB7];
	_ =	sdelay $0x3  }
0x36: {  	p1 =	seq.s32 s10, $0x1;
	s10 =	sld [smem:$0x3FB8];
	_ =	sdelay $0x3  }
0x37: {  	[smem:$0x3FB8] =	sst s10  }
0x38: {  	s10 =	sld [smem:$0x3FB9]  }
0x39: {  	_ = 	snop;
	(pc) =	sbr.ind lr, $3  }
0x3a: {  	_ = 	snop  }
0x3b: {  	_ = 	snop  }
0x3c: {  	p2 =	seq.s32 s10, $0x1;
	s10 =	sld [smem:$0x3FB8]  }
0x3d: {  	_ =	shalt  }
0x3e: {  	_ =	shalt  }
0x3f: {  	_ =	shalt  }
0x40: {  	_ =	shalt  }
0x41: {  	_ =	shalt  }
0x42: {  	_ =	shalt  }
0x43: {  	_ =	shalt  }
0x44: {  	_ =	shalt  }
0x45: {  	_ =	shalt  }
0x46: {  	_ =	shalt  }
0x47: {  	_ =	shalt  }
0x48: {  	_ =	shalt  }
0x49: {  	_ =	shalt  }
0x4a: {  	_ =	shalt  }
0x4b: {  	_ =	shalt  }
0x4c: {  	_ =	shalt  }
0x4d: {  	_ =	shalt  }
0x4e: {  	_ =	shalt  }
0x4f: {  	_ =	shalt  }
0x50: {  	_ =	shalt  }
0x51: {  	_ =	shalt  }
0x52: {  	_ =	shalt  }
0x53: {  	_ =	shalt  }
0x54: {  	_ =	shalt  }
0x55: {  	_ =	shalt  }
0x56: {  	_ =	shalt  }
0x57: {  	_ =	shalt  }
0x58: {  	_ =	shalt  }
0x59: {  	_ =	shalt  }
0x5a: {  	_ =	shalt  }
0x5b: {  	_ =	shalt  }
0x5c: {  	_ =	shalt  }
0x5d: {  	_ =	shalt  }
0x5e: {  	_ =	shalt  }
0x5f: {  	_ =	shalt  }
0x60: {  	_ =	shalt  }
0x61: {  	_ =	shalt  }
0x62: {  	_ =	shalt  }
0x63: {  	_ =	shalt  }
0x64: {  	_ =	shalt  }
0x65: {  	_ =	shalt  }
0x66: {  	_ =	shalt  }
0x67: {  	_ =	shalt  }
0x68: {  	_ =	shalt  }
0x69: {  	_ =	shalt  }
0x6a: {  	_ =	shalt  }
0x6b: {  	_ =	shalt  }
0x6c: {  	_ =	shalt  }
0x6d: {  	_ =	shalt  }
0x6e: {  	_ =	shalt  }
0x6f: {  	_ =	shalt  }
0x70: {  	_ =	shalt  }
0x71: {  	_ =	shalt  }
0x72: {  	_ =	shalt  }
0x73: {  	_ =	shalt  }
0x74: {  	_ =	shalt  }
0x75: {  	_ =	shalt  }
0x76: {  	_ =	shalt  }
0x77: {  	_ =	shalt  }
0x78: {  	_ =	shalt  }
0x79: {  	_ =	shalt  }
0x7a: {  	_ =	shalt  }
0x7b: {  	_ =	shalt  }
0x7c: {  	_ =	shalt  }
0x7d: {  	_ =	shalt  }
0x7e: {  	_ =	shalt  }
0x7f: {  	_ =	shalt  }
0x80: {  	_ =	shalt  }
0x81: {  	_ =	shalt  }
0x82: {  	_ =	shalt  }
0x83: {  	_ =	shalt  }
0x84: {  	_ =	shalt  }
0x85: {  	_ =	shalt  }
0x86: {  	_ =	shalt  }
0x87: {  	_ =	shalt  }
.Lfunc_end0:
.L_simem_size_0:
called_computation.1_lowered:
.L_overlay_start_0:
0x88: {  	s2 =	sld [smem:$0x3FD9]  }
0x89: {  	s3 =	sld [smem:$0x3FFE];
	_ =	sdelay $0x1  }
0x8a: {  	s1 =	srdreg.scid  }
0x8b: {  	s0 =	sand.u32 $0x1, s1  }
0x8c: {  	s17 =	sshll.u32 s0, $0xA;
	s2 =	sadd.s32 s3, s2  }
0x8d: {  	s2 =	sadd.s32 s2, s17  }
0x8e: {  	[smem:$0x3FC4] =	sst s2  }
0x8f: {  	_ = 	snop  }
0x90: {  	s2 =	sld [smem:$0x3FC8]  }
0x91: {  	s18 =	sld [smem:$0x3FD0];
	(tm) =	ssettm $0x1  }
0x92: {  	s4 =	sld [smem:$0x3FFB];
	_ =	sdelay $0x3  }
0x93: {  	_ =	strace s4  }
0x94: {  	s4 =	sld [smem:$0x3FFC];
	_ =	sdelay $0x3  }
0x95: {  	_ =	strace s4  }
0x96: {  	s4 =	sld [smem:$0x3FFD];
	_ =	sdelay $0x3  }
0x97: {  	_ =	strace s4  }
0x98: {  	_ =	strace $0x8FFFFFFF  }
0x99: {  	s19 =	sld [smem:$0x3FDB];
	_ =	sdelay $0x1  }
0x9a: {  	s5 =	simm.s32 $_scs_section_size  }
0x9b: {  	s6 =	simm.s32 $_size__tile_overlayer_lowered;
	s7 =	simm.s32 $_tile_overlayer_lowered  }
0x9c: {  	s22 =	simm.s32 $0x1BFF;
	s21 =	sshll.u32 s7, $0x1;
	s4 =	sadd.s32 s5, s19  }
0x9d: {  	s8 =	simm.s32 $0x0;
	s20 =	sshll.u32 s6, $0x1;
	s6 =	sadd.s32 s21, s4  }
0x9e: {  	[timem:s8], [sflag:s22] =	dma.local [hbm:s6], s20  }
0x9f: {  	_ =	swait.ge [sflag:s22], s20  }
0xa0: {  	s5 =	ssub.s32 $0x0, s20;
	[sflag:s22] =	ssyncset.done $0x0  }
0xa1: {  	[sflag:s22] =	ssyncadd.s32 s5;
	_ =	sdelay $0x1  }
0xa2: {  	s23 =	simm.s32 $0x1B8B  }
0xa3: {  	_ =	swait.ge [sflag:s23], $0x1  }
0xa4: {  	[sflag:s23] =	ssyncset.done $0x0  }
0xa5: {  	s25 =	simm.s32 $0x1B8E;
	s24 =	sld [smem:$0x3FFE];
	[sflag:s23] =	ssyncadd.s32 $0xFFFFFFFF  }
0xa6: {  	s26 =	simm.s32 $execute0_lowered;
	[smem:$0x3FD2] =	sst s25  }
0xa7: {  	s6 =	sshll.u32 s26, $0x1;
	_ =	strace $0x80000046;
	[dreg:$0x1] =	wrdreg $0xFFFFFFFF  }
0xa8: {  	s28 =	simm.s32 $_size_execute0_lowered;
	s4 =	sadd.s32 s4, s6;
	[dreg:$0x0] =	wrdreg $0x0  }
0xa9: {  	s6 =	sshll.u32 s28, $0x1;
	[dreg:$0x2] =	wrdreg s4  }
0xaa: {  	[dreg:$0x3] =	wrdreg s6  }
0xab: {  	[dreg:$0x4] =	wrdreg $0xC0  }
0xac: {  	_ =	task [dreg:s8], $0x5FFFF  }
0xad: {  	[dreg:$0x1] =	wrdreg $0xFFFFFFFF  }
0xae: {  	[dreg:$0x0] =	wrdreg $0x60  }
0xaf: {  	[dreg:$0x2] =	wrdreg s24  }
0xb0: {  	[dreg:$0x3] =	wrdreg s2  }
0xb1: {  	[dreg:$0x4] =	wrdreg s18  }
0xb2: {  	[dreg:$0x5] =	wrdreg $0x9  }
0xb3: {  	_ =	task.clear_ibuf [dreg:s8], $0x6FFFF;
	_ =	strace $0x90000046  }
0xb4: {  	s29 =	simm.s32 $0x9;
	_ =	strace $0x80000048  }
0xb5: {  	_ =	swait.ge [sflag:s29], $0x1  }
0xb6: {  	[sflag:s29] =	ssyncadd.s32 $0xFFFFFFFF  }
0xb7: {  	_ =	strace $0x90000048  }
0xb8: {  	_ =	sfence  }
0xb9: {  	s30 =	sld [smem:$0x0];
	_ =	sdelay $0x2  }
0xba: {  	s31 =	sshll.u32 s1, $0xD;
	s1 =	sshrl.u32 s1, $0x2  }
0xbb: {  	s3 =	sand.u32 $0x4000, s31;
	s1 =	sadd.s32 s1, s30  }
0xbc: {  	s0 =	sor.u32 s3, s0;
	s1 =	sshll.u32 s1, $0x11  }
0xbd: {  	s0 =	sor.u32 s1, s0  }
0xbe: {  	s0 =	sadd.s32 $0x8F2B, s0  }
0xbf: {  	[sflag:s0] =	ssyncadd.remote.s32 $0x1  }
0xc0: {  	_ =	sfence.sel $0xFFFF  }
0xc1: {  	[dreg:$0x0] =	wrdreg $0xFFFFFFFF;
	(pc) =	sbr.abs _section_cstart, $3  }
0xc2: {  	[dreg:$0x1] =	wrdreg $0xFFFFFFFF  }
0xc3: {  	_ =	task.clear_ibuf [dreg:s8], $0x2FFFF;
	_ =	strace $0x9FFFFFFF  }
0xc4: {  	(tm) =	ssettm $0x7FFFFFFF  }
0xc5: {  	_ =	shalt  }
tec
execute0_lowered:
.L_overlay_start_1:
0x0: {  	(tag) =	ssettag $0x1  }
0x1: {  	v0 =	vimm.f32 $1.500000000e+01;
	vm14 =	vcmask $0x300  }
0x2: {  	vm12 =	vcmask $0x704;
	v1 =	vimm.f32 $3.100000000e+01;
	vm13 =	vcmask $0xB08  }
0x3: {  	vm11 =	vcmask $0xF0C;
	vm10 =	vcmask $0x1310;
	vm9 =	vcmask $0x1714  }
0x4: {  	vm8 =	vcmask $0x1B18;
	vm7 =	vcmask $0x1F1C;
	vm6 =	vcmask $0x2320  }
0x5: {  	vm5 =	vcmask $0x2724;
	vm4 =	vcmask $0x2B28;
	vm3 =	vcmask $0x2F2C  }
0x6: {  	vm1 =	vcmask $0x3330;
	vm2 =	vcmask $0x3734;
	vm0 =	vcmask $0x3B38  }
0x7: {  	v2 =	vimm.f32 $4.700000000e+01;
	v3 =	vimm.f32 $6.300000000e+01;
	v4 =	vimm.f32 $7.900000000e+01  }
0x8: {  	v0 =	vsel vm14, $0x0, v0;
	v1 =	vsel vm14, $0x41800000, v1;
	v2 =	vsel vm14, $0x42000000, v2  }
0x9: {  	v3 =	vsel vm14, $0x42400000, v3;
	v4 =	vsel vm14, $0x42800000, v4;
	v0 =	vsel vm12, $0x3F800000, v0  }
0xa: {  	v1 =	vsel vm12, $0x41880000, v1;
	v2 =	vsel vm12, $0x42040000, v2;
	v3 =	vsel vm12, $0x42440000, v3  }
0xb: {  	v4 =	vsel vm12, $0x42820000, v4;
	v0 =	vsel vm13, $0x40000000, v0;
	v1 =	vsel vm13, $0x41900000, v1  }
0xc: {  	v2 =	vsel vm13, $0x42080000, v2;
	v3 =	vsel vm13, $0x42480000, v3;
	v4 =	vsel vm13, $0x42840000, v4  }
0xd: {  	v0 =	vsel vm11, $0x40400000, v0;
	v1 =	vsel vm11, $0x41980000, v1;
	v2 =	vsel vm11, $0x420C0000, v2  }
0xe: {  	v3 =	vsel vm11, $0x424C0000, v3;
	v4 =	vsel vm11, $0x42860000, v4;
	v0 =	vsel vm10, $0x40800000, v0  }
0xf: {  	v1 =	vsel vm10, $0x41A00000, v1;
	v2 =	vsel vm10, $0x42100000, v2;
	v3 =	vsel vm10, $0x42500000, v3  }
0x10: {  	v4 =	vsel vm10, $0x42880000, v4;
	v0 =	vsel vm9, $0x40A00000, v0;
	v1 =	vsel vm9, $0x41A80000, v1  }
0x11: {  	v2 =	vsel vm9, $0x42140000, v2;
	v3 =	vsel vm9, $0x42540000, v3;
	v4 =	vsel vm9, $0x428A0000, v4  }
0x12: {  	v0 =	vsel vm8, $0x40C00000, v0;
	v1 =	vsel vm8, $0x41B00000, v1;
	v2 =	vsel vm8, $0x42180000, v2  }
0x13: {  	v3 =	vsel vm8, $0x42580000, v3;
	v4 =	vsel vm8, $0x428C0000, v4;
	v0 =	vsel vm7, $0x40E00000, v0  }
0x14: {  	v1 =	vsel vm7, $0x41B80000, v1;
	v2 =	vsel vm7, $0x421C0000, v2;
	v3 =	vsel vm7, $0x425C0000, v3  }
0x15: {  	v4 =	vsel vm7, $0x428E0000, v4;
	v0 =	vsel vm6, $0x41000000, v0;
	v1 =	vsel vm6, $0x41C00000, v1  }
0x16: {  	v2 =	vsel vm6, $0x42200000, v2;
	v3 =	vsel vm6, $0x42600000, v3;
	v4 =	vsel vm6, $0x42900000, v4  }
0x17: {  	v0 =	vsel vm5, $0x41100000, v0;
	v1 =	vsel vm5, $0x41C80000, v1;
	v2 =	vsel vm5, $0x42240000, v2  }
0x18: {  	v3 =	vsel vm5, $0x42640000, v3;
	v4 =	vsel vm5, $0x42920000, v4;
	v0 =	vsel vm4, $0x41200000, v0  }
0x19: {  	v1 =	vsel vm4, $0x41D00000, v1;
	v2 =	vsel vm4, $0x42280000, v2;
	v3 =	vsel vm4, $0x42680000, v3  }
0x1a: {  	s7 =	rddreg [dreg:$0x0];
	v4 =	vsel vm4, $0x42940000, v4;
	v0 =	vsel vm3, $0x41300000, v0;
	v1 =	vsel vm3, $0x41D80000, v1  }
0x1b: {  	s0 =	rddreg [dreg:$0x1];
	v2 =	vsel vm3, $0x422C0000, v2;
	v3 =	vsel vm3, $0x426C0000, v3;
	v0 =	vsel vm1, $0x41400000, v0  }
0x1c: {  	s2 =	rddreg [dreg:$0x2];
	v4 =	vsel vm3, $0x42960000, v4;
	v1 =	vsel vm1, $0x41E00000, v1;
	v0 =	vsel vm2, $0x41500000, v0  }
0x1d: {  	s1 =	rddreg [dreg:$0x3];
	s3 =	simm.s32 $0x0;
	s4 =	srdreg.scid;
	v2 =	vsel vm1, $0x42300000, v2;
	v1 =	vsel vm2, $0x41E80000, v1;
	v0 =	vsel vm0, $0x41600000, v0  }
0x1e: {  	s5 =	stileid.u32;
	s11 =	simm.s32 $0x1E600;
	s13 =	simm.s32 $0x1E680;
	v3 =	vsel vm1, $0x42700000, v3;
	v2 =	vsel vm2, $0x42340000, v2;
	v56 =	vsel vm0, $0x41F00000, v1;
	[tilespmem:$0x1FF70] =	vst v0  }
0x1f: {  	s12 =	simm.s32 $0x40;
	s14 =	simm.s32 $0xE700;
	[smem:$0x7FF] =	sst s3;
	v4 =	vsel vm1, $0x42980000, v4;
	v3 =	vsel vm2, $0x42740000, v3;
	v57 =	vsel vm0, $0x42380000, v2;
	[tilespmem:$0x1FF80] =	vst v56  }
0x20: {  	s15 =	simm.s32 $0x10;
	s16 =	simm.s32 $0x1E6C0;
	v4 =	vsel vm2, $0x429A0000, v4;
	v58 =	vsel vm0, $0x42780000, v3;
	_ =	strace $0x80000047;
	[tilespmem:$0x1FF90] =	vst v57  }
0x21: {  	v8 =	vlaneseq.u32;
	s17 =	simm.s32 $0x19E00;
	s18 =	simm.s32 $0x1CE00;
	s19 =	simm.s32 $0x1;
	v59 =	vsel vm0, $0x429C0000, v4;
	[tilespmem:$0x1FFA0] =	vst v58  }
.Ltmp0:
0x22: {  	s20 =	simm.s32 $0x2;
	s8 =	sand.u32 $0x1, s4;
	v60 =	vor.u32 $0x10, v8;
	[tilespmem:$0x1FFB0] =	vst v59;
	(pc) =	sbr.rel .LBB2_1-.Ltmp0, $4  }
0x23: {  	s21 =	simm.s32 $0x0;
	s4 =	sadd.s32 $0x2600, s7;
	v61 =	vor.u32 $0x20, v8;
	s9 =	ssub.s32 $0x2, s8;
	[tilespmem:$0x1FFC0] =	vst v60  }
0x24: {  	s6 =	sadd.s32 $0x182600, s7;
	s31 =	sshll.u32 s5, $0x6;
	v62 =	vor.u32 $0x30, v8;
	s10 =	sshrl.u32 s9, $0x1;
	[tilespmem:$0x1FFD0] =	vst v61  }
0x25: {  	s7 =	sadd.s32 $0x800, s7;
	v63 =	vadd.s32 $0x3D, v8;
	s8 =	sshll.u32 s8, $0x5;
	s9 =	ssub.s32 s9, s10;
	[tilespmem:$0x1FFE0] =	vst v62  }
0x26: {  	v9 =	vimm.f32 $0.0e+00;
	s8 =	sor.u32 s8, s31;
	s10 =	simm.s32 $0x3;
	s9 =	smax.u32 s9, $0x1;
	[tilespmem:$0x1FFF0] =	vst v63  }
.LBB2_14:
0x27: {  	s21 =	sadd.s32 $0x1, s21  }
0x28: {  	p0 =	sne.s32 s21, s9  }
.Ltmp1:
0x29: {  	_ = 	snop;
	(pc) =	sbr.rel @!p0 .LBB2_15-.Ltmp1, $4  }
0x2a: {  	_ = 	snop  }
0x2b: {  	_ =	swait.ge [sflag:s20], $0xE700  }
0x2c: {  	[sflag:s20] =	ssyncset.done $0x0  }
0x2d: {  	[sflag:s20] =	ssyncadd.s32 $0xFFFF1900  }
.LBB2_1:
.Ltmp2:
0x2e: {  	(pc) =	sbr.rel .LBB2_2-.Ltmp2, $4  }
0x2f: {  	[tilespmem:s3], [sflag:$0x3] =	stream.linear.gather [hbm4b:s7+s3], $0xE700, $0x38;
	[tilespmem:$0x1E6D0] =	vst v63  }
0x30: {  	_ =	swait.ge [sflag:s10], $0xE700  }
0x31: {  	[sflag:s10] =	ssyncset.done $0x0  }
0x32: {  	s22 =	simm.s32 $0x0;
	[sflag:s10] =	ssyncadd.s32 $0xFFFF1900  }
.LBB2_13:
0x33: {  	s22 =	sadd.s32 $0x1, s22  }
0x34: {  	p0 =	sne.s32 s22, $0x20  }
.Ltmp3:
0x35: {  	_ = 	snop;
	(pc) =	sbr.rel @!p0 .LBB2_14-.Ltmp3, $3  }
0x36: {  	s23 =	smul.u32 $0x1CE0, s23;
	_ =	sdelay $0x1  }
0x37: {  	s23 =	sadd.s32 s2, s23  }
0x38: {  	[hbm4b:s23+s3] =	stream.linear.scatter [tilespmem:s14], [sflag:$0x2], $0xE700, $0x38;
	[tilespmem:$0x1E6D0] =	vst v63  }
.LBB2_2:
0x39: {  	s23 =	sadd.s32 s8, s22  }
0x3a: {  	s24 =	sshll.u32 s23, $0x4  }
0x3b: {  	s24 =	sadd.s32 s0, s24  }
0x3c: {  	[tilespmem:s11], [sflag:$0x3] =	stream.linear.gather [hbm4b:s24+s3], $0x80, $0x38;
	[tilespmem:$0x1E6D0] =	vst v63  }
0x3d: {  	_ =	swait.ge [sflag:s10], $0x80  }
0x3e: {  	v0 =	vld [tilespmem:$0x1FF70]  }
0x3f: {  	v28 =	vld [tilespmem:$0x1FF80]  }
0x40: {  	[sflag:s10] =	ssyncset.done $0x0;
	v29 =	vld [tilespmem:$0x1FF90]  }
0x41: {  	v30 =	vld [tilespmem:$0x1FFA0];
	[sflag:s10] =	ssyncadd.s32 $0xFFFFFF80  }
0x42: {  	v10 =	vld [tilespmem:$0x1E600]  }
0x43: {  	v11 =	vld [tilespmem:$0x1E610]  }
0x44: {  	v12 =	vld [tilespmem:$0x1E620]  }
0x45: {  	v13 =	vld [tilespmem:$0x1E630]  }
0x46: {  	v14 =	vld [tilespmem:$0x1E640]  }
0x47: {  	v31 =	vld [tilespmem:$0x1FFB0]  }
0x48: {  	vm0 =	veq.s32 v10, $0xC0FF;
	vm1 =	veq.s32 v11, $0xC0FF;
	v11 =	vld [tilespmem:$0x1E660]  }
0x49: {  	v15 =	vnsel vm0, $0x42FE0000, v0;
	v16 =	vnsel vm1, $0x42FE0000, v28;
	vm0 =	veq.s32 v12, $0xC0FF  }
0x4a: {  	v12 =	vmin.f32 v15, v16;
	v15 =	vnsel vm0, $0x42FE0000, v29;
	vm0 =	veq.s32 v13, $0xC0FF  }
0x4b: {  	v12 =	vmin.f32 v12, v15;
	v13 =	vnsel vm0, $0x42FE0000, v30;
	vm0 =	veq.s32 v14, $0xC0FF  }
0x4c: {  	v12 =	vmin.f32 v12, v13;
	v13 =	vnsel vm0, $0x42FE0000, v31  }
0x4d: {  	v12 =	vmin.f32 v12, v13;
	v11 =	vcvt.s32.f32 v11  }
0x4e: {  	(xrf0) =	vmin.scan.msk.f32 $0xffff, v12  }
0x4f: {  	(xrf0) =	vmax.scan.msk.f32 $0xffff, v11;
	_ =	sdelay $0x4  }
0x50: {  	v11, _, _ =	vpop (xrf0)  }
0x51: {  	(v2sf) =	vpush v11, $0xF;
	v11, _, _ =	vpop (xrf0)  }
0x52: {  	(v2sf) =	vpush v11, $0xF;
	_ =	sdelay $0xd  }
0x53: {  	p0 =	seq.s32 s22, $0x0;
	s31 =	spop (v2sf)  }
0x54: {  	s26 =	simm.s32 @!p0 $0x2;
	s25 =	spop (v2sf)  }
0x55: {  	_ =	swait.ge @!p0 [sflag:s26], $0xE700  }
0x56: {  	v32 =	vld [tilespmem:$0x1FFC0]  }
0x57: {  	v33 =	vld [tilespmem:$0x1FFD0]  }
0x58: {  	[sflag:s26] =	ssyncset.done @!p0 $0x0;
	v34 =	vld [tilespmem:$0x1FFE0]  }
0x59: {  	s25 =	scvt.f32.s32 s25;
	v35 =	vld [tilespmem:$0x1FFF0];
	[sflag:s26] =	ssyncadd.s32 @!p0 $0xFFFF1900  }
0x5a: {  	p0 =	sge.f32 s31, $1.270000000e+02;
	s26 =	scvt.f32.s32 s31;
	v11 =	vld [tilespmem:$0x1E610]  }
0x5b: {  	v12 =	vld [tilespmem:$0x1E600]  }
0x5c: {  	v13 =	vld [tilespmem:$0x1E620];
	s26 =	simm.s32 @p0 $0x0;
	p0 =	seq.s32 s25, $0xFFFFFFFF  }
0x5d: {  	v14 =	vld [tilespmem:$0x1E610];
	s25 =	smov.u32 @p0 s26  }
0x5e: {  	v15 =	vld [tilespmem:$0x1E630];
	p0 =	slt.s32 s25, $0x3D  }
0x5f: {  	v16 =	vld [tilespmem:$0x1E620];
	s25 =	simm.s32 @!p0 $0x3D  }
0x60: {  	v17 =	vld [tilespmem:$0x1E63D];
	s30 =	sadd.s32 $0x10, s25  }
0x61: {  	v19 =	vld [tilespmem:$0x1E62D];
	v18 =	vmov s30  }
0x62: {  	vm0 =	vgt.s32 v18, v32  }
0x63: {  	[tilespmem:$0x1E680] =	vst v10;
	v10 =	vsel vm0, v11, v12;
	vm0 =	vgt.s32 v18, v33  }
0x64: {  	[tilespmem:$0x1E690] =	vst v10;
	v10 =	vsel vm0, v13, v14;
	vm0 =	vgt.s32 v18, v34  }
0x65: {  	[tilespmem:$0x1E6A0] =	vst v10;
	v10 =	vsel vm0, v15, v16;
	vm0 =	vgt.s32 v18, v35  }
0x66: {  	[tilespmem:$0x1E6B0] =	vst v10;
	v10 =	vsel vm0, v17, v19  }
0x67: {  	s31 =	smul.u32 $0x3000, s23;
	[tilespmem:$0x1E6C0] =	vst v10  }
0x68: {  	[tilespmem:s14], [sflag:$0x1] =	stream.indirect.gather [hbm4b:s6+s12], $0x300, s13, s12, $0xb8;
	[tilespmem:$0x1E6D0] =	vst v63  }
0x69: {  	s24 =	sshrl.u32 s31, $0x3  }
0x6a: {  	[tilespmem:s17], [sflag:$0x1] =	stream.indirect.gather [hbm4b:s6+s15], $0x300, s16, s15, $0xb8;
	[tilespmem:$0x1E6D0] =	vst v63  }
0x6b: {  	s28 =	simm.s32 $0x0;
	s24 =	sadd.s32 s4, s24  }
0x6c: {  	[tilespmem:s18], [sflag:$0x3] =	stream.linear.gather [hbm4b:s24+s28], $0x1800, $0x38;
	[tilespmem:$0x1E6D0] =	vst v63  }
0x6d: {  	_ =	swait.ge [sflag:s10], $0x1800  }
0x6e: {  	[sflag:s10] =	ssyncset.done $0x0  }
0x6f: {  	s29 =	simm.s32 $0x0;
	[sflag:s10] =	ssyncadd.s32 $0xFFFFE800  }
0x70: {  	v16 =	vld [tilespmem:s29+$0x1D0A0];
	_ =	sdelay $0x1  }
0x71: {  	v36 =	vimm.s32 $0x0;
	v37 =	vimm.s32 $0x0;
	v38 =	vimm.s32 $0x0;
	v18 =	vld [tilespmem:s29+$0x1D080]  }
0x72: {  	v39 =	vimm.s32 $0x0;
	v40 =	vimm.s32 $0x0;
	v41 =	vimm.s32 $0x0;
	v17 =	vld [tilespmem:s29+$0x1D090]  }
0x73: {  	v42 =	vimm.s32 $0x0;
	v43 =	vimm.s32 $0x0;
	v44 =	vimm.s32 $0x0  }
0x74: {  	v45 =	vimm.s32 $0x0;
	v46 =	vimm.s32 $0x0;
	v19 =	vld [tilespmem:s29+$0x1D070];
	vm0 =	vlt.f32 v16, $0.0e+00  }
0x75: {  	v47 =	vimm.s32 $0x0;
	v0 =	vsel vm0, $0xFFFFFFFF, v36;
	vm0 =	vgt.f32 v16, $0.0e+00  }
0x76: {  	v48 =	vimm.s32 $0x0;
	[tilespmem:$0x1FB60] =	vst v0;
	v0 =	vsel vm0, $0xFFFFFFFF, v37;
	vm0 =	vlt.f32 v18, $0.0e+00  }
0x77: {  	v49 =	vimm.s32 $0x0;
	v21 =	vld [tilespmem:s29+$0x1D050];
	[tilespmem:$0x1FB70] =	vst v0;
	v0 =	vsel vm0, $0xFFFFFFFF, v38;
	vm0 =	vlt.f32 v17, $0.0e+00  }
0x78: {  	v50 =	vimm.s32 $0x0;
	v20 =	vld [tilespmem:s29+$0x1D060];
	[tilespmem:$0x1FB80] =	vst v0;
	v0 =	vsel vm0, $0xFFFFFFFF, v39;
	vm0 =	vgt.f32 v17, $0.0e+00  }
0x79: {  	v51 =	vimm.s32 $0x0;
	[tilespmem:$0x1FB90] =	vst v0;
	v0 =	vsel vm0, $0xFFFFFFFF, v40;
	vm0 =	vlt.f32 v19, $0.0e+00  }
0x7a: {  	v52 =	vimm.s32 $0x0;
	v22 =	vld [tilespmem:s29+$0x1D040];
	[tilespmem:$0x1FBA0] =	vst v0;
	v0 =	vsel vm0, $0xFFFFFFFF, v41;
	vm0 =	vgt.f32 v19, $0.0e+00  }
0x7b: {  	v53 =	vimm.s32 $0x0;
	[tilespmem:$0x1FBB0] =	vst v0;
	v0 =	vsel vm0, $0xFFFFFFFF, v42;
	vm0 =	vgt.f32 v18, $0.0e+00  }
0x7c: {  	v54 =	vimm.s32 $0x0;
	[tilespmem:$0x1FBC0] =	vst v0;
	v0 =	vsel vm0, $0xFFFFFFFF, v43;
	vm0 =	vlt.f32 v21, $0.0e+00  }
0x7d: {  	v55 =	vimm.s32 $0x0;
	v24 =	vld [tilespmem:s29+$0x1D020];
	[tilespmem:$0x1FBD0] =	vst v0;
	v0 =	vsel vm0, $0xFFFFFFFF, v44;
	vm0 =	vlt.f32 v20, $0.0e+00  }
0x7e: {  	v56 =	vimm.s32 $0x0;
	v23 =	vld [tilespmem:s29+$0x1D030];
	[tilespmem:$0x1FBE0] =	vst v0;
	v0 =	vsel vm0, $0xFFFFFFFF, v45;
	vm0 =	vgt.f32 v20, $0.0e+00  }
0x7f: {  	v57 =	vimm.s32 $0x0;
	[tilespmem:$0x1FBF0] =	vst v0;
	v0 =	vsel vm0, $0xFFFFFFFF, v46;
	vm0 =	vlt.f32 v22, $0.0e+00  }
0x80: {  	v58 =	vimm.s32 $0x0;
	v25 =	vld [tilespmem:s29+$0x1D010];
	[tilespmem:$0x1FC00] =	vst v0;
	v0 =	vsel vm0, $0xFFFFFFFF, v47;
	vm0 =	vgt.f32 v22, $0.0e+00  }
0x81: {  	v60 =	vimm.s32 $0x0;
	[tilespmem:$0x1FC10] =	vst v0;
	v0 =	vsel vm0, $0xFFFFFFFF, v48;
	vm0 =	vgt.f32 v21, $0.0e+00  }
0x82: {  	v61 =	vimm.s32 $0x0;
	v11 =	vld [tilespmem:s29+$0x1D0F0];
	[tilespmem:$0x1FC20] =	vst v0;
	v0 =	vsel vm0, $0xFFFFFFFF, v49;
	vm0 =	vlt.f32 v24, $0.0e+00  }
0x83: {  	v62 =	vimm.s32 $0x0;
	v27 =	vld [tilespmem:s29+$0x1CFF0];
	[tilespmem:$0x1FC30] =	vst v0;
	v0 =	vsel vm0, $0xFFFFFFFF, v50;
	vm0 =	vlt.f32 v23, $0.0e+00  }
0x84: {  	v4 =	vimm.s32 $0x0;
	v26 =	vld [tilespmem:s29+$0x1D000];
	[tilespmem:$0x1FC40] =	vst v0;
	v0 =	vsel vm0, $0xFFFFFFFF, v51;
	vm0 =	vgt.f32 v23, $0.0e+00  }
0x85: {  	v5 =	vimm.s32 $0x0;
	v12 =	vld [tilespmem:s29+$0x1D0E0];
	[tilespmem:$0x1FC50] =	vst v0;
	v0 =	vsel vm0, $0xFFFFFFFF, v52;
	vm0 =	vlt.f32 v25, $0.0e+00  }
0x86: {  	v6 =	vimm.s32 $0x0;
	v28 =	vld [tilespmem:s29+$0x1CFE0];
	[tilespmem:$0x1FC60] =	vst v0;
	v0 =	vsel vm0, $0xFFFFFFFF, v53;
	vm0 =	vgt.f32 v25, $0.0e+00  }
0x87: {  	v34 =	vimm.s32 $0x0;
	v13 =	vld [tilespmem:s29+$0x1D0D0];
	[tilespmem:$0x1FC70] =	vst v0;
	v0 =	vsel vm0, $0xFFFFFFFF, v54;
	vm0 =	vgt.f32 v24, $0.0e+00  }
0x88: {  	v35 =	vimm.s32 $0x0;
	v14 =	vld [tilespmem:s29+$0x1D0C0];
	[tilespmem:$0x1FC80] =	vst v0;
	v0 =	vsel vm0, $0xFFFFFFFF, v55;
	vm0 =	vlt.f32 v27, $0.0e+00  }
0x89: {  	v30 =	vld [tilespmem:s29+$0x1CFC0];
	vm6 =	vlt.f32 v11, $0.0e+00;
	[tilespmem:$0x1FC90] =	vst v0;
	v0 =	vsel vm0, $0xFFFFFFFF, v56;
	vm0 =	vlt.f32 v26, $0.0e+00  }
0x8a: {  	v29 =	vld [tilespmem:s29+$0x1CFD0];
	vm8 =	vlt.f32 v12, $0.0e+00;
	[tilespmem:$0x1FCA0] =	vst v0;
	v0 =	vsel vm0, $0xFFFFFFFF, v57;
	vm0 =	vgt.f32 v26, $0.0e+00  }
0x8b: {  	vm7 =	vgt.f32 v11, $0.0e+00;
	[tilespmem:$0x1FCB0] =	vst v0;
	v0 =	vsel vm0, $0xFFFFFFFF, v58;
	vm0 =	vlt.f32 v28, $0.0e+00  }
0x8c: {  	v31 =	vld [tilespmem:s29+$0x1CFB0];
	vm10 =	vlt.f32 v13, $0.0e+00;
	[tilespmem:$0x1FCC0] =	vst v0;
	v0 =	vsel vm0, $0xFFFFFFFF, v60;
	vm0 =	vgt.f32 v28, $0.0e+00  }
0x8d: {  	vm11 =	vgt.f32 v13, $0.0e+00;
	[tilespmem:$0x1FCD0] =	vst v0;
	v0 =	vsel vm0, $0xFFFFFFFF, v61;
	vm0 =	vgt.f32 v27, $0.0e+00  }
0x8e: {  	vm9 =	vgt.f32 v12, $0.0e+00;
	[tilespmem:$0x1FCE0] =	vst v0;
	v0 =	vsel vm0, $0xFFFFFFFF, v62;
	vm0 =	vlt.f32 v30, $0.0e+00  }
0x8f: {  	v11 =	vld [tilespmem:s29+$0x1CF90];
	vm12 =	vlt.f32 v14, $0.0e+00;
	[tilespmem:$0x1FCF0] =	vst v0;
	v0 =	vsel vm0, $0xFFFFFFFF, v4;
	vm0 =	vlt.f32 v29, $0.0e+00  }
0x90: {  	v32 =	vld [tilespmem:s29+$0x1CFA0];
	vm13 =	vgt.f32 v14, $0.0e+00;
	[tilespmem:$0x1FD00] =	vst v0;
	v0 =	vsel vm0, $0xFFFFFFFF, v5;
	vm0 =	vgt.f32 v29, $0.0e+00  }
0x91: {  	v15 =	vld [tilespmem:s29+$0x1D0B0];
	v26 =	vimm.s32 $0x0;
	[tilespmem:$0x1FD10] =	vst v0;
	v0 =	vsel vm0, $0xFFFFFFFF, v6;
	vm0 =	vlt.f32 v31, $0.0e+00  }
0x92: {  	v12 =	vld [tilespmem:s29+$0x1CF80];
	v27 =	vimm.s32 $0x0;
	[tilespmem:$0x1FD20] =	vst v0;
	v0 =	vsel vm0, $0xFFFFFFFF, v26;
	vm0 =	vgt.f32 v31, $0.0e+00  }
0x93: {  	v28 =	vimm.s32 $0x0;
	[tilespmem:$0x1FD30] =	vst v0;
	v0 =	vsel vm0, $0xFFFFFFFF, v27;
	vm0 =	vgt.f32 v30, $0.0e+00  }
0x94: {  	v30 =	vimm.s32 $0x0;
	[tilespmem:$0x1FD40] =	vst v0;
	v0 =	vsel vm0, $0xFFFFFFFF, v28;
	vm0 =	vlt.f32 v11, $0.0e+00  }
0x95: {  	v14 =	vld [tilespmem:s29+$0x1CF60];
	v31 =	vimm.s32 $0x0;
	[tilespmem:$0x1FD50] =	vst v0;
	v0 =	vsel vm0, $0xFFFFFFFF, v30;
	vm0 =	vlt.f32 v32, $0.0e+00  }
0x96: {  	v13 =	vld [tilespmem:s29+$0x1CF70];
	[tilespmem:$0x1FD60] =	vst v0;
	v0 =	vsel vm0, $0xFFFFFFFF, v31;
	vm0 =	vgt.f32 v32, $0.0e+00;
	v32 =	vimm.s32 $0x0  }
0x97: {  	vm14 =	vlt.f32 v15, $0.0e+00;
	[tilespmem:$0x1FD70] =	vst v0;
	v0 =	vsel vm0, $0xFFFFFFFF, v32;
	vm0 =	vlt.f32 v12, $0.0e+00  }
0x98: {  	vm15 =	vgt.f32 v15, $0.0e+00;
	v15 =	vld [tilespmem:s29+$0x1CF50];
	[tilespmem:$0x1FD80] =	vst v0;
	v0 =	vsel vm0, $0xFFFFFFFF, v34;
	vm0 =	vgt.f32 v12, $0.0e+00  }
0x99: {  	v36 =	vimm.s32 $0x0;
	[tilespmem:$0x1FD90] =	vst v0;
	v0 =	vsel vm0, $0xFFFFFFFF, v35;
	vm0 =	vgt.f32 v11, $0.0e+00  }
0x9a: {  	v37 =	vimm.s32 $0x0;
	[tilespmem:$0x1FDA0] =	vst v0;
	v0 =	vsel vm0, $0xFFFFFFFF, v36;
	vm0 =	vlt.f32 v14, $0.0e+00  }
0x9b: {  	v38 =	vimm.s32 $0x0;
	v17 =	vld [tilespmem:s29+$0x1CF30];
	[tilespmem:$0x1FDB0] =	vst v0;
	v0 =	vsel vm0, $0xFFFFFFFF, v37;
	vm0 =	vlt.f32 v13, $0.0e+00  }
0x9c: {  	v16 =	vld [tilespmem:s29+$0x1CF40];
	v39 =	vimm.s32 $0x0;
	[tilespmem:$0x1FDC0] =	vst v0;
	v0 =	vsel vm0, $0xFFFFFFFF, v38;
	vm0 =	vgt.f32 v13, $0.0e+00  }
0x9d: {  	v40 =	vimm.s32 $0x0;
	[tilespmem:$0x1FDD0] =	vst v0;
	v0 =	vsel vm0, $0xFFFFFFFF, v39;
	vm0 =	vlt.f32 v15, $0.0e+00  }
0x9e: {  	v41 =	vimm.s32 $0x0;
	v18 =	vld [tilespmem:s29+$0x1CF20];
	[tilespmem:$0x1FDE0] =	vst v0;
	v0 =	vsel vm0, $0xFFFFFFFF, v40;
	vm0 =	vgt.f32 v15, $0.0e+00  }
0x9f: {  	v42 =	vimm.s32 $0x0;
	[tilespmem:$0x1FDF0] =	vst v0;
	v0 =	vsel vm0, $0xFFFFFFFF, v41;
	vm0 =	vgt.f32 v14, $0.0e+00  }
0xa0: {  	v43 =	vimm.s32 $0x0;
	[tilespmem:$0x1FE00] =	vst v0;
	v0 =	vsel vm0, $0xFFFFFFFF, v42;
	vm0 =	vlt.f32 v17, $0.0e+00  }
0xa1: {  	v44 =	vimm.s32 $0x0;
	v20 =	vld [tilespmem:s29+$0x1CF00];
	[tilespmem:$0x1FE10] =	vst v0;
	v0 =	vsel vm0, $0xFFFFFFFF, v43;
	vm0 =	vlt.f32 v16, $0.0e+00  }
0xa2: {  	v19 =	vld [tilespmem:s29+$0x1CF10];
	v45 =	vimm.s32 $0x0;
	[tilespmem:$0x1FE20] =	vst v0;
	v0 =	vsel vm0, $0xFFFFFFFF, v44;
	vm0 =	vgt.f32 v16, $0.0e+00  }
0xa3: {  	v46 =	vimm.s32 $0x0;
	[tilespmem:$0x1FE30] =	vst v0;
	v0 =	vsel vm0, $0xFFFFFFFF, v45;
	vm0 =	vlt.f32 v18, $0.0e+00  }
0xa4: {  	v59 =	vld [tilespmem:s29+$0x1CEF0];
	v47 =	vimm.s32 $0x0;
	[tilespmem:$0x1FE40] =	vst v0;
	v0 =	vsel vm0, $0xFFFFFFFF, v46;
	vm0 =	vgt.f32 v18, $0.0e+00  }
0xa5: {  	v48 =	vimm.s32 $0x0;
	[tilespmem:$0x1FE50] =	vst v0;
	v0 =	vsel vm0, $0xFFFFFFFF, v47;
	vm0 =	vgt.f32 v17, $0.0e+00  }
0xa6: {  	v49 =	vimm.s32 $0x0;
	[tilespmem:$0x1FE60] =	vst v0;
	v0 =	vsel vm0, $0xFFFFFFFF, v48;
	vm0 =	vlt.f32 v20, $0.0e+00  }
0xa7: {  	v7 =	vld [tilespmem:s29+$0x1CED0];
	v50 =	vimm.s32 $0x0;
	[tilespmem:$0x1FE70] =	vst v0;
	v0 =	vsel vm0, $0xFFFFFFFF, v49;
	vm0 =	vlt.f32 v19, $0.0e+00  }
0xa8: {  	v63 =	vld [tilespmem:s29+$0x1CEE0];
	v51 =	vimm.s32 $0x0;
	[tilespmem:$0x1FE80] =	vst v0;
	v0 =	vsel vm0, $0xFFFFFFFF, v50;
	vm0 =	vgt.f32 v19, $0.0e+00  }
0xa9: {  	v52 =	vimm.s32 $0x0;
	[tilespmem:$0x1FE90] =	vst v0;
	v0 =	vsel vm0, $0xFFFFFFFF, v51;
	vm0 =	vlt.f32 v59, $0.0e+00  }
0xaa: {  	v53 =	vimm.s32 $0x0;
	v29 =	vld [tilespmem:s29+$0x1CEC0];
	[tilespmem:$0x1FEA0] =	vst v0;
	v0 =	vsel vm0, $0xFFFFFFFF, v52;
	vm0 =	vgt.f32 v59, $0.0e+00  }
0xab: {  	v54 =	vimm.s32 $0x0;
	[tilespmem:$0x1FEB0] =	vst v0;
	v0 =	vsel vm0, $0xFFFFFFFF, v53;
	vm0 =	vgt.f32 v20, $0.0e+00  }
0xac: {  	v55 =	vimm.s32 $0x0;
	[tilespmem:$0x1FEC0] =	vst v0;
	v0 =	vsel vm0, $0xFFFFFFFF, v54;
	vm0 =	vlt.f32 v7, $0.0e+00  }
0xad: {  	v56 =	vimm.s32 $0x0;
	v11 =	vld [tilespmem:s29+$0x1CEA0];
	[tilespmem:$0x1FED0] =	vst v0;
	v0 =	vsel vm0, $0xFFFFFFFF, v55;
	vm0 =	vlt.f32 v63, $0.0e+00  }
0xae: {  	v33 =	vld [tilespmem:s29+$0x1CEB0];
	v57 =	vimm.s32 $0x0;
	[tilespmem:$0x1FEE0] =	vst v0;
	v0 =	vsel vm0, $0xFFFFFFFF, v56;
	vm0 =	vgt.f32 v63, $0.0e+00  }
0xaf: {  	v58 =	vimm.s32 $0x0;
	v12 =	vld [tilespmem:s29+$0x1CE90];
	[tilespmem:$0x1FEF0] =	vst v0;
	v0 =	vsel vm0, $0xFFFFFFFF, v57;
	vm0 =	vlt.f32 v29, $0.0e+00  }
0xb0: {  	v13 =	vld [tilespmem:s29+$0x1CE80];
	v59 =	vimm.s32 $0x0;
	[tilespmem:$0x1FF00] =	vst v0;
	v0 =	vsel vm0, $0xFFFFFFFF, v58;
	vm0 =	vgt.f32 v29, $0.0e+00  }
0xb1: {  	v60 =	vimm.s32 $0x0;
	v15 =	vld [tilespmem:s29+$0x1CE60];
	[tilespmem:$0x1FF10] =	vst v0;
	v0 =	vsel vm0, $0xFFFFFFFF, v59;
	vm0 =	vgt.f32 v7, $0.0e+00  }
0xb2: {  	v61 =	vimm.s32 $0x0;
	v14 =	vld [tilespmem:s29+$0x1CE70];
	[tilespmem:$0x1FF20] =	vst v0;
	v0 =	vsel vm0, $0xFFFFFFFF, v60;
	vm0 =	vlt.f32 v11, $0.0e+00  }
0xb3: {  	v62 =	vimm.s32 $0x0;
	v16 =	vld [tilespmem:s29+$0x1CE50];
	[tilespmem:$0x1FF30] =	vst v0;
	v0 =	vsel vm0, $0xFFFFFFFF, v61;
	vm0 =	vlt.f32 v33, $0.0e+00  }
0xb4: {  	v18 =	vld [tilespmem:s29+$0x1CE30];
	v63 =	vimm.s32 $0x0;
	[tilespmem:$0x1FF40] =	vst v0;
	v0 =	vsel vm0, $0xFFFFFFFF, v62;
	vm0 =	vgt.f32 v33, $0.0e+00  }
0xb5: {  	p0 =	slt.s32 s26, $0x3D;
	v17 =	vld [tilespmem:s29+$0x1CE40];
	[tilespmem:$0x1FF50] =	vst v0;
	v0 =	vsel vm0, $0xFFFFFFFF, v63  }
0xb6: {  	s26 =	simm.s32 @!p0 $0x3D;
	v10 =	vimm.f32 $0.0e+00;
	s28 =	simm.s32 $0xC00;
	v19 =	vld [tilespmem:s29+$0x1CE20];
	[tilespmem:$0x1FF60] =	vst v0  }
.LBB2_3:
0xb7: {  	v0 =	vimm.s32 $0x0  }
0xb8: {  	v32 =	vimm.s32 $0x0;
	v0 =	vsel vm13, $0xFFFFFFFF, v0  }
0xb9: {  	v33 =	vimm.s32 $0x0;
	[tilespmem:$0x1FAF0] =	vst v0;
	v0 =	vsel vm10, $0xFFFFFFFF, v32  }
0xba: {  	v34 =	vimm.s32 $0x0;
	[tilespmem:$0x1FB10] =	vst v0;
	v0 =	vsel vm12, $0xFFFFFFFF, v33  }
0xbb: {  	v35 =	vimm.s32 $0x0;
	[tilespmem:$0x1FAE0] =	vst v0;
	v0 =	vsel vm11, $0xFFFFFFFF, v34  }
0xbc: {  	v36 =	vimm.s32 $0x0;
	v37 =	vimm.s32 $0x0;
	[tilespmem:$0x1FB00] =	vst v0;
	v0 =	vsel vm9, $0xFFFFFFFF, v35  }
0xbd: {  	v38 =	vimm.s32 $0x0;
	v39 =	vimm.s32 $0x0;
	[tilespmem:$0x1FB30] =	vst v0;
	v0 =	vsel vm15, $0xFFFFFFFF, v36  }
0xbe: {  	v40 =	vimm.s32 $0x0;
	v41 =	vimm.s32 $0x0;
	[tilespmem:$0x1FAD0] =	vst v0;
	v0 =	vsel vm14, $0xFFFFFFFF, v37  }
0xbf: {  	v20 =	vld [tilespmem:s29+$0x1CE00];
	v42 =	vimm.s32 $0x0;
	v43 =	vimm.s32 $0x0;
	[tilespmem:$0x1FAC0] =	vst v0;
	v0 =	vsel vm8, $0xFFFFFFFF, v38  }
0xc0: {  	vm0 =	vlt.f32 v12, $0.0e+00;
	vm2 =	vlt.f32 v15, $0.0e+00;
	[tilespmem:$0x1FB20] =	vst v0;
	v0 =	vsel vm7, $0xFFFFFFFF, v39  }
0xc1: {  	vm3 =	vgt.f32 v15, $0.0e+00;
	vm1 =	vgt.f32 v14, $0.0e+00;
	[tilespmem:$0x1FB50] =	vst v0;
	v0 =	vsel vm6, $0xFFFFFFFF, v40  }
0xc2: {  	vm5 =	vlt.f32 v17, $0.0e+00;
	[tilespmem:$0x1FB40] =	vst v0;
	v0 =	vsel vm0, $0xFFFFFFFF, v41;
	vm0 =	vgt.f32 v12, $0.0e+00  }
0xc3: {  	vm4 =	vlt.f32 v16, $0.0e+00;
	[tilespmem:$0x1FA90] =	vst v0;
	v0 =	vsel vm0, $0xFFFFFFFF, v42;
	vm0 =	vgt.f32 v11, $0.0e+00;
	v11 =	vld [tilespmem:s29+$0x1CE10]  }
0xc4: {  	vm11 =	vgt.f32 v18, $0.0e+00;
	vm12 =	vlt.f32 v20, $0.0e+00;
	vm13 =	vgt.f32 v20, $0.0e+00  }
0xc5: {  	vm9 =	vlt.f32 v19, $0.0e+00;
	vm2 =	vmor vm3, vm2;
	vm15 =	vgt.f32 v13, $0.0e+00  }
0xc6: {  	v46 =	vld [tilespmem:$0x1FF40];
	vm12 =	vmor vm13, vm12;
	vm14 =	vlt.f32 v13, $0.0e+00;
	vm8 =	vgt.f32 v17, $0.0e+00  }
0xc7: {  	v48 =	vld [tilespmem:$0x1FF50];
	vm7 =	vlt.f32 v18, $0.0e+00;
	vm5 =	vmor vm8, vm5;
	vm6 =	vgt.f32 v16, $0.0e+00  }
0xc8: {  	v49 =	vld [tilespmem:$0x1FF60];
	vm7 =	vmor vm11, vm7;
	vm13 =	vlt.f32 v11, $0.0e+00;
	vm10 =	vgt.f32 v11, $0.0e+00  }
0xc9: {  	v50 =	vld [tilespmem:$0x1FF10];
	[tilespmem:$0x1FAA0] =	vst v0;
	v11 =	vsel vm12, $0x3F800000, v9;
	vm12 =	vgt.f32 v19, $0.0e+00;
	vm10 =	vmor vm10, vm13  }
0xca: {  	v45 =	vld [tilespmem:$0x1FAA0];
	v10 =	vmax.f32 v10, v11;
	vm9 =	vmor vm12, vm9;
	v11 =	vsel vm10, $0x3F800000, v9  }
0xcb: {  	v51 =	vld [tilespmem:$0x1FF20];
	vm4 =	vmor vm6, vm4;
	v10 =	vmax.f32 v10, v11;
	v11 =	vsel vm9, $0x3F800000, v9  }
0xcc: {  	v0 =	vsel vm0, $0xFFFFFFFF, v43;
	v44 =	vld [tilespmem:$0x1FA90];
	v10 =	vmax.f32 v10, v11;
	v11 =	vsel vm7, $0x3F800000, v9  }
0xcd: {  	v52 =	vld [tilespmem:$0x1FEE0];
	vm0 =	vlt.f32 v14, $0.0e+00;
	[tilespmem:$0x1FAB0] =	vst v0;
	v10 =	vmax.f32 v10, v11;
	v11 =	vsel vm5, $0x3F800000, v9  }
0xce: {  	vm0 =	vmor vm1, vm0;
	v47 =	vld [tilespmem:$0x1FAB0];
	v10 =	vmax.f32 v10, v11;
	v11 =	vsel vm4, $0x3F800000, v9  }
0xcf: {  	v53 =	vld [tilespmem:$0x1FF30];
	vm1 =	vnez.u8 v45;
	v10 =	vmax.f32 v10, v11;
	v11 =	vsel vm2, $0x3F800000, v9  }
0xd0: {  	v54 =	vld [tilespmem:$0x1FEF0];
	v10 =	vmax.f32 v10, v11;
	v11 =	vsel vm0, $0x3F800000, v9;
	vm0 =	vmor vm15, vm14  }
0xd1: {  	v55 =	vld [tilespmem:$0x1FF00];
	v10 =	vmax.f32 v10, v11;
	v11 =	vsel vm0, $0x3F800000, v9;
	vm0 =	vnez.u8 v44  }
0xd2: {  	v56 =	vld [tilespmem:$0x1FEB0];
	vm0 =	vmor vm1, vm0;
	v10 =	vmax.f32 v10, v11  }
0xd3: {  	v57 =	vld [tilespmem:$0x1FEC0];
	vm1 =	vnez.u8 v47;
	v11 =	vsel vm0, $0x3F800000, v9;
	vm0 =	vnez.u8 v46  }
0xd4: {  	v58 =	vld [tilespmem:$0x1FE80];
	vm0 =	vmor vm1, vm0;
	v10 =	vmax.f32 v10, v11  }
0xd5: {  	v59 =	vld [tilespmem:$0x1FED0];
	vm1 =	vnez.u8 v49;
	v11 =	vsel vm0, $0x3F800000, v9;
	vm0 =	vnez.u8 v48  }
0xd6: {  	v60 =	vld [tilespmem:$0x1FE90];
	vm0 =	vmor vm1, vm0;
	v10 =	vmax.f32 v10, v11  }
0xd7: {  	v61 =	vld [tilespmem:$0x1FEA0];
	vm1 =	vnez.u8 v51;
	v11 =	vsel vm0, $0x3F800000, v9;
	vm0 =	vnez.u8 v50  }
0xd8: {  	v62 =	vld [tilespmem:$0x1FE50];
	vm0 =	vmor vm1, vm0;
	v10 =	vmax.f32 v10, v11  }
0xd9: {  	v63 =	vld [tilespmem:$0x1FE60];
	vm1 =	vnez.u8 v53;
	v11 =	vsel vm0, $0x3F800000, v9;
	vm0 =	vnez.u8 v52  }
0xda: {  	v4 =	vld [tilespmem:$0x1FE20];
	vm0 =	vmor vm1, vm0;
	v10 =	vmax.f32 v10, v11  }
0xdb: {  	v5 =	vld [tilespmem:$0x1FE70];
	vm1 =	vnez.u8 v55;
	v11 =	vsel vm0, $0x3F800000, v9;
	vm0 =	vnez.u8 v54  }
0xdc: {  	v6 =	vld [tilespmem:$0x1FE30];
	vm0 =	vmor vm1, vm0;
	v10 =	vmax.f32 v10, v11  }
0xdd: {  	v7 =	vld [tilespmem:$0x1FE40];
	vm1 =	vnez.u8 v57;
	v11 =	vsel vm0, $0x3F800000, v9;
	vm0 =	vnez.u8 v56  }
0xde: {  	v21 =	vld [tilespmem:$0x1FDF0];
	vm0 =	vmor vm1, vm0;
	v10 =	vmax.f32 v10, v11  }
0xdf: {  	v22 =	vld [tilespmem:$0x1FE00];
	vm1 =	vnez.u8 v59;
	v11 =	vsel vm0, $0x3F800000, v9;
	vm0 =	vnez.u8 v58  }
0xe0: {  	v23 =	vld [tilespmem:$0x1FDC0];
	vm0 =	vmor vm1, vm0;
	v10 =	vmax.f32 v10, v11  }
0xe1: {  	v24 =	vld [tilespmem:$0x1FE10];
	vm1 =	vnez.u8 v61;
	v11 =	vsel vm0, $0x3F800000, v9;
	vm0 =	vnez.u8 v60  }
0xe2: {  	v25 =	vld [tilespmem:$0x1FDD0];
	vm0 =	vmor vm1, vm0;
	v10 =	vmax.f32 v10, v11  }
0xe3: {  	v26 =	vld [tilespmem:$0x1FDE0];
	vm1 =	vnez.u8 v63;
	v11 =	vsel vm0, $0x3F800000, v9;
	vm0 =	vnez.u8 v62  }
0xe4: {  	v27 =	vld [tilespmem:$0x1FD90];
	vm0 =	vmor vm1, vm0;
	v10 =	vmax.f32 v10, v11  }
0xe5: {  	v28 =	vld [tilespmem:$0x1FDA0];
	vm1 =	vnez.u8 v5;
	v11 =	vsel vm0, $0x3F800000, v9;
	vm0 =	vnez.u8 v4  }
0xe6: {  	v29 =	vld [tilespmem:$0x1FD60];
	vm0 =	vmor vm1, vm0;
	v10 =	vmax.f32 v10, v11  }
0xe7: {  	v30 =	vld [tilespmem:$0x1FDB0];
	vm1 =	vnez.u8 v7;
	v11 =	vsel vm0, $0x3F800000, v9;
	vm0 =	vnez.u8 v6  }
0xe8: {  	v31 =	vld [tilespmem:$0x1FD70];
	vm0 =	vmor vm1, vm0;
	v10 =	vmax.f32 v10, v11  }
0xe9: {  	v32 =	vld [tilespmem:$0x1FD80];
	vm1 =	vnez.u8 v22;
	v11 =	vsel vm0, $0x3F800000, v9;
	vm0 =	vnez.u8 v21  }
0xea: {  	v33 =	vld [tilespmem:$0x1FD30];
	vm0 =	vmor vm1, vm0;
	v10 =	vmax.f32 v10, v11  }
0xeb: {  	v34 =	vld [tilespmem:$0x1FD40];
	vm1 =	vnez.u8 v24;
	v11 =	vsel vm0, $0x3F800000, v9;
	vm0 =	vnez.u8 v23  }
0xec: {  	v35 =	vld [tilespmem:$0x1FD00];
	vm0 =	vmor vm1, vm0;
	v10 =	vmax.f32 v10, v11  }
0xed: {  	v36 =	vld [tilespmem:$0x1FD50];
	vm1 =	vnez.u8 v26;
	v11 =	vsel vm0, $0x3F800000, v9;
	vm0 =	vnez.u8 v25  }
0xee: {  	v37 =	vld [tilespmem:$0x1FD10];
	vm0 =	vmor vm1, vm0;
	v10 =	vmax.f32 v10, v11  }
0xef: {  	v38 =	vld [tilespmem:$0x1FD20];
	vm1 =	vnez.u8 v28;
	v11 =	vsel vm0, $0x3F800000, v9;
	vm0 =	vnez.u8 v27  }
0xf0: {  	v39 =	vld [tilespmem:$0x1FCD0];
	vm0 =	vmor vm1, vm0;
	v10 =	vmax.f32 v10, v11  }
0xf1: {  	v40 =	vld [tilespmem:$0x1FCE0];
	vm1 =	vnez.u8 v30;
	v11 =	vsel vm0, $0x3F800000, v9;
	vm0 =	vnez.u8 v29  }
0xf2: {  	v41 =	vld [tilespmem:$0x1FCA0];
	vm0 =	vmor vm1, vm0;
	v10 =	vmax.f32 v10, v11  }
0xf3: {  	s29 =	sshra.s32 s28, $0x2;
	v42 =	vld [tilespmem:$0x1FCF0];
	vm1 =	vnez.u8 v32;
	v11 =	vsel vm0, $0x3F800000, v9;
	vm0 =	vnez.u8 v31  }
0xf4: {  	v12 =	vld [tilespmem:s29+$0x1D0F0];
	vm0 =	vmor vm1, vm0;
	v10 =	vmax.f32 v10, v11  }
0xf5: {  	v13 =	vld [tilespmem:s29+$0x1D0E0];
	vm1 =	vnez.u8 v34;
	v11 =	vsel vm0, $0x3F800000, v9;
	vm0 =	vnez.u8 v33  }
0xf6: {  	v14 =	vld [tilespmem:s29+$0x1D0D0];
	vm0 =	vmor vm1, vm0;
	v10 =	vmax.f32 v10, v11  }
0xf7: {  	v15 =	vld [tilespmem:s29+$0x1D0C0];
	vm1 =	vnez.u8 v36;
	v11 =	vsel vm0, $0x3F800000, v9;
	vm0 =	vnez.u8 v35  }
0xf8: {  	v16 =	vld [tilespmem:s29+$0x1D0B0];
	vm0 =	vmor vm1, vm0;
	v10 =	vmax.f32 v10, v11  }
0xf9: {  	v43 =	vld [tilespmem:$0x1FCB0];
	vm1 =	vnez.u8 v38;
	v11 =	vsel vm0, $0x3F800000, v9;
	vm0 =	vnez.u8 v37  }
0xfa: {  	v44 =	vld [tilespmem:$0x1FCC0];
	vm0 =	vmor vm1, vm0;
	v10 =	vmax.f32 v10, v11  }
0xfb: {  	v45 =	vld [tilespmem:$0x1FC70];
	vm1 =	vnez.u8 v40;
	v11 =	vsel vm0, $0x3F800000, v9;
	vm0 =	vnez.u8 v39  }
0xfc: {  	v46 =	vld [tilespmem:$0x1FC80];
	vm0 =	vmor vm1, vm0;
	v10 =	vmax.f32 v10, v11  }
0xfd: {  	v47 =	vld [tilespmem:$0x1FC40];
	vm1 =	vnez.u8 v42;
	v11 =	vsel vm0, $0x3F800000, v9;
	vm0 =	vnez.u8 v41  }
0xfe: {  	v48 =	vld [tilespmem:$0x1FC90];
	vm0 =	vmor vm1, vm0;
	v10 =	vmax.f32 v10, v11  }
0xff: {  	v49 =	vld [tilespmem:$0x1FC50];
	vm1 =	vnez.u8 v44;
	v11 =	vsel vm0, $0x3F800000, v9;
	vm0 =	vnez.u8 v43  }
0x100: {  	v50 =	vld [tilespmem:$0x1FC60];
	vm0 =	vmor vm1, vm0;
	v10 =	vmax.f32 v10, v11  }
0x101: {  	v51 =	vld [tilespmem:$0x1FC10];
	vm1 =	vnez.u8 v46;
	v11 =	vsel vm0, $0x3F800000, v9;
	vm0 =	vnez.u8 v45  }
0x102: {  	v52 =	vld [tilespmem:$0x1FC20];
	vm0 =	vmor vm1, vm0;
	v10 =	vmax.f32 v10, v11  }
0x103: {  	v53 =	vld [tilespmem:$0x1FBE0];
	vm1 =	vnez.u8 v48;
	v11 =	vsel vm0, $0x3F800000, v9;
	vm0 =	vnez.u8 v47  }
0x104: {  	v54 =	vld [tilespmem:$0x1FC30];
	vm0 =	vmor vm1, vm0;
	v10 =	vmax.f32 v10, v11  }
0x105: {  	v55 =	vld [tilespmem:$0x1FBF0];
	vm1 =	vnez.u8 v50;
	v11 =	vsel vm0, $0x3F800000, v9;
	vm0 =	vnez.u8 v49  }
0x106: {  	v56 =	vld [tilespmem:$0x1FC00];
	vm0 =	vmor vm1, vm0;
	v10 =	vmax.f32 v10, v11  }
0x107: {  	v57 =	vld [tilespmem:$0x1FBB0];
	vm1 =	vnez.u8 v52;
	v11 =	vsel vm0, $0x3F800000, v9;
	vm0 =	vnez.u8 v51  }
0x108: {  	v58 =	vld [tilespmem:$0x1FBC0];
	vm0 =	vmor vm1, vm0;
	v10 =	vmax.f32 v10, v11  }
0x109: {  	v59 =	vld [tilespmem:$0x1FB80];
	vm1 =	vnez.u8 v54;
	v11 =	vsel vm0, $0x3F800000, v9;
	vm0 =	vnez.u8 v53  }
0x10a: {  	vm6 =	vlt.f32 v12, $0.0e+00;
	v60 =	vld [tilespmem:$0x1FBD0];
	vm0 =	vmor vm1, vm0;
	v10 =	vmax.f32 v10, v11  }
0x10b: {  	v61 =	vld [tilespmem:$0x1FB90];
	vm1 =	vnez.u8 v56;
	v11 =	vsel vm0, $0x3F800000, v9;
	vm0 =	vnez.u8 v55  }
0x10c: {  	vm8 =	vlt.f32 v13, $0.0e+00;
	v62 =	vld [tilespmem:$0x1FBA0];
	vm0 =	vmor vm1, vm0;
	v10 =	vmax.f32 v10, v11  }
0x10d: {  	v63 =	vld [tilespmem:$0x1FB60];
	vm1 =	vnez.u8 v58;
	v11 =	vsel vm0, $0x3F800000, v9;
	vm0 =	vnez.u8 v57  }
0x10e: {  	vm11 =	vgt.f32 v14, $0.0e+00;
	v4 =	vld [tilespmem:$0x1FB70];
	vm0 =	vmor vm1, vm0;
	v10 =	vmax.f32 v10, v11  }
0x10f: {  	v5 =	vld [tilespmem:$0x1FAC0];
	vm1 =	vnez.u8 v60;
	v11 =	vsel vm0, $0x3F800000, v9;
	vm0 =	vnez.u8 v59  }
0x110: {  	vm12 =	vlt.f32 v15, $0.0e+00;
	v6 =	vld [tilespmem:$0x1FAD0];
	vm0 =	vmor vm1, vm0;
	v10 =	vmax.f32 v10, v11  }
0x111: {  	v7 =	vld [tilespmem:$0x1FAE0];
	vm1 =	vnez.u8 v62;
	v11 =	vsel vm0, $0x3F800000, v9;
	vm0 =	vnez.u8 v61  }
0x112: {  	vm13 =	vgt.f32 v15, $0.0e+00;
	v29 =	vld [tilespmem:$0x1FAF0];
	vm0 =	vmor vm1, vm0;
	v10 =	vmax.f32 v10, v11  }
0x113: {  	v30 =	vld [tilespmem:$0x1FB00];
	vm1 =	vnez.u8 v4;
	v11 =	vsel vm0, $0x3F800000, v9;
	vm0 =	vnez.u8 v63  }
0x114: {  	vm10 =	vlt.f32 v14, $0.0e+00;
	v31 =	vld [tilespmem:$0x1FB10];
	vm0 =	vmor vm1, vm0;
	v10 =	vmax.f32 v10, v11  }
0x115: {  	v32 =	vld [tilespmem:$0x1FB20];
	vm1 =	vnez.u8 v6;
	v11 =	vsel vm0, $0x3F800000, v9;
	vm0 =	vnez.u8 v5  }
0x116: {  	vm9 =	vgt.f32 v13, $0.0e+00;
	v33 =	vld [tilespmem:$0x1FB30];
	vm0 =	vmor vm1, vm0;
	v10 =	vmax.f32 v10, v11  }
0x117: {  	v34 =	vld [tilespmem:$0x1FB40];
	vm1 =	vnez.u8 v29;
	v11 =	vsel vm0, $0x3F800000, v9;
	vm0 =	vnez.u8 v7  }
0x118: {  	vm7 =	vgt.f32 v12, $0.0e+00;
	v35 =	vld [tilespmem:$0x1FB50];
	vm0 =	vmor vm1, vm0;
	v10 =	vmax.f32 v10, v11  }
0x119: {  	vm1 =	vnez.u8 v31;
	v11 =	vsel vm0, $0x3F800000, v9;
	vm0 =	vnez.u8 v30  }
0x11a: {  	v17 =	vld [tilespmem:s29+$0x1D0A0];
	vm14 =	vlt.f32 v16, $0.0e+00;
	vm0 =	vmor vm0, vm1;
	v10 =	vmax.f32 v10, v11  }
0x11b: {  	vm1 =	vnez.u8 v33;
	v11 =	vsel vm0, $0x3F800000, v9;
	vm0 =	vnez.u8 v32  }
0x11c: {  	v19 =	vld [tilespmem:s29+$0x1D080];
	vm15 =	vgt.f32 v16, $0.0e+00;
	vm0 =	vmor vm1, vm0;
	v10 =	vmax.f32 v10, v11  }
0x11d: {  	v18 =	vld [tilespmem:s29+$0x1D090];
	vm1 =	vnez.u8 v35;
	v11 =	vsel vm0, $0x3F800000, v9;
	vm0 =	vnez.u8 v34  }
0x11e: {  	v36 =	vimm.s32 $0x0;
	v38 =	vimm.s32 $0x0;
	vm0 =	vmor vm1, vm0  }
0x11f: {  	v20 =	vld [tilespmem:s29+$0x1D070];
	v10 =	vmax.f32 v10, v11;
	v11 =	vsel vm0, $0x3F800000, v9;
	vm0 =	vlt.f32 v17, $0.0e+00  }
0x120: {  	v37 =	vimm.s32 $0x0;
	v0 =	vsel vm0, $0xFFFFFFFF, v36;
	vm0 =	vgt.f32 v17, $0.0e+00  }
0x121: {  	v40 =	vimm.s32 $0x0;
	[tilespmem:$0x1FB60] =	vst v0;
	v0 =	vsel vm0, $0xFFFFFFFF, v37;
	vm0 =	vlt.f32 v19, $0.0e+00  }
0x122: {  	v22 =	vld [tilespmem:s29+$0x1D050];
	v39 =	vimm.s32 $0x0;
	[tilespmem:$0x1FB70] =	vst v0;
	v0 =	vsel vm0, $0xFFFFFFFF, v38;
	vm0 =	vlt.f32 v18, $0.0e+00  }
0x123: {  	v21 =	vld [tilespmem:s29+$0x1D060];
	v42 =	vimm.s32 $0x0;
	[tilespmem:$0x1FB80] =	vst v0;
	v0 =	vsel vm0, $0xFFFFFFFF, v39;
	vm0 =	vgt.f32 v18, $0.0e+00  }
0x124: {  	v41 =	vimm.s32 $0x0;
	[tilespmem:$0x1FB90] =	vst v0;
	v0 =	vsel vm0, $0xFFFFFFFF, v40;
	vm0 =	vlt.f32 v20, $0.0e+00  }
0x125: {  	v23 =	vld [tilespmem:s29+$0x1D040];
	v44 =	vimm.s32 $0x0;
	[tilespmem:$0x1FBA0] =	vst v0;
	v0 =	vsel vm0, $0xFFFFFFFF, v41;
	vm0 =	vgt.f32 v20, $0.0e+00  }
0x126: {  	v43 =	vimm.s32 $0x0;
	[tilespmem:$0x1FBB0] =	vst v0;
	v0 =	vsel vm0, $0xFFFFFFFF, v42;
	vm0 =	vgt.f32 v19, $0.0e+00  }
0x127: {  	v46 =	vimm.s32 $0x0;
	[tilespmem:$0x1FBC0] =	vst v0;
	v0 =	vsel vm0, $0xFFFFFFFF, v43;
	vm0 =	vlt.f32 v22, $0.0e+00  }
0x128: {  	v25 =	vld [tilespmem:s29+$0x1D020];
	v45 =	vimm.s32 $0x0;
	[tilespmem:$0x1FBD0] =	vst v0;
	v0 =	vsel vm0, $0xFFFFFFFF, v44;
	vm0 =	vlt.f32 v21, $0.0e+00  }
0x129: {  	v24 =	vld [tilespmem:s29+$0x1D030];
	v48 =	vimm.s32 $0x0;
	[tilespmem:$0x1FBE0] =	vst v0;
	v0 =	vsel vm0, $0xFFFFFFFF, v45;
	vm0 =	vgt.f32 v21, $0.0e+00  }
0x12a: {  	v47 =	vimm.s32 $0x0;
	[tilespmem:$0x1FBF0] =	vst v0;
	v0 =	vsel vm0, $0xFFFFFFFF, v46;
	vm0 =	vlt.f32 v23, $0.0e+00  }
0x12b: {  	v26 =	vld [tilespmem:s29+$0x1D010];
	v50 =	vimm.s32 $0x0;
	[tilespmem:$0x1FC00] =	vst v0;
	v0 =	vsel vm0, $0xFFFFFFFF, v47;
	vm0 =	vgt.f32 v23, $0.0e+00  }
0x12c: {  	v49 =	vimm.s32 $0x0;
	[tilespmem:$0x1FC10] =	vst v0;
	v0 =	vsel vm0, $0xFFFFFFFF, v48;
	vm0 =	vgt.f32 v22, $0.0e+00  }
0x12d: {  	v52 =	vimm.s32 $0x0;
	[tilespmem:$0x1FC20] =	vst v0;
	v0 =	vsel vm0, $0xFFFFFFFF, v49;
	vm0 =	vlt.f32 v25, $0.0e+00  }
0x12e: {  	v28 =	vld [tilespmem:s29+$0x1CFF0];
	v51 =	vimm.s32 $0x0;
	[tilespmem:$0x1FC30] =	vst v0;
	v0 =	vsel vm0, $0xFFFFFFFF, v50;
	vm0 =	vlt.f32 v24, $0.0e+00  }
0x12f: {  	v27 =	vld [tilespmem:s29+$0x1D000];
	v54 =	vimm.s32 $0x0;
	[tilespmem:$0x1FC40] =	vst v0;
	v0 =	vsel vm0, $0xFFFFFFFF, v51;
	vm0 =	vgt.f32 v24, $0.0e+00  }
0x130: {  	v53 =	vimm.s32 $0x0;
	[tilespmem:$0x1FC50] =	vst v0;
	v0 =	vsel vm0, $0xFFFFFFFF, v52;
	vm0 =	vlt.f32 v26, $0.0e+00  }
0x131: {  	v56 =	vimm.s32 $0x0;
	v29 =	vld [tilespmem:s29+$0x1CFE0];
	[tilespmem:$0x1FC60] =	vst v0;
	v0 =	vsel vm0, $0xFFFFFFFF, v53;
	vm0 =	vgt.f32 v26, $0.0e+00  }
0x132: {  	v55 =	vimm.s32 $0x0;
	[tilespmem:$0x1FC70] =	vst v0;
	v0 =	vsel vm0, $0xFFFFFFFF, v54;
	vm0 =	vgt.f32 v25, $0.0e+00  }
0x133: {  	v58 =	vimm.s32 $0x0;
	[tilespmem:$0x1FC80] =	vst v0;
	v0 =	vsel vm0, $0xFFFFFFFF, v55;
	vm0 =	vlt.f32 v28, $0.0e+00  }
0x134: {  	v57 =	vimm.s32 $0x0;
	v31 =	vld [tilespmem:s29+$0x1CFC0];
	[tilespmem:$0x1FC90] =	vst v0;
	v0 =	vsel vm0, $0xFFFFFFFF, v56;
	vm0 =	vlt.f32 v27, $0.0e+00  }
0x135: {  	v60 =	vimm.s32 $0x0;
	v30 =	vld [tilespmem:s29+$0x1CFD0];
	[tilespmem:$0x1FCA0] =	vst v0;
	v0 =	vsel vm0, $0xFFFFFFFF, v57;
	vm0 =	vgt.f32 v27, $0.0e+00  }
0x136: {  	v62 =	vimm.s32 $0x0;
	[tilespmem:$0x1FCB0] =	vst v0;
	v0 =	vsel vm0, $0xFFFFFFFF, v58;
	vm0 =	vlt.f32 v29, $0.0e+00  }
0x137: {  	v61 =	vimm.s32 $0x0;
	v32 =	vld [tilespmem:s29+$0x1CFB0];
	[tilespmem:$0x1FCC0] =	vst v0;
	v0 =	vsel vm0, $0xFFFFFFFF, v60;
	vm0 =	vgt.f32 v29, $0.0e+00  }
0x138: {  	v4 =	vimm.s32 $0x0;
	[tilespmem:$0x1FCD0] =	vst v0;
	v0 =	vsel vm0, $0xFFFFFFFF, v61;
	vm0 =	vgt.f32 v28, $0.0e+00  }
0x139: {  	v5 =	vimm.s32 $0x0;
	[tilespmem:$0x1FCE0] =	vst v0;
	v0 =	vsel vm0, $0xFFFFFFFF, v62;
	vm0 =	vlt.f32 v31, $0.0e+00  }
0x13a: {  	v10 =	vmax.f32 v10, v11;
	v11 =	vld [tilespmem:s29+$0x1CF90];
	[tilespmem:$0x1FCF0] =	vst v0;
	v0 =	vsel vm0, $0xFFFFFFFF, v4;
	vm0 =	vlt.f32 v30, $0.0e+00  }
0x13b: {  	v6 =	vimm.s32 $0x0;
	v33 =	vld [tilespmem:s29+$0x1CFA0];
	[tilespmem:$0x1FD00] =	vst v0;
	v0 =	vsel vm0, $0xFFFFFFFF, v5;
	vm0 =	vgt.f32 v30, $0.0e+00  }
0x13c: {  	v26 =	vimm.s32 $0x0;
	[tilespmem:$0x1FD10] =	vst v0;
	v0 =	vsel vm0, $0xFFFFFFFF, v6;
	vm0 =	vlt.f32 v32, $0.0e+00  }
0x13d: {  	v12 =	vld [tilespmem:s29+$0x1CF80];
	v27 =	vimm.s32 $0x0;
	[tilespmem:$0x1FD20] =	vst v0;
	v0 =	vsel vm0, $0xFFFFFFFF, v26;
	vm0 =	vgt.f32 v32, $0.0e+00  }
0x13e: {  	v28 =	vimm.s32 $0x0;
	[tilespmem:$0x1FD30] =	vst v0;
	v0 =	vsel vm0, $0xFFFFFFFF, v27;
	vm0 =	vgt.f32 v31, $0.0e+00  }
0x13f: {  	v30 =	vimm.s32 $0x0;
	[tilespmem:$0x1FD40] =	vst v0;
	v0 =	vsel vm0, $0xFFFFFFFF, v28;
	vm0 =	vlt.f32 v11, $0.0e+00  }
0x140: {  	v14 =	vld [tilespmem:s29+$0x1CF60];
	v31 =	vimm.s32 $0x0;
	[tilespmem:$0x1FD50] =	vst v0;
	v0 =	vsel vm0, $0xFFFFFFFF, v30;
	vm0 =	vlt.f32 v33, $0.0e+00  }
0x141: {  	v13 =	vld [tilespmem:s29+$0x1CF70];
	v32 =	vimm.s32 $0x0;
	[tilespmem:$0x1FD60] =	vst v0;
	v0 =	vsel vm0, $0xFFFFFFFF, v31;
	vm0 =	vgt.f32 v33, $0.0e+00  }
0x142: {  	v34 =	vimm.s32 $0x0;
	[tilespmem:$0x1FD70] =	vst v0;
	v0 =	vsel vm0, $0xFFFFFFFF, v32;
	vm0 =	vlt.f32 v12, $0.0e+00  }
0x143: {  	v15 =	vld [tilespmem:s29+$0x1CF50];
	v35 =	vimm.s32 $0x0;
	[tilespmem:$0x1FD80] =	vst v0;
	v0 =	vsel vm0, $0xFFFFFFFF, v34;
	vm0 =	vgt.f32 v12, $0.0e+00  }
0x144: {  	v36 =	vimm.s32 $0x0;
	[tilespmem:$0x1FD90] =	vst v0;
	v0 =	vsel vm0, $0xFFFFFFFF, v35;
	vm0 =	vgt.f32 v11, $0.0e+00  }
0x145: {  	v37 =	vimm.s32 $0x0;
	[tilespmem:$0x1FDA0] =	vst v0;
	v0 =	vsel vm0, $0xFFFFFFFF, v36;
	vm0 =	vlt.f32 v14, $0.0e+00  }
0x146: {  	v17 =	vld [tilespmem:s29+$0x1CF30];
	v38 =	vimm.s32 $0x0;
	[tilespmem:$0x1FDB0] =	vst v0;
	v0 =	vsel vm0, $0xFFFFFFFF, v37;
	vm0 =	vlt.f32 v13, $0.0e+00  }
0x147: {  	v16 =	vld [tilespmem:s29+$0x1CF40];
	v39 =	vimm.s32 $0x0;
	[tilespmem:$0x1FDC0] =	vst v0;
	v0 =	vsel vm0, $0xFFFFFFFF, v38;
	vm0 =	vgt.f32 v13, $0.0e+00  }
0x148: {  	v40 =	vimm.s32 $0x0;
	[tilespmem:$0x1FDD0] =	vst v0;
	v0 =	vsel vm0, $0xFFFFFFFF, v39;
	vm0 =	vlt.f32 v15, $0.0e+00  }
0x149: {  	v18 =	vld [tilespmem:s29+$0x1CF20];
	v41 =	vimm.s32 $0x0;
	[tilespmem:$0x1FDE0] =	vst v0;
	v0 =	vsel vm0, $0xFFFFFFFF, v40;
	vm0 =	vgt.f32 v15, $0.0e+00  }
0x14a: {  	v42 =	vimm.s32 $0x0;
	[tilespmem:$0x1FDF0] =	vst v0;
	v0 =	vsel vm0, $0xFFFFFFFF, v41;
	vm0 =	vgt.f32 v14, $0.0e+00  }
0x14b: {  	v43 =	vimm.s32 $0x0;
	[tilespmem:$0x1FE00] =	vst v0;
	v0 =	vsel vm0, $0xFFFFFFFF, v42;
	vm0 =	vlt.f32 v17, $0.0e+00  }
0x14c: {  	v20 =	vld [tilespmem:s29+$0x1CF00];
	v44 =	vimm.s32 $0x0;
	[tilespmem:$0x1FE10] =	vst v0;
	v0 =	vsel vm0, $0xFFFFFFFF, v43;
	vm0 =	vlt.f32 v16, $0.0e+00  }
0x14d: {  	v19 =	vld [tilespmem:s29+$0x1CF10];
	v45 =	vimm.s32 $0x0;
	[tilespmem:$0x1FE20] =	vst v0;
	v0 =	vsel vm0, $0xFFFFFFFF, v44;
	vm0 =	vgt.f32 v16, $0.0e+00  }
0x14e: {  	v46 =	vimm.s32 $0x0;
	[tilespmem:$0x1FE30] =	vst v0;
	v0 =	vsel vm0, $0xFFFFFFFF, v45;
	vm0 =	vlt.f32 v18, $0.0e+00  }
0x14f: {  	v59 =	vld [tilespmem:s29+$0x1CEF0];
	v47 =	vimm.s32 $0x0;
	[tilespmem:$0x1FE40] =	vst v0;
	v0 =	vsel vm0, $0xFFFFFFFF, v46;
	vm0 =	vgt.f32 v18, $0.0e+00  }
0x150: {  	v48 =	vimm.s32 $0x0;
	[tilespmem:$0x1FE50] =	vst v0;
	v0 =	vsel vm0, $0xFFFFFFFF, v47;
	vm0 =	vgt.f32 v17, $0.0e+00  }
0x151: {  	v49 =	vimm.s32 $0x0;
	[tilespmem:$0x1FE60] =	vst v0;
	v0 =	vsel vm0, $0xFFFFFFFF, v48;
	vm0 =	vlt.f32 v20, $0.0e+00  }
0x152: {  	v7 =	vld [tilespmem:s29+$0x1CED0];
	v50 =	vimm.s32 $0x0;
	[tilespmem:$0x1FE70] =	vst v0;
	v0 =	vsel vm0, $0xFFFFFFFF, v49;
	vm0 =	vlt.f32 v19, $0.0e+00  }
0x153: {  	v63 =	vld [tilespmem:s29+$0x1CEE0];
	v51 =	vimm.s32 $0x0;
	[tilespmem:$0x1FE80] =	vst v0;
	v0 =	vsel vm0, $0xFFFFFFFF, v50;
	vm0 =	vgt.f32 v19, $0.0e+00  }
0x154: {  	v52 =	vimm.s32 $0x0;
	[tilespmem:$0x1FE90] =	vst v0;
	v0 =	vsel vm0, $0xFFFFFFFF, v51;
	vm0 =	vlt.f32 v59, $0.0e+00  }
0x155: {  	v53 =	vimm.s32 $0x0;
	v29 =	vld [tilespmem:s29+$0x1CEC0];
	[tilespmem:$0x1FEA0] =	vst v0;
	v0 =	vsel vm0, $0xFFFFFFFF, v52;
	vm0 =	vgt.f32 v59, $0.0e+00  }
0x156: {  	v54 =	vimm.s32 $0x0;
	[tilespmem:$0x1FEB0] =	vst v0;
	v0 =	vsel vm0, $0xFFFFFFFF, v53;
	vm0 =	vgt.f32 v20, $0.0e+00  }
0x157: {  	v55 =	vimm.s32 $0x0;
	[tilespmem:$0x1FEC0] =	vst v0;
	v0 =	vsel vm0, $0xFFFFFFFF, v54;
	vm0 =	vlt.f32 v7, $0.0e+00  }
0x158: {  	v56 =	vimm.s32 $0x0;
	v11 =	vld [tilespmem:s29+$0x1CEA0];
	[tilespmem:$0x1FED0] =	vst v0;
	v0 =	vsel vm0, $0xFFFFFFFF, v55;
	vm0 =	vlt.f32 v63, $0.0e+00  }
0x159: {  	v57 =	vimm.s32 $0x0;
	v33 =	vld [tilespmem:s29+$0x1CEB0];
	[tilespmem:$0x1FEE0] =	vst v0;
	v0 =	vsel vm0, $0xFFFFFFFF, v56;
	vm0 =	vgt.f32 v63, $0.0e+00  }
0x15a: {  	v58 =	vimm.s32 $0x0;
	v12 =	vld [tilespmem:s29+$0x1CE90];
	[tilespmem:$0x1FEF0] =	vst v0;
	v0 =	vsel vm0, $0xFFFFFFFF, v57;
	vm0 =	vlt.f32 v29, $0.0e+00  }
0x15b: {  	v13 =	vld [tilespmem:s29+$0x1CE80];
	v59 =	vimm.s32 $0x0;
	[tilespmem:$0x1FF00] =	vst v0;
	v0 =	vsel vm0, $0xFFFFFFFF, v58;
	vm0 =	vgt.f32 v29, $0.0e+00  }
0x15c: {  	p0 =	sne.s32 s28, $0x5400;
	v60 =	vimm.s32 $0x0;
	v15 =	vld [tilespmem:s29+$0x1CE60];
	[tilespmem:$0x1FF10] =	vst v0;
	v0 =	vsel vm0, $0xFFFFFFFF, v59;
	vm0 =	vgt.f32 v7, $0.0e+00  }
.Ltmp4:
0x15d: {  	v61 =	vimm.s32 $0x0;
	v14 =	vld [tilespmem:s29+$0x1CE70];
	[tilespmem:$0x1FF20] =	vst v0;
	v0 =	vsel vm0, $0xFFFFFFFF, v60;
	vm0 =	vlt.f32 v11, $0.0e+00;
	(pc) =	sbr.rel @p0 .LBB2_3-.Ltmp4, $4  }
0x15e: {  	v62 =	vimm.s32 $0x0;
	v16 =	vld [tilespmem:s29+$0x1CE50];
	[tilespmem:$0x1FF30] =	vst v0;
	v0 =	vsel vm0, $0xFFFFFFFF, v61;
	vm0 =	vlt.f32 v33, $0.0e+00  }
0x15f: {  	v18 =	vld [tilespmem:s29+$0x1CE30];
	v63 =	vimm.s32 $0x0;
	[tilespmem:$0x1FF40] =	vst v0;
	v0 =	vsel vm0, $0xFFFFFFFF, v62;
	vm0 =	vgt.f32 v33, $0.0e+00  }
0x160: {  	v17 =	vld [tilespmem:s29+$0x1CE40];
	[tilespmem:$0x1FF50] =	vst v0;
	v0 =	vsel vm0, $0xFFFFFFFF, v63  }
0x161: {  	s28 =	sadd.s32 $0xC00, s28;
	v19 =	vld [tilespmem:s29+$0x1CE20];
	[tilespmem:$0x1FF60] =	vst v0  }
0x162: {  	v20 =	vld [tilespmem:s29+$0x1CE00];
	_ =	sdelay $0x1  }
0x163: {  	v21 =	vld [tilespmem:s29+$0x1CE10];
	_ =	sdelay $0x2  }
0x164: {  	vm0 =	vlt.f32 v20, $0.0e+00;
	vm1 =	vgt.f32 v20, $0.0e+00  }
0x165: {  	vm5 =	vgt.f32 v16, $0.0e+00;
	vm0 =	vmor vm1, vm0  }
0x166: {  	vm1 =	vgt.f32 v21, $0.0e+00;
	v20 =	vsel vm0, $0x3F800000, v9;
	vm0 =	vlt.f32 v21, $0.0e+00  }
0x167: {  	vm2 =	vgt.f32 v19, $0.0e+00;
	vm0 =	vmor vm1, vm0;
	vm1 =	vlt.f32 v19, $0.0e+00  }
0x168: {  	vm3 =	vgt.f32 v18, $0.0e+00;
	vm1 =	vmor vm2, vm1;
	vm2 =	vlt.f32 v18, $0.0e+00  }
0x169: {  	vm4 =	vgt.f32 v17, $0.0e+00;
	v10 =	vmax.f32 v10, v20;
	vm2 =	vmor vm3, vm2  }
0x16a: {  	vm3 =	vlt.f32 v17, $0.0e+00;
	v17 =	vsel vm1, $0x3F800000, v9;
	vm1 =	vgt.f32 v15, $0.0e+00  }
0x16b: {  	vm3 =	vmor vm4, vm3;
	vm4 =	vlt.f32 v16, $0.0e+00;
	v16 =	vsel vm0, $0x3F800000, v9  }
0x16c: {  	vm0 =	vlt.f32 v15, $0.0e+00;
	v15 =	vsel vm2, $0x3F800000, v9;
	vm2 =	vgt.f32 v13, $0.0e+00  }
0x16d: {  	vm4 =	vmor vm5, vm4;
	vm0 =	vmor vm1, vm0;
	v10 =	vmax.f32 v10, v16  }
0x16e: {  	v16 =	vsel vm3, $0x3F800000, v9;
	vm1 =	vlt.f32 v13, $0.0e+00;
	vm3 =	vgt.f32 v14, $0.0e+00  }
0x16f: {  	v0 =	vld [tilespmem:$0x1FF40];
	v18 =	vsel vm4, $0x3F800000, v9;
	v10 =	vmax.f32 v10, v17;
	v17 =	vsel vm0, $0x3F800000, v9  }
0x170: {  	v44 =	vld [tilespmem:$0x1FF60];
	vm0 =	vlt.f32 v14, $0.0e+00;
	vm1 =	vmor vm2, vm1;
	v10 =	vmax.f32 v10, v15  }
0x171: {  	v43 =	vld [tilespmem:$0x1FF50];
	vm0 =	vmor vm3, vm0;
	v14 =	vsel vm1, $0x3F800000, v9;
	vm1 =	vgt.f32 v12, $0.0e+00  }
0x172: {  	v45 =	vld [tilespmem:$0x1FF10];
	v10 =	vmax.f32 v10, v16;
	v13 =	vsel vm0, $0x3F800000, v9;
	vm0 =	vlt.f32 v12, $0.0e+00  }
0x173: {  	v46 =	vld [tilespmem:$0x1FF20];
	v10 =	vmax.f32 v10, v18;
	vm0 =	vmor vm1, vm0;
	vm1 =	vgt.f32 v11, $0.0e+00  }
0x174: {  	v47 =	vld [tilespmem:$0x1FEE0];
	v10 =	vmax.f32 v10, v17;
	v11 =	vsel vm0, $0x3F800000, v9;
	vm0 =	vnez.u8 v0  }
0x175: {  	v48 =	vld [tilespmem:$0x1FF30];
	v10 =	vmax.f32 v10, v13;
	vm0 =	vmor vm1, vm0;
	vm1 =	vnez.u8 v44  }
0x176: {  	v49 =	vld [tilespmem:$0x1FEF0];
	v10 =	vmax.f32 v10, v14;
	v12 =	vsel vm0, $0x3F800000, v9;
	vm0 =	vnez.u8 v43  }
0x177: {  	v50 =	vld [tilespmem:$0x1FF00];
	vm0 =	vmor vm1, vm0;
	v10 =	vmax.f32 v10, v11  }
0x178: {  	v51 =	vld [tilespmem:$0x1FEB0];
	vm1 =	vnez.u8 v46;
	v11 =	vsel vm0, $0x3F800000, v9;
	vm0 =	vnez.u8 v45  }
0x179: {  	v52 =	vld [tilespmem:$0x1FEC0];
	v10 =	vmax.f32 v10, v12;
	vm0 =	vmor vm1, vm0  }
0x17a: {  	v53 =	vld [tilespmem:$0x1FE80];
	vm1 =	vnez.u8 v48;
	v12 =	vsel vm0, $0x3F800000, v9;
	vm0 =	vnez.u8 v47  }
0x17b: {  	v54 =	vld [tilespmem:$0x1FED0];
	v10 =	vmax.f32 v10, v11;
	vm0 =	vmor vm1, vm0  }
0x17c: {  	v55 =	vld [tilespmem:$0x1FE90];
	vm1 =	vnez.u8 v50;
	v11 =	vsel vm0, $0x3F800000, v9;
	vm0 =	vnez.u8 v49  }
0x17d: {  	v56 =	vld [tilespmem:$0x1FEA0];
	v10 =	vmax.f32 v10, v12;
	vm0 =	vmor vm1, vm0  }
0x17e: {  	v57 =	vld [tilespmem:$0x1FE50];
	vm1 =	vnez.u8 v52;
	v12 =	vsel vm0, $0x3F800000, v9;
	vm0 =	vnez.u8 v51  }
0x17f: {  	v58 =	vld [tilespmem:$0x1FE60];
	v10 =	vmax.f32 v10, v11;
	vm0 =	vmor vm1, vm0  }
0x180: {  	v59 =	vld [tilespmem:$0x1FE20];
	vm1 =	vnez.u8 v54;
	v11 =	vsel vm0, $0x3F800000, v9;
	vm0 =	vnez.u8 v53  }
0x181: {  	v60 =	vld [tilespmem:$0x1FE70];
	v10 =	vmax.f32 v10, v12;
	vm0 =	vmor vm1, vm0  }
0x182: {  	v61 =	vld [tilespmem:$0x1FE30];
	vm1 =	vnez.u8 v56;
	v12 =	vsel vm0, $0x3F800000, v9;
	vm0 =	vnez.u8 v55  }
0x183: {  	v62 =	vld [tilespmem:$0x1FE40];
	v10 =	vmax.f32 v10, v11;
	vm0 =	vmor vm1, vm0  }
0x184: {  	v63 =	vld [tilespmem:$0x1FDF0];
	vm1 =	vnez.u8 v58;
	v11 =	vsel vm0, $0x3F800000, v9;
	vm0 =	vnez.u8 v57  }
0x185: {  	v4 =	vld [tilespmem:$0x1FE00];
	v10 =	vmax.f32 v10, v12;
	vm0 =	vmor vm1, vm0  }
0x186: {  	v5 =	vld [tilespmem:$0x1FDC0];
	vm1 =	vnez.u8 v60;
	v12 =	vsel vm0, $0x3F800000, v9;
	vm0 =	vnez.u8 v59  }
0x187: {  	v6 =	vld [tilespmem:$0x1FE10];
	v10 =	vmax.f32 v10, v11;
	vm0 =	vmor vm1, vm0  }
0x188: {  	v7 =	vld [tilespmem:$0x1FDD0];
	vm1 =	vnez.u8 v62;
	v11 =	vsel vm0, $0x3F800000, v9;
	vm0 =	vnez.u8 v61  }
0x189: {  	v21 =	vld [tilespmem:$0x1FDE0];
	v10 =	vmax.f32 v10, v12;
	vm0 =	vmor vm1, vm0  }
0x18a: {  	v22 =	vld [tilespmem:$0x1FD90];
	vm1 =	vnez.u8 v4;
	v12 =	vsel vm0, $0x3F800000, v9;
	vm0 =	vnez.u8 v63  }
0x18b: {  	v23 =	vld [tilespmem:$0x1FDA0];
	v10 =	vmax.f32 v10, v11;
	vm0 =	vmor vm1, vm0  }
0x18c: {  	v24 =	vld [tilespmem:$0x1FD60];
	vm1 =	vnez.u8 v6;
	v11 =	vsel vm0, $0x3F800000, v9;
	vm0 =	vnez.u8 v5  }
0x18d: {  	s28 =	sadd.s32 $0x300, s24;
	s29 =	simm.s32 $0x0;
	v25 =	vld [tilespmem:$0x1FDB0];
	v10 =	vmax.f32 v10, v12;
	vm0 =	vmor vm1, vm0  }
0x18e: {  	v26 =	vld [tilespmem:$0x1FD70];
	[tilespmem:s18], [sflag:$0x3] =	stream.linear.gather [hbm4b:s28+s29], $0x1800, $0x38;
	vm1 =	vnez.u8 v21;
	v12 =	vsel vm0, $0x3F800000, v9;
	vm0 =	vnez.u8 v7  }
0x18f: {  	v27 =	vld [tilespmem:$0x1FD80];
	_ =	swait.ge [sflag:s10], $0x1800;
	v10 =	vmax.f32 v10, v11;
	vm0 =	vmor vm1, vm0  }
0x190: {  	v28 =	vld [tilespmem:$0x1FD30];
	vm1 =	vnez.u8 v23;
	v11 =	vsel vm0, $0x3F800000, v9;
	vm0 =	vnez.u8 v22  }
0x191: {  	v29 =	vld [tilespmem:$0x1FD40];
	v10 =	vmax.f32 v10, v12;
	vm0 =	vmor vm1, vm0  }
0x192: {  	v30 =	vld [tilespmem:$0x1FD00];
	vm1 =	vnez.u8 v25;
	v12 =	vsel vm0, $0x3F800000, v9;
	vm0 =	vnez.u8 v24  }
0x193: {  	v31 =	vld [tilespmem:$0x1FD50];
	v10 =	vmax.f32 v10, v11;
	vm0 =	vmor vm1, vm0  }
0x194: {  	v32 =	vld [tilespmem:$0x1FD10];
	vm1 =	vnez.u8 v27;
	v11 =	vsel vm0, $0x3F800000, v9;
	vm0 =	vnez.u8 v26  }
0x195: {  	v33 =	vld [tilespmem:$0x1FD20];
	v10 =	vmax.f32 v10, v12;
	vm0 =	vmor vm1, vm0  }
0x196: {  	v34 =	vld [tilespmem:$0x1FCD0];
	vm1 =	vnez.u8 v29;
	v12 =	vsel vm0, $0x3F800000, v9;
	vm0 =	vnez.u8 v28  }
0x197: {  	v35 =	vld [tilespmem:$0x1FCE0];
	v10 =	vmax.f32 v10, v11;
	vm0 =	vmor vm1, vm0  }
0x198: {  	v36 =	vld [tilespmem:$0x1FCA0];
	vm1 =	vnez.u8 v31;
	v11 =	vsel vm0, $0x3F800000, v9;
	vm0 =	vnez.u8 v30  }
0x199: {  	v37 =	vld [tilespmem:$0x1FCF0];
	v10 =	vmax.f32 v10, v12;
	vm0 =	vmor vm1, vm0  }
0x19a: {  	v38 =	vld [tilespmem:$0x1FCB0];
	vm1 =	vnez.u8 v33;
	v12 =	vsel vm0, $0x3F800000, v9;
	vm0 =	vnez.u8 v32  }
0x19b: {  	v39 =	vld [tilespmem:$0x1FCC0];
	vm0 =	vmor vm1, vm0  }
0x19c: {  	v40 =	vld [tilespmem:$0x1FC70];
	vm1 =	vnez.u8 v35;
	v13 =	vsel vm0, $0x3F800000, v9;
	vm0 =	vnez.u8 v34  }
0x19d: {  	v41 =	vld [tilespmem:$0x1FC80];
	v10 =	vmax.f32 v10, v11;
	vm0 =	vmor vm1, vm0  }
0x19e: {  	v42 =	vld [tilespmem:$0x1FC40];
	vm1 =	vnez.u8 v37;
	v14 =	vsel vm0, $0x3F800000, v9;
	vm0 =	vnez.u8 v36  }
0x19f: {  	v43 =	vld [tilespmem:$0x1FC90];
	v10 =	vmax.f32 v10, v12;
	v35 =	vimm.s32 $0x0;
	vm0 =	vmor vm1, vm0  }
0x1a0: {  	v44 =	vld [tilespmem:$0x1FC50];
	vm1 =	vnez.u8 v39;
	v15 =	vsel vm0, $0x3F800000, v9;
	vm0 =	vnez.u8 v38  }
0x1a1: {  	v45 =	vld [tilespmem:$0x1FC60];
	v10 =	vmax.f32 v10, v13;
	v37 =	vimm.s32 $0x0;
	vm0 =	vmor vm1, vm0  }
0x1a2: {  	v46 =	vld [tilespmem:$0x1FC10];
	vm1 =	vnez.u8 v41;
	v16 =	vsel vm0, $0x3F800000, v9;
	vm0 =	vnez.u8 v40  }
0x1a3: {  	v47 =	vld [tilespmem:$0x1FC20];
	v36 =	vimm.s32 $0x0;
	v10 =	vmax.f32 v10, v14;
	vm0 =	vmor vm1, vm0  }
0x1a4: {  	v48 =	vld [tilespmem:$0x1FBE0];
	vm1 =	vnez.u8 v43;
	v17 =	vsel vm0, $0x3F800000, v9;
	vm0 =	vnez.u8 v42  }
0x1a5: {  	v49 =	vld [tilespmem:$0x1FC30];
	v39 =	vimm.s32 $0x0;
	v38 =	vimm.s32 $0x0;
	vm0 =	vmor vm1, vm0  }
0x1a6: {  	v52 =	vld [tilespmem:$0x1FC00];
	vm1 =	vnez.u8 v45;
	v18 =	vsel vm0, $0x3F800000, v9;
	vm0 =	vnez.u8 v44  }
0x1a7: {  	v51 =	vld [tilespmem:$0x1FBF0];
	v10 =	vmax.f32 v10, v15;
	v41 =	vimm.s32 $0x0;
	vm0 =	vmor vm1, vm0  }
0x1a8: {  	v54 =	vld [tilespmem:$0x1FBC0];
	vm1 =	vnez.u8 v47;
	v19 =	vsel vm0, $0x3F800000, v9;
	vm0 =	vnez.u8 v46  }
0x1a9: {  	v53 =	vld [tilespmem:$0x1FBB0];
	v40 =	vimm.s32 $0x0;
	v10 =	vmax.f32 v10, v16;
	vm0 =	vmor vm1, vm0  }
0x1aa: {  	v56 =	vld [tilespmem:$0x1FB80];
	vm1 =	vnez.u8 v49;
	v20 =	vsel vm0, $0x3F800000, v9;
	vm0 =	vnez.u8 v48  }
0x1ab: {  	v57 =	vld [tilespmem:$0x1FBD0];
	v43 =	vimm.s32 $0x0;
	v42 =	vimm.s32 $0x0;
	vm0 =	vmor vm1, vm0  }
0x1ac: {  	v60 =	vld [tilespmem:$0x1FB90];
	vm1 =	vnez.u8 v52;
	v50 =	vsel vm0, $0x3F800000, v9;
	vm0 =	vnez.u8 v51  }
0x1ad: {  	v61 =	vld [tilespmem:$0x1FBA0];
	v10 =	vmax.f32 v10, v17;
	v45 =	vimm.s32 $0x0;
	vm0 =	vmor vm1, vm0  }
0x1ae: {  	v4 =	vld [tilespmem:$0x1FB70];
	vm1 =	vnez.u8 v54;
	v22 =	vsel vm0, $0x3F800000, v9;
	vm0 =	vnez.u8 v53  }
0x1af: {  	v63 =	vld [tilespmem:$0x1FB60];
	v44 =	vimm.s32 $0x0;
	v10 =	vmax.f32 v10, v18;
	vm0 =	vmor vm1, vm0  }
0x1b0: {  	vm1 =	vnez.u8 v57;
	v23 =	vsel vm0, $0x3F800000, v9;
	vm0 =	vnez.u8 v56  }
0x1b1: {  	v47 =	vimm.s32 $0x0;
	v46 =	vimm.s32 $0x0;
	vm0 =	vmor vm1, vm0  }
0x1b2: {  	vm1 =	vnez.u8 v61;
	v59 =	vsel vm0, $0x3F800000, v9;
	vm0 =	vnez.u8 v60  }
0x1b3: {  	v10 =	vmax.f32 v10, v19;
	v49 =	vimm.s32 $0x0;
	vm0 =	vmor vm1, vm0  }
0x1b4: {  	[sflag:s10] =	ssyncset.done $0x0;
	vm1 =	vnez.u8 v4;
	v62 =	vsel vm0, $0x3F800000, v9;
	vm0 =	vnez.u8 v63  }
0x1b5: {  	s28 =	simm.s32 $0x0;
	[sflag:s10] =	ssyncadd.s32 $0xFFFFE800;
	v48 =	vimm.s32 $0x0;
	v10 =	vmax.f32 v10, v20;
	vm0 =	vmor vm1, vm0  }
0x1b6: {  	v16 =	vld [tilespmem:s28+$0x1D0A0];
	v52 =	vimm.s32 $0x0;
	v5 =	vsel vm0, $0x3F800000, v9;
	vm0 =	vmor vm15, vm14  }
0x1b7: {  	v51 =	vimm.s32 $0x0;
	v6 =	vsel vm0, $0x3F800000, v9;
	vm0 =	vmor vm13, vm12  }
0x1b8: {  	v15 =	vld [tilespmem:s28+$0x1D0B0];
	v10 =	vmax.f32 v10, v50;
	v7 =	vsel vm0, $0x3F800000, v9;
	vm0 =	vmor vm11, vm10  }
0x1b9: {  	v18 =	vld [tilespmem:s28+$0x1D080];
	v50 =	vimm.s32 $0x0;
	v32 =	vsel vm0, $0x3F800000, v9;
	vm0 =	vmor vm9, vm8  }
0x1ba: {  	v17 =	vld [tilespmem:s28+$0x1D090];
	v54 =	vimm.s32 $0x0;
	v33 =	vsel vm0, $0x3F800000, v9;
	vm0 =	vmor vm7, vm6  }
0x1bb: {  	v53 =	vimm.s32 $0x0;
	v34 =	vsel vm0, $0x3F800000, v9;
	vm0 =	vlt.f32 v16, $0.0e+00  }
0x1bc: {  	v19 =	vld [tilespmem:s28+$0x1D070];
	v10 =	vmax.f32 v10, v22;
	v0 =	vsel vm0, $0xFFFFFFFF, v35;
	vm0 =	vgt.f32 v16, $0.0e+00  }
0x1bd: {  	v57 =	vimm.s32 $0x0;
	[tilespmem:$0x1F670] =	vst v0;
	v0 =	vsel vm0, $0xFFFFFFFF, v36;
	vm0 =	vgt.f32 v15, $0.0e+00  }
0x1be: {  	v56 =	vimm.s32 $0x0;
	[tilespmem:$0x1F680] =	vst v0;
	v0 =	vsel vm0, $0xFFFFFFFF, v37;
	vm0 =	vlt.f32 v18, $0.0e+00  }
0x1bf: {  	v55 =	vld [tilespmem:s28+$0x1D050];
	v10 =	vmax.f32 v10, v23;
	[tilespmem:$0x1F690] =	vst v0;
	v0 =	vsel vm0, $0xFFFFFFFF, v38;
	vm0 =	vlt.f32 v17, $0.0e+00  }
0x1c0: {  	v20 =	vld [tilespmem:s28+$0x1D060];
	v61 =	vimm.s32 $0x0;
	[tilespmem:$0x1F6A0] =	vst v0;
	v0 =	vsel vm0, $0xFFFFFFFF, v39;
	vm0 =	vgt.f32 v17, $0.0e+00  }
0x1c1: {  	v58 =	vld [tilespmem:s28+$0x1D040];
	v60 =	vimm.s32 $0x0;
	[tilespmem:$0x1F6B0] =	vst v0;
	v0 =	vsel vm0, $0xFFFFFFFF, v40;
	vm0 =	vlt.f32 v19, $0.0e+00  }
0x1c2: {  	v14 =	vld [tilespmem:s28+$0x1D0C0];
	v10 =	vmax.f32 v10, v59;
	[tilespmem:$0x1F6C0] =	vst v0;
	v0 =	vsel vm0, $0xFFFFFFFF, v41;
	vm0 =	vgt.f32 v19, $0.0e+00  }
0x1c3: {  	v4 =	vimm.s32 $0x0;
	[tilespmem:$0x1F6D0] =	vst v0;
	v0 =	vsel vm0, $0xFFFFFFFF, v42;
	vm0 =	vgt.f32 v18, $0.0e+00  }
0x1c4: {  	v13 =	vld [tilespmem:s28+$0x1D0D0];
	v10 =	vmax.f32 v10, v62;
	[tilespmem:$0x1F6E0] =	vst v0;
	v0 =	vsel vm0, $0xFFFFFFFF, v43;
	vm0 =	vlt.f32 v55, $0.0e+00  }
0x1c5: {  	v25 =	vld [tilespmem:s28+$0x1D020];
	v62 =	vimm.s32 $0x0;
	[tilespmem:$0x1F6F0] =	vst v0;
	v0 =	vsel vm0, $0xFFFFFFFF, v44;
	vm0 =	vlt.f32 v20, $0.0e+00  }
0x1c6: {  	v24 =	vld [tilespmem:s28+$0x1D030];
	vm15 =	vlt.f32 v15, $0.0e+00;
	[tilespmem:$0x1F700] =	vst v0;
	v0 =	vsel vm0, $0xFFFFFFFF, v45;
	vm0 =	vgt.f32 v20, $0.0e+00  }
0x1c7: {  	vm14 =	vgt.f32 v14, $0.0e+00;
	[tilespmem:$0x1F710] =	vst v0;
	v0 =	vsel vm0, $0xFFFFFFFF, v46;
	vm0 =	vlt.f32 v58, $0.0e+00  }
0x1c8: {  	v26 =	vld [tilespmem:s28+$0x1D010];
	v10 =	vmax.f32 v10, v5;
	[tilespmem:$0x1F720] =	vst v0;
	v0 =	vsel vm0, $0xFFFFFFFF, v47;
	vm0 =	vgt.f32 v58, $0.0e+00  }
0x1c9: {  	v12 =	vld [tilespmem:s28+$0x1D0E0];
	vm12 =	vgt.f32 v13, $0.0e+00;
	[tilespmem:$0x1F730] =	vst v0;
	v0 =	vsel vm0, $0xFFFFFFFF, v48;
	vm0 =	vgt.f32 v55, $0.0e+00  }
0x1ca: {  	vm13 =	vlt.f32 v14, $0.0e+00;
	[tilespmem:$0x1F740] =	vst v0;
	v0 =	vsel vm0, $0xFFFFFFFF, v49;
	vm0 =	vlt.f32 v25, $0.0e+00  }
0x1cb: {  	v28 =	vld [tilespmem:s28+$0x1CFF0];
	v5 =	vimm.s32 $0x0;
	[tilespmem:$0x1F750] =	vst v0;
	v0 =	vsel vm0, $0xFFFFFFFF, v50;
	vm0 =	vlt.f32 v24, $0.0e+00  }
0x1cc: {  	v27 =	vld [tilespmem:s28+$0x1D000];
	v10 =	vmax.f32 v10, v6;
	[tilespmem:$0x1F760] =	vst v0;
	v0 =	vsel vm0, $0xFFFFFFFF, v51;
	vm0 =	vgt.f32 v24, $0.0e+00  }
0x1cd: {  	vm11 =	vlt.f32 v13, $0.0e+00;
	[tilespmem:$0x1F770] =	vst v0;
	v0 =	vsel vm0, $0xFFFFFFFF, v52;
	vm0 =	vlt.f32 v26, $0.0e+00  }
0x1ce: {  	v29 =	vld [tilespmem:s28+$0x1CFE0];
	vm10 =	vgt.f32 v12, $0.0e+00;
	[tilespmem:$0x1F780] =	vst v0;
	v0 =	vsel vm0, $0xFFFFFFFF, v53;
	vm0 =	vgt.f32 v26, $0.0e+00  }
0x1cf: {  	v11 =	vld [tilespmem:s28+$0x1D0F0];
	v55 =	vimm.s32 $0x0;
	[tilespmem:$0x1F790] =	vst v0;
	v0 =	vsel vm0, $0xFFFFFFFF, v54;
	vm0 =	vgt.f32 v25, $0.0e+00  }
0x1d0: {  	v6 =	vimm.s32 $0x0;
	[tilespmem:$0x1F7A0] =	vst v0;
	v0 =	vsel vm0, $0xFFFFFFFF, v55;
	vm0 =	vlt.f32 v28, $0.0e+00  }
0x1d1: {  	v31 =	vld [tilespmem:s28+$0x1CFC0];
	v10 =	vmax.f32 v10, v7;
	[tilespmem:$0x1F7B0] =	vst v0;
	v0 =	vsel vm0, $0xFFFFFFFF, v56;
	vm0 =	vlt.f32 v27, $0.0e+00  }
0x1d2: {  	v30 =	vld [tilespmem:s28+$0x1CFD0];
	v58 =	vimm.s32 $0x0;
	[tilespmem:$0x1F7C0] =	vst v0;
	v0 =	vsel vm0, $0xFFFFFFFF, v57;
	vm0 =	vgt.f32 v27, $0.0e+00  }
0x1d3: {  	vm9 =	vlt.f32 v12, $0.0e+00;
	[tilespmem:$0x1F7D0] =	vst v0;
	v0 =	vsel vm0, $0xFFFFFFFF, v58;
	vm0 =	vlt.f32 v29, $0.0e+00  }
0x1d4: {  	v23 =	vld [tilespmem:s28+$0x1CFB0];
	vm8 =	vgt.f32 v11, $0.0e+00;
	[tilespmem:$0x1F7E0] =	vst v0;
	v0 =	vsel vm0, $0xFFFFFFFF, v60;
	vm0 =	vgt.f32 v29, $0.0e+00  }
0x1d5: {  	v10 =	vmax.f32 v10, v32;
	[tilespmem:$0x1F7F0] =	vst v0;
	v0 =	vsel vm0, $0xFFFFFFFF, v61;
	vm0 =	vgt.f32 v28, $0.0e+00  }
0x1d6: {  	vm7 =	vlt.f32 v11, $0.0e+00;
	[tilespmem:$0x1F800] =	vst v0;
	v0 =	vsel vm0, $0xFFFFFFFF, v62;
	vm0 =	vlt.f32 v31, $0.0e+00  }
0x1d7: {  	v11 =	vld [tilespmem:s28+$0x1CF90];
	v10 =	vmax.f32 v10, v33;
	[tilespmem:$0x1F810] =	vst v0;
	v0 =	vsel vm0, $0xFFFFFFFF, v4;
	vm0 =	vlt.f32 v30, $0.0e+00  }
0x1d8: {  	v32 =	vld [tilespmem:s28+$0x1CFA0];
	v10 =	vmax.f32 v10, v34;
	[tilespmem:$0x1F820] =	vst v0;
	v0 =	vsel vm0, $0xFFFFFFFF, v5;
	vm0 =	vgt.f32 v30, $0.0e+00  }
0x1d9: {  	v26 =	vimm.s32 $0x0;
	[tilespmem:$0x1F830] =	vst v0;
	v0 =	vsel vm0, $0xFFFFFFFF, v6;
	vm0 =	vlt.f32 v23, $0.0e+00  }
0x1da: {  	v12 =	vld [tilespmem:s28+$0x1CF80];
	v27 =	vimm.s32 $0x0;
	[tilespmem:$0x1F840] =	vst v0;
	v0 =	vsel vm0, $0xFFFFFFFF, v26;
	vm0 =	vgt.f32 v23, $0.0e+00  }
0x1db: {  	v28 =	vimm.s32 $0x0;
	[tilespmem:$0x1F850] =	vst v0;
	v0 =	vsel vm0, $0xFFFFFFFF, v27;
	vm0 =	vgt.f32 v31, $0.0e+00  }
0x1dc: {  	v30 =	vimm.s32 $0x0;
	[tilespmem:$0x1F860] =	vst v0;
	v0 =	vsel vm0, $0xFFFFFFFF, v28;
	vm0 =	vlt.f32 v11, $0.0e+00  }
0x1dd: {  	v14 =	vld [tilespmem:s28+$0x1CF60];
	v31 =	vimm.s32 $0x0;
	[tilespmem:$0x1F870] =	vst v0;
	v0 =	vsel vm0, $0xFFFFFFFF, v30;
	vm0 =	vlt.f32 v32, $0.0e+00  }
0x1de: {  	v13 =	vld [tilespmem:s28+$0x1CF70];
	[tilespmem:$0x1F880] =	vst v0;
	v0 =	vsel vm0, $0xFFFFFFFF, v31;
	vm0 =	vgt.f32 v32, $0.0e+00;
	v32 =	vimm.s32 $0x0  }
0x1df: {  	v34 =	vimm.s32 $0x0;
	[tilespmem:$0x1F890] =	vst v0;
	v0 =	vsel vm0, $0xFFFFFFFF, v32;
	vm0 =	vlt.f32 v12, $0.0e+00  }
0x1e0: {  	v35 =	vimm.s32 $0x0;
	v15 =	vld [tilespmem:s28+$0x1CF50];
	[tilespmem:$0x1F8A0] =	vst v0;
	v0 =	vsel vm0, $0xFFFFFFFF, v34;
	vm0 =	vgt.f32 v12, $0.0e+00  }
0x1e1: {  	v36 =	vimm.s32 $0x0;
	[tilespmem:$0x1F8B0] =	vst v0;
	v0 =	vsel vm0, $0xFFFFFFFF, v35;
	vm0 =	vgt.f32 v11, $0.0e+00  }
0x1e2: {  	v37 =	vimm.s32 $0x0;
	[tilespmem:$0x1F8C0] =	vst v0;
	v0 =	vsel vm0, $0xFFFFFFFF, v36;
	vm0 =	vlt.f32 v14, $0.0e+00  }
0x1e3: {  	v38 =	vimm.s32 $0x0;
	v17 =	vld [tilespmem:s28+$0x1CF30];
	[tilespmem:$0x1F8D0] =	vst v0;
	v0 =	vsel vm0, $0xFFFFFFFF, v37;
	vm0 =	vlt.f32 v13, $0.0e+00  }
0x1e4: {  	v16 =	vld [tilespmem:s28+$0x1CF40];
	v39 =	vimm.s32 $0x0;
	[tilespmem:$0x1F8E0] =	vst v0;
	v0 =	vsel vm0, $0xFFFFFFFF, v38;
	vm0 =	vgt.f32 v13, $0.0e+00  }
0x1e5: {  	v40 =	vimm.s32 $0x0;
	[tilespmem:$0x1F8F0] =	vst v0;
	v0 =	vsel vm0, $0xFFFFFFFF, v39;
	vm0 =	vlt.f32 v15, $0.0e+00  }
0x1e6: {  	v41 =	vimm.s32 $0x0;
	v18 =	vld [tilespmem:s28+$0x1CF20];
	[tilespmem:$0x1F900] =	vst v0;
	v0 =	vsel vm0, $0xFFFFFFFF, v40;
	vm0 =	vgt.f32 v15, $0.0e+00  }
0x1e7: {  	v42 =	vimm.s32 $0x0;
	[tilespmem:$0x1F910] =	vst v0;
	v0 =	vsel vm0, $0xFFFFFFFF, v41;
	vm0 =	vgt.f32 v14, $0.0e+00  }
0x1e8: {  	v43 =	vimm.s32 $0x0;
	[tilespmem:$0x1F920] =	vst v0;
	v0 =	vsel vm0, $0xFFFFFFFF, v42;
	vm0 =	vlt.f32 v17, $0.0e+00  }
0x1e9: {  	v44 =	vimm.s32 $0x0;
	v20 =	vld [tilespmem:s28+$0x1CF00];
	[tilespmem:$0x1F930] =	vst v0;
	v0 =	vsel vm0, $0xFFFFFFFF, v43;
	vm0 =	vlt.f32 v16, $0.0e+00  }
0x1ea: {  	v19 =	vld [tilespmem:s28+$0x1CF10];
	v45 =	vimm.s32 $0x0;
	[tilespmem:$0x1F940] =	vst v0;
	v0 =	vsel vm0, $0xFFFFFFFF, v44;
	vm0 =	vgt.f32 v16, $0.0e+00  }
0x1eb: {  	v46 =	vimm.s32 $0x0;
	[tilespmem:$0x1F950] =	vst v0;
	v0 =	vsel vm0, $0xFFFFFFFF, v45;
	vm0 =	vlt.f32 v18, $0.0e+00  }
0x1ec: {  	v59 =	vld [tilespmem:s28+$0x1CEF0];
	v47 =	vimm.s32 $0x0;
	[tilespmem:$0x1F960] =	vst v0;
	v0 =	vsel vm0, $0xFFFFFFFF, v46;
	vm0 =	vgt.f32 v18, $0.0e+00  }
0x1ed: {  	v48 =	vimm.s32 $0x0;
	[tilespmem:$0x1F970] =	vst v0;
	v0 =	vsel vm0, $0xFFFFFFFF, v47;
	vm0 =	vgt.f32 v17, $0.0e+00  }
0x1ee: {  	v49 =	vimm.s32 $0x0;
	[tilespmem:$0x1F980] =	vst v0;
	v0 =	vsel vm0, $0xFFFFFFFF, v48;
	vm0 =	vlt.f32 v20, $0.0e+00  }
0x1ef: {  	v7 =	vld [tilespmem:s28+$0x1CED0];
	v50 =	vimm.s32 $0x0;
	[tilespmem:$0x1F990] =	vst v0;
	v0 =	vsel vm0, $0xFFFFFFFF, v49;
	vm0 =	vlt.f32 v19, $0.0e+00  }
0x1f0: {  	v63 =	vld [tilespmem:s28+$0x1CEE0];
	v51 =	vimm.s32 $0x0;
	[tilespmem:$0x1F9A0] =	vst v0;
	v0 =	vsel vm0, $0xFFFFFFFF, v50;
	vm0 =	vgt.f32 v19, $0.0e+00  }
0x1f1: {  	v52 =	vimm.s32 $0x0;
	[tilespmem:$0x1F9B0] =	vst v0;
	v0 =	vsel vm0, $0xFFFFFFFF, v51;
	vm0 =	vlt.f32 v59, $0.0e+00  }
0x1f2: {  	v53 =	vimm.s32 $0x0;
	v29 =	vld [tilespmem:s28+$0x1CEC0];
	[tilespmem:$0x1F9C0] =	vst v0;
	v0 =	vsel vm0, $0xFFFFFFFF, v52;
	vm0 =	vgt.f32 v59, $0.0e+00  }
0x1f3: {  	v54 =	vimm.s32 $0x0;
	[tilespmem:$0x1F9D0] =	vst v0;
	v0 =	vsel vm0, $0xFFFFFFFF, v53;
	vm0 =	vgt.f32 v20, $0.0e+00  }
0x1f4: {  	v55 =	vimm.s32 $0x0;
	[tilespmem:$0x1F9E0] =	vst v0;
	v0 =	vsel vm0, $0xFFFFFFFF, v54;
	vm0 =	vlt.f32 v7, $0.0e+00  }
0x1f5: {  	v56 =	vimm.s32 $0x0;
	v11 =	vld [tilespmem:s28+$0x1CEA0];
	[tilespmem:$0x1F9F0] =	vst v0;
	v0 =	vsel vm0, $0xFFFFFFFF, v55;
	vm0 =	vlt.f32 v63, $0.0e+00  }
0x1f6: {  	v33 =	vld [tilespmem:s28+$0x1CEB0];
	v57 =	vimm.s32 $0x0;
	[tilespmem:$0x1FA00] =	vst v0;
	v0 =	vsel vm0, $0xFFFFFFFF, v56;
	vm0 =	vgt.f32 v63, $0.0e+00  }
0x1f7: {  	v58 =	vimm.s32 $0x0;
	v12 =	vld [tilespmem:s28+$0x1CE90];
	[tilespmem:$0x1FA10] =	vst v0;
	v0 =	vsel vm0, $0xFFFFFFFF, v57;
	vm0 =	vlt.f32 v29, $0.0e+00  }
0x1f8: {  	v13 =	vld [tilespmem:s28+$0x1CE80];
	v59 =	vimm.s32 $0x0;
	[tilespmem:$0x1FA20] =	vst v0;
	v0 =	vsel vm0, $0xFFFFFFFF, v58;
	vm0 =	vgt.f32 v29, $0.0e+00  }
0x1f9: {  	v60 =	vimm.s32 $0x0;
	v15 =	vld [tilespmem:s28+$0x1CE60];
	[tilespmem:$0x1FA30] =	vst v0;
	v0 =	vsel vm0, $0xFFFFFFFF, v59;
	vm0 =	vgt.f32 v7, $0.0e+00  }
0x1fa: {  	v61 =	vimm.s32 $0x0;
	v14 =	vld [tilespmem:s28+$0x1CE70];
	[tilespmem:$0x1FA40] =	vst v0;
	v0 =	vsel vm0, $0xFFFFFFFF, v60;
	vm0 =	vlt.f32 v11, $0.0e+00  }
0x1fb: {  	v62 =	vimm.s32 $0x0;
	v16 =	vld [tilespmem:s28+$0x1CE50];
	[tilespmem:$0x1FA50] =	vst v0;
	v0 =	vsel vm0, $0xFFFFFFFF, v61;
	vm0 =	vlt.f32 v33, $0.0e+00  }
0x1fc: {  	v18 =	vld [tilespmem:s28+$0x1CE30];
	v63 =	vimm.s32 $0x0;
	[tilespmem:$0x1FA60] =	vst v0;
	v0 =	vsel vm0, $0xFFFFFFFF, v62;
	vm0 =	vgt.f32 v33, $0.0e+00  }
0x1fd: {  	v17 =	vld [tilespmem:s28+$0x1CE40];
	[tilespmem:$0x1FA70] =	vst v0;
	v0 =	vsel vm0, $0xFFFFFFFF, v63  }
0x1fe: {  	s29 =	simm.s32 $0xC00;
	v19 =	vld [tilespmem:s28+$0x1CE20];
	[tilespmem:$0x1FA80] =	vst v0  }
.LBB2_5:
0x1ff: {  	v0 =	vimm.s32 $0x0  }
0x200: {  	v31 =	vimm.s32 $0x0;
	v0 =	vsel vm13, $0xFFFFFFFF, v0  }
0x201: {  	v32 =	vimm.s32 $0x0;
	[tilespmem:$0x1F600] =	vst v0;
	v0 =	vsel vm10, $0xFFFFFFFF, v31  }
0x202: {  	v33 =	vimm.s32 $0x0;
	[tilespmem:$0x1F640] =	vst v0;
	v0 =	vsel vm12, $0xFFFFFFFF, v32  }
0x203: {  	v34 =	vimm.s32 $0x0;
	v35 =	vimm.s32 $0x0;
	[tilespmem:$0x1F620] =	vst v0;
	v0 =	vsel vm11, $0xFFFFFFFF, v33  }
0x204: {  	v36 =	vimm.s32 $0x0;
	v37 =	vimm.s32 $0x0;
	[tilespmem:$0x1F610] =	vst v0;
	v0 =	vsel vm9, $0xFFFFFFFF, v34  }
0x205: {  	v38 =	vimm.s32 $0x0;
	v39 =	vimm.s32 $0x0;
	[tilespmem:$0x1F630] =	vst v0;
	v0 =	vsel vm15, $0xFFFFFFFF, v35  }
0x206: {  	v20 =	vld [tilespmem:s28+$0x1CE00];
	v40 =	vimm.s32 $0x0;
	v41 =	vimm.s32 $0x0;
	[tilespmem:$0x1F5E0] =	vst v0;
	v0 =	vsel vm14, $0xFFFFFFFF, v36  }
0x207: {  	vm0 =	vlt.f32 v12, $0.0e+00;
	vm2 =	vlt.f32 v15, $0.0e+00;
	[tilespmem:$0x1F5F0] =	vst v0;
	v0 =	vsel vm8, $0xFFFFFFFF, v37  }
0x208: {  	vm3 =	vgt.f32 v15, $0.0e+00;
	vm1 =	vgt.f32 v14, $0.0e+00;
	[tilespmem:$0x1F660] =	vst v0;
	v0 =	vsel vm7, $0xFFFFFFFF, v38  }
0x209: {  	vm5 =	vlt.f32 v17, $0.0e+00;
	[tilespmem:$0x1F650] =	vst v0;
	v0 =	vsel vm0, $0xFFFFFFFF, v39;
	vm0 =	vgt.f32 v12, $0.0e+00  }
0x20a: {  	vm4 =	vlt.f32 v16, $0.0e+00;
	[tilespmem:$0x1F5B0] =	vst v0;
	v0 =	vsel vm0, $0xFFFFFFFF, v40;
	vm0 =	vgt.f32 v11, $0.0e+00;
	v11 =	vld [tilespmem:s28+$0x1CE10]  }
0x20b: {  	vm6 =	vgt.f32 v16, $0.0e+00;
	vm11 =	vgt.f32 v18, $0.0e+00;
	vm12 =	vlt.f32 v20, $0.0e+00  }
0x20c: {  	vm13 =	vgt.f32 v20, $0.0e+00;
	vm9 =	vlt.f32 v19, $0.0e+00;
	vm4 =	vmor vm6, vm4  }
0x20d: {  	v44 =	vld [tilespmem:$0x1FA60];
	vm2 =	vmor vm3, vm2;
	vm15 =	vgt.f32 v13, $0.0e+00;
	vm12 =	vmor vm13, vm12  }
0x20e: {  	v46 =	vld [tilespmem:$0x1FA70];
	vm14 =	vlt.f32 v13, $0.0e+00;
	vm8 =	vgt.f32 v17, $0.0e+00;
	vm7 =	vlt.f32 v18, $0.0e+00  }
0x20f: {  	v47 =	vld [tilespmem:$0x1FA80];
	vm5 =	vmor vm8, vm5;
	vm13 =	vlt.f32 v11, $0.0e+00;
	vm10 =	vgt.f32 v11, $0.0e+00  }
0x210: {  	v48 =	vld [tilespmem:$0x1FA30];
	[tilespmem:$0x1F5C0] =	vst v0;
	v11 =	vsel vm12, $0x3F800000, v9;
	vm12 =	vgt.f32 v19, $0.0e+00;
	vm10 =	vmor vm10, vm13  }
0x211: {  	v43 =	vld [tilespmem:$0x1F5C0];
	v10 =	vmax.f32 v10, v11;
	vm9 =	vmor vm12, vm9;
	v11 =	vsel vm10, $0x3F800000, v9  }
0x212: {  	v49 =	vld [tilespmem:$0x1FA40];
	vm7 =	vmor vm11, vm7;
	v10 =	vmax.f32 v10, v11;
	v11 =	vsel vm9, $0x3F800000, v9  }
0x213: {  	v0 =	vsel vm0, $0xFFFFFFFF, v41;
	v42 =	vld [tilespmem:$0x1F5B0];
	v10 =	vmax.f32 v10, v11;
	v11 =	vsel vm7, $0x3F800000, v9  }
0x214: {  	v50 =	vld [tilespmem:$0x1FA00];
	vm0 =	vlt.f32 v14, $0.0e+00;
	[tilespmem:$0x1F5D0] =	vst v0;
	v10 =	vmax.f32 v10, v11;
	v11 =	vsel vm5, $0x3F800000, v9  }
0x215: {  	vm0 =	vmor vm1, vm0;
	v45 =	vld [tilespmem:$0x1F5D0];
	v10 =	vmax.f32 v10, v11;
	v11 =	vsel vm4, $0x3F800000, v9  }
0x216: {  	v51 =	vld [tilespmem:$0x1FA50];
	vm1 =	vnez.u8 v43;
	v10 =	vmax.f32 v10, v11;
	v11 =	vsel vm2, $0x3F800000, v9  }
0x217: {  	v52 =	vld [tilespmem:$0x1FA10];
	v10 =	vmax.f32 v10, v11;
	v11 =	vsel vm0, $0x3F800000, v9;
	vm0 =	vmor vm15, vm14  }
0x218: {  	v53 =	vld [tilespmem:$0x1FA20];
	v10 =	vmax.f32 v10, v11;
	v11 =	vsel vm0, $0x3F800000, v9;
	vm0 =	vnez.u8 v42  }
0x219: {  	v54 =	vld [tilespmem:$0x1F9D0];
	vm0 =	vmor vm1, vm0;
	v10 =	vmax.f32 v10, v11  }
0x21a: {  	v55 =	vld [tilespmem:$0x1F9E0];
	vm1 =	vnez.u8 v45;
	v11 =	vsel vm0, $0x3F800000, v9;
	vm0 =	vnez.u8 v44  }
0x21b: {  	v56 =	vld [tilespmem:$0x1F9A0];
	vm0 =	vmor vm1, vm0;
	v10 =	vmax.f32 v10, v11  }
0x21c: {  	v57 =	vld [tilespmem:$0x1F9F0];
	vm1 =	vnez.u8 v47;
	v11 =	vsel vm0, $0x3F800000, v9;
	vm0 =	vnez.u8 v46  }
0x21d: {  	v58 =	vld [tilespmem:$0x1F9B0];
	vm0 =	vmor vm1, vm0;
	v10 =	vmax.f32 v10, v11  }
0x21e: {  	v59 =	vld [tilespmem:$0x1F9C0];
	vm1 =	vnez.u8 v49;
	v11 =	vsel vm0, $0x3F800000, v9;
	vm0 =	vnez.u8 v48  }
0x21f: {  	v60 =	vld [tilespmem:$0x1F970];
	vm0 =	vmor vm1, vm0;
	v10 =	vmax.f32 v10, v11  }
0x220: {  	v61 =	vld [tilespmem:$0x1F980];
	vm1 =	vnez.u8 v51;
	v11 =	vsel vm0, $0x3F800000, v9;
	vm0 =	vnez.u8 v50  }
0x221: {  	v62 =	vld [tilespmem:$0x1F940];
	vm0 =	vmor vm1, vm0;
	v10 =	vmax.f32 v10, v11  }
0x222: {  	v63 =	vld [tilespmem:$0x1F990];
	vm1 =	vnez.u8 v53;
	v11 =	vsel vm0, $0x3F800000, v9;
	vm0 =	vnez.u8 v52  }
0x223: {  	v4 =	vld [tilespmem:$0x1F950];
	vm0 =	vmor vm1, vm0;
	v10 =	vmax.f32 v10, v11  }
0x224: {  	v5 =	vld [tilespmem:$0x1F960];
	vm1 =	vnez.u8 v55;
	v11 =	vsel vm0, $0x3F800000, v9;
	vm0 =	vnez.u8 v54  }
0x225: {  	v6 =	vld [tilespmem:$0x1F910];
	vm0 =	vmor vm1, vm0;
	v10 =	vmax.f32 v10, v11  }
0x226: {  	v7 =	vld [tilespmem:$0x1F920];
	vm1 =	vnez.u8 v57;
	v11 =	vsel vm0, $0x3F800000, v9;
	vm0 =	vnez.u8 v56  }
0x227: {  	v21 =	vld [tilespmem:$0x1F8E0];
	vm0 =	vmor vm1, vm0;
	v10 =	vmax.f32 v10, v11  }
0x228: {  	v22 =	vld [tilespmem:$0x1F930];
	vm1 =	vnez.u8 v59;
	v11 =	vsel vm0, $0x3F800000, v9;
	vm0 =	vnez.u8 v58  }
0x229: {  	v23 =	vld [tilespmem:$0x1F8F0];
	vm0 =	vmor vm1, vm0;
	v10 =	vmax.f32 v10, v11  }
0x22a: {  	v24 =	vld [tilespmem:$0x1F900];
	vm1 =	vnez.u8 v61;
	v11 =	vsel vm0, $0x3F800000, v9;
	vm0 =	vnez.u8 v60  }
0x22b: {  	v25 =	vld [tilespmem:$0x1F8B0];
	vm0 =	vmor vm1, vm0;
	v10 =	vmax.f32 v10, v11  }
0x22c: {  	v26 =	vld [tilespmem:$0x1F8C0];
	vm1 =	vnez.u8 v63;
	v11 =	vsel vm0, $0x3F800000, v9;
	vm0 =	vnez.u8 v62  }
0x22d: {  	v27 =	vld [tilespmem:$0x1F880];
	vm0 =	vmor vm1, vm0;
	v10 =	vmax.f32 v10, v11  }
0x22e: {  	v28 =	vld [tilespmem:$0x1F8D0];
	vm1 =	vnez.u8 v5;
	v11 =	vsel vm0, $0x3F800000, v9;
	vm0 =	vnez.u8 v4  }
0x22f: {  	v29 =	vld [tilespmem:$0x1F890];
	vm0 =	vmor vm1, vm0;
	v10 =	vmax.f32 v10, v11  }
0x230: {  	v30 =	vld [tilespmem:$0x1F8A0];
	vm1 =	vnez.u8 v7;
	v11 =	vsel vm0, $0x3F800000, v9;
	vm0 =	vnez.u8 v6  }
0x231: {  	v31 =	vld [tilespmem:$0x1F850];
	vm0 =	vmor vm1, vm0;
	v10 =	vmax.f32 v10, v11  }
0x232: {  	v32 =	vld [tilespmem:$0x1F860];
	vm1 =	vnez.u8 v22;
	v11 =	vsel vm0, $0x3F800000, v9;
	vm0 =	vnez.u8 v21  }
0x233: {  	v33 =	vld [tilespmem:$0x1F820];
	vm0 =	vmor vm1, vm0;
	v10 =	vmax.f32 v10, v11  }
0x234: {  	v34 =	vld [tilespmem:$0x1F870];
	vm1 =	vnez.u8 v24;
	v11 =	vsel vm0, $0x3F800000, v9;
	vm0 =	vnez.u8 v23  }
0x235: {  	v35 =	vld [tilespmem:$0x1F830];
	vm0 =	vmor vm1, vm0;
	v10 =	vmax.f32 v10, v11  }
0x236: {  	v36 =	vld [tilespmem:$0x1F840];
	vm1 =	vnez.u8 v26;
	v11 =	vsel vm0, $0x3F800000, v9;
	vm0 =	vnez.u8 v25  }
0x237: {  	v37 =	vld [tilespmem:$0x1F7F0];
	vm0 =	vmor vm1, vm0;
	v10 =	vmax.f32 v10, v11  }
0x238: {  	v38 =	vld [tilespmem:$0x1F800];
	vm1 =	vnez.u8 v28;
	v11 =	vsel vm0, $0x3F800000, v9;
	vm0 =	vnez.u8 v27  }
0x239: {  	v39 =	vld [tilespmem:$0x1F7C0];
	vm0 =	vmor vm1, vm0;
	v10 =	vmax.f32 v10, v11  }
0x23a: {  	s28 =	sshra.s32 s29, $0x2;
	v40 =	vld [tilespmem:$0x1F810];
	vm1 =	vnez.u8 v30;
	v11 =	vsel vm0, $0x3F800000, v9;
	vm0 =	vnez.u8 v29  }
0x23b: {  	v12 =	vld [tilespmem:s28+$0x1D0F0];
	vm0 =	vmor vm1, vm0;
	v10 =	vmax.f32 v10, v11  }
0x23c: {  	v13 =	vld [tilespmem:s28+$0x1D0E0];
	vm1 =	vnez.u8 v32;
	v11 =	vsel vm0, $0x3F800000, v9;
	vm0 =	vnez.u8 v31  }
0x23d: {  	v14 =	vld [tilespmem:s28+$0x1D0D0];
	vm0 =	vmor vm1, vm0;
	v10 =	vmax.f32 v10, v11  }
0x23e: {  	v15 =	vld [tilespmem:s28+$0x1D0C0];
	vm1 =	vnez.u8 v34;
	v11 =	vsel vm0, $0x3F800000, v9;
	vm0 =	vnez.u8 v33  }
0x23f: {  	v16 =	vld [tilespmem:s28+$0x1D0B0];
	vm0 =	vmor vm1, vm0;
	v10 =	vmax.f32 v10, v11  }
0x240: {  	v41 =	vld [tilespmem:$0x1F7D0];
	vm1 =	vnez.u8 v36;
	v11 =	vsel vm0, $0x3F800000, v9;
	vm0 =	vnez.u8 v35  }
0x241: {  	v42 =	vld [tilespmem:$0x1F7E0];
	vm0 =	vmor vm1, vm0;
	v10 =	vmax.f32 v10, v11  }
0x242: {  	v43 =	vld [tilespmem:$0x1F790];
	vm1 =	vnez.u8 v38;
	v11 =	vsel vm0, $0x3F800000, v9;
	vm0 =	vnez.u8 v37  }
0x243: {  	v44 =	vld [tilespmem:$0x1F7A0];
	vm0 =	vmor vm1, vm0;
	v10 =	vmax.f32 v10, v11  }
0x244: {  	v45 =	vld [tilespmem:$0x1F760];
	vm1 =	vnez.u8 v40;
	v11 =	vsel vm0, $0x3F800000, v9;
	vm0 =	vnez.u8 v39  }
0x245: {  	v46 =	vld [tilespmem:$0x1F7B0];
	vm0 =	vmor vm1, vm0;
	v10 =	vmax.f32 v10, v11  }
0x246: {  	v47 =	vld [tilespmem:$0x1F770];
	vm1 =	vnez.u8 v42;
	v11 =	vsel vm0, $0x3F800000, v9;
	vm0 =	vnez.u8 v41  }
0x247: {  	v48 =	vld [tilespmem:$0x1F780];
	vm0 =	vmor vm1, vm0;
	v10 =	vmax.f32 v10, v11  }
0x248: {  	v49 =	vld [tilespmem:$0x1F730];
	vm1 =	vnez.u8 v44;
	v11 =	vsel vm0, $0x3F800000, v9;
	vm0 =	vnez.u8 v43  }
0x249: {  	v50 =	vld [tilespmem:$0x1F740];
	vm0 =	vmor vm1, vm0;
	v10 =	vmax.f32 v10, v11  }
0x24a: {  	v51 =	vld [tilespmem:$0x1F700];
	vm1 =	vnez.u8 v46;
	v11 =	vsel vm0, $0x3F800000, v9;
	vm0 =	vnez.u8 v45  }
0x24b: {  	v52 =	vld [tilespmem:$0x1F750];
	vm0 =	vmor vm1, vm0;
	v10 =	vmax.f32 v10, v11  }
0x24c: {  	v53 =	vld [tilespmem:$0x1F710];
	vm1 =	vnez.u8 v48;
	v11 =	vsel vm0, $0x3F800000, v9;
	vm0 =	vnez.u8 v47  }
0x24d: {  	v54 =	vld [tilespmem:$0x1F720];
	vm0 =	vmor vm1, vm0;
	v10 =	vmax.f32 v10, v11  }
0x24e: {  	v55 =	vld [tilespmem:$0x1F6D0];
	vm1 =	vnez.u8 v50;
	v11 =	vsel vm0, $0x3F800000, v9;
	vm0 =	vnez.u8 v49  }
0x24f: {  	v56 =	vld [tilespmem:$0x1F6E0];
	vm0 =	vmor vm1, vm0;
	v10 =	vmax.f32 v10, v11  }
0x250: {  	v57 =	vld [tilespmem:$0x1F6A0];
	vm1 =	vnez.u8 v52;
	v11 =	vsel vm0, $0x3F800000, v9;
	vm0 =	vnez.u8 v51  }
0x251: {  	v58 =	vld [tilespmem:$0x1F6F0];
	vm0 =	vmor vm1, vm0;
	v10 =	vmax.f32 v10, v11  }
0x252: {  	v59 =	vld [tilespmem:$0x1F6B0];
	vm1 =	vnez.u8 v54;
	v11 =	vsel vm0, $0x3F800000, v9;
	vm0 =	vnez.u8 v53  }
0x253: {  	vm8 =	vgt.f32 v12, $0.0e+00;
	v60 =	vld [tilespmem:$0x1F6C0];
	vm0 =	vmor vm1, vm0;
	v10 =	vmax.f32 v10, v11  }
0x254: {  	v61 =	vld [tilespmem:$0x1F670];
	vm1 =	vnez.u8 v56;
	v11 =	vsel vm0, $0x3F800000, v9;
	vm0 =	vnez.u8 v55  }
0x255: {  	vm11 =	vlt.f32 v14, $0.0e+00;
	v62 =	vld [tilespmem:$0x1F680];
	vm0 =	vmor vm1, vm0;
	v10 =	vmax.f32 v10, v11  }
0x256: {  	v63 =	vld [tilespmem:$0x1F690];
	vm1 =	vnez.u8 v58;
	v11 =	vsel vm0, $0x3F800000, v9;
	vm0 =	vnez.u8 v57  }
0x257: {  	vm12 =	vgt.f32 v14, $0.0e+00;
	v4 =	vld [tilespmem:$0x1F5E0];
	vm0 =	vmor vm1, vm0;
	v10 =	vmax.f32 v10, v11  }
0x258: {  	v5 =	vld [tilespmem:$0x1F5F0];
	vm1 =	vnez.u8 v60;
	v11 =	vsel vm0, $0x3F800000, v9;
	vm0 =	vnez.u8 v59  }
0x259: {  	vm13 =	vlt.f32 v15, $0.0e+00;
	v6 =	vld [tilespmem:$0x1F600];
	vm0 =	vmor vm1, vm0;
	v10 =	vmax.f32 v10, v11  }
0x25a: {  	v7 =	vld [tilespmem:$0x1F610];
	vm1 =	vnez.u8 v62;
	v11 =	vsel vm0, $0x3F800000, v9;
	vm0 =	vnez.u8 v61  }
0x25b: {  	vm10 =	vgt.f32 v13, $0.0e+00;
	v30 =	vld [tilespmem:$0x1F620];
	vm0 =	vmor vm1, vm0;
	v10 =	vmax.f32 v10, v11  }
0x25c: {  	v32 =	vld [tilespmem:$0x1F640];
	vm1 =	vnez.u8 v4;
	v11 =	vsel vm0, $0x3F800000, v9;
	vm0 =	vnez.u8 v63  }
0x25d: {  	vm9 =	vlt.f32 v13, $0.0e+00;
	v31 =	vld [tilespmem:$0x1F630];
	vm0 =	vmor vm0, vm1;
	v10 =	vmax.f32 v10, v11  }
0x25e: {  	v34 =	vld [tilespmem:$0x1F660];
	vm1 =	vnez.u8 v6;
	v11 =	vsel vm0, $0x3F800000, v9;
	vm0 =	vnez.u8 v5  }
0x25f: {  	vm7 =	vlt.f32 v12, $0.0e+00;
	v33 =	vld [tilespmem:$0x1F650];
	vm0 =	vmor vm0, vm1;
	v10 =	vmax.f32 v10, v11  }
0x260: {  	vm1 =	vnez.u8 v30;
	v11 =	vsel vm0, $0x3F800000, v9;
	vm0 =	vnez.u8 v7  }
0x261: {  	v17 =	vld [tilespmem:s28+$0x1D0A0];
	vm15 =	vlt.f32 v16, $0.0e+00;
	vm0 =	vmor vm1, vm0;
	v10 =	vmax.f32 v10, v11  }
0x262: {  	vm1 =	vnez.u8 v32;
	v11 =	vsel vm0, $0x3F800000, v9;
	vm0 =	vnez.u8 v31  }
0x263: {  	vm14 =	vgt.f32 v15, $0.0e+00;
	vm0 =	vmor vm1, vm0;
	v10 =	vmax.f32 v10, v11  }
0x264: {  	v19 =	vld [tilespmem:s28+$0x1D080];
	vm1 =	vnez.u8 v34;
	v11 =	vsel vm0, $0x3F800000, v9;
	vm0 =	vnez.u8 v33  }
0x265: {  	v18 =	vld [tilespmem:s28+$0x1D090];
	v36 =	vimm.s32 $0x0;
	v35 =	vimm.s32 $0x0;
	vm0 =	vmor vm1, vm0  }
0x266: {  	v10 =	vmax.f32 v10, v11;
	v11 =	vsel vm0, $0x3F800000, v9;
	vm0 =	vlt.f32 v17, $0.0e+00  }
0x267: {  	v20 =	vld [tilespmem:s28+$0x1D070];
	v38 =	vimm.s32 $0x0;
	v0 =	vsel vm0, $0xFFFFFFFF, v35;
	vm0 =	vgt.f32 v17, $0.0e+00  }
0x268: {  	v37 =	vimm.s32 $0x0;
	[tilespmem:$0x1F670] =	vst v0;
	v0 =	vsel vm0, $0xFFFFFFFF, v36;
	vm0 =	vgt.f32 v16, $0.0e+00  }
0x269: {  	v40 =	vimm.s32 $0x0;
	[tilespmem:$0x1F680] =	vst v0;
	v0 =	vsel vm0, $0xFFFFFFFF, v37;
	vm0 =	vlt.f32 v19, $0.0e+00  }
0x26a: {  	v22 =	vld [tilespmem:s28+$0x1D050];
	v39 =	vimm.s32 $0x0;
	[tilespmem:$0x1F690] =	vst v0;
	v0 =	vsel vm0, $0xFFFFFFFF, v38;
	vm0 =	vlt.f32 v18, $0.0e+00  }
0x26b: {  	v21 =	vld [tilespmem:s28+$0x1D060];
	v42 =	vimm.s32 $0x0;
	[tilespmem:$0x1F6A0] =	vst v0;
	v0 =	vsel vm0, $0xFFFFFFFF, v39;
	vm0 =	vgt.f32 v18, $0.0e+00  }
0x26c: {  	v41 =	vimm.s32 $0x0;
	[tilespmem:$0x1F6B0] =	vst v0;
	v0 =	vsel vm0, $0xFFFFFFFF, v40;
	vm0 =	vlt.f32 v20, $0.0e+00  }
0x26d: {  	v23 =	vld [tilespmem:s28+$0x1D040];
	v44 =	vimm.s32 $0x0;
	[tilespmem:$0x1F6C0] =	vst v0;
	v0 =	vsel vm0, $0xFFFFFFFF, v41;
	vm0 =	vgt.f32 v20, $0.0e+00  }
0x26e: {  	v43 =	vimm.s32 $0x0;
	[tilespmem:$0x1F6D0] =	vst v0;
	v0 =	vsel vm0, $0xFFFFFFFF, v42;
	vm0 =	vgt.f32 v19, $0.0e+00  }
0x26f: {  	v46 =	vimm.s32 $0x0;
	[tilespmem:$0x1F6E0] =	vst v0;
	v0 =	vsel vm0, $0xFFFFFFFF, v43;
	vm0 =	vlt.f32 v22, $0.0e+00  }
0x270: {  	v25 =	vld [tilespmem:s28+$0x1D020];
	v45 =	vimm.s32 $0x0;
	[tilespmem:$0x1F6F0] =	vst v0;
	v0 =	vsel vm0, $0xFFFFFFFF, v44;
	vm0 =	vlt.f32 v21, $0.0e+00  }
0x271: {  	v24 =	vld [tilespmem:s28+$0x1D030];
	v48 =	vimm.s32 $0x0;
	[tilespmem:$0x1F700] =	vst v0;
	v0 =	vsel vm0, $0xFFFFFFFF, v45;
	vm0 =	vgt.f32 v21, $0.0e+00  }
0x272: {  	v47 =	vimm.s32 $0x0;
	[tilespmem:$0x1F710] =	vst v0;
	v0 =	vsel vm0, $0xFFFFFFFF, v46;
	vm0 =	vlt.f32 v23, $0.0e+00  }
0x273: {  	v26 =	vld [tilespmem:s28+$0x1D010];
	v50 =	vimm.s32 $0x0;
	[tilespmem:$0x1F720] =	vst v0;
	v0 =	vsel vm0, $0xFFFFFFFF, v47;
	vm0 =	vgt.f32 v23, $0.0e+00  }
0x274: {  	v49 =	vimm.s32 $0x0;
	[tilespmem:$0x1F730] =	vst v0;
	v0 =	vsel vm0, $0xFFFFFFFF, v48;
	vm0 =	vgt.f32 v22, $0.0e+00  }
0x275: {  	v52 =	vimm.s32 $0x0;
	[tilespmem:$0x1F740] =	vst v0;
	v0 =	vsel vm0, $0xFFFFFFFF, v49;
	vm0 =	vlt.f32 v25, $0.0e+00  }
0x276: {  	v28 =	vld [tilespmem:s28+$0x1CFF0];
	v51 =	vimm.s32 $0x0;
	[tilespmem:$0x1F750] =	vst v0;
	v0 =	vsel vm0, $0xFFFFFFFF, v50;
	vm0 =	vlt.f32 v24, $0.0e+00  }
0x277: {  	v27 =	vld [tilespmem:s28+$0x1D000];
	v54 =	vimm.s32 $0x0;
	[tilespmem:$0x1F760] =	vst v0;
	v0 =	vsel vm0, $0xFFFFFFFF, v51;
	vm0 =	vgt.f32 v24, $0.0e+00  }
0x278: {  	v53 =	vimm.s32 $0x0;
	[tilespmem:$0x1F770] =	vst v0;
	v0 =	vsel vm0, $0xFFFFFFFF, v52;
	vm0 =	vlt.f32 v26, $0.0e+00  }
0x279: {  	v29 =	vld [tilespmem:s28+$0x1CFE0];
	v56 =	vimm.s32 $0x0;
	[tilespmem:$0x1F780] =	vst v0;
	v0 =	vsel vm0, $0xFFFFFFFF, v53;
	vm0 =	vgt.f32 v26, $0.0e+00  }
0x27a: {  	v55 =	vimm.s32 $0x0;
	[tilespmem:$0x1F790] =	vst v0;
	v0 =	vsel vm0, $0xFFFFFFFF, v54;
	vm0 =	vgt.f32 v25, $0.0e+00  }
0x27b: {  	v58 =	vimm.s32 $0x0;
	[tilespmem:$0x1F7A0] =	vst v0;
	v0 =	vsel vm0, $0xFFFFFFFF, v55;
	vm0 =	vlt.f32 v28, $0.0e+00  }
0x27c: {  	v57 =	vimm.s32 $0x0;
	v31 =	vld [tilespmem:s28+$0x1CFC0];
	[tilespmem:$0x1F7B0] =	vst v0;
	v0 =	vsel vm0, $0xFFFFFFFF, v56;
	vm0 =	vlt.f32 v27, $0.0e+00  }
0x27d: {  	v60 =	vimm.s32 $0x0;
	v30 =	vld [tilespmem:s28+$0x1CFD0];
	[tilespmem:$0x1F7C0] =	vst v0;
	v0 =	vsel vm0, $0xFFFFFFFF, v57;
	vm0 =	vgt.f32 v27, $0.0e+00  }
0x27e: {  	v62 =	vimm.s32 $0x0;
	[tilespmem:$0x1F7D0] =	vst v0;
	v0 =	vsel vm0, $0xFFFFFFFF, v58;
	vm0 =	vlt.f32 v29, $0.0e+00  }
0x27f: {  	v61 =	vimm.s32 $0x0;
	v32 =	vld [tilespmem:s28+$0x1CFB0];
	[tilespmem:$0x1F7E0] =	vst v0;
	v0 =	vsel vm0, $0xFFFFFFFF, v60;
	vm0 =	vgt.f32 v29, $0.0e+00  }
0x280: {  	v4 =	vimm.s32 $0x0;
	[tilespmem:$0x1F7F0] =	vst v0;
	v0 =	vsel vm0, $0xFFFFFFFF, v61;
	vm0 =	vgt.f32 v28, $0.0e+00  }
0x281: {  	v5 =	vimm.s32 $0x0;
	[tilespmem:$0x1F800] =	vst v0;
	v0 =	vsel vm0, $0xFFFFFFFF, v62;
	vm0 =	vlt.f32 v31, $0.0e+00  }
0x282: {  	v10 =	vmax.f32 v10, v11;
	v11 =	vld [tilespmem:s28+$0x1CF90];
	[tilespmem:$0x1F810] =	vst v0;
	v0 =	vsel vm0, $0xFFFFFFFF, v4;
	vm0 =	vlt.f32 v30, $0.0e+00  }
0x283: {  	v6 =	vimm.s32 $0x0;
	v33 =	vld [tilespmem:s28+$0x1CFA0];
	[tilespmem:$0x1F820] =	vst v0;
	v0 =	vsel vm0, $0xFFFFFFFF, v5;
	vm0 =	vgt.f32 v30, $0.0e+00  }
0x284: {  	v26 =	vimm.s32 $0x0;
	[tilespmem:$0x1F830] =	vst v0;
	v0 =	vsel vm0, $0xFFFFFFFF, v6;
	vm0 =	vlt.f32 v32, $0.0e+00  }
0x285: {  	v12 =	vld [tilespmem:s28+$0x1CF80];
	v27 =	vimm.s32 $0x0;
	[tilespmem:$0x1F840] =	vst v0;
	v0 =	vsel vm0, $0xFFFFFFFF, v26;
	vm0 =	vgt.f32 v32, $0.0e+00  }
0x286: {  	v28 =	vimm.s32 $0x0;
	[tilespmem:$0x1F850] =	vst v0;
	v0 =	vsel vm0, $0xFFFFFFFF, v27;
	vm0 =	vgt.f32 v31, $0.0e+00  }
0x287: {  	v30 =	vimm.s32 $0x0;
	[tilespmem:$0x1F860] =	vst v0;
	v0 =	vsel vm0, $0xFFFFFFFF, v28;
	vm0 =	vlt.f32 v11, $0.0e+00  }
0x288: {  	v14 =	vld [tilespmem:s28+$0x1CF60];
	v31 =	vimm.s32 $0x0;
	[tilespmem:$0x1F870] =	vst v0;
	v0 =	vsel vm0, $0xFFFFFFFF, v30;
	vm0 =	vlt.f32 v33, $0.0e+00  }
0x289: {  	v13 =	vld [tilespmem:s28+$0x1CF70];
	v32 =	vimm.s32 $0x0;
	[tilespmem:$0x1F880] =	vst v0;
	v0 =	vsel vm0, $0xFFFFFFFF, v31;
	vm0 =	vgt.f32 v33, $0.0e+00  }
0x28a: {  	v34 =	vimm.s32 $0x0;
	[tilespmem:$0x1F890] =	vst v0;
	v0 =	vsel vm0, $0xFFFFFFFF, v32;
	vm0 =	vlt.f32 v12, $0.0e+00  }
0x28b: {  	v15 =	vld [tilespmem:s28+$0x1CF50];
	v35 =	vimm.s32 $0x0;
	[tilespmem:$0x1F8A0] =	vst v0;
	v0 =	vsel vm0, $0xFFFFFFFF, v34;
	vm0 =	vgt.f32 v12, $0.0e+00  }
0x28c: {  	v36 =	vimm.s32 $0x0;
	[tilespmem:$0x1F8B0] =	vst v0;
	v0 =	vsel vm0, $0xFFFFFFFF, v35;
	vm0 =	vgt.f32 v11, $0.0e+00  }
0x28d: {  	v37 =	vimm.s32 $0x0;
	[tilespmem:$0x1F8C0] =	vst v0;
	v0 =	vsel vm0, $0xFFFFFFFF, v36;
	vm0 =	vlt.f32 v14, $0.0e+00  }
0x28e: {  	v17 =	vld [tilespmem:s28+$0x1CF30];
	v38 =	vimm.s32 $0x0;
	[tilespmem:$0x1F8D0] =	vst v0;
	v0 =	vsel vm0, $0xFFFFFFFF, v37;
	vm0 =	vlt.f32 v13, $0.0e+00  }
0x28f: {  	v16 =	vld [tilespmem:s28+$0x1CF40];
	v39 =	vimm.s32 $0x0;
	[tilespmem:$0x1F8E0] =	vst v0;
	v0 =	vsel vm0, $0xFFFFFFFF, v38;
	vm0 =	vgt.f32 v13, $0.0e+00  }
0x290: {  	v40 =	vimm.s32 $0x0;
	[tilespmem:$0x1F8F0] =	vst v0;
	v0 =	vsel vm0, $0xFFFFFFFF, v39;
	vm0 =	vlt.f32 v15, $0.0e+00  }
0x291: {  	v18 =	vld [tilespmem:s28+$0x1CF20];
	v41 =	vimm.s32 $0x0;
	[tilespmem:$0x1F900] =	vst v0;
	v0 =	vsel vm0, $0xFFFFFFFF, v40;
	vm0 =	vgt.f32 v15, $0.0e+00  }
0x292: {  	v42 =	vimm.s32 $0x0;
	[tilespmem:$0x1F910] =	vst v0;
	v0 =	vsel vm0, $0xFFFFFFFF, v41;
	vm0 =	vgt.f32 v14, $0.0e+00  }
0x293: {  	v43 =	vimm.s32 $0x0;
	[tilespmem:$0x1F920] =	vst v0;
	v0 =	vsel vm0, $0xFFFFFFFF, v42;
	vm0 =	vlt.f32 v17, $0.0e+00  }
0x294: {  	v20 =	vld [tilespmem:s28+$0x1CF00];
	v44 =	vimm.s32 $0x0;
	[tilespmem:$0x1F930] =	vst v0;
	v0 =	vsel vm0, $0xFFFFFFFF, v43;
	vm0 =	vlt.f32 v16, $0.0e+00  }
0x295: {  	v19 =	vld [tilespmem:s28+$0x1CF10];
	v45 =	vimm.s32 $0x0;
	[tilespmem:$0x1F940] =	vst v0;
	v0 =	vsel vm0, $0xFFFFFFFF, v44;
	vm0 =	vgt.f32 v16, $0.0e+00  }
0x296: {  	v46 =	vimm.s32 $0x0;
	[tilespmem:$0x1F950] =	vst v0;
	v0 =	vsel vm0, $0xFFFFFFFF, v45;
	vm0 =	vlt.f32 v18, $0.0e+00  }
0x297: {  	v59 =	vld [tilespmem:s28+$0x1CEF0];
	v47 =	vimm.s32 $0x0;
	[tilespmem:$0x1F960] =	vst v0;
	v0 =	vsel vm0, $0xFFFFFFFF, v46;
	vm0 =	vgt.f32 v18, $0.0e+00  }
0x298: {  	v48 =	vimm.s32 $0x0;
	[tilespmem:$0x1F970] =	vst v0;
	v0 =	vsel vm0, $0xFFFFFFFF, v47;
	vm0 =	vgt.f32 v17, $0.0e+00  }
0x299: {  	v49 =	vimm.s32 $0x0;
	[tilespmem:$0x1F980] =	vst v0;
	v0 =	vsel vm0, $0xFFFFFFFF, v48;
	vm0 =	vlt.f32 v20, $0.0e+00  }
0x29a: {  	v7 =	vld [tilespmem:s28+$0x1CED0];
	v50 =	vimm.s32 $0x0;
	[tilespmem:$0x1F990] =	vst v0;
	v0 =	vsel vm0, $0xFFFFFFFF, v49;
	vm0 =	vlt.f32 v19, $0.0e+00  }
0x29b: {  	v63 =	vld [tilespmem:s28+$0x1CEE0];
	v51 =	vimm.s32 $0x0;
	[tilespmem:$0x1F9A0] =	vst v0;
	v0 =	vsel vm0, $0xFFFFFFFF, v50;
	vm0 =	vgt.f32 v19, $0.0e+00  }
0x29c: {  	v52 =	vimm.s32 $0x0;
	[tilespmem:$0x1F9B0] =	vst v0;
	v0 =	vsel vm0, $0xFFFFFFFF, v51;
	vm0 =	vlt.f32 v59, $0.0e+00  }
0x29d: {  	v53 =	vimm.s32 $0x0;
	v29 =	vld [tilespmem:s28+$0x1CEC0];
	[tilespmem:$0x1F9C0] =	vst v0;
	v0 =	vsel vm0, $0xFFFFFFFF, v52;
	vm0 =	vgt.f32 v59, $0.0e+00  }
0x29e: {  	v54 =	vimm.s32 $0x0;
	[tilespmem:$0x1F9D0] =	vst v0;
	v0 =	vsel vm0, $0xFFFFFFFF, v53;
	vm0 =	vgt.f32 v20, $0.0e+00  }
0x29f: {  	v55 =	vimm.s32 $0x0;
	[tilespmem:$0x1F9E0] =	vst v0;
	v0 =	vsel vm0, $0xFFFFFFFF, v54;
	vm0 =	vlt.f32 v7, $0.0e+00  }
0x2a0: {  	v56 =	vimm.s32 $0x0;
	v11 =	vld [tilespmem:s28+$0x1CEA0];
	[tilespmem:$0x1F9F0] =	vst v0;
	v0 =	vsel vm0, $0xFFFFFFFF, v55;
	vm0 =	vlt.f32 v63, $0.0e+00  }
0x2a1: {  	v57 =	vimm.s32 $0x0;
	v33 =	vld [tilespmem:s28+$0x1CEB0];
	[tilespmem:$0x1FA00] =	vst v0;
	v0 =	vsel vm0, $0xFFFFFFFF, v56;
	vm0 =	vgt.f32 v63, $0.0e+00  }
0x2a2: {  	v58 =	vimm.s32 $0x0;
	v12 =	vld [tilespmem:s28+$0x1CE90];
	[tilespmem:$0x1FA10] =	vst v0;
	v0 =	vsel vm0, $0xFFFFFFFF, v57;
	vm0 =	vlt.f32 v29, $0.0e+00  }
0x2a3: {  	v13 =	vld [tilespmem:s28+$0x1CE80];
	v59 =	vimm.s32 $0x0;
	[tilespmem:$0x1FA20] =	vst v0;
	v0 =	vsel vm0, $0xFFFFFFFF, v58;
	vm0 =	vgt.f32 v29, $0.0e+00  }
0x2a4: {  	p0 =	sne.s32 s29, $0x5400;
	v60 =	vimm.s32 $0x0;
	v15 =	vld [tilespmem:s28+$0x1CE60];
	[tilespmem:$0x1FA30] =	vst v0;
	v0 =	vsel vm0, $0xFFFFFFFF, v59;
	vm0 =	vgt.f32 v7, $0.0e+00  }
.Ltmp5:
0x2a5: {  	v61 =	vimm.s32 $0x0;
	v14 =	vld [tilespmem:s28+$0x1CE70];
	[tilespmem:$0x1FA40] =	vst v0;
	v0 =	vsel vm0, $0xFFFFFFFF, v60;
	vm0 =	vlt.f32 v11, $0.0e+00;
	(pc) =	sbr.rel @p0 .LBB2_5-.Ltmp5, $4  }
0x2a6: {  	v62 =	vimm.s32 $0x0;
	v16 =	vld [tilespmem:s28+$0x1CE50];
	[tilespmem:$0x1FA50] =	vst v0;
	v0 =	vsel vm0, $0xFFFFFFFF, v61;
	vm0 =	vlt.f32 v33, $0.0e+00  }
0x2a7: {  	v18 =	vld [tilespmem:s28+$0x1CE30];
	v63 =	vimm.s32 $0x0;
	[tilespmem:$0x1FA60] =	vst v0;
	v0 =	vsel vm0, $0xFFFFFFFF, v62;
	vm0 =	vgt.f32 v33, $0.0e+00  }
0x2a8: {  	v17 =	vld [tilespmem:s28+$0x1CE40];
	[tilespmem:$0x1FA70] =	vst v0;
	v0 =	vsel vm0, $0xFFFFFFFF, v63  }
0x2a9: {  	s29 =	sadd.s32 $0xC00, s29;
	v19 =	vld [tilespmem:s28+$0x1CE20];
	[tilespmem:$0x1FA80] =	vst v0  }
0x2aa: {  	v20 =	vld [tilespmem:s28+$0x1CE00]  }
0x2ab: {  	v21 =	vld [tilespmem:s28+$0x1CE10];
	_ =	sdelay $0x2  }
0x2ac: {  	v0 =	vld [tilespmem:$0x1FA60]  }
0x2ad: {  	v33 =	vld [tilespmem:$0x1FA70];
	vm3 =	vgt.f32 v18, $0.0e+00;
	vm5 =	vlt.f32 v19, $0.0e+00;
	vm2 =	vgt.f32 v19, $0.0e+00  }
0x2ae: {  	v34 =	vld [tilespmem:$0x1FA80];
	vm0 =	vlt.f32 v20, $0.0e+00;
	vm1 =	vgt.f32 v20, $0.0e+00;
	vm6 =	vlt.f32 v21, $0.0e+00  }
0x2af: {  	v35 =	vld [tilespmem:$0x1FA30];
	vm4 =	vgt.f32 v21, $0.0e+00;
	vm0 =	vmor vm1, vm0;
	vm1 =	vlt.f32 v17, $0.0e+00  }
0x2b0: {  	v36 =	vld [tilespmem:$0x1FA40];
	v7 =	vsel vm0, $0x3F800000, v9;
	vm0 =	vmor vm4, vm6;
	vm4 =	vgt.f32 v17, $0.0e+00  }
0x2b1: {  	v38 =	vld [tilespmem:$0x1FA00];
	vm6 =	vgt.f32 v16, $0.0e+00;
	v24 =	vsel vm0, $0x3F800000, v9;
	vm0 =	vmor vm2, vm5  }
0x2b2: {  	v39 =	vld [tilespmem:$0x1FA50];
	vm2 =	vlt.f32 v18, $0.0e+00;
	vm1 =	vmor vm4, vm1;
	vm4 =	vgt.f32 v15, $0.0e+00  }
0x2b3: {  	v40 =	vld [tilespmem:$0x1FA10];
	vm5 =	vlt.f32 v16, $0.0e+00;
	v10 =	vmax.f32 v10, v7;
	vm2 =	vmor vm3, vm2  }
0x2b4: {  	v41 =	vld [tilespmem:$0x1FA20];
	vm3 =	vlt.f32 v15, $0.0e+00;
	vm5 =	vmor vm6, vm5;
	v25 =	vsel vm0, $0x3F800000, v9  }
0x2b5: {  	v43 =	vld [tilespmem:$0x1F9D0];
	v10 =	vmax.f32 v10, v24;
	vm6 =	vlt.f32 v14, $0.0e+00;
	v27 =	vsel vm1, $0x3F800000, v9  }
0x2b6: {  	v44 =	vld [tilespmem:$0x1F9E0];
	vm1 =	vgt.f32 v12, $0.0e+00;
	vm3 =	vmor vm4, vm3;
	v26 =	vsel vm2, $0x3F800000, v9  }
0x2b7: {  	v45 =	vld [tilespmem:$0x1F9A0];
	v10 =	vmax.f32 v10, v25;
	vm4 =	vgt.f32 v14, $0.0e+00;
	v28 =	vsel vm5, $0x3F800000, v9  }
0x2b8: {  	v46 =	vld [tilespmem:$0x1F9F0];
	vm2 =	vlt.f32 v13, $0.0e+00;
	vm5 =	vgt.f32 v11, $0.0e+00;
	vm0 =	vmor vm4, vm6  }
0x2b9: {  	v48 =	vld [tilespmem:$0x1F9B0];
	v10 =	vmax.f32 v10, v26;
	v29 =	vsel vm3, $0x3F800000, v9;
	vm6 =	vgt.f32 v13, $0.0e+00  }
0x2ba: {  	v49 =	vld [tilespmem:$0x1F9C0];
	vm4 =	vnez.u8 v33;
	v10 =	vmax.f32 v10, v27;
	v30 =	vsel vm0, $0x3F800000, v9  }
0x2bb: {  	v50 =	vld [tilespmem:$0x1F970];
	vm0 =	vlt.f32 v12, $0.0e+00;
	vm2 =	vmor vm6, vm2;
	vm6 =	vnez.u8 v0  }
0x2bc: {  	v51 =	vld [tilespmem:$0x1F980];
	v10 =	vmax.f32 v10, v28;
	vm0 =	vmor vm1, vm0;
	v31 =	vsel vm2, $0x3F800000, v9  }
0x2bd: {  	v53 =	vld [tilespmem:$0x1F940];
	v10 =	vmax.f32 v10, v29;
	v11 =	vsel vm0, $0x3F800000, v9;
	vm0 =	vmor vm5, vm6  }
0x2be: {  	v54 =	vld [tilespmem:$0x1F990];
	vm5 =	vnez.u8 v34;
	vm6 =	vnez.u8 v35;
	v10 =	vmax.f32 v10, v30  }
0x2bf: {  	v55 =	vld [tilespmem:$0x1F950];
	v32 =	vsel vm0, $0x3F800000, v9;
	vm0 =	vmor vm5, vm4;
	v10 =	vmax.f32 v10, v31  }
0x2c0: {  	v56 =	vld [tilespmem:$0x1F960];
	vm4 =	vnez.u8 v36;
	vm5 =	vnez.u8 v38;
	v10 =	vmax.f32 v10, v11  }
0x2c1: {  	v58 =	vld [tilespmem:$0x1F910];
	v11 =	vsel vm0, $0x3F800000, v9;
	vm0 =	vmor vm4, vm6;
	vm6 =	vnez.u8 v39  }
0x2c2: {  	v59 =	vld [tilespmem:$0x1F920];
	vm4 =	vnez.u8 v40;
	v10 =	vmax.f32 v10, v32;
	v37 =	vsel vm0, $0x3F800000, v9  }
0x2c3: {  	v60 =	vld [tilespmem:$0x1F8E0];
	vm0 =	vmor vm6, vm5;
	vm5 =	vnez.u8 v41;
	vm6 =	vnez.u8 v43  }
0x2c4: {  	v61 =	vld [tilespmem:$0x1F930];
	v10 =	vmax.f32 v10, v11;
	v11 =	vsel vm0, $0x3F800000, v9;
	vm0 =	vmor vm5, vm4  }
0x2c5: {  	v63 =	vld [tilespmem:$0x1F8F0];
	vm4 =	vnez.u8 v44;
	vm5 =	vnez.u8 v45;
	v10 =	vmax.f32 v10, v37  }
0x2c6: {  	v4 =	vld [tilespmem:$0x1F900];
	v42 =	vsel vm0, $0x3F800000, v9;
	vm0 =	vmor vm4, vm6;
	vm6 =	vnez.u8 v46  }
0x2c7: {  	v5 =	vld [tilespmem:$0x1F8B0];
	vm4 =	vnez.u8 v48;
	v10 =	vmax.f32 v10, v11;
	v11 =	vsel vm0, $0x3F800000, v9  }
0x2c8: {  	v6 =	vld [tilespmem:$0x1F8C0];
	vm0 =	vmor vm6, vm5;
	vm5 =	vnez.u8 v49;
	vm6 =	vnez.u8 v50  }
0x2c9: {  	v22 =	vld [tilespmem:$0x1F860];
	v10 =	vmax.f32 v10, v42;
	v47 =	vsel vm0, $0x3F800000, v9;
	vm0 =	vmor vm5, vm4  }
0x2ca: {  	v23 =	vld [tilespmem:$0x1F820];
	vm4 =	vnez.u8 v51;
	vm5 =	vnez.u8 v53;
	v10 =	vmax.f32 v10, v11  }
0x2cb: {  	v19 =	vld [tilespmem:$0x1F8A0];
	v11 =	vsel vm0, $0x3F800000, v9;
	vm0 =	vmor vm4, vm6;
	vm6 =	vnez.u8 v54  }
0x2cc: {  	v21 =	vld [tilespmem:$0x1F850];
	vm4 =	vnez.u8 v55;
	v10 =	vmax.f32 v10, v47;
	v52 =	vsel vm0, $0x3F800000, v9  }
0x2cd: {  	v17 =	vld [tilespmem:$0x1F8D0];
	vm0 =	vmor vm6, vm5;
	vm5 =	vnez.u8 v56;
	vm6 =	vnez.u8 v58  }
0x2ce: {  	v16 =	vld [tilespmem:$0x1F880];
	v10 =	vmax.f32 v10, v11;
	v11 =	vsel vm0, $0x3F800000, v9;
	vm0 =	vmor vm5, vm4  }
0x2cf: {  	v18 =	vld [tilespmem:$0x1F890];
	vm4 =	vnez.u8 v59;
	vm5 =	vnez.u8 v60;
	v10 =	vmax.f32 v10, v52  }
0x2d0: {  	v24 =	vld [tilespmem:$0x1F870];
	v57 =	vsel vm0, $0x3F800000, v9;
	vm0 =	vmor vm4, vm6;
	vm6 =	vnez.u8 v61  }
0x2d1: {  	v26 =	vld [tilespmem:$0x1F830];
	vm4 =	vnez.u8 v63;
	v10 =	vmax.f32 v10, v11;
	v11 =	vsel vm0, $0x3F800000, v9  }
0x2d2: {  	v33 =	vld [tilespmem:$0x1F7D0];
	vm0 =	vmor vm6, vm5;
	vm5 =	vnez.u8 v4;
	vm6 =	vnez.u8 v5  }
0x2d3: {  	v27 =	vld [tilespmem:$0x1F840];
	v10 =	vmax.f32 v10, v57;
	v62 =	vsel vm0, $0x3F800000, v9;
	vm0 =	vmor vm5, vm4  }
0x2d4: {  	v28 =	vld [tilespmem:$0x1F7F0];
	vm4 =	vnez.u8 v6;
	vm5 =	vnez.u8 v16;
	v10 =	vmax.f32 v10, v11  }
0x2d5: {  	v29 =	vld [tilespmem:$0x1F800];
	v11 =	vsel vm0, $0x3F800000, v9;
	vm0 =	vmor vm4, vm6;
	vm6 =	vnez.u8 v17  }
0x2d6: {  	v34 =	vld [tilespmem:$0x1F7E0];
	vm4 =	vnez.u8 v18;
	v10 =	vmax.f32 v10, v62;
	v7 =	vsel vm0, $0x3F800000, v9  }
0x2d7: {  	v36 =	vld [tilespmem:$0x1F790];
	vm0 =	vmor vm6, vm5;
	vm5 =	vnez.u8 v19;
	vm6 =	vnez.u8 v21  }
0x2d8: {  	v38 =	vld [tilespmem:$0x1F760];
	v10 =	vmax.f32 v10, v11;
	v11 =	vsel vm0, $0x3F800000, v9;
	vm0 =	vmor vm5, vm4  }
0x2d9: {  	v31 =	vld [tilespmem:$0x1F7C0];
	vm4 =	vnez.u8 v22;
	vm5 =	vnez.u8 v23;
	v10 =	vmax.f32 v10, v7  }
0x2da: {  	v32 =	vld [tilespmem:$0x1F810];
	v20 =	vsel vm0, $0x3F800000, v9;
	vm0 =	vmor vm4, vm6;
	vm6 =	vnez.u8 v24  }
0x2db: {  	v39 =	vld [tilespmem:$0x1F7B0];
	vm4 =	vnez.u8 v26;
	v10 =	vmax.f32 v10, v11;
	v11 =	vsel vm0, $0x3F800000, v9  }
0x2dc: {  	v41 =	vld [tilespmem:$0x1F770];
	vm0 =	vmor vm6, vm5;
	vm5 =	vnez.u8 v27;
	vm6 =	vnez.u8 v28  }
0x2dd: {  	v43 =	vld [tilespmem:$0x1F730];
	v10 =	vmax.f32 v10, v20;
	v25 =	vsel vm0, $0x3F800000, v9;
	vm0 =	vmor vm5, vm4  }
0x2de: {  	v37 =	vld [tilespmem:$0x1F7A0];
	vm4 =	vnez.u8 v29;
	vm5 =	vnez.u8 v31;
	v10 =	vmax.f32 v10, v11  }
0x2df: {  	v44 =	vld [tilespmem:$0x1F740];
	v11 =	vsel vm0, $0x3F800000, v9;
	vm0 =	vmor vm4, vm6;
	vm6 =	vnez.u8 v32  }
0x2e0: {  	v46 =	vld [tilespmem:$0x1F700];
	vm4 =	vnez.u8 v33;
	v10 =	vmax.f32 v10, v25;
	v30 =	vsel vm0, $0x3F800000, v9  }
0x2e1: {  	v42 =	vld [tilespmem:$0x1F780];
	vm0 =	vmor vm6, vm5;
	vm5 =	vnez.u8 v34;
	vm6 =	vnez.u8 v36  }
0x2e2: {  	v48 =	vld [tilespmem:$0x1F710];
	v10 =	vmax.f32 v10, v11;
	v11 =	vsel vm0, $0x3F800000, v9;
	vm0 =	vmor vm5, vm4  }
0x2e3: {  	v49 =	vld [tilespmem:$0x1F720];
	vm4 =	vnez.u8 v37;
	vm5 =	vnez.u8 v38;
	v10 =	vmax.f32 v10, v30  }
0x2e4: {  	v47 =	vld [tilespmem:$0x1F750];
	v35 =	vsel vm0, $0x3F800000, v9;
	vm0 =	vmor vm4, vm6;
	vm6 =	vnez.u8 v39  }
0x2e5: {  	v51 =	vld [tilespmem:$0x1F6D0];
	vm4 =	vnez.u8 v41;
	v10 =	vmax.f32 v10, v11;
	v11 =	vsel vm0, $0x3F800000, v9  }
0x2e6: {  	v53 =	vld [tilespmem:$0x1F6A0];
	vm0 =	vmor vm6, vm5;
	vm5 =	vnez.u8 v42;
	vm6 =	vnez.u8 v43  }
0x2e7: {  	v54 =	vld [tilespmem:$0x1F6F0];
	v10 =	vmax.f32 v10, v35;
	v40 =	vsel vm0, $0x3F800000, v9;
	vm0 =	vmor vm5, vm4  }
0x2e8: {  	v52 =	vld [tilespmem:$0x1F6E0];
	vm4 =	vnez.u8 v44;
	vm5 =	vnez.u8 v46;
	v10 =	vmax.f32 v10, v11  }
0x2e9: {  	v56 =	vld [tilespmem:$0x1F6B0];
	v11 =	vsel vm0, $0x3F800000, v9;
	vm0 =	vmor vm4, vm6;
	vm6 =	vnez.u8 v47  }
0x2ea: {  	v58 =	vld [tilespmem:$0x1F670];
	vm4 =	vnez.u8 v48;
	v10 =	vmax.f32 v10, v40;
	v45 =	vsel vm0, $0x3F800000, v9  }
0x2eb: {  	v57 =	vld [tilespmem:$0x1F6C0];
	vm0 =	vmor vm6, vm5;
	vm5 =	vnez.u8 v49;
	vm6 =	vnez.u8 v51  }
0x2ec: {  	v59 =	vld [tilespmem:$0x1F680];
	v10 =	vmax.f32 v10, v11;
	v11 =	vsel vm0, $0x3F800000, v9;
	vm0 =	vmor vm5, vm4  }
0x2ed: {  	v61 =	vld [tilespmem:$0x1F690];
	vm4 =	vnez.u8 v52;
	vm5 =	vnez.u8 v53;
	v10 =	vmax.f32 v10, v45  }
0x2ee: {  	v50 =	vsel vm0, $0x3F800000, v9;
	vm0 =	vmor vm4, vm6;
	vm6 =	vnez.u8 v54  }
0x2ef: {  	vm4 =	vnez.u8 v56;
	v10 =	vmax.f32 v10, v11;
	v11 =	vsel vm0, $0x3F800000, v9  }
0x2f0: {  	vm0 =	vmor vm6, vm5;
	vm5 =	vnez.u8 v57;
	vm6 =	vnez.u8 v58  }
0x2f1: {  	v10 =	vmax.f32 v10, v50;
	v55 =	vsel vm0, $0x3F800000, v9;
	vm0 =	vmor vm5, vm4  }
0x2f2: {  	vm4 =	vnez.u8 v59;
	vm5 =	vnez.u8 v61;
	v10 =	vmax.f32 v10, v11  }
0x2f3: {  	v11 =	vsel vm0, $0x3F800000, v9;
	vm0 =	vmor vm4, vm6;
	v10 =	vmax.f32 v10, v55  }
0x2f4: {  	v60 =	vsel vm0, $0x3F800000, v9;
	vm0 =	vmor vm5, vm15;
	v10 =	vmax.f32 v10, v11  }
0x2f5: {  	vm6 =	vmor vm14, vm13;
	v11 =	vsel vm0, $0x3F800000, v9;
	v10 =	vmax.f32 v10, v60  }
0x2f6: {  	vm13 =	vmor vm12, vm11;
	v62 =	vsel vm6, $0x3F800000, v9;
	v10 =	vmax.f32 v10, v11  }
0x2f7: {  	vm14 =	vmor vm10, vm9;
	v11 =	vsel vm13, $0x3F800000, v9;
	v10 =	vmax.f32 v10, v62  }
0x2f8: {  	v63 =	vsel vm14, $0x3F800000, v9;
	vm15 =	vmor vm8, vm7;
	v10 =	vmax.f32 v10, v11  }
0x2f9: {  	v11 =	vsel vm15, $0x3F800000, v9;
	v10 =	vmax.f32 v10, v63  }
0x2fa: {  	v10 =	vmax.f32 v10, v11  }
0x2fb: {  	(xrf0) =	vmax.scan.msk.f32 $0xffff, v10;
	_ =	sdelay $0x5  }
0x2fc: {  	v10, _, _ =	vpop (xrf0)  }
0x2fd: {  	(v2sf) =	vpush v10, $0xF;
	_ =	sdelay $0xe  }
0x2fe: {  	s28 =	spop (v2sf)  }
0x2ff: {  	_ =	swait.ge [sflag:s19], $0xC000  }
0x300: {  	[sflag:s19] =	ssyncset.done $0x0  }
0x301: {  	p0 =	seq.s32 s26, s25;
	[sflag:s19] =	ssyncadd.s32 $0xFFFF4000  }
0x302: {  	p1 =	sne.f32 @!p0 s28, $0.0e+00;
	_ =	swait.ge [sflag:s19], $0x3000  }
0x303: {  	[sflag:s19] =	ssyncset.done $0x0  }
0x304: {  	p0 =	por p1, p0;
	[sflag:s19] =	ssyncadd.s32 $0xFFFFD000  }
0x305: {  	v10 =	vld @!p0 [tilespmem:$0x1E600]  }
0x306: {  	v11 =	vld @!p0 [tilespmem:$0x1E610]  }
0x307: {  	v12 =	vld @!p0 [tilespmem:$0x1E620]  }
0x308: {  	v13 =	vld @!p0 [tilespmem:$0x1E610]  }
0x309: {  	v14 =	vld @!p0 [tilespmem:$0x1E630]  }
0x30a: {  	v15 =	vld @!p0 [tilespmem:$0x1E620]  }
0x30b: {  	s29 =	sadd.s32 @!p0 $0x10, s26;
	v16 =	vlaneseq.u32 @!p0;
	v17 =	vld @!p0 [tilespmem:$0x1E63D]  }
0x30c: {  	v18 =	vmov @!p0 s29;
	v19 =	vor.u32 @!p0 $0x10, v16;
	v20 =	vld @!p0 [tilespmem:$0x1E62D]  }
0x30d: {  	vm0 =	vgt.s32 @!p0 v18, v19;
	v19 =	vor.u32 @!p0 $0x20, v16  }
0x30e: {  	v11 =	vsel @!p0 vm0, v11, v10;
	[tilespmem:$0x1E680] =	vst @!p0 v10;
	vm0 =	vgt.s32 @!p0 v18, v19;
	v10 =	vor.u32 @!p0 $0x30, v16  }
0x30f: {  	v12 =	vsel @!p0 vm0, v12, v13;
	[tilespmem:$0x1E690] =	vst @!p0 v11;
	vm0 =	vgt.s32 @!p0 v18, v10;
	v10 =	vadd.s32 @!p0 $0x3D, v16  }
0x310: {  	v11 =	vsel @!p0 vm0, v14, v15;
	[tilespmem:$0x1E6A0] =	vst @!p0 v12;
	vm0 =	vgt.s32 @!p0 v18, v10  }
0x311: {  	v10 =	vsel @!p0 vm0, v17, v20;
	[tilespmem:$0x1E6B0] =	vst @!p0 v11  }
0x312: {  	s30 =	simm.s32 @!p0 $0x1E680;
	s31 =	simm.s32 @!p0 $0xE700;
	s29 =	simm.s32 @!p0 $0x40;
	[tilespmem:$0x1E6C0] =	vst @!p0 v10  }
0x313: {  	[tilespmem:s31], [sflag:$0x1] =	stream.indirect.gather @!p0 [hbm4b:s6+s29], $0x300, s30, s29, $0xb8;
	[tilespmem:$0x1E6D0] =	vst v63  }
0x314: {  	s29 =	simm.s32 @!p0 $0x10;
	s30 =	simm.s32 @!p0 $0x1E6C0;
	s31 =	simm.s32 @!p0 $0x19E00  }
0x315: {  	[tilespmem:s31], [sflag:$0x1] =	stream.indirect.gather @!p0 [hbm4b:s6+s29], $0x300, s30, s29, $0xb8;
	[tilespmem:$0x1E6D0] =	vst v63  }
0x316: {  	s29 =	simm.s32 @!p0 $0x1  }
0x317: {  	_ =	swait.ge @!p0 [sflag:s29], $0xC000  }
0x318: {  	[sflag:s29] =	ssyncset.done @!p0 $0x0  }
0x319: {  	[sflag:s29] =	ssyncadd.s32 @!p0 $0xFFFF4000  }
0x31a: {  	p1 =	seq.f32 s28, $0.0e+00;
	_ =	swait.ge @!p0 [sflag:s29], $0x3000  }
0x31b: {  	[sflag:s29] =	ssyncset.done @!p0 $0x0  }
0x31c: {  	s25 =	smov.u32 @p1 s26;
	s26 =	simm.s32 $0x0;
	[sflag:s29] =	ssyncadd.s32 @!p0 $0xFFFFD000  }
.LBB2_7:
0x31d: {  	s29 =	smul.u32 $0x300, s26;
	_ =	sdelay $0x1  }
0x31e: {  	v10 =	vld [tilespmem:s29+$0xE700]  }
0x31f: {  	v11 =	vld [tilespmem:s29+$0x0]  }
0x320: {  	v12 =	vld [tilespmem:s29+$0xE710]  }
0x321: {  	v13 =	vld [tilespmem:s29+$0x10]  }
0x322: {  	v14 =	vld [tilespmem:s29+$0xE720]  }
0x323: {  	v15 =	vld [tilespmem:s29+$0x20]  }
0x324: {  	v16 =	vld [tilespmem:s29+$0xE730]  }
0x325: {  	v17 =	vld [tilespmem:s29+$0x30]  }
0x326: {  	v18 =	vld [tilespmem:s29+$0xE740]  }
0x327: {  	v19 =	vld [tilespmem:s29+$0x40]  }
0x328: {  	v20 =	vld [tilespmem:s29+$0xE750]  }
0x329: {  	v21 =	vld [tilespmem:s29+$0x50]  }
0x32a: {  	v22 =	vld [tilespmem:s29+$0xE760]  }
0x32b: {  	v23 =	vld [tilespmem:s29+$0x60]  }
0x32c: {  	v24 =	vld [tilespmem:s29+$0xE770]  }
0x32d: {  	v25 =	vld [tilespmem:s29+$0x70]  }
0x32e: {  	v26 =	vld [tilespmem:s29+$0xE780]  }
0x32f: {  	v27 =	vld [tilespmem:s29+$0x80]  }
0x330: {  	v28 =	vld [tilespmem:s29+$0xE790]  }
0x331: {  	v29 =	vld [tilespmem:s29+$0x90]  }
0x332: {  	v30 =	vld [tilespmem:s29+$0xE7A0]  }
0x333: {  	v55 =	vld [tilespmem:s29+$0xE7B0];
	v10 =	vadd.f32 v11, v10  }
0x334: {  	v56 =	vld [tilespmem:s29+$0xB0];
	v12 =	vadd.f32 v13, v12  }
0x335: {  	v58 =	vld [tilespmem:s29+$0xE7C0];
	[tilespmem:s29+$0xE700] =	vst v10;
	v10 =	vadd.f32 v15, v14  }
0x336: {  	v59 =	vld [tilespmem:s29+$0xC0];
	v57 =	vadd.f32 v17, v16;
	[tilespmem:s29+$0xE710] =	vst v12  }
0x337: {  	v61 =	vld [tilespmem:s29+$0xE7D0];
	[tilespmem:s29+$0xE720] =	vst v10;
	v10 =	vadd.f32 v19, v18  }
0x338: {  	v11 =	vld [tilespmem:s29+$0xA0];
	v60 =	vadd.f32 v21, v20;
	[tilespmem:s29+$0xE730] =	vst v57  }
0x339: {  	v62 =	vld [tilespmem:s29+$0xD0];
	[tilespmem:s29+$0xE740] =	vst v10;
	v10 =	vadd.f32 v23, v22  }
0x33a: {  	v0 =	vld [tilespmem:s29+$0xE7E0];
	v63 =	vadd.f32 v25, v24;
	[tilespmem:s29+$0xE750] =	vst v60  }
0x33b: {  	v1 =	vld [tilespmem:s29+$0xE0];
	[tilespmem:s29+$0xE760] =	vst v10;
	v10 =	vadd.f32 v27, v26  }
0x33c: {  	v3 =	vld [tilespmem:s29+$0xE7F0];
	v2 =	vadd.f32 v29, v28;
	[tilespmem:s29+$0xE770] =	vst v63  }
0x33d: {  	[tilespmem:s29+$0xE780] =	vst v10;
	v10 =	vadd.f32 v11, v30;
	v11 =	vld [tilespmem:s29+$0xF0]  }
0x33e: {  	v4 =	vadd.f32 v56, v55;
	[tilespmem:s29+$0xE790] =	vst v2  }
0x33f: {  	[tilespmem:s29+$0xE7A0] =	vst v10;
	v10 =	vadd.f32 v59, v58  }
0x340: {  	v5 =	vadd.f32 v62, v61;
	[tilespmem:s29+$0xE7B0] =	vst v4  }
0x341: {  	[tilespmem:s29+$0xE7C0] =	vst v10;
	v10 =	vadd.f32 v1, v0  }
0x342: {  	[tilespmem:s29+$0xE7D0] =	vst v5;
	v11 =	vadd.f32 v11, v3  }
0x343: {  	[tilespmem:s29+$0xE7E0] =	vst v10  }
0x344: {  	s30 =	sor.u32 $0x100, s29;
	v10 =	vld [tilespmem:s29+$0xE800];
	[tilespmem:s29+$0xE7F0] =	vst v11  }
0x345: {  	v11 =	vld [tilespmem:s30+$0x0];
	_ =	sdelay $0x4  }
0x346: {  	v10 =	vadd.f32 v11, v10  }
0x347: {  	v31 =	vld [tilespmem:s29+$0x290]  }
0x348: {  	s31 =	sor.u32 $0x110, s29;
	[tilespmem:s29+$0xE800] =	vst v10;
	v10 =	vld [tilespmem:s29+$0xE810]  }
0x349: {  	v11 =	vld [tilespmem:s31+$0x0]  }
0x34a: {  	v32 =	vld [tilespmem:s29+$0xE9A0]  }
0x34b: {  	v33 =	vld [tilespmem:s29+$0x2A0]  }
0x34c: {  	v34 =	vld [tilespmem:s29+$0xE9B0]  }
0x34d: {  	v35 =	vld [tilespmem:s29+$0x2B0]  }
0x34e: {  	v36 =	vld [tilespmem:s29+$0xE9C0];
	v10 =	vadd.f32 v11, v10  }
0x34f: {  	v37 =	vld [tilespmem:s29+$0x2C0]  }
0x350: {  	s31 =	sor.u32 $0x120, s29;
	[tilespmem:s29+$0xE810] =	vst v10;
	v10 =	vld [tilespmem:s29+$0xE820]  }
0x351: {  	v11 =	vld [tilespmem:s31+$0x0]  }
0x352: {  	v38 =	vld [tilespmem:s29+$0xE9D0]  }
0x353: {  	v39 =	vld [tilespmem:s29+$0x2D0]  }
0x354: {  	v40 =	vld [tilespmem:s29+$0xE9E0]  }
0x355: {  	v41 =	vld [tilespmem:s29+$0x2E0]  }
0x356: {  	v42 =	vld [tilespmem:s29+$0xE9F0];
	v10 =	vadd.f32 v11, v10  }
0x357: {  	v43 =	vld [tilespmem:s29+$0x2F0]  }
0x358: {  	s31 =	sor.u32 $0x130, s29;
	[tilespmem:s29+$0xE820] =	vst v10;
	v10 =	vld [tilespmem:s29+$0xE830]  }
0x359: {  	v11 =	vld [tilespmem:s31+$0x0]  }
0x35a: {  	v44 =	vld [tilespmem:s29+$0xEA00]  }
0x35b: {  	v45 =	vld [tilespmem:s29+$0x300]  }
0x35c: {  	v46 =	vld [tilespmem:s29+$0xEA10]  }
0x35d: {  	v47 =	vld [tilespmem:s29+$0x310]  }
0x35e: {  	v48 =	vld [tilespmem:s29+$0xEA20];
	v10 =	vadd.f32 v11, v10  }
0x35f: {  	v49 =	vld [tilespmem:s29+$0x320]  }
0x360: {  	s31 =	sor.u32 $0x140, s29;
	[tilespmem:s29+$0xE830] =	vst v10;
	v10 =	vld [tilespmem:s29+$0xE840]  }
0x361: {  	v11 =	vld [tilespmem:s31+$0x0]  }
0x362: {  	v50 =	vld [tilespmem:s29+$0xEA30]  }
0x363: {  	v51 =	vld [tilespmem:s29+$0x330]  }
0x364: {  	v52 =	vld [tilespmem:s29+$0xEA40]  }
0x365: {  	v53 =	vld [tilespmem:s29+$0x340]  }
0x366: {  	v54 =	vld [tilespmem:s29+$0xEA50];
	v10 =	vadd.f32 v11, v10  }
0x367: {  	v6 =	vld [tilespmem:s29+$0xEAD0]  }
0x368: {  	s31 =	sor.u32 $0x150, s29;
	[tilespmem:s29+$0xE840] =	vst v10;
	v10 =	vld [tilespmem:s29+$0xE850]  }
0x369: {  	v11 =	vld [tilespmem:s31+$0x0]  }
0x36a: {  	v7 =	vld [tilespmem:s29+$0x3D0]  }
0x36b: {  	v8 =	vld [tilespmem:s29+$0x3E0]  }
0x36c: {  	v13 =	vld [tilespmem:s29+$0x200]  }
0x36d: {  	v16 =	vld [tilespmem:s29+$0xE920]  }
0x36e: {  	v17 =	vld [tilespmem:s29+$0x220];
	v10 =	vadd.f32 v11, v10  }
0x36f: {  	v20 =	vld [tilespmem:s29+$0xE940]  }
0x370: {  	s31 =	sor.u32 $0x160, s29;
	[tilespmem:s29+$0xE850] =	vst v10;
	v10 =	vld [tilespmem:s29+$0xE860]  }
0x371: {  	v11 =	vld [tilespmem:s31+$0x0]  }
0x372: {  	v21 =	vld [tilespmem:s29+$0x240]  }
0x373: {  	v24 =	vld [tilespmem:s29+$0xE960]  }
0x374: {  	v25 =	vld [tilespmem:s29+$0x260]  }
0x375: {  	v28 =	vld [tilespmem:s29+$0xE980]  }
0x376: {  	v29 =	vld [tilespmem:s29+$0x280];
	v10 =	vadd.f32 v11, v10  }
0x377: {  	v55 =	vld [tilespmem:s29+$0x350]  }
0x378: {  	s31 =	sor.u32 $0x170, s29;
	[tilespmem:s29+$0xE860] =	vst v10;
	v10 =	vld [tilespmem:s29+$0xE870]  }
0x379: {  	v11 =	vld [tilespmem:s31+$0x0]  }
0x37a: {  	v56 =	vld [tilespmem:s29+$0xEA60]  }
0x37b: {  	v61 =	vld [tilespmem:s29+$0x380]  }
0x37c: {  	v62 =	vld [tilespmem:s29+$0xEA90]  }
0x37d: {  	[tilespmem:$0x1F530] =	vst v6;
	v6 =	vld [tilespmem:s29+$0xEAE0]  }
0x37e: {  	v33 =	vadd.f32 v33, v32;
	v32 =	vld [tilespmem:s29+$0xEBC0];
	v10 =	vadd.f32 v11, v10  }
0x37f: {  	v37 =	vadd.f32 v37, v36;
	v36 =	vld [tilespmem:s29+$0xEBE0]  }
0x380: {  	s31 =	sor.u32 $0x180, s29;
	[tilespmem:s29+$0xE870] =	vst v10;
	v10 =	vld [tilespmem:s29+$0xE880]  }
0x381: {  	v11 =	vld [tilespmem:s31+$0x0]  }
0x382: {  	v41 =	vadd.f32 v41, v40;
	v40 =	vld [tilespmem:s29+$0x4F0]  }
0x383: {  	v45 =	vadd.f32 v45, v44;
	v44 =	vld [tilespmem:$0x1F530]  }
0x384: {  	v12 =	vld [tilespmem:s29+$0xE900]  }
0x385: {  	v14 =	vld [tilespmem:s29+$0xE910]  }
0x386: {  	v15 =	vld [tilespmem:s29+$0x210];
	v10 =	vadd.f32 v11, v10  }
0x387: {  	v57 =	vld [tilespmem:s29+$0x360]  }
0x388: {  	s31 =	sor.u32 $0x190, s29;
	[tilespmem:s29+$0xE880] =	vst v10;
	v10 =	vld [tilespmem:s29+$0xE890]  }
0x389: {  	v11 =	vld [tilespmem:s31+$0x0]  }
0x38a: {  	v60 =	vld [tilespmem:s29+$0xEA80]  }
0x38b: {  	v63 =	vld [tilespmem:s29+$0x390]  }
0x38c: {  	v2 =	vld [tilespmem:s29+$0xEAB0]  }
0x38d: {  	[tilespmem:$0x1F540] =	vst v6;
	v6 =	vld [tilespmem:s29+$0xEAF0]  }
0x38e: {  	v4 =	vld [tilespmem:s29+$0xEAC0];
	v10 =	vadd.f32 v11, v10  }
0x38f: {  	v5 =	vld [tilespmem:s29+$0x3C0]  }
0x390: {  	s31 =	sor.u32 $0x1A0, s29;
	[tilespmem:s29+$0xE890] =	vst v10;
	v10 =	vld [tilespmem:s29+$0xE8A0]  }
0x391: {  	v11 =	vld [tilespmem:s31+$0x0]  }
0x392: {  	[tilespmem:$0x1F550] =	vst v6;
	v6 =	vld [tilespmem:s29+$0x3F0]  }
0x393: {  	[tilespmem:s29+$0xEA00] =	vst v45;
	v45 =	vld [tilespmem:s29+$0xEC10]  }
0x394: {  	v18 =	vld [tilespmem:s29+$0xE930]  }
0x395: {  	v19 =	vld [tilespmem:s29+$0x230]  }
0x396: {  	v21 =	vadd.f32 v21, v20;
	v20 =	vld [tilespmem:s29+$0xEB60];
	v10 =	vadd.f32 v11, v10  }
0x397: {  	[tilespmem:$0x1F560] =	vst v6;
	v6 =	vld [tilespmem:s29+$0xEB00]  }
0x398: {  	s31 =	sor.u32 $0x1B0, s29;
	[tilespmem:s29+$0xE8A0] =	vst v10;
	v10 =	vld [tilespmem:s29+$0xE8B0]  }
0x399: {  	v11 =	vld [tilespmem:s31+$0x0]  }
0x39a: {  	v25 =	vadd.f32 v25, v24;
	v24 =	vld [tilespmem:s29+$0xEB80]  }
0x39b: {  	v29 =	vadd.f32 v29, v28;
	v28 =	vld [tilespmem:s29+$0xEBA0]  }
0x39c: {  	v22 =	vld [tilespmem:s29+$0xE950]  }
0x39d: {  	[tilespmem:$0x1F570] =	vst v6;
	v6 =	vld [tilespmem:s29+$0x400]  }
0x39e: {  	v23 =	vld [tilespmem:s29+$0x250];
	v10 =	vadd.f32 v11, v10  }
0x39f: {  	v12 =	vadd.f32 v13, v12;
	v13 =	vld [tilespmem:s29+$0x420]  }
0x3a0: {  	s31 =	sor.u32 $0x1C0, s29;
	[tilespmem:s29+$0xE8B0] =	vst v10;
	v10 =	vld [tilespmem:s29+$0xE8C0]  }
0x3a1: {  	v11 =	vld [tilespmem:s31+$0x0]  }
0x3a2: {  	[tilespmem:$0x1F580] =	vst v6;
	v6 =	vld [tilespmem:s29+$0xEB10]  }
0x3a3: {  	v57 =	vadd.f32 v57, v56;
	v26 =	vld [tilespmem:s29+$0xE970]  }
0x3a4: {  	v27 =	vld [tilespmem:s29+$0x270]  }
0x3a5: {  	[tilespmem:s29+$0xEA60] =	vst v57;
	v57 =	vld [tilespmem:s29+$0x540]  }
0x3a6: {  	v30 =	vld [tilespmem:s29+$0xE990];
	v10 =	vadd.f32 v11, v10  }
0x3a7: {  	[tilespmem:$0x1F590] =	vst v6;
	v6 =	vld [tilespmem:s29+$0x410]  }
0x3a8: {  	s31 =	sor.u32 $0x1D0, s29;
	[tilespmem:s29+$0xE8C0] =	vst v10;
	v10 =	vld [tilespmem:s29+$0xE8D0]  }
0x3a9: {  	v11 =	vld [tilespmem:s31+$0x0]  }
0x3aa: {  	v49 =	vadd.f32 v49, v48;
	v48 =	vld [tilespmem:$0x1F550]  }
0x3ab: {  	v58 =	vld [tilespmem:s29+$0xEA70]  }
0x3ac: {  	v3 =	vld [tilespmem:s29+$0x3B0]  }
0x3ad: {  	[tilespmem:s29+$0xEA20] =	vst v49;
	v49 =	vld [tilespmem:$0x1F560]  }
0x3ae: {  	[tilespmem:$0x1F5A0] =	vst v6;
	v6 =	vadd.f32 v17, v16;
	v16 =	vld [tilespmem:s29+$0xEB40];
	v10 =	vadd.f32 v11, v10  }
0x3af: {  	v17 =	vld [tilespmem:s29+$0x440]  }
0x3b0: {  	s31 =	sor.u32 $0x1E0, s29;
	[tilespmem:s29+$0xE8D0] =	vst v10;
	v10 =	vld [tilespmem:s29+$0xE8E0]  }
0x3b1: {  	v2 =	vadd.f32 v3, v2;
	v11 =	vld [tilespmem:s31+$0x0]  }
0x3b2: {  	v59 =	vld [tilespmem:s29+$0x370]  }
0x3b3: {  	v0 =	vld [tilespmem:s29+$0xEAA0];
	[tilespmem:s29+$0xEAB0] =	vst v2;
	v2 =	vadd.f32 v7, v44  }
0x3b4: {  	v1 =	vld [tilespmem:s29+$0x3A0]  }
0x3b5: {  	[tilespmem:s29+$0xEAD0] =	vst v2;
	v2 =	vadd.f32 v49, v48;
	v49 =	vld [tilespmem:s29+$0x5C0];
	v56 =	vadd.f32 v17, v16  }
0x3b6: {  	v53 =	vadd.f32 v53, v52;
	v52 =	vld [tilespmem:$0x1F590];
	v10 =	vadd.f32 v11, v10  }
0x3b7: {  	[tilespmem:s29+$0xEB40] =	vst v56;
	v56 =	vld [tilespmem:s29+$0xECF0]  }
0x3b8: {  	s31 =	sor.u32 $0x1F0, s29;
	[tilespmem:s29+$0xE8E0] =	vst v10;
	v10 =	vld [tilespmem:s29+$0xE8F0]  }
0x3b9: {  	[tilespmem:s29+$0xEA40] =	vst v53;
	v11 =	vld [tilespmem:s31+$0x0]  }
0x3ba: {  	[tilespmem:s29+$0xE940] =	vst v21;
	v21 =	vld [tilespmem:s29+$0x460]  }
0x3bb: {  	[tilespmem:s29+$0xE960] =	vst v25;
	v25 =	vld [tilespmem:s29+$0x480]  }
0x3bc: {  	[tilespmem:s29+$0xE980] =	vst v29;
	v29 =	vld [tilespmem:s29+$0x4A0]  }
0x3bd: {  	[tilespmem:s29+$0xE9A0] =	vst v33;
	v33 =	vld [tilespmem:s29+$0x4C0]  }
0x3be: {  	[tilespmem:s29+$0xE9C0] =	vst v37;
	v37 =	vld [tilespmem:s29+$0x4E0]  }
0x3bf: {  	v0 =	vadd.f32 v1, v0;
	[tilespmem:s29+$0xE9E0] =	vst v41;
	v41 =	vld [tilespmem:s29+$0xEC00]  }
0x3c0: {  	[tilespmem:s29+$0xE920] =	vst v6;
	v6 =	vadd.f32 v61, v60;
	v61 =	vld [tilespmem:s29+$0x550]  }
0x3c1: {  	[tilespmem:s29+$0xEAA0] =	vst v0;
	v10 =	vadd.f32 v11, v10;
	v11 =	vld [tilespmem:s29+$0xEB20]  }
0x3c2: {  	[tilespmem:s29+$0xEAF0] =	vst v2;
	v24 =	vadd.f32 v25, v24;
	v25 =	vld [tilespmem:s29+$0x560]  }
0x3c3: {  	[tilespmem:s29+$0xE900] =	vst v12;
	v28 =	vadd.f32 v29, v28;
	v29 =	vld [tilespmem:s29+$0x570]  }
0x3c4: {  	v32 =	vadd.f32 v33, v32;
	v33 =	vld [tilespmem:s29+$0x580];
	[tilespmem:s29+$0xE8F0] =	vst v10;
	v10 =	vadd.f32 v15, v14  }
0x3c5: {  	[tilespmem:s29+$0xEA80] =	vst v6;
	v60 =	vadd.f32 v21, v20;
	v36 =	vadd.f32 v37, v36;
	v37 =	vld [tilespmem:s29+$0x590]  }
0x3c6: {  	v14 =	vld [tilespmem:s29+$0xEB30];
	[tilespmem:s29+$0xE910] =	vst v10;
	v10 =	vadd.f32 v19, v18  }
0x3c7: {  	v15 =	vld [tilespmem:s29+$0x430];
	[tilespmem:s29+$0xEB60] =	vst v60  }
0x3c8: {  	v18 =	vld [tilespmem:s29+$0xEB50];
	[tilespmem:s29+$0xE930] =	vst v10;
	v10 =	vadd.f32 v23, v22  }
0x3c9: {  	[tilespmem:s29+$0xEB80] =	vst v24;
	v19 =	vld [tilespmem:s29+$0x450]  }
0x3ca: {  	[tilespmem:s29+$0xE950] =	vst v10;
	v10 =	vadd.f32 v27, v26;
	v26 =	vld [tilespmem:s29+$0xEB90]  }
0x3cb: {  	[tilespmem:s29+$0xEBA0] =	vst v28;
	v27 =	vld [tilespmem:s29+$0x490]  }
0x3cc: {  	[tilespmem:s29+$0xE970] =	vst v10;
	v10 =	vadd.f32 v31, v30;
	v30 =	vld [tilespmem:s29+$0xEBB0]  }
0x3cd: {  	[tilespmem:s29+$0xEBC0] =	vst v32;
	v31 =	vld [tilespmem:s29+$0x4B0]  }
0x3ce: {  	[tilespmem:s29+$0xEBE0] =	vst v36;
	v53 =	vadd.f32 v13, v11;
	v11 =	vld [tilespmem:s29+$0x530]  }
0x3cf: {  	[tilespmem:s29+$0xE990] =	vst v10;
	v10 =	vadd.f32 v35, v34;
	v34 =	vld [tilespmem:s29+$0xEBD0]  }
0x3d0: {  	[tilespmem:s29+$0xEB20] =	vst v53;
	v35 =	vld [tilespmem:s29+$0x4D0];
	v26 =	vadd.f32 v27, v26  }
0x3d1: {  	v22 =	vld [tilespmem:s29+$0xEB70];
	[tilespmem:s29+$0xE9B0] =	vst v10;
	v10 =	vadd.f32 v39, v38  }
0x3d2: {  	v38 =	vld [tilespmem:s29+$0xEBF0];
	[tilespmem:s29+$0xEB90] =	vst v26;
	v30 =	vadd.f32 v31, v30  }
0x3d3: {  	v23 =	vld [tilespmem:s29+$0x470];
	[tilespmem:s29+$0xE9D0] =	vst v10;
	v10 =	vadd.f32 v43, v42  }
0x3d4: {  	v31 =	vld [tilespmem:s29+$0xEC80];
	v42 =	vadd.f32 v5, v4;
	[tilespmem:s29+$0xEBB0] =	vst v30  }
0x3d5: {  	v43 =	vld [tilespmem:s29+$0x500];
	v34 =	vadd.f32 v35, v34;
	[tilespmem:s29+$0xE9F0] =	vst v10  }
0x3d6: {  	v27 =	vld [tilespmem:s29+$0xEC70];
	v10 =	vadd.f32 v47, v46;
	[tilespmem:s29+$0xEAC0] =	vst v42  }
0x3d7: {  	v39 =	vld [tilespmem:s29+$0xECA0];
	[tilespmem:s29+$0xEBD0] =	vst v34;
	v1 =	vadd.f32 v40, v38  }
0x3d8: {  	v35 =	vld [tilespmem:s29+$0xEC90];
	[tilespmem:s29+$0xEA10] =	vst v10;
	v10 =	vadd.f32 v51, v50  }
0x3d9: {  	v46 =	vld [tilespmem:$0x1F540];
	v53 =	vadd.f32 v33, v31;
	[tilespmem:s29+$0xEBF0] =	vst v1  }
0x3da: {  	v47 =	vld [tilespmem:s29+$0x510];
	v40 =	vadd.f32 v43, v41;
	[tilespmem:s29+$0xEA30] =	vst v10  }
0x3db: {  	v50 =	vld [tilespmem:s29+$0xEC20];
	v10 =	vadd.f32 v55, v54;
	[tilespmem:s29+$0xEC80] =	vst v53  }
0x3dc: {  	v51 =	vld [tilespmem:$0x1F570];
	v54 =	vadd.f32 v15, v14;
	[tilespmem:s29+$0xEC00] =	vst v40  }
0x3dd: {  	v41 =	vld [tilespmem:s29+$0x5A0];
	[tilespmem:s29+$0xEA50] =	vst v10;
	v10 =	vadd.f32 v59, v58  }
0x3de: {  	v55 =	vld [tilespmem:s29+$0xEC40];
	v0 =	vadd.f32 v8, v46;
	[tilespmem:s29+$0xEB30] =	vst v54  }
0x3df: {  	v43 =	vld [tilespmem:s29+$0xECB0];
	[tilespmem:s29+$0xEA70] =	vst v10;
	v10 =	vadd.f32 v63, v62  }
0x3e0: {  	v8 =	vld [tilespmem:$0x1F580];
	v42 =	vadd.f32 v47, v45;
	[tilespmem:s29+$0xEAE0] =	vst v0  }
0x3e1: {  	v58 =	vadd.f32 v19, v18;
	[tilespmem:s29+$0xEA90] =	vst v10;
	v10 =	vld [tilespmem:$0x1F5A0]  }
0x3e2: {  	v47 =	vld [tilespmem:s29+$0xECC0];
	[tilespmem:s29+$0xEC10] =	vst v42;
	v62 =	vadd.f32 v23, v22  }
0x3e3: {  	[tilespmem:s29+$0xEB50] =	vst v58;
	v63 =	vld [tilespmem:s29+$0xEC60];
	v48 =	vadd.f32 v57, v55  }
0x3e4: {  	v58 =	vld [tilespmem:s29+$0x5F0];
	v55 =	vadd.f32 v37, v35;
	[tilespmem:s29+$0xEB70] =	vst v62  }
0x3e5: {  	v57 =	vadd.f32 v41, v39;
	v0 =	vadd.f32 v8, v51;
	v8 =	vld [tilespmem:s29+$0x520];
	[tilespmem:s29+$0xEC40] =	vst v48  }
0x3e6: {  	[tilespmem:s29+$0xEC90] =	vst v55;
	v2 =	vadd.f32 v10, v52;
	v10 =	vld [tilespmem:s29+$0xEC30]  }
0x3e7: {  	v59 =	vld [tilespmem:s29+$0xEC50];
	v60 =	vadd.f32 v49, v47;
	[tilespmem:s29+$0xECA0] =	vst v57  }
0x3e8: {  	v45 =	vld [tilespmem:s29+$0x5B0];
	[tilespmem:s29+$0xEB00] =	vst v0;
	v51 =	vadd.f32 v25, v63  }
0x3e9: {  	v54 =	vld [tilespmem:s29+$0x5E0];
	[tilespmem:s29+$0xECC0] =	vst v60;
	v63 =	vadd.f32 v58, v56  }
0x3ea: {  	v44 =	vadd.f32 v8, v50;
	v8 =	vld [tilespmem:s29+$0xECD0];
	[tilespmem:s29+$0xEC60] =	vst v51  }
0x3eb: {  	[tilespmem:s29+$0xECF0] =	vst v63;
	v46 =	vadd.f32 v11, v10;
	v10 =	vld [tilespmem:s29+$0x5D0]  }
0x3ec: {  	v50 =	vadd.f32 v61, v59;
	[tilespmem:s29+$0xEB10] =	vst v2;
	v11 =	vld [tilespmem:s29+$0xECE0]  }
0x3ed: {  	v52 =	vadd.f32 v29, v27;
	[tilespmem:s29+$0xEC20] =	vst v44  }
0x3ee: {  	p0 =	slt.u32 s26, $0x4A;
	v59 =	vadd.f32 v45, v43;
	[tilespmem:s29+$0xEC50] =	vst v50  }
.Ltmp6:
0x3ef: {  	[tilespmem:s29+$0xEC70] =	vst v52;
	(pc) =	sbr.rel @p0 .LBB2_7-.Ltmp6, $4  }
0x3f0: {  	[tilespmem:s29+$0xECB0] =	vst v59;
	v61 =	vadd.f32 v10, v8  }
0x3f1: {  	[tilespmem:s29+$0xEC30] =	vst v46;
	v62 =	vadd.f32 v54, v11  }
0x3f2: {  	s31 =	sadd.s32 $0x2, s26;
	[tilespmem:s29+$0xECD0] =	vst v61  }
0x3f3: {  	s26 =	smov.u32 s31;
	[tilespmem:s29+$0xECE0] =	vst v62  }
0x3f4: {  	v0 =	vld [tilespmem:$0x1CB00]  }
0x3f5: {  	v1 =	vld [tilespmem:$0xE400]  }
0x3f6: {  	v2 =	vld [tilespmem:$0x1CB10]  }
0x3f7: {  	v3 =	vld [tilespmem:$0xE410]  }
0x3f8: {  	v4 =	vld [tilespmem:$0x1CB20]  }
0x3f9: {  	v5 =	vld [tilespmem:$0xE420]  }
0x3fa: {  	v6 =	vld [tilespmem:$0x1CB30]  }
0x3fb: {  	v7 =	vld [tilespmem:$0xE430]  }
0x3fc: {  	v8 =	vld [tilespmem:$0x1CB40]  }
0x3fd: {  	v10 =	vld [tilespmem:$0xE440]  }
0x3fe: {  	v11 =	vld [tilespmem:$0x1CB50]  }
0x3ff: {  	v12 =	vld [tilespmem:$0xE450]  }
0x400: {  	v13 =	vld [tilespmem:$0x1CB60]  }
0x401: {  	v14 =	vld [tilespmem:$0xE460]  }
0x402: {  	v15 =	vld [tilespmem:$0x1CB70]  }
0x403: {  	v16 =	vld [tilespmem:$0xE470]  }
0x404: {  	v17 =	vld [tilespmem:$0x1CB80]  }
0x405: {  	v18 =	vld [tilespmem:$0xE480]  }
0x406: {  	v19 =	vld [tilespmem:$0x1CB90]  }
0x407: {  	v20 =	vld [tilespmem:$0xE490]  }
0x408: {  	v21 =	vld [tilespmem:$0x1CBA0]  }
0x409: {  	v22 =	vld [tilespmem:$0xE4A0]  }
0x40a: {  	v23 =	vld [tilespmem:$0x1CBB0]  }
0x40b: {  	v24 =	vld [tilespmem:$0xE4B0]  }
0x40c: {  	v25 =	vld [tilespmem:$0x1CBC0]  }
0x40d: {  	v26 =	vld [tilespmem:$0xE4C0]  }
0x40e: {  	v27 =	vld [tilespmem:$0x1CBD0]  }
0x40f: {  	v28 =	vld [tilespmem:$0xE4D0]  }
0x410: {  	v29 =	vld [tilespmem:$0x1CBE0]  }
0x411: {  	v30 =	vld [tilespmem:$0xE4E0]  }
0x412: {  	v31 =	vld [tilespmem:$0x1CBF0]  }
0x413: {  	v32 =	vld [tilespmem:$0xE4F0]  }
0x414: {  	v33 =	vld [tilespmem:$0x1CC00]  }
0x415: {  	v34 =	vld [tilespmem:$0xE500]  }
0x416: {  	v35 =	vld [tilespmem:$0x1CC10]  }
0x417: {  	v36 =	vld [tilespmem:$0xE510]  }
0x418: {  	v37 =	vld [tilespmem:$0x1CC20]  }
0x419: {  	v38 =	vld [tilespmem:$0xE520]  }
0x41a: {  	v39 =	vld [tilespmem:$0x1CC30]  }
0x41b: {  	v40 =	vld [tilespmem:$0xE530]  }
0x41c: {  	v41 =	vld [tilespmem:$0x1CC40]  }
0x41d: {  	v42 =	vld [tilespmem:$0xE540]  }
0x41e: {  	v43 =	vld [tilespmem:$0x1CC50]  }
0x41f: {  	v44 =	vld [tilespmem:$0xE550]  }
0x420: {  	v45 =	vld [tilespmem:$0x1CC60]  }
0x421: {  	v46 =	vld [tilespmem:$0xE560]  }
0x422: {  	v47 =	vld [tilespmem:$0x1CC70]  }
0x423: {  	v48 =	vld [tilespmem:$0xE570]  }
0x424: {  	v49 =	vld [tilespmem:$0x1CC80]  }
0x425: {  	v50 =	vld [tilespmem:$0xE580]  }
0x426: {  	v51 =	vld [tilespmem:$0x1CC90]  }
0x427: {  	v52 =	vld [tilespmem:$0xE590]  }
0x428: {  	v53 =	vld [tilespmem:$0x1CCA0]  }
0x429: {  	v55 =	vld [tilespmem:$0x1CD50];
	v0 =	vadd.f32 v1, v0  }
0x42a: {  	v57 =	vld [tilespmem:$0xE650];
	v2 =	vadd.f32 v3, v2  }
0x42b: {  	v59 =	vld [tilespmem:$0x1CD60];
	v61 =	vadd.f32 v5, v4;
	[tilespmem:$0x1CB00] =	vst v0  }
0x42c: {  	v1 =	vld [tilespmem:$0xE5A0];
	v62 =	vadd.f32 v7, v6;
	[tilespmem:$0x1CB10] =	vst v2  }
0x42d: {  	v3 =	vld [tilespmem:$0x1CCB0];
	v63 =	vadd.f32 v10, v8;
	[tilespmem:$0x1CB20] =	vst v61  }
0x42e: {  	v4 =	vld [tilespmem:$0xE5B0];
	v12 =	vadd.f32 v12, v11;
	[tilespmem:$0x1CB30] =	vst v62  }
0x42f: {  	v5 =	vld [tilespmem:$0x1CCC0];
	v14 =	vadd.f32 v14, v13;
	[tilespmem:$0x1CB40] =	vst v63  }
0x430: {  	v6 =	vld [tilespmem:$0xE5C0];
	v16 =	vadd.f32 v16, v15;
	[tilespmem:$0x1CB50] =	vst v12  }
0x431: {  	v7 =	vld [tilespmem:$0x1CCD0];
	v18 =	vadd.f32 v18, v17;
	[tilespmem:$0x1CB60] =	vst v14  }
0x432: {  	v8 =	vld [tilespmem:$0xE5D0];
	v20 =	vadd.f32 v20, v19;
	[tilespmem:$0x1CB70] =	vst v16  }
0x433: {  	v10 =	vld [tilespmem:$0x1CCE0];
	v22 =	vadd.f32 v22, v21;
	[tilespmem:$0x1CB80] =	vst v18  }
0x434: {  	v11 =	vld [tilespmem:$0xE5E0];
	v24 =	vadd.f32 v24, v23;
	[tilespmem:$0x1CB90] =	vst v20  }
0x435: {  	v13 =	vld [tilespmem:$0xE5F0];
	v26 =	vadd.f32 v26, v25;
	[tilespmem:$0x1CBA0] =	vst v22  }
0x436: {  	v15 =	vld [tilespmem:$0xE600];
	v28 =	vadd.f32 v28, v27;
	[tilespmem:$0x1CBB0] =	vst v24  }
0x437: {  	v30 =	vadd.f32 v30, v29;
	v17 =	vld [tilespmem:$0xE610];
	[tilespmem:$0x1CBC0] =	vst v26  }
0x438: {  	v32 =	vadd.f32 v32, v31;
	v19 =	vld [tilespmem:$0xE620];
	[tilespmem:$0x1CBD0] =	vst v28  }
0x439: {  	v34 =	vadd.f32 v34, v33;
	v21 =	vld [tilespmem:$0xE630];
	[tilespmem:$0x1CBE0] =	vst v30  }
0x43a: {  	v36 =	vadd.f32 v36, v35;
	v23 =	vld [tilespmem:$0xE640];
	[tilespmem:$0x1CBF0] =	vst v32  }
0x43b: {  	v38 =	vadd.f32 v38, v37;
	v56 =	vadd.f32 v46, v45;
	v45 =	vld [tilespmem:$0x1CDC0];
	[tilespmem:$0x1CC00] =	vst v34  }
0x43c: {  	v40 =	vadd.f32 v40, v39;
	v58 =	vadd.f32 v48, v47;
	v47 =	vld [tilespmem:$0xE6C0];
	[tilespmem:$0x1CC10] =	vst v36  }
0x43d: {  	v42 =	vadd.f32 v42, v41;
	v60 =	vadd.f32 v50, v49;
	v49 =	vld [tilespmem:$0x1CDD0];
	[tilespmem:$0x1CC20] =	vst v38  }
0x43e: {  	v54 =	vadd.f32 v44, v43;
	v12 =	vld [tilespmem:$0x1CCF0];
	[tilespmem:$0x1CC30] =	vst v40  }
0x43f: {  	v14 =	vld [tilespmem:$0x1CD00];
	[tilespmem:$0x1CC40] =	vst v42  }
0x440: {  	v16 =	vld [tilespmem:$0x1CD10];
	[tilespmem:$0x1CC50] =	vst v54  }
0x441: {  	v18 =	vld [tilespmem:$0x1CD20];
	[tilespmem:$0x1CC60] =	vst v56  }
0x442: {  	v48 =	vadd.f32 v57, v55;
	v20 =	vld [tilespmem:$0x1CD30];
	[tilespmem:$0x1CC70] =	vst v58  }
0x443: {  	v22 =	vld [tilespmem:$0x1CD40];
	v62 =	vadd.f32 v52, v51;
	[tilespmem:$0x1CC80] =	vst v60  }
0x444: {  	v61 =	vld [tilespmem:$0xE660];
	[tilespmem:$0x1CD50] =	vst v48;
	v29 =	vadd.f32 v1, v53  }
0x445: {  	v63 =	vld [tilespmem:$0x1CD70];
	[tilespmem:$0x1CC90] =	vst v62;
	v31 =	vadd.f32 v4, v3  }
0x446: {  	v30 =	vld [tilespmem:$0xE670];
	v33 =	vadd.f32 v6, v5;
	[tilespmem:$0x1CCA0] =	vst v29  }
0x447: {  	v32 =	vld [tilespmem:$0x1CD80];
	v35 =	vadd.f32 v8, v7;
	[tilespmem:$0x1CCB0] =	vst v31  }
0x448: {  	v34 =	vld [tilespmem:$0xE680];
	v37 =	vadd.f32 v11, v10;
	[tilespmem:$0x1CCC0] =	vst v33  }
0x449: {  	v36 =	vld [tilespmem:$0x1CD90];
	v60 =	vadd.f32 v47, v45;
	[tilespmem:$0x1CCD0] =	vst v35  }
0x44a: {  	v38 =	vld [tilespmem:$0xE690];
	v39 =	vadd.f32 v13, v12;
	[tilespmem:$0x1CCE0] =	vst v37  }
0x44b: {  	v40 =	vld [tilespmem:$0x1CDA0];
	v41 =	vadd.f32 v15, v14;
	[tilespmem:$0x1CDC0] =	vst v60  }
0x44c: {  	v51 =	vld [tilespmem:$0xE6D0];
	v42 =	vadd.f32 v17, v16;
	[tilespmem:$0x1CCF0] =	vst v39  }
0x44d: {  	v52 =	vld [tilespmem:$0x1CDE0];
	v43 =	vadd.f32 v19, v18;
	[tilespmem:$0x1CD00] =	vst v41  }
0x44e: {  	v54 =	vld [tilespmem:$0xE6E0];
	v44 =	vadd.f32 v21, v20;
	[tilespmem:$0x1CD10] =	vst v42  }
0x44f: {  	v56 =	vld [tilespmem:$0x1CDF0];
	v46 =	vadd.f32 v23, v22;
	[tilespmem:$0x1CD20] =	vst v43  }
0x450: {  	v58 =	vld [tilespmem:$0xE6F0];
	v50 =	vadd.f32 v61, v59;
	[tilespmem:$0x1CD30] =	vst v44  }
0x451: {  	v8 =	vld [tilespmem:$0xE6A0];
	v1 =	vadd.f32 v30, v63;
	[tilespmem:$0x1CD40] =	vst v46  }
0x452: {  	v10 =	vld [tilespmem:$0x1CDB0];
	v53 =	vadd.f32 v34, v32;
	[tilespmem:$0x1CD60] =	vst v50  }
0x453: {  	v11 =	vld [tilespmem:$0xE6B0];
	v55 =	vadd.f32 v38, v36;
	[tilespmem:$0x1CD70] =	vst v1  }
0x454: {  	v61 =	vadd.f32 v51, v49;
	[tilespmem:$0x1CD80] =	vst v53  }
0x455: {  	p0 =	sgt.f32 s28, $0.0e+00;
	v62 =	vadd.f32 v54, v52;
	[tilespmem:$0x1CD90] =	vst v55  }
.Ltmp7:
0x456: {  	v63 =	vadd.f32 v58, v56;
	[tilespmem:$0x1CDD0] =	vst v61;
	(pc) =	sbr.rel @!p0 .LBB2_13-.Ltmp7, $4  }
0x457: {  	[tilespmem:$0x1CDE0] =	vst v62;
	v57 =	vadd.f32 v8, v40  }
0x458: {  	[tilespmem:$0x1CDF0] =	vst v63;
	v59 =	vadd.f32 v11, v10  }
0x459: {  	[tilespmem:$0x1CDA0] =	vst v57  }
0x45a: {  	[tilespmem:$0x1CDB0] =	vst v59  }
0x45b: {  	s25 =	smul.u32 $0xC00, s25;
	_ =	sdelay $0x1  }
0x45c: {  	s25 =	sshra.s32 s25, $0x2  }
0x45d: {  	s28 =	sadd.s32 $0x1AF0, s25  }
0x45e: {  	v10 =	vmov s28  }
0x45f: {  	s29 =	sadd.s32 $0x101F0, s25  }
0x460: {  	s26 =	simm.s32 $0x0;
	v11 =	vmov s29  }
.LBB2_10:
0x461: {  	s28 =	sshra.s32 s26, $0x2  }
0x462: {  	v0 =	vld [tilespmem:s28+$0x1CE00]  }
0x463: {  	v1 =	vld.idx.msk [tilespmem:v10+s28+$0xFFFFFD10 ss:$0x1], $0xffff;
	_ =	sdelay $0x4  }
0x464: {  	v0 =	vadd.f32 v1, v0;
	_ =	sdelay $0x1  }
0x465: {  	[tilespmem:v11+s28+$0xFFFFFD10 ss:$0x1] =	vst.idx.msk $0xffff, v0  }
0x466: {  	v0 =	vld [tilespmem:s28+$0x1CE10]  }
0x467: {  	v17 =	vld.idx.msk [tilespmem:v10+s28+$0xFFFFFD20 ss:$0x1], $0xffff;
	_ =	sdelay $0x4  }
0x468: {  	v0 =	vadd.f32 v17, v0;
	_ =	sdelay $0x1  }
0x469: {  	[tilespmem:v11+s28+$0xFFFFFD20 ss:$0x1] =	vst.idx.msk $0xffff, v0  }
0x46a: {  	v0 =	vld [tilespmem:s28+$0x1CE20]  }
0x46b: {  	v18 =	vld.idx.msk [tilespmem:v10+s28+$0xFFFFFD30 ss:$0x1], $0xffff;
	_ =	sdelay $0x4  }
0x46c: {  	v0 =	vadd.f32 v18, v0;
	_ =	sdelay $0x1  }
0x46d: {  	[tilespmem:v11+s28+$0xFFFFFD30 ss:$0x1] =	vst.idx.msk $0xffff, v0  }
0x46e: {  	v0 =	vld [tilespmem:s28+$0x1CE30]  }
0x46f: {  	v19 =	vld.idx.msk [tilespmem:v10+s28+$0xFFFFFD40 ss:$0x1], $0xffff;
	_ =	sdelay $0x4  }
0x470: {  	v0 =	vadd.f32 v19, v0;
	_ =	sdelay $0x1  }
0x471: {  	[tilespmem:v11+s28+$0xFFFFFD40 ss:$0x1] =	vst.idx.msk $0xffff, v0  }
0x472: {  	v0 =	vld [tilespmem:s28+$0x1CE40]  }
0x473: {  	v20 =	vld.idx.msk [tilespmem:v10+s28+$0xFFFFFD50 ss:$0x1], $0xffff;
	_ =	sdelay $0x4  }
0x474: {  	v0 =	vadd.f32 v20, v0;
	_ =	sdelay $0x1  }
0x475: {  	[tilespmem:v11+s28+$0xFFFFFD50 ss:$0x1] =	vst.idx.msk $0xffff, v0  }
0x476: {  	v0 =	vld [tilespmem:s28+$0x1CE50]  }
0x477: {  	v21 =	vld.idx.msk [tilespmem:v10+s28+$0xFFFFFD60 ss:$0x1], $0xffff;
	_ =	sdelay $0x4  }
0x478: {  	v0 =	vadd.f32 v21, v0;
	_ =	sdelay $0x1  }
0x479: {  	[tilespmem:v11+s28+$0xFFFFFD60 ss:$0x1] =	vst.idx.msk $0xffff, v0  }
0x47a: {  	v0 =	vld [tilespmem:s28+$0x1CE60]  }
0x47b: {  	v22 =	vld.idx.msk [tilespmem:v10+s28+$0xFFFFFD70 ss:$0x1], $0xffff;
	_ =	sdelay $0x4  }
0x47c: {  	v0 =	vadd.f32 v22, v0;
	_ =	sdelay $0x1  }
0x47d: {  	[tilespmem:v11+s28+$0xFFFFFD70 ss:$0x1] =	vst.idx.msk $0xffff, v0  }
0x47e: {  	v0 =	vld [tilespmem:s28+$0x1CE70]  }
0x47f: {  	v23 =	vld.idx.msk [tilespmem:v10+s28+$0xFFFFFD80 ss:$0x1], $0xffff;
	_ =	sdelay $0x4  }
0x480: {  	v0 =	vadd.f32 v23, v0;
	_ =	sdelay $0x1  }
0x481: {  	[tilespmem:v11+s28+$0xFFFFFD80 ss:$0x1] =	vst.idx.msk $0xffff, v0  }
0x482: {  	v0 =	vld [tilespmem:s28+$0x1CE80]  }
0x483: {  	v24 =	vld.idx.msk [tilespmem:v10+s28+$0xFFFFFD90 ss:$0x1], $0xffff;
	_ =	sdelay $0x4  }
0x484: {  	v0 =	vadd.f32 v24, v0;
	_ =	sdelay $0x1  }
0x485: {  	[tilespmem:v11+s28+$0xFFFFFD90 ss:$0x1] =	vst.idx.msk $0xffff, v0  }
0x486: {  	v0 =	vld [tilespmem:s28+$0x1CE90]  }
0x487: {  	v25 =	vld.idx.msk [tilespmem:v10+s28+$0xFFFFFDA0 ss:$0x1], $0xffff;
	_ =	sdelay $0x4  }
0x488: {  	v0 =	vadd.f32 v25, v0;
	_ =	sdelay $0x1  }
0x489: {  	[tilespmem:v11+s28+$0xFFFFFDA0 ss:$0x1] =	vst.idx.msk $0xffff, v0  }
0x48a: {  	v0 =	vld [tilespmem:s28+$0x1CEA0]  }
0x48b: {  	v26 =	vld.idx.msk [tilespmem:v10+s28+$0xFFFFFDB0 ss:$0x1], $0xffff;
	_ =	sdelay $0x4  }
0x48c: {  	v0 =	vadd.f32 v26, v0;
	_ =	sdelay $0x1  }
0x48d: {  	[tilespmem:v11+s28+$0xFFFFFDB0 ss:$0x1] =	vst.idx.msk $0xffff, v0  }
0x48e: {  	v0 =	vld [tilespmem:s28+$0x1CEB0]  }
0x48f: {  	v27 =	vld.idx.msk [tilespmem:v10+s28+$0xFFFFFDC0 ss:$0x1], $0xffff;
	_ =	sdelay $0x4  }
0x490: {  	v0 =	vadd.f32 v27, v0;
	_ =	sdelay $0x1  }
0x491: {  	[tilespmem:v11+s28+$0xFFFFFDC0 ss:$0x1] =	vst.idx.msk $0xffff, v0  }
0x492: {  	v0 =	vld [tilespmem:s28+$0x1CEC0]  }
0x493: {  	v28 =	vld.idx.msk [tilespmem:v10+s28+$0xFFFFFDD0 ss:$0x1], $0xffff;
	_ =	sdelay $0x4  }
0x494: {  	v0 =	vadd.f32 v28, v0;
	_ =	sdelay $0x1  }
0x495: {  	[tilespmem:v11+s28+$0xFFFFFDD0 ss:$0x1] =	vst.idx.msk $0xffff, v0  }
0x496: {  	v0 =	vld [tilespmem:s28+$0x1CED0]  }
0x497: {  	v29 =	vld.idx.msk [tilespmem:v10+s28+$0xFFFFFDE0 ss:$0x1], $0xffff;
	_ =	sdelay $0x4  }
0x498: {  	v0 =	vadd.f32 v29, v0;
	_ =	sdelay $0x1  }
0x499: {  	[tilespmem:v11+s28+$0xFFFFFDE0 ss:$0x1] =	vst.idx.msk $0xffff, v0  }
0x49a: {  	v0 =	vld [tilespmem:s28+$0x1CEE0]  }
0x49b: {  	v30 =	vld.idx.msk [tilespmem:v10+s28+$0xFFFFFDF0 ss:$0x1], $0xffff;
	_ =	sdelay $0x4  }
0x49c: {  	v0 =	vadd.f32 v30, v0;
	_ =	sdelay $0x1  }
0x49d: {  	[tilespmem:v11+s28+$0xFFFFFDF0 ss:$0x1] =	vst.idx.msk $0xffff, v0  }
0x49e: {  	v0 =	vld [tilespmem:s28+$0x1CEF0]  }
0x49f: {  	v31 =	vld.idx.msk [tilespmem:v10+s28+$0xFFFFFE00 ss:$0x1], $0xffff;
	_ =	sdelay $0x4  }
0x4a0: {  	v0 =	vadd.f32 v31, v0;
	_ =	sdelay $0x1  }
0x4a1: {  	[tilespmem:v11+s28+$0xFFFFFE00 ss:$0x1] =	vst.idx.msk $0xffff, v0  }
0x4a2: {  	v0 =	vld [tilespmem:s28+$0x1CF00]  }
0x4a3: {  	v32 =	vld.idx.msk [tilespmem:v10+s28+$0xFFFFFE10 ss:$0x1], $0xffff;
	_ =	sdelay $0x4  }
0x4a4: {  	v0 =	vadd.f32 v32, v0;
	_ =	sdelay $0x1  }
0x4a5: {  	[tilespmem:v11+s28+$0xFFFFFE10 ss:$0x1] =	vst.idx.msk $0xffff, v0  }
0x4a6: {  	v0 =	vld [tilespmem:s28+$0x1CF10]  }
0x4a7: {  	v33 =	vld.idx.msk [tilespmem:v10+s28+$0xFFFFFE20 ss:$0x1], $0xffff;
	_ =	sdelay $0x4  }
0x4a8: {  	v0 =	vadd.f32 v33, v0;
	_ =	sdelay $0x1  }
0x4a9: {  	[tilespmem:v11+s28+$0xFFFFFE20 ss:$0x1] =	vst.idx.msk $0xffff, v0  }
0x4aa: {  	v0 =	vld [tilespmem:s28+$0x1CF20]  }
0x4ab: {  	v34 =	vld.idx.msk [tilespmem:v10+s28+$0xFFFFFE30 ss:$0x1], $0xffff;
	_ =	sdelay $0x4  }
0x4ac: {  	v0 =	vadd.f32 v34, v0;
	_ =	sdelay $0x1  }
0x4ad: {  	[tilespmem:v11+s28+$0xFFFFFE30 ss:$0x1] =	vst.idx.msk $0xffff, v0  }
0x4ae: {  	v0 =	vld [tilespmem:s28+$0x1CF30]  }
0x4af: {  	v35 =	vld.idx.msk [tilespmem:v10+s28+$0xFFFFFE40 ss:$0x1], $0xffff;
	_ =	sdelay $0x4  }
0x4b0: {  	v0 =	vadd.f32 v35, v0;
	_ =	sdelay $0x1  }
0x4b1: {  	[tilespmem:v11+s28+$0xFFFFFE40 ss:$0x1] =	vst.idx.msk $0xffff, v0  }
0x4b2: {  	v0 =	vld [tilespmem:s28+$0x1CF40]  }
0x4b3: {  	v36 =	vld.idx.msk [tilespmem:v10+s28+$0xFFFFFE50 ss:$0x1], $0xffff;
	_ =	sdelay $0x4  }
0x4b4: {  	v0 =	vadd.f32 v36, v0;
	_ =	sdelay $0x1  }
0x4b5: {  	[tilespmem:v11+s28+$0xFFFFFE50 ss:$0x1] =	vst.idx.msk $0xffff, v0  }
0x4b6: {  	v0 =	vld [tilespmem:s28+$0x1CF50]  }
0x4b7: {  	v37 =	vld.idx.msk [tilespmem:v10+s28+$0xFFFFFE60 ss:$0x1], $0xffff;
	_ =	sdelay $0x4  }
0x4b8: {  	v0 =	vadd.f32 v37, v0;
	_ =	sdelay $0x1  }
0x4b9: {  	[tilespmem:v11+s28+$0xFFFFFE60 ss:$0x1] =	vst.idx.msk $0xffff, v0  }
0x4ba: {  	v0 =	vld [tilespmem:s28+$0x1CF60]  }
0x4bb: {  	v38 =	vld.idx.msk [tilespmem:v10+s28+$0xFFFFFE70 ss:$0x1], $0xffff;
	_ =	sdelay $0x4  }
0x4bc: {  	v0 =	vadd.f32 v38, v0;
	_ =	sdelay $0x1  }
0x4bd: {  	[tilespmem:v11+s28+$0xFFFFFE70 ss:$0x1] =	vst.idx.msk $0xffff, v0  }
0x4be: {  	v0 =	vld [tilespmem:s28+$0x1CF70]  }
0x4bf: {  	v39 =	vld.idx.msk [tilespmem:v10+s28+$0xFFFFFE80 ss:$0x1], $0xffff;
	_ =	sdelay $0x4  }
0x4c0: {  	v0 =	vadd.f32 v39, v0;
	_ =	sdelay $0x1  }
0x4c1: {  	[tilespmem:v11+s28+$0xFFFFFE80 ss:$0x1] =	vst.idx.msk $0xffff, v0  }
0x4c2: {  	v0 =	vld [tilespmem:s28+$0x1CF80]  }
0x4c3: {  	v40 =	vld.idx.msk [tilespmem:v10+s28+$0xFFFFFE90 ss:$0x1], $0xffff;
	_ =	sdelay $0x4  }
0x4c4: {  	v0 =	vadd.f32 v40, v0;
	_ =	sdelay $0x1  }
0x4c5: {  	[tilespmem:v11+s28+$0xFFFFFE90 ss:$0x1] =	vst.idx.msk $0xffff, v0  }
0x4c6: {  	v0 =	vld [tilespmem:s28+$0x1CF90]  }
0x4c7: {  	v41 =	vld.idx.msk [tilespmem:v10+s28+$0xFFFFFEA0 ss:$0x1], $0xffff;
	_ =	sdelay $0x4  }
0x4c8: {  	v0 =	vadd.f32 v41, v0;
	_ =	sdelay $0x1  }
0x4c9: {  	[tilespmem:v11+s28+$0xFFFFFEA0 ss:$0x1] =	vst.idx.msk $0xffff, v0  }
0x4ca: {  	v0 =	vld [tilespmem:s28+$0x1CFA0]  }
0x4cb: {  	v42 =	vld.idx.msk [tilespmem:v10+s28+$0xFFFFFEB0 ss:$0x1], $0xffff;
	_ =	sdelay $0x4  }
0x4cc: {  	v0 =	vadd.f32 v42, v0;
	_ =	sdelay $0x1  }
0x4cd: {  	[tilespmem:v11+s28+$0xFFFFFEB0 ss:$0x1] =	vst.idx.msk $0xffff, v0  }
0x4ce: {  	v0 =	vld [tilespmem:s28+$0x1CFB0]  }
0x4cf: {  	v43 =	vld.idx.msk [tilespmem:v10+s28+$0xFFFFFEC0 ss:$0x1], $0xffff;
	_ =	sdelay $0x4  }
0x4d0: {  	v0 =	vadd.f32 v43, v0;
	_ =	sdelay $0x1  }
0x4d1: {  	[tilespmem:v11+s28+$0xFFFFFEC0 ss:$0x1] =	vst.idx.msk $0xffff, v0  }
0x4d2: {  	v0 =	vld [tilespmem:s28+$0x1CFC0]  }
0x4d3: {  	v44 =	vld.idx.msk [tilespmem:v10+s28+$0xFFFFFED0 ss:$0x1], $0xffff;
	_ =	sdelay $0x4  }
0x4d4: {  	v0 =	vadd.f32 v44, v0;
	_ =	sdelay $0x1  }
0x4d5: {  	[tilespmem:v11+s28+$0xFFFFFED0 ss:$0x1] =	vst.idx.msk $0xffff, v0  }
0x4d6: {  	v0 =	vld [tilespmem:s28+$0x1CFD0]  }
0x4d7: {  	v45 =	vld.idx.msk [tilespmem:v10+s28+$0xFFFFFEE0 ss:$0x1], $0xffff;
	_ =	sdelay $0x4  }
0x4d8: {  	v0 =	vadd.f32 v45, v0;
	_ =	sdelay $0x1  }
0x4d9: {  	[tilespmem:v11+s28+$0xFFFFFEE0 ss:$0x1] =	vst.idx.msk $0xffff, v0  }
0x4da: {  	v0 =	vld [tilespmem:s28+$0x1CFE0]  }
0x4db: {  	v46 =	vld.idx.msk [tilespmem:v10+s28+$0xFFFFFEF0 ss:$0x1], $0xffff;
	_ =	sdelay $0x4  }
0x4dc: {  	v0 =	vadd.f32 v46, v0;
	_ =	sdelay $0x1  }
0x4dd: {  	[tilespmem:v11+s28+$0xFFFFFEF0 ss:$0x1] =	vst.idx.msk $0xffff, v0  }
0x4de: {  	v0 =	vld [tilespmem:s28+$0x1CFF0]  }
0x4df: {  	v47 =	vld.idx.msk [tilespmem:v10+s28+$0xFFFFFF00 ss:$0x1], $0xffff;
	_ =	sdelay $0x4  }
0x4e0: {  	v0 =	vadd.f32 v47, v0;
	_ =	sdelay $0x1  }
0x4e1: {  	[tilespmem:v11+s28+$0xFFFFFF00 ss:$0x1] =	vst.idx.msk $0xffff, v0  }
0x4e2: {  	v0 =	vld [tilespmem:s28+$0x1D000]  }
0x4e3: {  	v48 =	vld.idx.msk [tilespmem:v10+s28+$0xFFFFFF10 ss:$0x1], $0xffff;
	_ =	sdelay $0x4  }
0x4e4: {  	v0 =	vadd.f32 v48, v0;
	_ =	sdelay $0x1  }
0x4e5: {  	[tilespmem:v11+s28+$0xFFFFFF10 ss:$0x1] =	vst.idx.msk $0xffff, v0  }
0x4e6: {  	v0 =	vld [tilespmem:s28+$0x1D010]  }
0x4e7: {  	v49 =	vld.idx.msk [tilespmem:v10+s28+$0xFFFFFF20 ss:$0x1], $0xffff;
	_ =	sdelay $0x4  }
0x4e8: {  	v0 =	vadd.f32 v49, v0;
	_ =	sdelay $0x1  }
0x4e9: {  	[tilespmem:v11+s28+$0xFFFFFF20 ss:$0x1] =	vst.idx.msk $0xffff, v0  }
0x4ea: {  	v0 =	vld [tilespmem:s28+$0x1D020]  }
0x4eb: {  	v50 =	vld.idx.msk [tilespmem:v10+s28+$0xFFFFFF30 ss:$0x1], $0xffff;
	_ =	sdelay $0x4  }
0x4ec: {  	v0 =	vadd.f32 v50, v0;
	_ =	sdelay $0x1  }
0x4ed: {  	[tilespmem:v11+s28+$0xFFFFFF30 ss:$0x1] =	vst.idx.msk $0xffff, v0  }
0x4ee: {  	v0 =	vld [tilespmem:s28+$0x1D030]  }
0x4ef: {  	v51 =	vld.idx.msk [tilespmem:v10+s28+$0xFFFFFF40 ss:$0x1], $0xffff;
	_ =	sdelay $0x4  }
0x4f0: {  	v0 =	vadd.f32 v51, v0;
	_ =	sdelay $0x1  }
0x4f1: {  	[tilespmem:v11+s28+$0xFFFFFF40 ss:$0x1] =	vst.idx.msk $0xffff, v0  }
0x4f2: {  	v0 =	vld [tilespmem:s28+$0x1D040]  }
0x4f3: {  	v52 =	vld.idx.msk [tilespmem:v10+s28+$0xFFFFFF50 ss:$0x1], $0xffff;
	_ =	sdelay $0x4  }
0x4f4: {  	v0 =	vadd.f32 v52, v0;
	_ =	sdelay $0x1  }
0x4f5: {  	[tilespmem:v11+s28+$0xFFFFFF50 ss:$0x1] =	vst.idx.msk $0xffff, v0  }
0x4f6: {  	v0 =	vld [tilespmem:s28+$0x1D050]  }
0x4f7: {  	v53 =	vld.idx.msk [tilespmem:v10+s28+$0xFFFFFF60 ss:$0x1], $0xffff;
	_ =	sdelay $0x4  }
0x4f8: {  	v0 =	vadd.f32 v53, v0;
	_ =	sdelay $0x1  }
0x4f9: {  	[tilespmem:v11+s28+$0xFFFFFF60 ss:$0x1] =	vst.idx.msk $0xffff, v0  }
0x4fa: {  	v0 =	vld [tilespmem:s28+$0x1D060]  }
0x4fb: {  	v54 =	vld.idx.msk [tilespmem:v10+s28+$0xFFFFFF70 ss:$0x1], $0xffff;
	_ =	sdelay $0x4  }
0x4fc: {  	v0 =	vadd.f32 v54, v0;
	_ =	sdelay $0x1  }
0x4fd: {  	[tilespmem:v11+s28+$0xFFFFFF70 ss:$0x1] =	vst.idx.msk $0xffff, v0  }
0x4fe: {  	v0 =	vld [tilespmem:s28+$0x1D070]  }
0x4ff: {  	v55 =	vld.idx.msk [tilespmem:v10+s28+$0xFFFFFF80 ss:$0x1], $0xffff;
	_ =	sdelay $0x4  }
0x500: {  	v0 =	vadd.f32 v55, v0;
	_ =	sdelay $0x1  }
0x501: {  	[tilespmem:v11+s28+$0xFFFFFF80 ss:$0x1] =	vst.idx.msk $0xffff, v0  }
0x502: {  	v0 =	vld [tilespmem:s28+$0x1D080]  }
0x503: {  	v56 =	vld.idx.msk [tilespmem:v10+s28+$0xFFFFFF90 ss:$0x1], $0xffff;
	_ =	sdelay $0x4  }
0x504: {  	v0 =	vadd.f32 v56, v0;
	_ =	sdelay $0x1  }
0x505: {  	[tilespmem:v11+s28+$0xFFFFFF90 ss:$0x1] =	vst.idx.msk $0xffff, v0  }
0x506: {  	v0 =	vld [tilespmem:s28+$0x1D090]  }
0x507: {  	v57 =	vld.idx.msk [tilespmem:v10+s28+$0xFFFFFFA0 ss:$0x1], $0xffff;
	_ =	sdelay $0x4  }
0x508: {  	v0 =	vadd.f32 v57, v0;
	_ =	sdelay $0x1  }
0x509: {  	[tilespmem:v11+s28+$0xFFFFFFA0 ss:$0x1] =	vst.idx.msk $0xffff, v0  }
0x50a: {  	v0 =	vld [tilespmem:s28+$0x1D0A0]  }
0x50b: {  	v58 =	vld.idx.msk [tilespmem:v10+s28+$0xFFFFFFB0 ss:$0x1], $0xffff;
	_ =	sdelay $0x4  }
0x50c: {  	v0 =	vadd.f32 v58, v0;
	_ =	sdelay $0x1  }
0x50d: {  	[tilespmem:v11+s28+$0xFFFFFFB0 ss:$0x1] =	vst.idx.msk $0xffff, v0  }
0x50e: {  	v0 =	vld [tilespmem:s28+$0x1D0B0]  }
0x50f: {  	v59 =	vld.idx.msk [tilespmem:v10+s28+$0xFFFFFFC0 ss:$0x1], $0xffff;
	_ =	sdelay $0x4  }
0x510: {  	v0 =	vadd.f32 v59, v0;
	_ =	sdelay $0x1  }
0x511: {  	[tilespmem:v11+s28+$0xFFFFFFC0 ss:$0x1] =	vst.idx.msk $0xffff, v0  }
0x512: {  	v0 =	vld [tilespmem:s28+$0x1D0C0]  }
0x513: {  	v60 =	vld.idx.msk [tilespmem:v10+s28+$0xFFFFFFD0 ss:$0x1], $0xffff;
	_ =	sdelay $0x4  }
0x514: {  	v0 =	vadd.f32 v60, v0;
	_ =	sdelay $0x1  }
0x515: {  	[tilespmem:v11+s28+$0xFFFFFFD0 ss:$0x1] =	vst.idx.msk $0xffff, v0  }
0x516: {  	v0 =	vld [tilespmem:s28+$0x1D0D0]  }
0x517: {  	v61 =	vld.idx.msk [tilespmem:v10+s28+$0xFFFFFFE0 ss:$0x1], $0xffff;
	_ =	sdelay $0x4  }
0x518: {  	v0 =	vadd.f32 v61, v0;
	_ =	sdelay $0x1  }
0x519: {  	[tilespmem:v11+s28+$0xFFFFFFE0 ss:$0x1] =	vst.idx.msk $0xffff, v0  }
0x51a: {  	v0 =	vld [tilespmem:s28+$0x1D0E0]  }
0x51b: {  	v62 =	vld.idx.msk [tilespmem:v10+s28+$0xFFFFFFF0 ss:$0x1], $0xffff;
	_ =	sdelay $0x4  }
0x51c: {  	v0 =	vadd.f32 v62, v0;
	_ =	sdelay $0x1  }
0x51d: {  	[tilespmem:v11+s28+$0xFFFFFFF0 ss:$0x1] =	vst.idx.msk $0xffff, v0  }
0x51e: {  	v0 =	vld [tilespmem:s28+$0x1D0F0]  }
0x51f: {  	v63 =	vld.idx.msk [tilespmem:v10+s28+$0x0 ss:$0x1], $0xffff;
	_ =	sdelay $0x1  }
0x520: {  	p0 =	sne.s32 s26, $0x5400  }
.Ltmp8:
0x521: {  	_ = 	snop;
	(pc) =	sbr.rel @p0 .LBB2_10-.Ltmp8, $3  }
0x522: {  	_ = 	snop  }
0x523: {  	v0 =	vadd.f32 v63, v0;
	_ =	sdelay $0x1  }
0x524: {  	s26 =	sadd.s32 $0xC00, s26;
	[tilespmem:v11+s28+$0x0 ss:$0x1] =	vst.idx.msk $0xffff, v0  }
0x525: {  	s26 =	simm.s32 $0x0;
	s30 =	sadd.s32 $0x2F0, s25  }
0x526: {  	[tilespmem:s18], [sflag:$0x3] =	stream.linear.gather [hbm4b:s24+s26], $0x1800, $0x38;
	[tilespmem:$0x1E6D0] =	vst v63  }
0x527: {  	v10 =	vmov s30;
	_ =	swait.ge [sflag:s10], $0x1800  }
0x528: {  	s31 =	sadd.s32 $0xE9F0, s25;
	[sflag:s10] =	ssyncset.done $0x0  }
0x529: {  	v11 =	vmov s31;
	[sflag:s10] =	ssyncadd.s32 $0xFFFFE800  }
.LBB2_12:
0x52a: {  	s24 =	sshra.s32 s26, $0x2  }
0x52b: {  	v0 =	vld [tilespmem:s24+$0x1CE00]  }
0x52c: {  	v1 =	vld.idx.msk [tilespmem:v10+s24+$0xFFFFFD10 ss:$0x1], $0xffff;
	_ =	sdelay $0x4  }
0x52d: {  	v0 =	vadd.f32 v1, v0;
	_ =	sdelay $0x1  }
0x52e: {  	[tilespmem:v11+s24+$0xFFFFFD10 ss:$0x1] =	vst.idx.msk $0xffff, v0  }
0x52f: {  	v0 =	vld [tilespmem:s24+$0x1CE10]  }
0x530: {  	v17 =	vld.idx.msk [tilespmem:v10+s24+$0xFFFFFD20 ss:$0x1], $0xffff;
	_ =	sdelay $0x4  }
0x531: {  	v0 =	vadd.f32 v17, v0;
	_ =	sdelay $0x1  }
0x532: {  	[tilespmem:v11+s24+$0xFFFFFD20 ss:$0x1] =	vst.idx.msk $0xffff, v0  }
0x533: {  	v0 =	vld [tilespmem:s24+$0x1CE20]  }
0x534: {  	v18 =	vld.idx.msk [tilespmem:v10+s24+$0xFFFFFD30 ss:$0x1], $0xffff;
	_ =	sdelay $0x4  }
0x535: {  	v0 =	vadd.f32 v18, v0;
	_ =	sdelay $0x1  }
0x536: {  	[tilespmem:v11+s24+$0xFFFFFD30 ss:$0x1] =	vst.idx.msk $0xffff, v0  }
0x537: {  	v0 =	vld [tilespmem:s24+$0x1CE30]  }
0x538: {  	v19 =	vld.idx.msk [tilespmem:v10+s24+$0xFFFFFD40 ss:$0x1], $0xffff;
	_ =	sdelay $0x4  }
0x539: {  	v0 =	vadd.f32 v19, v0;
	_ =	sdelay $0x1  }
0x53a: {  	[tilespmem:v11+s24+$0xFFFFFD40 ss:$0x1] =	vst.idx.msk $0xffff, v0  }
0x53b: {  	v0 =	vld [tilespmem:s24+$0x1CE40]  }
0x53c: {  	v20 =	vld.idx.msk [tilespmem:v10+s24+$0xFFFFFD50 ss:$0x1], $0xffff;
	_ =	sdelay $0x4  }
0x53d: {  	v0 =	vadd.f32 v20, v0;
	_ =	sdelay $0x1  }
0x53e: {  	[tilespmem:v11+s24+$0xFFFFFD50 ss:$0x1] =	vst.idx.msk $0xffff, v0  }
0x53f: {  	v0 =	vld [tilespmem:s24+$0x1CE50]  }
0x540: {  	v21 =	vld.idx.msk [tilespmem:v10+s24+$0xFFFFFD60 ss:$0x1], $0xffff;
	_ =	sdelay $0x4  }
0x541: {  	v0 =	vadd.f32 v21, v0;
	_ =	sdelay $0x1  }
0x542: {  	[tilespmem:v11+s24+$0xFFFFFD60 ss:$0x1] =	vst.idx.msk $0xffff, v0  }
0x543: {  	v0 =	vld [tilespmem:s24+$0x1CE60]  }
0x544: {  	v22 =	vld.idx.msk [tilespmem:v10+s24+$0xFFFFFD70 ss:$0x1], $0xffff;
	_ =	sdelay $0x4  }
0x545: {  	v0 =	vadd.f32 v22, v0;
	_ =	sdelay $0x1  }
0x546: {  	[tilespmem:v11+s24+$0xFFFFFD70 ss:$0x1] =	vst.idx.msk $0xffff, v0  }
0x547: {  	v0 =	vld [tilespmem:s24+$0x1CE70]  }
0x548: {  	v23 =	vld.idx.msk [tilespmem:v10+s24+$0xFFFFFD80 ss:$0x1], $0xffff;
	_ =	sdelay $0x4  }
0x549: {  	v0 =	vadd.f32 v23, v0;
	_ =	sdelay $0x1  }
0x54a: {  	[tilespmem:v11+s24+$0xFFFFFD80 ss:$0x1] =	vst.idx.msk $0xffff, v0  }
0x54b: {  	v0 =	vld [tilespmem:s24+$0x1CE80]  }
0x54c: {  	v24 =	vld.idx.msk [tilespmem:v10+s24+$0xFFFFFD90 ss:$0x1], $0xffff;
	_ =	sdelay $0x4  }
0x54d: {  	v0 =	vadd.f32 v24, v0;
	_ =	sdelay $0x1  }
0x54e: {  	[tilespmem:v11+s24+$0xFFFFFD90 ss:$0x1] =	vst.idx.msk $0xffff, v0  }
0x54f: {  	v0 =	vld [tilespmem:s24+$0x1CE90]  }
0x550: {  	v25 =	vld.idx.msk [tilespmem:v10+s24+$0xFFFFFDA0 ss:$0x1], $0xffff;
	_ =	sdelay $0x4  }
0x551: {  	v0 =	vadd.f32 v25, v0;
	_ =	sdelay $0x1  }
0x552: {  	[tilespmem:v11+s24+$0xFFFFFDA0 ss:$0x1] =	vst.idx.msk $0xffff, v0  }
0x553: {  	v0 =	vld [tilespmem:s24+$0x1CEA0]  }
0x554: {  	v26 =	vld.idx.msk [tilespmem:v10+s24+$0xFFFFFDB0 ss:$0x1], $0xffff;
	_ =	sdelay $0x4  }
0x555: {  	v0 =	vadd.f32 v26, v0;
	_ =	sdelay $0x1  }
0x556: {  	[tilespmem:v11+s24+$0xFFFFFDB0 ss:$0x1] =	vst.idx.msk $0xffff, v0  }
0x557: {  	v0 =	vld [tilespmem:s24+$0x1CEB0]  }
0x558: {  	v27 =	vld.idx.msk [tilespmem:v10+s24+$0xFFFFFDC0 ss:$0x1], $0xffff;
	_ =	sdelay $0x4  }
0x559: {  	v0 =	vadd.f32 v27, v0;
	_ =	sdelay $0x1  }
0x55a: {  	[tilespmem:v11+s24+$0xFFFFFDC0 ss:$0x1] =	vst.idx.msk $0xffff, v0  }
0x55b: {  	v0 =	vld [tilespmem:s24+$0x1CEC0]  }
0x55c: {  	v28 =	vld.idx.msk [tilespmem:v10+s24+$0xFFFFFDD0 ss:$0x1], $0xffff;
	_ =	sdelay $0x4  }
0x55d: {  	v0 =	vadd.f32 v28, v0;
	_ =	sdelay $0x1  }
0x55e: {  	[tilespmem:v11+s24+$0xFFFFFDD0 ss:$0x1] =	vst.idx.msk $0xffff, v0  }
0x55f: {  	v0 =	vld [tilespmem:s24+$0x1CED0]  }
0x560: {  	v29 =	vld.idx.msk [tilespmem:v10+s24+$0xFFFFFDE0 ss:$0x1], $0xffff;
	_ =	sdelay $0x4  }
0x561: {  	v0 =	vadd.f32 v29, v0;
	_ =	sdelay $0x1  }
0x562: {  	[tilespmem:v11+s24+$0xFFFFFDE0 ss:$0x1] =	vst.idx.msk $0xffff, v0  }
0x563: {  	v0 =	vld [tilespmem:s24+$0x1CEE0]  }
0x564: {  	v30 =	vld.idx.msk [tilespmem:v10+s24+$0xFFFFFDF0 ss:$0x1], $0xffff;
	_ =	sdelay $0x4  }
0x565: {  	v0 =	vadd.f32 v30, v0;
	_ =	sdelay $0x1  }
0x566: {  	[tilespmem:v11+s24+$0xFFFFFDF0 ss:$0x1] =	vst.idx.msk $0xffff, v0  }
0x567: {  	v0 =	vld [tilespmem:s24+$0x1CEF0]  }
0x568: {  	v31 =	vld.idx.msk [tilespmem:v10+s24+$0xFFFFFE00 ss:$0x1], $0xffff;
	_ =	sdelay $0x4  }
0x569: {  	v0 =	vadd.f32 v31, v0;
	_ =	sdelay $0x1  }
0x56a: {  	[tilespmem:v11+s24+$0xFFFFFE00 ss:$0x1] =	vst.idx.msk $0xffff, v0  }
0x56b: {  	v0 =	vld [tilespmem:s24+$0x1CF00]  }
0x56c: {  	v32 =	vld.idx.msk [tilespmem:v10+s24+$0xFFFFFE10 ss:$0x1], $0xffff;
	_ =	sdelay $0x4  }
0x56d: {  	v0 =	vadd.f32 v32, v0;
	_ =	sdelay $0x1  }
0x56e: {  	[tilespmem:v11+s24+$0xFFFFFE10 ss:$0x1] =	vst.idx.msk $0xffff, v0  }
0x56f: {  	v0 =	vld [tilespmem:s24+$0x1CF10]  }
0x570: {  	v33 =	vld.idx.msk [tilespmem:v10+s24+$0xFFFFFE20 ss:$0x1], $0xffff;
	_ =	sdelay $0x4  }
0x571: {  	v0 =	vadd.f32 v33, v0;
	_ =	sdelay $0x1  }
0x572: {  	[tilespmem:v11+s24+$0xFFFFFE20 ss:$0x1] =	vst.idx.msk $0xffff, v0  }
0x573: {  	v0 =	vld [tilespmem:s24+$0x1CF20]  }
0x574: {  	v34 =	vld.idx.msk [tilespmem:v10+s24+$0xFFFFFE30 ss:$0x1], $0xffff;
	_ =	sdelay $0x4  }
0x575: {  	v0 =	vadd.f32 v34, v0;
	_ =	sdelay $0x1  }
0x576: {  	[tilespmem:v11+s24+$0xFFFFFE30 ss:$0x1] =	vst.idx.msk $0xffff, v0  }
0x577: {  	v0 =	vld [tilespmem:s24+$0x1CF30]  }
0x578: {  	v35 =	vld.idx.msk [tilespmem:v10+s24+$0xFFFFFE40 ss:$0x1], $0xffff;
	_ =	sdelay $0x4  }
0x579: {  	v0 =	vadd.f32 v35, v0;
	_ =	sdelay $0x1  }
0x57a: {  	[tilespmem:v11+s24+$0xFFFFFE40 ss:$0x1] =	vst.idx.msk $0xffff, v0  }
0x57b: {  	v0 =	vld [tilespmem:s24+$0x1CF40]  }
0x57c: {  	v36 =	vld.idx.msk [tilespmem:v10+s24+$0xFFFFFE50 ss:$0x1], $0xffff;
	_ =	sdelay $0x4  }
0x57d: {  	v0 =	vadd.f32 v36, v0;
	_ =	sdelay $0x1  }
0x57e: {  	[tilespmem:v11+s24+$0xFFFFFE50 ss:$0x1] =	vst.idx.msk $0xffff, v0  }
0x57f: {  	v0 =	vld [tilespmem:s24+$0x1CF50]  }
0x580: {  	v37 =	vld.idx.msk [tilespmem:v10+s24+$0xFFFFFE60 ss:$0x1], $0xffff;
	_ =	sdelay $0x4  }
0x581: {  	v0 =	vadd.f32 v37, v0;
	_ =	sdelay $0x1  }
0x582: {  	[tilespmem:v11+s24+$0xFFFFFE60 ss:$0x1] =	vst.idx.msk $0xffff, v0  }
0x583: {  	v0 =	vld [tilespmem:s24+$0x1CF60]  }
0x584: {  	v38 =	vld.idx.msk [tilespmem:v10+s24+$0xFFFFFE70 ss:$0x1], $0xffff;
	_ =	sdelay $0x4  }
0x585: {  	v0 =	vadd.f32 v38, v0;
	_ =	sdelay $0x1  }
0x586: {  	[tilespmem:v11+s24+$0xFFFFFE70 ss:$0x1] =	vst.idx.msk $0xffff, v0  }
0x587: {  	v0 =	vld [tilespmem:s24+$0x1CF70]  }
0x588: {  	v39 =	vld.idx.msk [tilespmem:v10+s24+$0xFFFFFE80 ss:$0x1], $0xffff;
	_ =	sdelay $0x4  }
0x589: {  	v0 =	vadd.f32 v39, v0;
	_ =	sdelay $0x1  }
0x58a: {  	[tilespmem:v11+s24+$0xFFFFFE80 ss:$0x1] =	vst.idx.msk $0xffff, v0  }
0x58b: {  	v0 =	vld [tilespmem:s24+$0x1CF80]  }
0x58c: {  	v40 =	vld.idx.msk [tilespmem:v10+s24+$0xFFFFFE90 ss:$0x1], $0xffff;
	_ =	sdelay $0x4  }
0x58d: {  	v0 =	vadd.f32 v40, v0;
	_ =	sdelay $0x1  }
0x58e: {  	[tilespmem:v11+s24+$0xFFFFFE90 ss:$0x1] =	vst.idx.msk $0xffff, v0  }
0x58f: {  	v0 =	vld [tilespmem:s24+$0x1CF90]  }
0x590: {  	v41 =	vld.idx.msk [tilespmem:v10+s24+$0xFFFFFEA0 ss:$0x1], $0xffff;
	_ =	sdelay $0x4  }
0x591: {  	v0 =	vadd.f32 v41, v0;
	_ =	sdelay $0x1  }
0x592: {  	[tilespmem:v11+s24+$0xFFFFFEA0 ss:$0x1] =	vst.idx.msk $0xffff, v0  }
0x593: {  	v0 =	vld [tilespmem:s24+$0x1CFA0]  }
0x594: {  	v42 =	vld.idx.msk [tilespmem:v10+s24+$0xFFFFFEB0 ss:$0x1], $0xffff;
	_ =	sdelay $0x4  }
0x595: {  	v0 =	vadd.f32 v42, v0;
	_ =	sdelay $0x1  }
0x596: {  	[tilespmem:v11+s24+$0xFFFFFEB0 ss:$0x1] =	vst.idx.msk $0xffff, v0  }
0x597: {  	v0 =	vld [tilespmem:s24+$0x1CFB0]  }
0x598: {  	v43 =	vld.idx.msk [tilespmem:v10+s24+$0xFFFFFEC0 ss:$0x1], $0xffff;
	_ =	sdelay $0x4  }
0x599: {  	v0 =	vadd.f32 v43, v0;
	_ =	sdelay $0x1  }
0x59a: {  	[tilespmem:v11+s24+$0xFFFFFEC0 ss:$0x1] =	vst.idx.msk $0xffff, v0  }
0x59b: {  	v0 =	vld [tilespmem:s24+$0x1CFC0]  }
0x59c: {  	v44 =	vld.idx.msk [tilespmem:v10+s24+$0xFFFFFED0 ss:$0x1], $0xffff;
	_ =	sdelay $0x4  }
0x59d: {  	v0 =	vadd.f32 v44, v0;
	_ =	sdelay $0x1  }
0x59e: {  	[tilespmem:v11+s24+$0xFFFFFED0 ss:$0x1] =	vst.idx.msk $0xffff, v0  }
0x59f: {  	v0 =	vld [tilespmem:s24+$0x1CFD0]  }
0x5a0: {  	v45 =	vld.idx.msk [tilespmem:v10+s24+$0xFFFFFEE0 ss:$0x1], $0xffff;
	_ =	sdelay $0x4  }
0x5a1: {  	v0 =	vadd.f32 v45, v0;
	_ =	sdelay $0x1  }
0x5a2: {  	[tilespmem:v11+s24+$0xFFFFFEE0 ss:$0x1] =	vst.idx.msk $0xffff, v0  }
0x5a3: {  	v0 =	vld [tilespmem:s24+$0x1CFE0]  }
0x5a4: {  	v46 =	vld.idx.msk [tilespmem:v10+s24+$0xFFFFFEF0 ss:$0x1], $0xffff;
	_ =	sdelay $0x4  }
0x5a5: {  	v0 =	vadd.f32 v46, v0;
	_ =	sdelay $0x1  }
0x5a6: {  	[tilespmem:v11+s24+$0xFFFFFEF0 ss:$0x1] =	vst.idx.msk $0xffff, v0  }
0x5a7: {  	v0 =	vld [tilespmem:s24+$0x1CFF0]  }
0x5a8: {  	v47 =	vld.idx.msk [tilespmem:v10+s24+$0xFFFFFF00 ss:$0x1], $0xffff;
	_ =	sdelay $0x4  }
0x5a9: {  	v0 =	vadd.f32 v47, v0;
	_ =	sdelay $0x1  }
0x5aa: {  	[tilespmem:v11+s24+$0xFFFFFF00 ss:$0x1] =	vst.idx.msk $0xffff, v0  }
0x5ab: {  	v0 =	vld [tilespmem:s24+$0x1D000]  }
0x5ac: {  	v48 =	vld.idx.msk [tilespmem:v10+s24+$0xFFFFFF10 ss:$0x1], $0xffff;
	_ =	sdelay $0x4  }
0x5ad: {  	v0 =	vadd.f32 v48, v0;
	_ =	sdelay $0x1  }
0x5ae: {  	[tilespmem:v11+s24+$0xFFFFFF10 ss:$0x1] =	vst.idx.msk $0xffff, v0  }
0x5af: {  	v0 =	vld [tilespmem:s24+$0x1D010]  }
0x5b0: {  	v49 =	vld.idx.msk [tilespmem:v10+s24+$0xFFFFFF20 ss:$0x1], $0xffff;
	_ =	sdelay $0x4  }
0x5b1: {  	v0 =	vadd.f32 v49, v0;
	_ =	sdelay $0x1  }
0x5b2: {  	[tilespmem:v11+s24+$0xFFFFFF20 ss:$0x1] =	vst.idx.msk $0xffff, v0  }
0x5b3: {  	v0 =	vld [tilespmem:s24+$0x1D020]  }
0x5b4: {  	v50 =	vld.idx.msk [tilespmem:v10+s24+$0xFFFFFF30 ss:$0x1], $0xffff;
	_ =	sdelay $0x4  }
0x5b5: {  	v0 =	vadd.f32 v50, v0;
	_ =	sdelay $0x1  }
0x5b6: {  	[tilespmem:v11+s24+$0xFFFFFF30 ss:$0x1] =	vst.idx.msk $0xffff, v0  }
0x5b7: {  	v0 =	vld [tilespmem:s24+$0x1D030]  }
0x5b8: {  	v51 =	vld.idx.msk [tilespmem:v10+s24+$0xFFFFFF40 ss:$0x1], $0xffff;
	_ =	sdelay $0x4  }
0x5b9: {  	v0 =	vadd.f32 v51, v0;
	_ =	sdelay $0x1  }
0x5ba: {  	[tilespmem:v11+s24+$0xFFFFFF40 ss:$0x1] =	vst.idx.msk $0xffff, v0  }
0x5bb: {  	v0 =	vld [tilespmem:s24+$0x1D040]  }
0x5bc: {  	v52 =	vld.idx.msk [tilespmem:v10+s24+$0xFFFFFF50 ss:$0x1], $0xffff;
	_ =	sdelay $0x4  }
0x5bd: {  	v0 =	vadd.f32 v52, v0;
	_ =	sdelay $0x1  }
0x5be: {  	[tilespmem:v11+s24+$0xFFFFFF50 ss:$0x1] =	vst.idx.msk $0xffff, v0  }
0x5bf: {  	v0 =	vld [tilespmem:s24+$0x1D050]  }
0x5c0: {  	v53 =	vld.idx.msk [tilespmem:v10+s24+$0xFFFFFF60 ss:$0x1], $0xffff;
	_ =	sdelay $0x4  }
0x5c1: {  	v0 =	vadd.f32 v53, v0;
	_ =	sdelay $0x1  }
0x5c2: {  	[tilespmem:v11+s24+$0xFFFFFF60 ss:$0x1] =	vst.idx.msk $0xffff, v0  }
0x5c3: {  	v0 =	vld [tilespmem:s24+$0x1D060]  }
0x5c4: {  	v54 =	vld.idx.msk [tilespmem:v10+s24+$0xFFFFFF70 ss:$0x1], $0xffff;
	_ =	sdelay $0x4  }
0x5c5: {  	v0 =	vadd.f32 v54, v0;
	_ =	sdelay $0x1  }
0x5c6: {  	[tilespmem:v11+s24+$0xFFFFFF70 ss:$0x1] =	vst.idx.msk $0xffff, v0  }
0x5c7: {  	v0 =	vld [tilespmem:s24+$0x1D070]  }
0x5c8: {  	v55 =	vld.idx.msk [tilespmem:v10+s24+$0xFFFFFF80 ss:$0x1], $0xffff;
	_ =	sdelay $0x4  }
0x5c9: {  	v0 =	vadd.f32 v55, v0;
	_ =	sdelay $0x1  }
0x5ca: {  	[tilespmem:v11+s24+$0xFFFFFF80 ss:$0x1] =	vst.idx.msk $0xffff, v0  }
0x5cb: {  	v0 =	vld [tilespmem:s24+$0x1D080]  }
0x5cc: {  	v56 =	vld.idx.msk [tilespmem:v10+s24+$0xFFFFFF90 ss:$0x1], $0xffff;
	_ =	sdelay $0x4  }
0x5cd: {  	v0 =	vadd.f32 v56, v0;
	_ =	sdelay $0x1  }
0x5ce: {  	[tilespmem:v11+s24+$0xFFFFFF90 ss:$0x1] =	vst.idx.msk $0xffff, v0  }
0x5cf: {  	v0 =	vld [tilespmem:s24+$0x1D090]  }
0x5d0: {  	v57 =	vld.idx.msk [tilespmem:v10+s24+$0xFFFFFFA0 ss:$0x1], $0xffff;
	_ =	sdelay $0x4  }
0x5d1: {  	v0 =	vadd.f32 v57, v0;
	_ =	sdelay $0x1  }
0x5d2: {  	[tilespmem:v11+s24+$0xFFFFFFA0 ss:$0x1] =	vst.idx.msk $0xffff, v0  }
0x5d3: {  	v0 =	vld [tilespmem:s24+$0x1D0A0]  }
0x5d4: {  	v58 =	vld.idx.msk [tilespmem:v10+s24+$0xFFFFFFB0 ss:$0x1], $0xffff;
	_ =	sdelay $0x4  }
0x5d5: {  	v0 =	vadd.f32 v58, v0;
	_ =	sdelay $0x1  }
0x5d6: {  	[tilespmem:v11+s24+$0xFFFFFFB0 ss:$0x1] =	vst.idx.msk $0xffff, v0  }
0x5d7: {  	v0 =	vld [tilespmem:s24+$0x1D0B0]  }
0x5d8: {  	v59 =	vld.idx.msk [tilespmem:v10+s24+$0xFFFFFFC0 ss:$0x1], $0xffff;
	_ =	sdelay $0x4  }
0x5d9: {  	v0 =	vadd.f32 v59, v0;
	_ =	sdelay $0x1  }
0x5da: {  	[tilespmem:v11+s24+$0xFFFFFFC0 ss:$0x1] =	vst.idx.msk $0xffff, v0  }
0x5db: {  	v0 =	vld [tilespmem:s24+$0x1D0C0]  }
0x5dc: {  	v60 =	vld.idx.msk [tilespmem:v10+s24+$0xFFFFFFD0 ss:$0x1], $0xffff;
	_ =	sdelay $0x4  }
0x5dd: {  	v0 =	vadd.f32 v60, v0;
	_ =	sdelay $0x1  }
0x5de: {  	[tilespmem:v11+s24+$0xFFFFFFD0 ss:$0x1] =	vst.idx.msk $0xffff, v0  }
0x5df: {  	v0 =	vld [tilespmem:s24+$0x1D0D0]  }
0x5e0: {  	v61 =	vld.idx.msk [tilespmem:v10+s24+$0xFFFFFFE0 ss:$0x1], $0xffff;
	_ =	sdelay $0x4  }
0x5e1: {  	v0 =	vadd.f32 v61, v0;
	_ =	sdelay $0x1  }
0x5e2: {  	[tilespmem:v11+s24+$0xFFFFFFE0 ss:$0x1] =	vst.idx.msk $0xffff, v0  }
0x5e3: {  	v0 =	vld [tilespmem:s24+$0x1D0E0]  }
0x5e4: {  	v62 =	vld.idx.msk [tilespmem:v10+s24+$0xFFFFFFF0 ss:$0x1], $0xffff;
	_ =	sdelay $0x4  }
0x5e5: {  	v0 =	vadd.f32 v62, v0;
	_ =	sdelay $0x1  }
0x5e6: {  	[tilespmem:v11+s24+$0xFFFFFFF0 ss:$0x1] =	vst.idx.msk $0xffff, v0  }
0x5e7: {  	v0 =	vld [tilespmem:s24+$0x1D0F0]  }
0x5e8: {  	v63 =	vld.idx.msk [tilespmem:v10+s24+$0x0 ss:$0x1], $0xffff;
	_ =	sdelay $0x1  }
0x5e9: {  	p0 =	sne.s32 s26, $0x5400  }
.Ltmp9:
0x5ea: {  	_ = 	snop;
	(pc) =	sbr.rel @p0 .LBB2_12-.Ltmp9, $3  }
0x5eb: {  	_ = 	snop  }
0x5ec: {  	v0 =	vadd.f32 v63, v0;
	_ =	sdelay $0x1  }
0x5ed: {  	s26 =	sadd.s32 $0xC00, s26;
	[tilespmem:v11+s24+$0x0 ss:$0x1] =	vst.idx.msk $0xffff, v0  }
.Ltmp10:
0x5ee: {  	_ = 	snop;
	(pc) =	sbr.rel .LBB2_13-.Ltmp10, $1  }
0x5ef: {  	_ =	sdelay $0x3  }
.LBB2_15:
0x5f0: {  	_ =	sfence.sel $0x180000  }
0x5f1: {  	[bflag:$0x0] =	sbarrier.arrive $0xFFFF  }
0x5f2: {  	p0 =	sne.s32 s5, $0x0;
	_ =	strace $0x90000047  }
0x5f3: {  	s0 =	sadd.s32 @!p0 $0x100000, s1;
	[bflag:$0x2] =	sbarrier.arrive $0xFFFF  }
0x5f4: {  	[sflag:s0] =	ssyncadd.tile.s32 @!p0 $0x1;
	_ =	shalt  }
.Lfunc_end2:
_tile_overlayer_lowered:
.L_overlay_start_2:
0x5f5: {  	(tag) =	ssettag $0x2  }
0x5f6: {  	s0 =	rddreg [dreg:$0x0];
	s2 =	stileid.u32  }
0x5f7: {  	s1 =	rddreg [dreg:$0x1];
	p0 =	sne.s32 s2, $0x0  }
0x5f8: {  	s3 =	rddreg [dreg:$0x2];
	[bflag:$0x3] =	sbarrier.arrive $0xFFFF;
	s2 =	simm.s32 @!p0 $0x1C03  }
0x5f9: {  	[timem:s3], [sflag:s2] =	dma.local @!p0 [hbm:s0], s1  }
0x5fa: {  	s0 =	simm.s32 @!p0 $0x3  }
0x5fb: {  	_ =	swait.ge @!p0 [sflag:s0], s1  }
0x5fc: {  	s1 =	ssub.s32 @!p0 $0x0, s1;
	[sflag:s0] =	ssyncset.done @!p0 $0x0  }
0x5fd: {  	[sflag:s0] =	ssyncadd.s32 @!p0 s1  }
0x5fe: {  	[bflag:$0x3] =	sbarrier.arrive $0xFFFF  }
0x5ff: {  	_ =	shalt  }

// kernel: sparse-core-data-format-call.cloned.1.call-start
scs
called_computation_lowered:
.L_overlay_start_0:
0x0: {  	s2 =	sld [smem:$0x3FD9]  }
0x1: {  	s3 =	sld [smem:$0x3FFE];
	_ =	sdelay $0x1  }
0x2: {  	s1 =	srdreg.scid  }
0x3: {  	s0 =	sand.u32 $0x1, s1  }
0x4: {  	s18 =	sshll.u32 s0, $0xA;
	s2 =	sadd.s32 s3, s2  }
0x5: {  	s2 =	sadd.s32 s2, s18  }
0x6: {  	[smem:$0x3FC4] =	sst s2  }
0x7: {  	_ = 	snop  }
0x8: {  	s2 =	sld [smem:$0x3FD0];
	(tm) =	ssettm $0x1  }
0x9: {  	s19 =	sld [smem:$0x3FFB];
	_ =	sdelay $0x3  }
0xa: {  	_ =	strace s19  }
0xb: {  	s3 =	sld [smem:$0x3FFC];
	_ =	sdelay $0x3  }
0xc: {  	_ =	strace s3  }
0xd: {  	s3 =	sld [smem:$0x3FFD];
	_ =	sdelay $0x3  }
0xe: {  	_ =	strace s3  }
0xf: {  	_ =	strace $0x8FFFFFFF  }
0x10: {  	s20 =	sld [smem:$0x3FDB];
	_ =	sdelay $0x1  }
0x11: {  	s4 =	simm.s32 $_scs_section_size  }
0x12: {  	s5 =	simm.s32 $_size__tile_overlayer_lowered;
	s6 =	simm.s32 $_tile_overlayer_lowered  }
0x13: {  	s23 =	simm.s32 $0x1BFF;
	s22 =	sshll.u32 s6, $0x1;
	s3 =	sadd.s32 s4, s20  }
0x14: {  	s7 =	simm.s32 $0x0;
	s21 =	sshll.u32 s5, $0x1;
	s5 =	sadd.s32 s22, s3  }
0x15: {  	[timem:s7], [sflag:s23] =	dma.local [hbm:s5], s21  }
0x16: {  	_ =	swait.ge [sflag:s23], s21  }
0x17: {  	s4 =	ssub.s32 $0x0, s21;
	[sflag:s23] =	ssyncset.done $0x0  }
0x18: {  	[sflag:s23] =	ssyncadd.s32 s4;
	_ =	sdelay $0x1  }
0x19: {  	s24 =	simm.s32 $0x1B8B  }
0x1a: {  	_ =	swait.ge [sflag:s24], $0x1  }
0x1b: {  	[sflag:s24] =	ssyncset.done $0x0  }
0x1c: {  	s26 =	simm.s32 $0x1B8E;
	s25 =	sld [smem:$0x3FFE];
	[sflag:s24] =	ssyncadd.s32 $0xFFFFFFFF  }
0x1d: {  	s27 =	simm.s32 $execute0_lowered;
	[smem:$0x3FD2] =	sst s26  }
0x1e: {  	s5 =	sshll.u32 s27, $0x1;
	_ =	strace $0x80000049;
	[dreg:$0x1] =	wrdreg $0xFFFFFFFF  }
0x1f: {  	s28 =	simm.s32 $_size_execute0_lowered;
	s3 =	sadd.s32 s3, s5;
	[dreg:$0x0] =	wrdreg $0x0  }
0x20: {  	s5 =	sshll.u32 s28, $0x1;
	[dreg:$0x2] =	wrdreg s3  }
0x21: {  	[dreg:$0x3] =	wrdreg s5  }
0x22: {  	[dreg:$0x4] =	wrdreg $0xC0  }
0x23: {  	_ =	task [dreg:s7], $0x5FFFF  }
0x24: {  	[dreg:$0x1] =	wrdreg $0xFFFFFFFF  }
0x25: {  	[dreg:$0x0] =	wrdreg $0x60  }
0x26: {  	[dreg:$0x2] =	wrdreg s25  }
0x27: {  	[dreg:$0x3] =	wrdreg s2  }
0x28: {  	[dreg:$0x4] =	wrdreg $0x9  }
0x29: {  	_ =	task.clear_ibuf [dreg:s7], $0x5FFFF;
	_ =	strace $0x90000049  }
0x2a: {  	s29 =	simm.s32 $0x9;
	_ =	strace $0x8000004B  }
0x2b: {  	_ =	swait.ge [sflag:s29], $0x1  }
0x2c: {  	[sflag:s29] =	ssyncadd.s32 $0xFFFFFFFF  }
0x2d: {  	_ =	strace $0x9000004B  }
0x2e: {  	_ =	sfence  }
0x2f: {  	s30 =	sld [smem:$0x0];
	_ =	sdelay $0x2  }
0x30: {  	s31 =	sshll.u32 s1, $0xD;
	s1 =	sshrl.u32 s1, $0x2  }
0x31: {  	s3 =	sand.u32 $0x4000, s31;
	s1 =	sadd.s32 s1, s30  }
0x32: {  	s0 =	sor.u32 s3, s0;
	s1 =	sshll.u32 s1, $0x11  }
0x33: {  	s0 =	sor.u32 s1, s0  }
0x34: {  	s0 =	sadd.s32 $0x8F2B, s0  }
0x35: {  	[sflag:s0] =	ssyncadd.remote.s32 $0x1  }
0x36: {  	_ =	sfence.sel $0xFFFF  }
0x37: {  	[dreg:$0x0] =	wrdreg $0xFFFFFFFF;
	(pc) =	sbr.abs _section_cstart, $3  }
0x38: {  	[dreg:$0x1] =	wrdreg $0xFFFFFFFF  }
0x39: {  	_ =	task.clear_ibuf [dreg:s7], $0x2FFFF;
	_ =	strace $0x9FFFFFFF  }
0x3a: {  	(tm) =	ssettm $0x7FFFFFFF  }
0x3b: {  	_ =	shalt  }
tec
execute0_lowered:
.L_overlay_start_1:
0x0: {  	(tag) =	ssettag $0x1  }
0x1: {  	s0 =	stileid.u32  }
0x2: {  	s1 =	srdreg.scid;
	s2 =	sshll.u32 s0, $0x7  }
0x3: {  	s7 =	rddreg [dreg:$0x0];
	s3 =	sshll.u32 s1, $0x4;
	s1 =	sand.u32 $0x380, s2  }
0x4: {  	s8 =	simm.s32 $0x2;
	s30 =	sand.u32 $0x10, s3;
	s31 =	ssub.s32 $0x400, s1  }
0x5: {  	s16 =	simm.s32 $0x0;
	s2 =	sor.u32 s0, s30;
	s4 =	sand.u32 $0x380, s31  }
0x6: {  	s2 =	sshrl.u32 s2, $0x3;
	p0 =	sne.s32 s4, $0x0;
	s4 =	simm.s32 $0x1  }
0x7: {  	s3 =	sshrl.u32 s31, $0xA;
	s5 =	ssub.s32 $0x50, s2;
	s4 =	simm.s32 @!p0 $0x0  }
0x8: {  	s9 =	simm.s32 $0x1800;
	s5 =	sshrl.u32 s5, $0x2;
	s3 =	sadd.s32 s4, s3  }
0x9: {  	s10 =	simm.s32 $0x0;
	s15 =	simm.s32 $0x0;
	s6 =	smul.u32 s3, s5  }
.Ltmp0:
0xa: {  	s17 =	simm.s32 $0x0;
	s4 =	rddreg [dreg:$0x1];
	(pc) =	sbr.rel .LBB1_1-.Ltmp0, $4  }
0xb: {  	s11 =	simm.s32 $0x0;
	s14 =	simm.s32 $0x0;
	s3 =	rddreg [dreg:$0x2]  }
0xc: {  	_ =	strace $0x8000004A;
	s5 =	simm.s32 $0x1;
	s6 =	smul.u32 $0x6, s6  }
0xd: {  	s7 =	sadd.s32 $0x800, s7;
	s13 =	smov.u32 s1;
	[sflag:s5] =	ssyncpa.u1 $0x0  }
0xe: {  	s12 =	smov.u32 s2;
	[sflag:s8] =	ssyncpa.u1 $0x0;
	s8 =	sor.u32 $0x1, s6  }
.LBB1_4:
0xf: {  	_ =	sdelay $0x2  }
0x10: {  	s21 =	sshrl.u32 s17, $0x3  }
0x11: {  	[tilespmem:v0+s20+$0xFFFFFFD0 ss:$0x1] =	vst.idx.msk $0xffff, v7;
	s22 =	sshll.u32 s16, $0x3;
	s21 =	smul.u32 $0x1800, s21  }
0x12: {  	v56 =	vld.idx.msk [tilespmem:v1+s19+$0x0 ss:$0x1], $0xffff;
	[tilespmem:v0+s20+$0xFFFFFFE0 ss:$0x1] =	vst.idx.msk $0xffff, v5;
	s27 =	sshll.u32 s17, $0x7;
	s22 =	sand.u32 $0xFFFFFC00, s22  }
0x13: {  	v57 =	vld.idx.msk [tilespmem:v1+s19+$0xFFFFFF90 ss:$0x1], $0xffff;
	[tilespmem:v0+s20+$0xFFFFFFF0 ss:$0x1] =	vst.idx.msk $0xffff, v4;
	s17 =	sand.u32 $0x380, s27;
	s21 =	sadd.s32 s21, s22  }
0x14: {  	v58 =	vld.idx.msk [tilespmem:v1+s19+$0xFFFFFFA0 ss:$0x1], $0xffff;
	[tilespmem:v0+s20+$0x0 ss:$0x1] =	vst.idx.msk $0xffff, v2;
	s28 =	sand.u32 $0x7F, s16;
	s17 =	sor.u32 s17, s21  }
0x15: {  	v59 =	vld.idx.msk [tilespmem:v1+s19+$0xFFFFFFB0 ss:$0x1], $0xffff;
	[tilespmem:v0+s20+$0x10 ss:$0x1] =	vst.idx.msk $0xffff, v3;
	s16 =	sor.u32 s28, s17  }
0x16: {  	v60 =	vld.idx.msk [tilespmem:v1+s19+$0xFFFFFFC0 ss:$0x1], $0xffff;
	[tilespmem:v0+s20+$0x20 ss:$0x1] =	vst.idx.msk $0xffff, v6;
	s29 =	smulhi.u32 $0xAAAAAAAB, s16  }
0x17: {  	v61 =	vld.idx.msk [tilespmem:v1+s19+$0xFFFFFFD0 ss:$0x1], $0xffff;
	[tilespmem:v0+s19+$0x30 ss:$0x1] =	vst.idx.msk $0xffff, v56;
	s17 =	smulhi.u32 $0xAAAAAAAB, s17  }
0x18: {  	v62 =	vld.idx.msk [tilespmem:v1+s19+$0xFFFFFFE0 ss:$0x1], $0xffff;
	[tilespmem:v0+s19+$0xFFFFFFC0 ss:$0x1] =	vst.idx.msk $0xffff, v57;
	s20 =	sshrl.u32 s29, $0x9  }
0x19: {  	v63 =	vld.idx.msk [tilespmem:v1+s19+$0xFFFFFFF0 ss:$0x1], $0xffff;
	[tilespmem:v0+s19+$0xFFFFFFD0 ss:$0x1] =	vst.idx.msk $0xffff, v58;
	s17 =	sshrl.u32 s17, $0x9;
	s20 =	smul.u32 $0x300, s20  }
0x1a: {  	s15 =	smul.u32 $0x18000, s15;
	[tilespmem:v0+s19+$0xFFFFFFE0 ss:$0x1] =	vst.idx.msk $0xffff, v59;
	s17 =	sand.u32 $0x3FF, s17  }
0x1b: {  	[tilespmem:v0+s19+$0xFFFFFFF0 ss:$0x1] =	vst.idx.msk $0xffff, v60;
	s17 =	smul.u32 $0x60, s17;
	s16 =	ssub.s32 s16, s20  }
0x1c: {  	s15 =	sadd.s32 s4, s15;
	[tilespmem:v0+s19+$0x0 ss:$0x1] =	vst.idx.msk $0xffff, v61;
	s20 =	sand.u32 $0x7, s16  }
0x1d: {  	[tilespmem:v0+s19+$0x10 ss:$0x1] =	vst.idx.msk $0xffff, v62;
	s15 =	sadd.s32 s17, s15;
	s16 =	sshrl.u32 s16, $0x3;
	s30 =	sshll.u32 s20, $0x12  }
0x1e: {  	[tilespmem:v0+s19+$0x20 ss:$0x1] =	vst.idx.msk $0xffff, v63;
	s15 =	sadd.s32 s16, s15;
	s31 =	sor.u32 $0x400, s30  }
0x1f: {  	[hbm4b:s15+s31] =	stream.strided.scatter [tilespmem:s18], [sflag:$0x2], $0x4000, s9, s31, $0x38;
	[tilespmem:$0x10000] =	vst v63  }
.LBB1_5:
0x20: {  	s18 =	sadd.s32 $0x80, s11  }
0x21: {  	s15 =	sadd.s32 $0x4, s12;
	s19 =	smov.u32 s12;
	p1 =	sgt.s32 s18, $0x2FF  }
0x22: {  	s19 =	smov.u32 @p1 s15  }
0x23: {  	s21 =	smov.u32 s13;
	s15 =	sadd.s32 $0x400, s13;
	p2 =	sgt.s32 s19, $0x4C  }
0x24: {  	s21 =	smov.u32 @p2 s15  }
0x25: {  	s18 =	simm.s32 @p1 $0x0;
	p1 =	sgt.s32 s21, $0x3FF  }
0x26: {  	p0 =	slt.u32 s14, $0x2;
	s21 =	smov.u32 @p1 s1;
	p1 =	sne.s32 s14, s8  }
.Ltmp1:
0x27: {  	s20 =	simm.s32 @!p0 $0x2;
	(pc) =	sbr.rel @!p1 .LBB1_6-.Ltmp1, $4  }
0x28: {  	s16 =	smov.u32 s11;
	s17 =	smov.u32 s13;
	_ =	swait.ge @!p0 [sflag:s20], $0x4000  }
0x29: {  	s10 =	sadd.s32 $0x4000, s10;
	[sflag:s20] =	ssyncset.done @!p0 $0x0;
	s11 =	smov.u32 s18  }
0x2a: {  	s19 =	smov.u32 @p2 s2;
	s15 =	smov.u32 s12;
	[sflag:s20] =	ssyncadd.s32 @!p0 $0xFFFFC000  }
0x2b: {  	s12 =	smov.u32 s19;
	s14 =	sadd.s32 $0x1, s14;
	s13 =	smov.u32 s21  }
.LBB1_1:
0x2c: {  	p0 =	sge.u32 s14, s6  }
0x2d: {  	s18 =	sshrl.u32 @!p0 s12, $0x3  }
0x2e: {  	s19 =	sshll.u32 @!p0 s11, $0x3;
	s18 =	smul.u32 @!p0 $0x1800, s18  }
0x2f: {  	s20 =	sshll.u32 @!p0 s12, $0x7;
	s19 =	sand.u32 @!p0 $0xFFFFFC00, s19  }
0x30: {  	s18 =	sadd.s32 @!p0 s18, s19;
	s19 =	sand.u32 @!p0 $0x380, s20  }
0x31: {  	s18 =	sor.u32 @!p0 s19, s18  }
0x32: {  	s19 =	sand.u32 @!p0 $0x7F, s11;
	s20 =	smulhi.u32 @!p0 $0xAAAAAAAB, s18  }
0x33: {  	s18 =	sor.u32 @!p0 s19, s18  }
0x34: {  	s19 =	smulhi.u32 @!p0 $0xAAAAAAAB, s18;
	s20 =	sshrl.u32 @!p0 s20, $0x9  }
0x35: {  	s21 =	smulhi.u32 @!p0 $0x3333334, s20;
	_ =	sdelay $0x1  }
0x36: {  	s19 =	sshrl.u32 @!p0 s19, $0x9;
	s21 =	smul.u32 @!p0 $0x50, s21  }
0x37: {  	s31 =	sadd.s32 $0xFFFFFFFF, s14;
	s19 =	smul.u32 @!p0 $0x300, s19  }
0x38: {  	s22 =	sxor.u32 @!p0 $0xFFFFFFFF, s14;
	s20 =	ssub.s32 @!p0 s20, s21;
	s21 =	smul.u32 @!p0 $0x1E00, s13  }
0x39: {  	s22 =	sshll.u32 @!p0 s22, $0xE;
	s18 =	ssub.s32 @!p0 s18, s19;
	s19 =	smul.u32 @!p0 $0x60, s20  }
0x3a: {  	s20 =	sand.u32 @!p0 $0x4000, s22;
	s22 =	sand.u32 @!p0 $0x7, s18;
	s21 =	sadd.s32 @!p0 s7, s21  }
0x3b: {  	s18 =	sshrl.u32 @!p0 s18, $0x3;
	s19 =	sadd.s32 @!p0 s19, s21;
	s21 =	sshll.u32 @!p0 s22, $0x12  }
0x3c: {  	s18 =	sadd.s32 @!p0 s18, s19;
	s19 =	sor.u32 @!p0 $0x80, s21;
	s21 =	simm.s32 @!p0 $0xF000  }
0x3d: {  	[tilespmem:s20], [sflag:$0x1] =	stream.strided.gather @!p0 [hbm4b:s18+s19], $0x4000, s21, s19, $0x38;
	[tilespmem:$0x10000] =	vst v63  }
0x3e: {  	p0 =	sge.u32 s31, s6  }
.Ltmp2:
0x3f: {  	_ = 	snop;
	(pc) =	sbr.rel @p0 .LBB1_5-.Ltmp2, $1  }
0x40: {  	_ =	sdelay $0x3  }
0x41: {  	s18 =	sand.u32 $0x4000, s10  }
0x42: {  	s19 =	sor.u32 $0x70, s18  }
0x43: {  	v1 =	vmov s19;
	_ =	sdelay $0x1  }
0x44: {  	_ =	swait.ge [sflag:s5], $0x4000  }
0x45: {  	[sflag:s5] =	ssyncset.done $0x0  }
0x46: {  	s20 =	simm.s32 $0x0;
	[sflag:s5] =	ssyncadd.s32 $0xFFFFC000  }
0x47: {  	s18 =	sor.u32 $0x8040, s18;
	v6 =	vld.idx.msk [tilespmem:v1+s20+$0x0 ss:$0x1], $0xffff  }
0x48: {  	v0 =	vmov s18;
	v8 =	vld.idx.msk [tilespmem:v1+s20+$0xFFFFFF90 ss:$0x1], $0xffff  }
0x49: {  	v7 =	vld.idx.msk [tilespmem:v1+s20+$0xFFFFFFA0 ss:$0x1], $0xffff  }
0x4a: {  	v5 =	vld.idx.msk [tilespmem:v1+s20+$0xFFFFFFB0 ss:$0x1], $0xffff  }
0x4b: {  	v4 =	vld.idx.msk [tilespmem:v1+s20+$0xFFFFFFC0 ss:$0x1], $0xffff  }
0x4c: {  	s31 =	sshll.u32 s14, $0xE;
	v2 =	vld.idx.msk [tilespmem:v1+s20+$0xFFFFFFD0 ss:$0x1], $0xffff  }
0x4d: {  	s18 =	sand.u32 $0x4000, s31;
	v3 =	vld.idx.msk [tilespmem:v1+s20+$0xFFFFFFE0 ss:$0x1], $0xffff;
	[tilespmem:v0+s20+$0x30 ss:$0x1] =	vst.idx.msk $0xffff, v6  }
0x4e: {  	s21 =	simm.s32 $0x400;
	s19 =	simm.s32 $0x80;
	s18 =	sor.u32 $0x8000, s18;
	[tilespmem:v0+s20+$0xFFFFFFC0 ss:$0x1] =	vst.idx.msk $0xffff, v8;
	v6 =	vld.idx.msk [tilespmem:v1+s20+$0xFFFFFFF0 ss:$0x1], $0xffff  }
.LBB1_3:
0x4f: {  	p0 =	sne.s32 s21, $0xFE00;
	v8 =	vld.idx.msk [tilespmem:v1+s19+$0x0 ss:$0x1], $0xffff;
	[tilespmem:v0+s20+$0xFFFFFFD0 ss:$0x1] =	vst.idx.msk $0xffff, v7  }
0x50: {  	v9 =	vld.idx.msk [tilespmem:v1+s19+$0xFFFFFF90 ss:$0x1], $0xffff;
	[tilespmem:v0+s20+$0xFFFFFFE0 ss:$0x1] =	vst.idx.msk $0xffff, v5  }
0x51: {  	v7 =	vld.idx.msk [tilespmem:v1+s19+$0xFFFFFFA0 ss:$0x1], $0xffff;
	[tilespmem:v0+s20+$0xFFFFFFF0 ss:$0x1] =	vst.idx.msk $0xffff, v4  }
.Ltmp3:
0x52: {  	v5 =	vld.idx.msk [tilespmem:v1+s19+$0xFFFFFFB0 ss:$0x1], $0xffff;
	[tilespmem:v0+s20+$0x0 ss:$0x1] =	vst.idx.msk $0xffff, v2;
	(pc) =	sbr.rel @p0 .LBB1_3-.Ltmp3, $4  }
0x53: {  	v4 =	vld.idx.msk [tilespmem:v1+s19+$0xFFFFFFC0 ss:$0x1], $0xffff;
	[tilespmem:v0+s20+$0x10 ss:$0x1] =	vst.idx.msk $0xffff, v3  }
0x54: {  	v2 =	vld.idx.msk [tilespmem:v1+s19+$0xFFFFFFD0 ss:$0x1], $0xffff;
	[tilespmem:v0+s20+$0x20 ss:$0x1] =	vst.idx.msk $0xffff, v6;
	s20 =	smov.u32 s19  }
0x55: {  	v3 =	vld.idx.msk [tilespmem:v1+s20+$0xFFFFFFE0 ss:$0x1], $0xffff;
	[tilespmem:v0+s20+$0x30 ss:$0x1] =	vst.idx.msk $0xffff, v8  }
0x56: {  	s19 =	sshra.s32 s21, $0x2;
	s21 =	sadd.s32 $0x200, s21;
	[tilespmem:v0+s20+$0xFFFFFFC0 ss:$0x1] =	vst.idx.msk $0xffff, v9;
	v6 =	vld.idx.msk [tilespmem:v1+s20+$0xFFFFFFF0 ss:$0x1], $0xffff  }
.Ltmp4:
0x57: {  	_ = 	snop;
	(pc) =	sbr.rel .LBB1_4-.Ltmp4, $1  }
0x58: {  	_ =	sdelay $0x3  }
.LBB1_6:
0x59: {  	_ =	sfence.sel $0x180000  }
0x5a: {  	s1 =	simm.s32 $0x1;
	[bflag:$0x0] =	sbarrier.arrive $0xFFFF  }
0x5b: {  	s31 =	simm.s32 $0x2;
	[sflag:s1] =	ssyncpa.u1 $0x1  }
0x5c: {  	[sflag:s31] =	ssyncpa.u1 $0x1  }
0x5d: {  	p0 =	sne.s32 s0, $0x0;
	_ =	strace $0x9000004A  }
0x5e: {  	s0 =	sadd.s32 @!p0 $0x100000, s3;
	[bflag:$0x2] =	sbarrier.arrive $0xFFFF  }
0x5f: {  	[sflag:s0] =	ssyncadd.tile.s32 @!p0 $0x1;
	_ =	shalt  }
.Lfunc_end1:
_tile_overlayer_lowered:
.L_overlay_start_2:
0x60: {  	(tag) =	ssettag $0x2  }
0x61: {  	s0 =	rddreg [dreg:$0x0];
	s2 =	stileid.u32  }
0x62: {  	s1 =	rddreg [dreg:$0x1];
	p0 =	sne.s32 s2, $0x0  }
0x63: {  	s3 =	rddreg [dreg:$0x2];
	[bflag:$0x3] =	sbarrier.arrive $0xFFFF;
	s2 =	simm.s32 @!p0 $0x1C01  }
0x64: {  	[timem:s3], [sflag:s2] =	dma.local @!p0 [hbm:s0], s1  }
0x65: {  	s0 =	simm.s32 @!p0 $0x1  }
0x66: {  	_ =	swait.ge @!p0 [sflag:s0], s1  }
0x67: {  	s1 =	ssub.s32 @!p0 $0x0, s1;
	[sflag:s0] =	ssyncset.done @!p0 $0x0  }
0x68: {  	[sflag:s0] =	ssyncadd.s32 @!p0 s1  }
0x69: {  	[bflag:$0x3] =	sbarrier.arrive $0xFFFF  }
0x6a: {  	_ =	shalt  }

</sc_bundles>
